<compile_context>
chip_gen: v7x
topology: tpu7x:2x2x1
jax: 0.10.2.dev20260603
libtpu: 0.0.44.dev20260713+nightly
codegen_flags: <defaults>
</compile_context>

<pallas_src>
import functools

import jax
import jax.numpy as jnp
from jax import lax
from jax.experimental import pallas as pl
from jax.experimental.pallas import tpu as pltpu
from jax.experimental.pallas import tpu_sc as plsc

_B = 4096
_T = 200
_D = 64
_NW = 32
_ROWS = _B // _NW
_TOK = _ROWS * _T
_LANES = 16
_NVR = _D // _LANES
_CH = 40
_NCH = _T // _CH


def _body(ids_hbm, msk_hbm, emb_hbm, out_hbm,
          idx_v, msk_v, rows_a, rows_b, rows_c, rows_d, outs_v, cnt_v,
          sem_a, sem_b, sem_c, sem_d):
    wid = lax.axis_index("s") * 2 + lax.axis_index("c")
    base = wid * _ROWS
    tb = base * _T

    pltpu.sync_copy(ids_hbm.at[pl.ds(tb, _TOK)], idx_v)
    pltpu.sync_copy(msk_hbm.at[pl.ds(tb, _TOK)], msk_v)

    lanes = lax.iota(jnp.int32, 16)
    zerov = jnp.zeros((_LANES,), jnp.float32)

    def comp_row(r, c):
        row0 = r * _T
        off = lanes * 0 + row0
        for ci in range(_T // _LANES + 1):
            s = pl.ds(row0 + ci * _LANES, _LANES)
            ids = idx_v[s]
            valid = msk_v[s] != 0
            if ci == _T // _LANES:
                valid = valid & (lanes < _T % _LANES)
            pos = off + plsc.cumsum(valid.astype(jnp.int32)) - 1
            plsc.store_scatter(idx_v, [pos], ids, mask=valid)
            off = off + plsc.all_reduce_population_count(valid)
        cnt_v[r, pl.ds(0, _LANES)] = off - row0
        return c

    def row_copies(r, nch, rows_x, sem_x, do):
        def fj(j, c):
            cp = pltpu.make_async_copy(
                emb_hbm.at[idx_v.at[pl.ds(r * _T + j * _CH, _CH)]],
                rows_x.at[pl.ds(j * _CH, _CH)], sem_x)
            if do == "start":
                cp.start()
            else:
                cp.wait()
            return c
        lax.fori_loop(0, nch, fj, 0)

    def cnt_of(r):
        return cnt_v[r, pl.ds(0, _LANES)][0]

    def fire(r, rows_x, sem_x):
        n = cnt_of(r)
        row_copies(r, (n + _CH - 1) // _CH, rows_x, sem_x, "start")

    def process(r, rows_x, sem_x):
        n = cnt_of(r)
        nch = (n + _CH - 1) // _CH
        row_copies(r, nch, rows_x, sem_x, "wait")

        n8 = (n + 7) // 8 * 8

        def zbody(j, c):
            for d in range(_NVR):
                rows_x[n + j, pl.ds(d * _LANES, _LANES)] = zerov
            return c
        lax.fori_loop(0, n8 - n, zbody, 0)

        def tbody(t8, accs):
            out = list(accs)
            for u in range(8):
                t = t8 * 8 + u
                for d in range(_NVR):
                    out[d] = out[d] + rows_x[t, pl.ds(d * _LANES, _LANES)]
            return tuple(out)

        accs = lax.fori_loop(0, n8 // 8, tbody, (zerov,) * _NVR)

        denom = zerov + (n.astype(jnp.float32) + 1e-9)
        inv = (zerov + 1.0) / denom
        for d in range(_NVR):
            outs_v[r, pl.ds(d * _LANES, _LANES)] = accs[d] * inv

    bufs = ((rows_a, sem_a), (rows_b, sem_b), (rows_c, sem_c),
            (rows_d, sem_d))
    lax.fori_loop(0, 4, comp_row, 0)
    for k in range(3):
        fire(k, *bufs[k])

    def row_body(i, c):
        r0 = i * 4
        for k in range(4):
            r = r0 + k

            @pl.when(r + 4 < _ROWS)
            def _():
                comp_row(r + 4, 0)

            @pl.when(r + 3 < _ROWS)
            def _():
                fire(r + 3, *bufs[(k + 3) % 4])

            process(r, *bufs[k])
        return c

    lax.fori_loop(0, _ROWS // 4, row_body, 0)

    pltpu.sync_copy(outs_v, out_hbm.at[pl.ds(base, _ROWS)])


@functools.partial(jax.jit, donate_argnums=())
def _pooled(ids_flat, msk_flat, emb):
    mesh = plsc.VectorSubcoreMesh(core_axis_name="c", subcore_axis_name="s")
    call = pl.kernel(
        _body,
        out_type=jax.ShapeDtypeStruct((_B, _D), jnp.float32),
        mesh=mesh,
        compiler_params=pltpu.CompilerParams(
            needs_layout_passes=False, use_tc_tiling_on_sc=False,
            disable_bounds_checks=True, disable_semaphore_checks=True),
        scratch_types=[
            pltpu.VMEM((_TOK,), jnp.int32),
            pltpu.VMEM((_TOK,), jnp.int32),
            pltpu.VMEM((_T, _D), jnp.float32),
            pltpu.VMEM((_T, _D), jnp.float32),
            pltpu.VMEM((_T, _D), jnp.float32),
            pltpu.VMEM((_T, _D), jnp.float32),
            pltpu.VMEM((_ROWS, _D), jnp.float32),
            pltpu.VMEM((_ROWS, _LANES), jnp.int32),
            pltpu.SemaphoreType.DMA,
            pltpu.SemaphoreType.DMA,
            pltpu.SemaphoreType.DMA,
            pltpu.SemaphoreType.DMA,
        ],
    )
    return call(ids_flat, msk_flat, emb)


def kernel(input_ids, attention_mask, emb):
    ids = input_ids.reshape(-1).astype(jnp.int32)
    msk = attention_mask.reshape(-1).astype(jnp.int32)
    return _pooled(ids, msk, emb)

# --- scband reference (transcript-rebuilt; emitter-appended) ---
"""Pipeline reference for scband-text-stub-encoder-14980845928478 (READ-ONLY COPY).

The authoritative reference and input builder live on the scoring server;
editing this copy changes nothing except your own understanding.
"""

import jax, jax.numpy as jnp
import numpy as np

VOCAB = 100000
HIDDEN = 64
B = 4096
T = 200

def setup_inputs(seed: int = 0) -> dict:
    key = jax.random.key(seed)
    k1, k2, k3 = jax.random.split(key, 3)
    input_ids = jax.random.randint(k1, (B, T), 0, VOCAB, dtype=jnp.int64) if jax.config.jax_enable_x64 else jax.random.randint(k1, (B, T), 0, VOCAB, dtype=jnp.int32)
    attention_mask = jax.random.randint(k2, (B, T), 0, 2, dtype=jnp.int32)
    emb = jax.random.normal(k3, (VOCAB, HIDDEN), dtype=jnp.float32) * 0.02
    return {"input_ids": input_ids, "attention_mask": attention_mask, "emb": emb}

def reference(input_ids, attention_mask, emb):
    # embedding lookup: [B, T, D]
    x = jnp.take(emb, input_ids, axis=0)
    # masked mean pooling over T
    mask = attention_mask[..., None].astype(jnp.float32)  # [B, T, 1]
    pooled = (x * mask).sum(axis=1) / (mask.sum(axis=1) + 1e-09)  # [B, D]
    return pooled

if __name__ == "__main__":
    import jax
    _d = setup_inputs()
    print(jax.jit(kernel)(*tuple(_d.values())))

</pallas_src>

<mosaic_0001>
#map = affine_map<(d0, d1) -> (0)>
#map1 = affine_map<(d0, d1) -> (0, 0)>
module attributes {stable_mosaic.version = 14 : i64} {
  func.func @_body(%arg0: i32, %arg1: i32, %arg2: memref<819200xi32, #tpu.memory_space<hbm>>, %arg3: memref<819200xi32, #tpu.memory_space<hbm>>, %arg4: memref<100000x64xf32, #tpu.memory_space<hbm>>, %arg5: memref<4096x64xf32, #tpu.memory_space<hbm>>, %arg6: memref<25600xi32, #tpu.memory_space<vmem>>, %arg7: memref<25600xi32, #tpu.memory_space<vmem>>, %arg8: memref<200x64xf32, #tpu.memory_space<vmem>>, %arg9: memref<200x64xf32, #tpu.memory_space<vmem>>, %arg10: memref<200x64xf32, #tpu.memory_space<vmem>>, %arg11: memref<200x64xf32, #tpu.memory_space<vmem>>, %arg12: memref<128x64xf32, #tpu.memory_space<vmem>>, %arg13: memref<128x16xi32, #tpu.memory_space<vmem>>, %arg14: memref<!tpu.dma_semaphore, #tpu.memory_space<semaphore_mem>>, %arg15: memref<!tpu.dma_semaphore, #tpu.memory_space<semaphore_mem>>, %arg16: memref<!tpu.dma_semaphore, #tpu.memory_space<semaphore_mem>>, %arg17: memref<!tpu.dma_semaphore, #tpu.memory_space<semaphore_mem>>) attributes {dimension_semantics = [#tpu.dimension_semantics<core_parallel>, #tpu.dimension_semantics<subcore_parallel>], iteration_bounds = array<i64: 2, 16>, scalar_prefetch = 0 : i64, scratch_operands = 12 : i64, tpu.core_type = #tpu.core_type<sc_vector_subcore>, window_params = [{transform_indices = #map}, {transform_indices = #map}, {transform_indices = #map1}, {transform_indices = #map1}]} {
    %mul3A = arith.constant 2 : i32
    %mul3A_0 = arith.muli %arg1, %mul3A : i32
    %add3A = arith.addi %mul3A_0, %arg0 : i32
    %mul3A_1 = arith.constant 128 : i32
    %mul3A_2 = arith.muli %add3A, %mul3A_1 : i32
    %mul3A_3 = arith.constant 200 : i32
    %mul3A_4 = arith.muli %mul3A_2, %mul3A_3 : i32
    "tpu.region"() ({
      %run_scoped3A = tpu.sem_alloc : memref<!tpu.dma_semaphore, #tpu.memory_space<semaphore_mem>>
      %dma_start3A = tpu.memref_slice %arg2[%mul3A_4] : memref<819200xi32, #tpu.memory_space<hbm>> -> memref<25600xi32, #tpu.memory_space<hbm>>
      %dma_start3A_137 = tpu.memref_slice %arg2[%mul3A_4] : memref<819200xi32, #tpu.memory_space<hbm>> -> memref<25600xi32, #tpu.memory_space<hbm>>
      tpu.enqueue_dma source(%dma_start3A_137 : memref<25600xi32, #tpu.memory_space<hbm>>) target(%arg6 : memref<25600xi32, #tpu.memory_space<vmem>>) target_semaphore(%run_scoped3A : memref<!tpu.dma_semaphore, #tpu.memory_space<semaphore_mem>>)
      %dma_wait3A = tpu.memref_slice %arg2[%mul3A_4] : memref<819200xi32, #tpu.memory_space<hbm>> -> memref<25600xi32, #tpu.memory_space<hbm>>
      %dma_wait3A_138 = tpu.memref_slice %arg2[%mul3A_4] : memref<819200xi32, #tpu.memory_space<hbm>> -> memref<25600xi32, #tpu.memory_space<hbm>>
      tpu.wait_dma2 semaphore(%run_scoped3A : memref<!tpu.dma_semaphore, #tpu.memory_space<semaphore_mem>>) src(%dma_wait3A_138 : memref<25600xi32, #tpu.memory_space<hbm>>) dst(%arg6 : memref<25600xi32, #tpu.memory_space<vmem>>)
      tpu.yield
    }) : () -> ()
    "tpu.region"() ({
      %run_scoped3A = tpu.sem_alloc : memref<!tpu.dma_semaphore, #tpu.memory_space<semaphore_mem>>
      %dma_start3A = tpu.memref_slice %arg3[%mul3A_4] : memref<819200xi32, #tpu.memory_space<hbm>> -> memref<25600xi32, #tpu.memory_space<hbm>>
      %dma_start3A_137 = tpu.memref_slice %arg3[%mul3A_4] : memref<819200xi32, #tpu.memory_space<hbm>> -> memref<25600xi32, #tpu.memory_space<hbm>>
      tpu.enqueue_dma source(%dma_start3A_137 : memref<25600xi32, #tpu.memory_space<hbm>>) target(%arg7 : memref<25600xi32, #tpu.memory_space<vmem>>) target_semaphore(%run_scoped3A : memref<!tpu.dma_semaphore, #tpu.memory_space<semaphore_mem>>)
      %dma_wait3A = tpu.memref_slice %arg3[%mul3A_4] : memref<819200xi32, #tpu.memory_space<hbm>> -> memref<25600xi32, #tpu.memory_space<hbm>>
      %dma_wait3A_138 = tpu.memref_slice %arg3[%mul3A_4] : memref<819200xi32, #tpu.memory_space<hbm>> -> memref<25600xi32, #tpu.memory_space<hbm>>
      tpu.wait_dma2 semaphore(%run_scoped3A : memref<!tpu.dma_semaphore, #tpu.memory_space<semaphore_mem>>) src(%dma_wait3A_138 : memref<25600xi32, #tpu.memory_space<hbm>>) dst(%arg7 : memref<25600xi32, #tpu.memory_space<vmem>>)
      tpu.yield
    }) : () -> ()
    %iota3A = tpu.iota {dimensions = array<i32: 0>} : vector<16xi32>
    %broadcast_in_dim3A = arith.constant 0.000000e+00 : f32
    %broadcast_in_dim3A_5 = vector.broadcast %broadcast_in_dim3A : f32 to vector<16xf32>
    %scan3A = arith.constant 0 : i32
    %scan3A_6 = arith.constant 0 : i32
    %scan3A_7 = arith.constant 4 : i32
    %scan3A_8 = arith.addi %scan3A_6, %scan3A_7 : i32
    %scan3A_9 = arith.constant 1 : i32
    scf.for %scan3A_137 = %scan3A_6 to %scan3A_8 step %scan3A_9  : i32 {
      %mul3A_138 = arith.constant 200 : i32
      %mul3A_139 = arith.muli %scan3A_137, %mul3A_138 : i32
      %mul3A_140 = arith.constant 0 : i32
      %mul3A_141 = vector.broadcast %mul3A_140 : i32 to vector<16xi32>
      %mul3A_142 = arith.muli %iota3A, %mul3A_141 : vector<16xi32>
      %add3A_143 = vector.broadcast %mul3A_139 : i32 to vector<16xi32>
      %add3A_144 = arith.addi %mul3A_142, %add3A_143 : vector<16xi32>
      %add3A_145 = arith.constant 0 : i32
      %add3A_146 = arith.addi %mul3A_139, %add3A_145 : i32
      %get3A_147 = arith.index_cast %add3A_146 : i32 to index
      %get3A_148 = tpu.vector_load %arg6[%get3A_147] {strides = array<i32>} : memref<25600xi32, #tpu.memory_space<vmem>>, vector<16xi32>,
      %get3A_149 = arith.index_cast %add3A_146 : i32 to index
      %get3A_150 = tpu.vector_load %arg7[%get3A_149] {strides = array<i32>} : memref<25600xi32, #tpu.memory_space<vmem>>, vector<16xi32>,
      %ne3A_151 = arith.constant 0 : i32
      %ne3A_152 = vector.broadcast %ne3A_151 : i32 to vector<16xi32>
      %ne3A_153 = arith.cmpi ne, %get3A_150, %ne3A_152 : vector<16xi32>
      %convert_element_type3A = arith.extui %ne3A_153 : vector<16xi1> to vector<16xi32>
      %broadcast_in_dim3A_154 = arith.constant true
      %broadcast_in_dim3A_155 = vector.broadcast %broadcast_in_dim3A_154 : i1 to vector<16xi1>
      %masked_cumsum3A = tpu.scan <sum>, %convert_element_type3A masked %broadcast_in_dim3A_155 : vector<16xi32>, vector<16xi1> -> vector<16xi32>
      %add3A_156 = arith.addi %add3A_144, %masked_cumsum3A : vector<16xi32>
      %sub3A_157 = arith.constant 1 : i32
      %sub3A_158 = vector.broadcast %sub3A_157 : i32 to vector<16xi32>
      %sub3A_159 = arith.subi %add3A_156, %sub3A_158 : vector<16xi32>
      tpu.vector_store_idx %arg6[%sub3A_159], %get3A_148 masked %ne3A_153 : memref<25600xi32, #tpu.memory_space<vmem>>[vector<16xi32>], vector<16xi32>, vector<16xi1>
      %all_reduce_population_count3A = tpu.all_reduce %ne3A_153 {dim = 0 : i64, kind = #tpu.reduction_kind<sum>} : vector<16xi1> -> vector<16xi32>
      %add3A_160 = arith.addi %add3A_144, %all_reduce_population_count3A : vector<16xi32>
      %add3A_161 = arith.constant 16 : i32
      %add3A_162 = arith.addi %mul3A_139, %add3A_161 : i32
      %get3A_163 = arith.index_cast %add3A_162 : i32 to index
      %get3A_164 = tpu.vector_load %arg6[%get3A_163] {strides = array<i32>} : memref<25600xi32, #tpu.memory_space<vmem>>, vector<16xi32>,
      %get3A_165 = arith.index_cast %add3A_162 : i32 to index
      %get3A_166 = tpu.vector_load %arg7[%get3A_165] {strides = array<i32>} : memref<25600xi32, #tpu.memory_space<vmem>>, vector<16xi32>,
      %ne3A_167 = arith.constant 0 : i32
      %ne3A_168 = vector.broadcast %ne3A_167 : i32 to vector<16xi32>
      %ne3A_169 = arith.cmpi ne, %get3A_166, %ne3A_168 : vector<16xi32>
      %convert_element_type3A_170 = arith.extui %ne3A_169 : vector<16xi1> to vector<16xi32>
      %broadcast_in_dim3A_171 = arith.constant true
      %broadcast_in_dim3A_172 = vector.broadcast %broadcast_in_dim3A_171 : i1 to vector<16xi1>
      %masked_cumsum3A_173 = tpu.scan <sum>, %convert_element_type3A_170 masked %broadcast_in_dim3A_172 : vector<16xi32>, vector<16xi1> -> vector<16xi32>
      %add3A_174 = arith.addi %add3A_160, %masked_cumsum3A_173 : vector<16xi32>
      %sub3A_175 = arith.constant 1 : i32
      %sub3A_176 = vector.broadcast %sub3A_175 : i32 to vector<16xi32>
      %sub3A_177 = arith.subi %add3A_174, %sub3A_176 : vector<16xi32>
      tpu.vector_store_idx %arg6[%sub3A_177], %get3A_164 masked %ne3A_169 : memref<25600xi32, #tpu.memory_space<vmem>>[vector<16xi32>], vector<16xi32>, vector<16xi1>
      %all_reduce_population_count3A_178 = tpu.all_reduce %ne3A_169 {dim = 0 : i64, kind = #tpu.reduction_kind<sum>} : vector<16xi1> -> vector<16xi32>
      %add3A_179 = arith.addi %add3A_160, %all_reduce_population_count3A_178 : vector<16xi32>
      %add3A_180 = arith.constant 32 : i32
      %add3A_181 = arith.addi %mul3A_139, %add3A_180 : i32
      %get3A_182 = arith.index_cast %add3A_181 : i32 to index
      %get3A_183 = tpu.vector_load %arg6[%get3A_182] {strides = array<i32>} : memref<25600xi32, #tpu.memory_space<vmem>>, vector<16xi32>,
      %get3A_184 = arith.index_cast %add3A_181 : i32 to index
      %get3A_185 = tpu.vector_load %arg7[%get3A_184] {strides = array<i32>} : memref<25600xi32, #tpu.memory_space<vmem>>, vector<16xi32>,
      %ne3A_186 = arith.constant 0 : i32
      %ne3A_187 = vector.broadcast %ne3A_186 : i32 to vector<16xi32>
      %ne3A_188 = arith.cmpi ne, %get3A_185, %ne3A_187 : vector<16xi32>
      %convert_element_type3A_189 = arith.extui %ne3A_188 : vector<16xi1> to vector<16xi32>
      %broadcast_in_dim3A_190 = arith.constant true
      %broadcast_in_dim3A_191 = vector.broadcast %broadcast_in_dim3A_190 : i1 to vector<16xi1>
      %masked_cumsum3A_192 = tpu.scan <sum>, %convert_element_type3A_189 masked %broadcast_in_dim3A_191 : vector<16xi32>, vector<16xi1> -> vector<16xi32>
      %add3A_193 = arith.addi %add3A_179, %masked_cumsum3A_192 : vector<16xi32>
      %sub3A_194 = arith.constant 1 : i32
      %sub3A_195 = vector.broadcast %sub3A_194 : i32 to vector<16xi32>
      %sub3A_196 = arith.subi %add3A_193, %sub3A_195 : vector<16xi32>
      tpu.vector_store_idx %arg6[%sub3A_196], %get3A_183 masked %ne3A_188 : memref<25600xi32, #tpu.memory_space<vmem>>[vector<16xi32>], vector<16xi32>, vector<16xi1>
      %all_reduce_population_count3A_197 = tpu.all_reduce %ne3A_188 {dim = 0 : i64, kind = #tpu.reduction_kind<sum>} : vector<16xi1> -> vector<16xi32>
      %add3A_198 = arith.addi %add3A_179, %all_reduce_population_count3A_197 : vector<16xi32>
      %add3A_199 = arith.constant 48 : i32
      %add3A_200 = arith.addi %mul3A_139, %add3A_199 : i32
      %get3A_201 = arith.index_cast %add3A_200 : i32 to index
      %get3A_202 = tpu.vector_load %arg6[%get3A_201] {strides = array<i32>} : memref<25600xi32, #tpu.memory_space<vmem>>, vector<16xi32>,
      %get3A_203 = arith.index_cast %add3A_200 : i32 to index
      %get3A_204 = tpu.vector_load %arg7[%get3A_203] {strides = array<i32>} : memref<25600xi32, #tpu.memory_space<vmem>>, vector<16xi32>,
      %ne3A_205 = arith.constant 0 : i32
      %ne3A_206 = vector.broadcast %ne3A_205 : i32 to vector<16xi32>
      %ne3A_207 = arith.cmpi ne, %get3A_204, %ne3A_206 : vector<16xi32>
      %convert_element_type3A_208 = arith.extui %ne3A_207 : vector<16xi1> to vector<16xi32>
      %broadcast_in_dim3A_209 = arith.constant true
      %broadcast_in_dim3A_210 = vector.broadcast %broadcast_in_dim3A_209 : i1 to vector<16xi1>
      %masked_cumsum3A_211 = tpu.scan <sum>, %convert_element_type3A_208 masked %broadcast_in_dim3A_210 : vector<16xi32>, vector<16xi1> -> vector<16xi32>
      %add3A_212 = arith.addi %add3A_198, %masked_cumsum3A_211 : vector<16xi32>
      %sub3A_213 = arith.constant 1 : i32
      %sub3A_214 = vector.broadcast %sub3A_213 : i32 to vector<16xi32>
      %sub3A_215 = arith.subi %add3A_212, %sub3A_214 : vector<16xi32>
      tpu.vector_store_idx %arg6[%sub3A_215], %get3A_202 masked %ne3A_207 : memref<25600xi32, #tpu.memory_space<vmem>>[vector<16xi32>], vector<16xi32>, vector<16xi1>
      %all_reduce_population_count3A_216 = tpu.all_reduce %ne3A_207 {dim = 0 : i64, kind = #tpu.reduction_kind<sum>} : vector<16xi1> -> vector<16xi32>
      %add3A_217 = arith.addi %add3A_198, %all_reduce_population_count3A_216 : vector<16xi32>
      %add3A_218 = arith.constant 64 : i32
      %add3A_219 = arith.addi %mul3A_139, %add3A_218 : i32
      %get3A_220 = arith.index_cast %add3A_219 : i32 to index
      %get3A_221 = tpu.vector_load %arg6[%get3A_220] {strides = array<i32>} : memref<25600xi32, #tpu.memory_space<vmem>>, vector<16xi32>,
      %get3A_222 = arith.index_cast %add3A_219 : i32 to index
      %get3A_223 = tpu.vector_load %arg7[%get3A_222] {strides = array<i32>} : memref<25600xi32, #tpu.memory_space<vmem>>, vector<16xi32>,
      %ne3A_224 = arith.constant 0 : i32
      %ne3A_225 = vector.broadcast %ne3A_224 : i32 to vector<16xi32>
      %ne3A_226 = arith.cmpi ne, %get3A_223, %ne3A_225 : vector<16xi32>
      %convert_element_type3A_227 = arith.extui %ne3A_226 : vector<16xi1> to vector<16xi32>
      %broadcast_in_dim3A_228 = arith.constant true
      %broadcast_in_dim3A_229 = vector.broadcast %broadcast_in_dim3A_228 : i1 to vector<16xi1>
      %masked_cumsum3A_230 = tpu.scan <sum>, %convert_element_type3A_227 masked %broadcast_in_dim3A_229 : vector<16xi32>, vector<16xi1> -> vector<16xi32>
      %add3A_231 = arith.addi %add3A_217, %masked_cumsum3A_230 : vector<16xi32>
      %sub3A_232 = arith.constant 1 : i32
      %sub3A_233 = vector.broadcast %sub3A_232 : i32 to vector<16xi32>
      %sub3A_234 = arith.subi %add3A_231, %sub3A_233 : vector<16xi32>
      tpu.vector_store_idx %arg6[%sub3A_234], %get3A_221 masked %ne3A_226 : memref<25600xi32, #tpu.memory_space<vmem>>[vector<16xi32>], vector<16xi32>, vector<16xi1>
      %all_reduce_population_count3A_235 = tpu.all_reduce %ne3A_226 {dim = 0 : i64, kind = #tpu.reduction_kind<sum>} : vector<16xi1> -> vector<16xi32>
      %add3A_236 = arith.addi %add3A_217, %all_reduce_population_count3A_235 : vector<16xi32>
      %add3A_237 = arith.constant 80 : i32
      %add3A_238 = arith.addi %mul3A_139, %add3A_237 : i32
      %get3A_239 = arith.index_cast %add3A_238 : i32 to index
      %get3A_240 = tpu.vector_load %arg6[%get3A_239] {strides = array<i32>} : memref<25600xi32, #tpu.memory_space<vmem>>, vector<16xi32>,
      %get3A_241 = arith.index_cast %add3A_238 : i32 to index
      %get3A_242 = tpu.vector_load %arg7[%get3A_241] {strides = array<i32>} : memref<25600xi32, #tpu.memory_space<vmem>>, vector<16xi32>,
      %ne3A_243 = arith.constant 0 : i32
      %ne3A_244 = vector.broadcast %ne3A_243 : i32 to vector<16xi32>
      %ne3A_245 = arith.cmpi ne, %get3A_242, %ne3A_244 : vector<16xi32>
      %convert_element_type3A_246 = arith.extui %ne3A_245 : vector<16xi1> to vector<16xi32>
      %broadcast_in_dim3A_247 = arith.constant true
      %broadcast_in_dim3A_248 = vector.broadcast %broadcast_in_dim3A_247 : i1 to vector<16xi1>
      %masked_cumsum3A_249 = tpu.scan <sum>, %convert_element_type3A_246 masked %broadcast_in_dim3A_248 : vector<16xi32>, vector<16xi1> -> vector<16xi32>
      %add3A_250 = arith.addi %add3A_236, %masked_cumsum3A_249 : vector<16xi32>
      %sub3A_251 = arith.constant 1 : i32
      %sub3A_252 = vector.broadcast %sub3A_251 : i32 to vector<16xi32>
      %sub3A_253 = arith.subi %add3A_250, %sub3A_252 : vector<16xi32>
      tpu.vector_store_idx %arg6[%sub3A_253], %get3A_240 masked %ne3A_245 : memref<25600xi32, #tpu.memory_space<vmem>>[vector<16xi32>], vector<16xi32>, vector<16xi1>
      %all_reduce_population_count3A_254 = tpu.all_reduce %ne3A_245 {dim = 0 : i64, kind = #tpu.reduction_kind<sum>} : vector<16xi1> -> vector<16xi32>
      %add3A_255 = arith.addi %add3A_236, %all_reduce_population_count3A_254 : vector<16xi32>
      %add3A_256 = arith.constant 96 : i32
      %add3A_257 = arith.addi %mul3A_139, %add3A_256 : i32
      %get3A_258 = arith.index_cast %add3A_257 : i32 to index
      %get3A_259 = tpu.vector_load %arg6[%get3A_258] {strides = array<i32>} : memref<25600xi32, #tpu.memory_space<vmem>>, vector<16xi32>,
      %get3A_260 = arith.index_cast %add3A_257 : i32 to index
      %get3A_261 = tpu.vector_load %arg7[%get3A_260] {strides = array<i32>} : memref<25600xi32, #tpu.memory_space<vmem>>, vector<16xi32>,
      %ne3A_262 = arith.constant 0 : i32
      %ne3A_263 = vector.broadcast %ne3A_262 : i32 to vector<16xi32>
      %ne3A_264 = arith.cmpi ne, %get3A_261, %ne3A_263 : vector<16xi32>
      %convert_element_type3A_265 = arith.extui %ne3A_264 : vector<16xi1> to vector<16xi32>
      %broadcast_in_dim3A_266 = arith.constant true
      %broadcast_in_dim3A_267 = vector.broadcast %broadcast_in_dim3A_266 : i1 to vector<16xi1>
      %masked_cumsum3A_268 = tpu.scan <sum>, %convert_element_type3A_265 masked %broadcast_in_dim3A_267 : vector<16xi32>, vector<16xi1> -> vector<16xi32>
      %add3A_269 = arith.addi %add3A_255, %masked_cumsum3A_268 : vector<16xi32>
      %sub3A_270 = arith.constant 1 : i32
      %sub3A_271 = vector.broadcast %sub3A_270 : i32 to vector<16xi32>
      %sub3A_272 = arith.subi %add3A_269, %sub3A_271 : vector<16xi32>
      tpu.vector_store_idx %arg6[%sub3A_272], %get3A_259 masked %ne3A_264 : memref<25600xi32, #tpu.memory_space<vmem>>[vector<16xi32>], vector<16xi32>, vector<16xi1>
      %all_reduce_population_count3A_273 = tpu.all_reduce %ne3A_264 {dim = 0 : i64, kind = #tpu.reduction_kind<sum>} : vector<16xi1> -> vector<16xi32>
      %add3A_274 = arith.addi %add3A_255, %all_reduce_population_count3A_273 : vector<16xi32>
      %add3A_275 = arith.constant 112 : i32
      %add3A_276 = arith.addi %mul3A_139, %add3A_275 : i32
      %get3A_277 = arith.index_cast %add3A_276 : i32 to index
      %get3A_278 = tpu.vector_load %arg6[%get3A_277] {strides = array<i32>} : memref<25600xi32, #tpu.memory_space<vmem>>, vector<16xi32>,
      %get3A_279 = arith.index_cast %add3A_276 : i32 to index
      %get3A_280 = tpu.vector_load %arg7[%get3A_279] {strides = array<i32>} : memref<25600xi32, #tpu.memory_space<vmem>>, vector<16xi32>,
      %ne3A_281 = arith.constant 0 : i32
      %ne3A_282 = vector.broadcast %ne3A_281 : i32 to vector<16xi32>
      %ne3A_283 = arith.cmpi ne, %get3A_280, %ne3A_282 : vector<16xi32>
      %convert_element_type3A_284 = arith.extui %ne3A_283 : vector<16xi1> to vector<16xi32>
      %broadcast_in_dim3A_285 = arith.constant true
      %broadcast_in_dim3A_286 = vector.broadcast %broadcast_in_dim3A_285 : i1 to vector<16xi1>
      %masked_cumsum3A_287 = tpu.scan <sum>, %convert_element_type3A_284 masked %broadcast_in_dim3A_286 : vector<16xi32>, vector<16xi1> -> vector<16xi32>
      %add3A_288 = arith.addi %add3A_274, %masked_cumsum3A_287 : vector<16xi32>
      %sub3A_289 = arith.constant 1 : i32
      %sub3A_290 = vector.broadcast %sub3A_289 : i32 to vector<16xi32>
      %sub3A_291 = arith.subi %add3A_288, %sub3A_290 : vector<16xi32>
      tpu.vector_store_idx %arg6[%sub3A_291], %get3A_278 masked %ne3A_283 : memref<25600xi32, #tpu.memory_space<vmem>>[vector<16xi32>], vector<16xi32>, vector<16xi1>
      %all_reduce_population_count3A_292 = tpu.all_reduce %ne3A_283 {dim = 0 : i64, kind = #tpu.reduction_kind<sum>} : vector<16xi1> -> vector<16xi32>
      %add3A_293 = arith.addi %add3A_274, %all_reduce_population_count3A_292 : vector<16xi32>
      %add3A_294 = arith.constant 128 : i32
      %add3A_295 = arith.addi %mul3A_139, %add3A_294 : i32
      %get3A_296 = arith.index_cast %add3A_295 : i32 to index
      %get3A_297 = tpu.vector_load %arg6[%get3A_296] {strides = array<i32>} : memref<25600xi32, #tpu.memory_space<vmem>>, vector<16xi32>,
      %get3A_298 = arith.index_cast %add3A_295 : i32 to index
      %get3A_299 = tpu.vector_load %arg7[%get3A_298] {strides = array<i32>} : memref<25600xi32, #tpu.memory_space<vmem>>, vector<16xi32>,
      %ne3A_300 = arith.constant 0 : i32
      %ne3A_301 = vector.broadcast %ne3A_300 : i32 to vector<16xi32>
      %ne3A_302 = arith.cmpi ne, %get3A_299, %ne3A_301 : vector<16xi32>
      %convert_element_type3A_303 = arith.extui %ne3A_302 : vector<16xi1> to vector<16xi32>
      %broadcast_in_dim3A_304 = arith.constant true
      %broadcast_in_dim3A_305 = vector.broadcast %broadcast_in_dim3A_304 : i1 to vector<16xi1>
      %masked_cumsum3A_306 = tpu.scan <sum>, %convert_element_type3A_303 masked %broadcast_in_dim3A_305 : vector<16xi32>, vector<16xi1> -> vector<16xi32>
      %add3A_307 = arith.addi %add3A_293, %masked_cumsum3A_306 : vector<16xi32>
      %sub3A_308 = arith.constant 1 : i32
      %sub3A_309 = vector.broadcast %sub3A_308 : i32 to vector<16xi32>
      %sub3A_310 = arith.subi %add3A_307, %sub3A_309 : vector<16xi32>
      tpu.vector_store_idx %arg6[%sub3A_310], %get3A_297 masked %ne3A_302 : memref<25600xi32, #tpu.memory_space<vmem>>[vector<16xi32>], vector<16xi32>, vector<16xi1>
      %all_reduce_population_count3A_311 = tpu.all_reduce %ne3A_302 {dim = 0 : i64, kind = #tpu.reduction_kind<sum>} : vector<16xi1> -> vector<16xi32>
      %add3A_312 = arith.addi %add3A_293, %all_reduce_population_count3A_311 : vector<16xi32>
      %add3A_313 = arith.constant 144 : i32
      %add3A_314 = arith.addi %mul3A_139, %add3A_313 : i32
      %get3A_315 = arith.index_cast %add3A_314 : i32 to index
      %get3A_316 = tpu.vector_load %arg6[%get3A_315] {strides = array<i32>} : memref<25600xi32, #tpu.memory_space<vmem>>, vector<16xi32>,
      %get3A_317 = arith.index_cast %add3A_314 : i32 to index
      %get3A_318 = tpu.vector_load %arg7[%get3A_317] {strides = array<i32>} : memref<25600xi32, #tpu.memory_space<vmem>>, vector<16xi32>,
      %ne3A_319 = arith.constant 0 : i32
      %ne3A_320 = vector.broadcast %ne3A_319 : i32 to vector<16xi32>
      %ne3A_321 = arith.cmpi ne, %get3A_318, %ne3A_320 : vector<16xi32>
      %convert_element_type3A_322 = arith.extui %ne3A_321 : vector<16xi1> to vector<16xi32>
      %broadcast_in_dim3A_323 = arith.constant true
      %broadcast_in_dim3A_324 = vector.broadcast %broadcast_in_dim3A_323 : i1 to vector<16xi1>
      %masked_cumsum3A_325 = tpu.scan <sum>, %convert_element_type3A_322 masked %broadcast_in_dim3A_324 : vector<16xi32>, vector<16xi1> -> vector<16xi32>
      %add3A_326 = arith.addi %add3A_312, %masked_cumsum3A_325 : vector<16xi32>
      %sub3A_327 = arith.constant 1 : i32
      %sub3A_328 = vector.broadcast %sub3A_327 : i32 to vector<16xi32>
      %sub3A_329 = arith.subi %add3A_326, %sub3A_328 : vector<16xi32>
      tpu.vector_store_idx %arg6[%sub3A_329], %get3A_316 masked %ne3A_321 : memref<25600xi32, #tpu.memory_space<vmem>>[vector<16xi32>], vector<16xi32>, vector<16xi1>
      %all_reduce_population_count3A_330 = tpu.all_reduce %ne3A_321 {dim = 0 : i64, kind = #tpu.reduction_kind<sum>} : vector<16xi1> -> vector<16xi32>
      %add3A_331 = arith.addi %add3A_312, %all_reduce_population_count3A_330 : vector<16xi32>
      %add3A_332 = arith.constant 160 : i32
      %add3A_333 = arith.addi %mul3A_139, %add3A_332 : i32
      %get3A_334 = arith.index_cast %add3A_333 : i32 to index
      %get3A_335 = tpu.vector_load %arg6[%get3A_334] {strides = array<i32>} : memref<25600xi32, #tpu.memory_space<vmem>>, vector<16xi32>,
      %get3A_336 = arith.index_cast %add3A_333 : i32 to index
      %get3A_337 = tpu.vector_load %arg7[%get3A_336] {strides = array<i32>} : memref<25600xi32, #tpu.memory_space<vmem>>, vector<16xi32>,
      %ne3A_338 = arith.constant 0 : i32
      %ne3A_339 = vector.broadcast %ne3A_338 : i32 to vector<16xi32>
      %ne3A_340 = arith.cmpi ne, %get3A_337, %ne3A_339 : vector<16xi32>
      %convert_element_type3A_341 = arith.extui %ne3A_340 : vector<16xi1> to vector<16xi32>
      %broadcast_in_dim3A_342 = arith.constant true
      %broadcast_in_dim3A_343 = vector.broadcast %broadcast_in_dim3A_342 : i1 to vector<16xi1>
      %masked_cumsum3A_344 = tpu.scan <sum>, %convert_element_type3A_341 masked %broadcast_in_dim3A_343 : vector<16xi32>, vector<16xi1> -> vector<16xi32>
      %add3A_345 = arith.addi %add3A_331, %masked_cumsum3A_344 : vector<16xi32>
      %sub3A_346 = arith.constant 1 : i32
      %sub3A_347 = vector.broadcast %sub3A_346 : i32 to vector<16xi32>
      %sub3A_348 = arith.subi %add3A_345, %sub3A_347 : vector<16xi32>
      tpu.vector_store_idx %arg6[%sub3A_348], %get3A_335 masked %ne3A_340 : memref<25600xi32, #tpu.memory_space<vmem>>[vector<16xi32>], vector<16xi32>, vector<16xi1>
      %all_reduce_population_count3A_349 = tpu.all_reduce %ne3A_340 {dim = 0 : i64, kind = #tpu.reduction_kind<sum>} : vector<16xi1> -> vector<16xi32>
      %add3A_350 = arith.addi %add3A_331, %all_reduce_population_count3A_349 : vector<16xi32>
      %add3A_351 = arith.constant 176 : i32
      %add3A_352 = arith.addi %mul3A_139, %add3A_351 : i32
      %get3A_353 = arith.index_cast %add3A_352 : i32 to index
      %get3A_354 = tpu.vector_load %arg6[%get3A_353] {strides = array<i32>} : memref<25600xi32, #tpu.memory_space<vmem>>, vector<16xi32>,
      %get3A_355 = arith.index_cast %add3A_352 : i32 to index
      %get3A_356 = tpu.vector_load %arg7[%get3A_355] {strides = array<i32>} : memref<25600xi32, #tpu.memory_space<vmem>>, vector<16xi32>,
      %ne3A_357 = arith.constant 0 : i32
      %ne3A_358 = vector.broadcast %ne3A_357 : i32 to vector<16xi32>
      %ne3A_359 = arith.cmpi ne, %get3A_356, %ne3A_358 : vector<16xi32>
      %convert_element_type3A_360 = arith.extui %ne3A_359 : vector<16xi1> to vector<16xi32>
      %broadcast_in_dim3A_361 = arith.constant true
      %broadcast_in_dim3A_362 = vector.broadcast %broadcast_in_dim3A_361 : i1 to vector<16xi1>
      %masked_cumsum3A_363 = tpu.scan <sum>, %convert_element_type3A_360 masked %broadcast_in_dim3A_362 : vector<16xi32>, vector<16xi1> -> vector<16xi32>
      %add3A_364 = arith.addi %add3A_350, %masked_cumsum3A_363 : vector<16xi32>
      %sub3A_365 = arith.constant 1 : i32
      %sub3A_366 = vector.broadcast %sub3A_365 : i32 to vector<16xi32>
      %sub3A_367 = arith.subi %add3A_364, %sub3A_366 : vector<16xi32>
      tpu.vector_store_idx %arg6[%sub3A_367], %get3A_354 masked %ne3A_359 : memref<25600xi32, #tpu.memory_space<vmem>>[vector<16xi32>], vector<16xi32>, vector<16xi1>
      %all_reduce_population_count3A_368 = tpu.all_reduce %ne3A_359 {dim = 0 : i64, kind = #tpu.reduction_kind<sum>} : vector<16xi1> -> vector<16xi32>
      %add3A_369 = arith.addi %add3A_350, %all_reduce_population_count3A_368 : vector<16xi32>
      %add3A_370 = arith.constant 192 : i32
      %add3A_371 = arith.addi %mul3A_139, %add3A_370 : i32
      %get3A_372 = arith.index_cast %add3A_371 : i32 to index
      %get3A_373 = tpu.vector_load %arg6[%get3A_372] {strides = array<i32>} : memref<25600xi32, #tpu.memory_space<vmem>>, vector<16xi32>,
      %get3A_374 = arith.index_cast %add3A_371 : i32 to index
      %get3A_375 = tpu.vector_load %arg7[%get3A_374] {strides = array<i32>} : memref<25600xi32, #tpu.memory_space<vmem>>, vector<16xi32>,
      %ne3A_376 = arith.constant 0 : i32
      %ne3A_377 = vector.broadcast %ne3A_376 : i32 to vector<16xi32>
      %ne3A_378 = arith.cmpi ne, %get3A_375, %ne3A_377 : vector<16xi32>
      %lt3A = arith.constant 8 : i32
      %lt3A_379 = vector.broadcast %lt3A : i32 to vector<16xi32>
      %lt3A_380 = arith.cmpi slt, %iota3A, %lt3A_379 : vector<16xi32>
      %and3A_381 = arith.andi %ne3A_378, %lt3A_380 : vector<16xi1>
      %convert_element_type3A_382 = arith.extui %and3A_381 : vector<16xi1> to vector<16xi32>
      %broadcast_in_dim3A_383 = arith.constant true
      %broadcast_in_dim3A_384 = vector.broadcast %broadcast_in_dim3A_383 : i1 to vector<16xi1>
      %masked_cumsum3A_385 = tpu.scan <sum>, %convert_element_type3A_382 masked %broadcast_in_dim3A_384 : vector<16xi32>, vector<16xi1> -> vector<16xi32>
      %add3A_386 = arith.addi %add3A_369, %masked_cumsum3A_385 : vector<16xi32>
      %sub3A_387 = arith.constant 1 : i32
      %sub3A_388 = vector.broadcast %sub3A_387 : i32 to vector<16xi32>
      %sub3A_389 = arith.subi %add3A_386, %sub3A_388 : vector<16xi32>
      tpu.vector_store_idx %arg6[%sub3A_389], %get3A_373 masked %and3A_381 : memref<25600xi32, #tpu.memory_space<vmem>>[vector<16xi32>], vector<16xi32>, vector<16xi1>
      %all_reduce_population_count3A_390 = tpu.all_reduce %and3A_381 {dim = 0 : i64, kind = #tpu.reduction_kind<sum>} : vector<16xi1> -> vector<16xi32>
      %add3A_391 = arith.addi %add3A_369, %all_reduce_population_count3A_390 : vector<16xi32>
      %sub3A_392 = vector.broadcast %mul3A_139 : i32 to vector<16xi32>
      %sub3A_393 = arith.subi %add3A_391, %sub3A_392 : vector<16xi32>
      %swap3A = arith.index_cast %scan3A_137 : i32 to index
      %swap3A_394 = arith.constant 0 : index
      %swap3A_395 = tpu.vector_load %arg13[%swap3A, %swap3A_394] {strides = array<i32>} : memref<128x16xi32, #tpu.memory_space<vmem>>, vector<16xi32>,
      tpu.vector_store %arg13[%swap3A, %swap3A_394], %sub3A_393 {strides = array<i32>} : memref<128x16xi32, #tpu.memory_space<vmem>>, vector<16xi32>,
    }
    %scan3A_10 = arith.constant 4 : i32
    %get3A = arith.constant 0 : i32
    %get3A_11 = arith.index_cast %get3A : i32 to index
    %get3A_12 = arith.constant 0 : index
    %get3A_13 = tpu.vector_load %arg13[%get3A_11, %get3A_12] {strides = array<i32>} : memref<128x16xi32, #tpu.memory_space<vmem>>, vector<16xi32>,
    %slice3A = vector.extract_strided_slice %get3A_13 {offsets = [0], sizes = [1], strides = [1]} : vector<16xi32> to vector<1xi32>
    %squeeze3A = vector.extract %slice3A[0] : i32 from vector<1xi32>
    %add3A_14 = arith.constant 40 : i32
    %add3A_15 = arith.addi %squeeze3A, %add3A_14 : i32
    %sub3A = arith.constant 1 : i32
    %sub3A_16 = arith.subi %add3A_15, %sub3A : i32
    %jit3A = arith.constant 40 : i32
    %div3A = arith.divsi %sub3A_16, %jit3A : i32
    %sign3A = arith.constant 0 : i32
    %sign3A_17 = arith.cmpi sgt, %sub3A_16, %sign3A : i32
    %sign3A_18 = arith.extui %sign3A_17 : i1 to i32
    %sign3A_19 = arith.constant 0 : i32
    %sign3A_20 = arith.cmpi slt, %sub3A_16, %sign3A_19 : i32
    %sign3A_21 = arith.extui %sign3A_20 : i1 to i32
    %sign3A_22 = arith.subi %sign3A_18, %sign3A_21 : i32
    %sign3A_23 = arith.constant 0 : i32
    %sign3A_24 = arith.cmpi sgt, %jit3A, %sign3A_23 : i32
    %sign3A_25 = arith.extui %sign3A_24 : i1 to i32
    %sign3A_26 = arith.constant 0 : i32
    %sign3A_27 = arith.cmpi slt, %jit3A, %sign3A_26 : i32
    %sign3A_28 = arith.extui %sign3A_27 : i1 to i32
    %sign3A_29 = arith.subi %sign3A_25, %sign3A_28 : i32
    %ne3A = arith.cmpi ne, %sign3A_22, %sign3A_29 : i32
    %rem3A = arith.remsi %sub3A_16, %jit3A : i32
    %ne3A_30 = arith.constant 0 : i32
    %ne3A_31 = arith.cmpi ne, %rem3A, %ne3A_30 : i32
    %and3A = arith.andi %ne3A, %ne3A_31 : i1
    %sub3A_32 = arith.constant 1 : i32
    %sub3A_33 = arith.subi %div3A, %sub3A_32 : i32
    %select_n3A = arith.select %and3A, %sub3A_33, %div3A : i32
    %while3A = arith.constant 0 : i32
    %while3A_34 = arith.constant 0 : i32
    %while3A_35 = arith.subi %select_n3A, %while3A_34 : i32
    %while3A_36 = arith.addi %while3A_34, %while3A_35 : i32
    %while3A_37 = arith.constant 1 : i32
    %while3A_38 = arith.divsi %while3A_35, %while3A_37 : i32
    %while3A_39 = arith.muli %while3A_38, %while3A_37 : i32
    %while3A_40 = arith.addi %while3A_34, %while3A_39 : i32
    %while3A_41 = arith.constant 1 : i32
    scf.for %while3A_137 = %while3A_34 to %while3A_40 step %while3A_41  : i32 {
      %mul3A_138 = arith.constant 40 : i32
      %mul3A_139 = arith.muli %while3A_137, %mul3A_138 : i32
      %add3A_140 = arith.constant 0 : i32
      %add3A_141 = arith.addi %add3A_140, %mul3A_139 : i32
      %mul3A_142 = arith.constant 40 : i32
      %mul3A_143 = arith.muli %while3A_137, %mul3A_142 : i32
      %dma_start3A = arith.constant 0 : i32
      %dma_start3A_144 = tpu.memref_slice %arg8[%mul3A_143, %dma_start3A] : memref<200x64xf32, #tpu.memory_space<vmem>> -> memref<40x64xf32, #tpu.memory_space<vmem>>
      %dma_start3A_145 = tpu.memref_slice %arg6[%add3A_141] : memref<25600xi32, #tpu.memory_space<vmem>> -> memref<40xi32, #tpu.memory_space<vmem>>
      %dma_start3A_146 = arith.constant 0 : i32
      %dma_start3A_147 = arith.constant 0 : i32
      %dma_start3A_148 = tpu.memref_slice %arg4[%dma_start3A_146, %dma_start3A_147] : memref<100000x64xf32, #tpu.memory_space<hbm>> -> memref<100000x64xf32, #tpu.memory_space<hbm>>
      tpu.enqueue_indirect_dma source(%dma_start3A_148 : memref<100000x64xf32, #tpu.memory_space<hbm>>) target(%dma_start3A_144 : memref<40x64xf32, #tpu.memory_space<vmem>>) offsets(%dma_start3A_145 : memref<40xi32, #tpu.memory_space<vmem>>) semaphore(%arg14 : memref<!tpu.dma_semaphore, #tpu.memory_space<semaphore_mem>>)
    }
    %while3A_42 = arith.constant 1 : i32
    scf.for %while3A_137 = %while3A_40 to %while3A_36 step %while3A_42  : i32 {
      %mul3A_138 = arith.constant 40 : i32
      %mul3A_139 = arith.muli %while3A_137, %mul3A_138 : i32
      %add3A_140 = arith.constant 0 : i32
      %add3A_141 = arith.addi %add3A_140, %mul3A_139 : i32
      %mul3A_142 = arith.constant 40 : i32
      %mul3A_143 = arith.muli %while3A_137, %mul3A_142 : i32
      %dma_start3A = arith.constant 0 : i32
      %dma_start3A_144 = tpu.memref_slice %arg8[%mul3A_143, %dma_start3A] : memref<200x64xf32, #tpu.memory_space<vmem>> -> memref<40x64xf32, #tpu.memory_space<vmem>>
      %dma_start3A_145 = tpu.memref_slice %arg6[%add3A_141] : memref<25600xi32, #tpu.memory_space<vmem>> -> memref<40xi32, #tpu.memory_space<vmem>>
      %dma_start3A_146 = arith.constant 0 : i32
      %dma_start3A_147 = arith.constant 0 : i32
      %dma_start3A_148 = tpu.memref_slice %arg4[%dma_start3A_146, %dma_start3A_147] : memref<100000x64xf32, #tpu.memory_space<hbm>> -> memref<100000x64xf32, #tpu.memory_space<hbm>>
      tpu.enqueue_indirect_dma source(%dma_start3A_148 : memref<100000x64xf32, #tpu.memory_space<hbm>>) target(%dma_start3A_144 : memref<40x64xf32, #tpu.memory_space<vmem>>) offsets(%dma_start3A_145 : memref<40xi32, #tpu.memory_space<vmem>>) semaphore(%arg14 : memref<!tpu.dma_semaphore, #tpu.memory_space<semaphore_mem>>)
    }
    %get3A_43 = arith.constant 1 : i32
    %get3A_44 = arith.index_cast %get3A_43 : i32 to index
    %get3A_45 = arith.constant 0 : index
    %get3A_46 = tpu.vector_load %arg13[%get3A_44, %get3A_45] {strides = array<i32>} : memref<128x16xi32, #tpu.memory_space<vmem>>, vector<16xi32>,
    %slice3A_47 = vector.extract_strided_slice %get3A_46 {offsets = [0], sizes = [1], strides = [1]} : vector<16xi32> to vector<1xi32>
    %squeeze3A_48 = vector.extract %slice3A_47[0] : i32 from vector<1xi32>
    %add3A_49 = arith.constant 40 : i32
    %add3A_50 = arith.addi %squeeze3A_48, %add3A_49 : i32
    %sub3A_51 = arith.constant 1 : i32
    %sub3A_52 = arith.subi %add3A_50, %sub3A_51 : i32
    %jit3A_53 = arith.constant 40 : i32
    %div3A_54 = arith.divsi %sub3A_52, %jit3A_53 : i32
    %sign3A_55 = arith.constant 0 : i32
    %sign3A_56 = arith.cmpi sgt, %sub3A_52, %sign3A_55 : i32
    %sign3A_57 = arith.extui %sign3A_56 : i1 to i32
    %sign3A_58 = arith.constant 0 : i32
    %sign3A_59 = arith.cmpi slt, %sub3A_52, %sign3A_58 : i32
    %sign3A_60 = arith.extui %sign3A_59 : i1 to i32
    %sign3A_61 = arith.subi %sign3A_57, %sign3A_60 : i32
    %sign3A_62 = arith.constant 0 : i32
    %sign3A_63 = arith.cmpi sgt, %jit3A_53, %sign3A_62 : i32
    %sign3A_64 = arith.extui %sign3A_63 : i1 to i32
    %sign3A_65 = arith.constant 0 : i32
    %sign3A_66 = arith.cmpi slt, %jit3A_53, %sign3A_65 : i32
    %sign3A_67 = arith.extui %sign3A_66 : i1 to i32
    %sign3A_68 = arith.subi %sign3A_64, %sign3A_67 : i32
    %ne3A_69 = arith.cmpi ne, %sign3A_61, %sign3A_68 : i32
    %rem3A_70 = arith.remsi %sub3A_52, %jit3A_53 : i32
    %ne3A_71 = arith.constant 0 : i32
    %ne3A_72 = arith.cmpi ne, %rem3A_70, %ne3A_71 : i32
    %and3A_73 = arith.andi %ne3A_69, %ne3A_72 : i1
    %sub3A_74 = arith.constant 1 : i32
    %sub3A_75 = arith.subi %div3A_54, %sub3A_74 : i32
    %select_n3A_76 = arith.select %and3A_73, %sub3A_75, %div3A_54 : i32
    %while3A_77 = arith.constant 0 : i32
    %while3A_78 = arith.constant 0 : i32
    %while3A_79 = arith.subi %select_n3A_76, %while3A_78 : i32
    %while3A_80 = arith.addi %while3A_78, %while3A_79 : i32
    %while3A_81 = arith.constant 1 : i32
    %while3A_82 = arith.divsi %while3A_79, %while3A_81 : i32
    %while3A_83 = arith.muli %while3A_82, %while3A_81 : i32
    %while3A_84 = arith.addi %while3A_78, %while3A_83 : i32
    %while3A_85 = arith.constant 1 : i32
    scf.for %while3A_137 = %while3A_78 to %while3A_84 step %while3A_85  : i32 {
      %mul3A_138 = arith.constant 40 : i32
      %mul3A_139 = arith.muli %while3A_137, %mul3A_138 : i32
      %add3A_140 = arith.constant 200 : i32
      %add3A_141 = arith.addi %add3A_140, %mul3A_139 : i32
      %mul3A_142 = arith.constant 40 : i32
      %mul3A_143 = arith.muli %while3A_137, %mul3A_142 : i32
      %dma_start3A = arith.constant 0 : i32
      %dma_start3A_144 = tpu.memref_slice %arg9[%mul3A_143, %dma_start3A] : memref<200x64xf32, #tpu.memory_space<vmem>> -> memref<40x64xf32, #tpu.memory_space<vmem>>
      %dma_start3A_145 = tpu.memref_slice %arg6[%add3A_141] : memref<25600xi32, #tpu.memory_space<vmem>> -> memref<40xi32, #tpu.memory_space<vmem>>
      %dma_start3A_146 = arith.constant 0 : i32
      %dma_start3A_147 = arith.constant 0 : i32
      %dma_start3A_148 = tpu.memref_slice %arg4[%dma_start3A_146, %dma_start3A_147] : memref<100000x64xf32, #tpu.memory_space<hbm>> -> memref<100000x64xf32, #tpu.memory_space<hbm>>
      tpu.enqueue_indirect_dma source(%dma_start3A_148 : memref<100000x64xf32, #tpu.memory_space<hbm>>) target(%dma_start3A_144 : memref<40x64xf32, #tpu.memory_space<vmem>>) offsets(%dma_start3A_145 : memref<40xi32, #tpu.memory_space<vmem>>) semaphore(%arg15 : memref<!tpu.dma_semaphore, #tpu.memory_space<semaphore_mem>>)
    }
    %while3A_86 = arith.constant 1 : i32
    scf.for %while3A_137 = %while3A_84 to %while3A_80 step %while3A_86  : i32 {
      %mul3A_138 = arith.constant 40 : i32
      %mul3A_139 = arith.muli %while3A_137, %mul3A_138 : i32
      %add3A_140 = arith.constant 200 : i32
      %add3A_141 = arith.addi %add3A_140, %mul3A_139 : i32
      %mul3A_142 = arith.constant 40 : i32
      %mul3A_143 = arith.muli %while3A_137, %mul3A_142 : i32
      %dma_start3A = arith.constant 0 : i32
      %dma_start3A_144 = tpu.memref_slice %arg9[%mul3A_143, %dma_start3A] : memref<200x64xf32, #tpu.memory_space<vmem>> -> memref<40x64xf32, #tpu.memory_space<vmem>>
      %dma_start3A_145 = tpu.memref_slice %arg6[%add3A_141] : memref<25600xi32, #tpu.memory_space<vmem>> -> memref<40xi32, #tpu.memory_space<vmem>>
      %dma_start3A_146 = arith.constant 0 : i32
      %dma_start3A_147 = arith.constant 0 : i32
      %dma_start3A_148 = tpu.memref_slice %arg4[%dma_start3A_146, %dma_start3A_147] : memref<100000x64xf32, #tpu.memory_space<hbm>> -> memref<100000x64xf32, #tpu.memory_space<hbm>>
      tpu.enqueue_indirect_dma source(%dma_start3A_148 : memref<100000x64xf32, #tpu.memory_space<hbm>>) target(%dma_start3A_144 : memref<40x64xf32, #tpu.memory_space<vmem>>) offsets(%dma_start3A_145 : memref<40xi32, #tpu.memory_space<vmem>>) semaphore(%arg15 : memref<!tpu.dma_semaphore, #tpu.memory_space<semaphore_mem>>)
    }
    %get3A_87 = arith.constant 2 : i32
    %get3A_88 = arith.index_cast %get3A_87 : i32 to index
    %get3A_89 = arith.constant 0 : index
    %get3A_90 = tpu.vector_load %arg13[%get3A_88, %get3A_89] {strides = array<i32>} : memref<128x16xi32, #tpu.memory_space<vmem>>, vector<16xi32>,
    %slice3A_91 = vector.extract_strided_slice %get3A_90 {offsets = [0], sizes = [1], strides = [1]} : vector<16xi32> to vector<1xi32>
    %squeeze3A_92 = vector.extract %slice3A_91[0] : i32 from vector<1xi32>
    %add3A_93 = arith.constant 40 : i32
    %add3A_94 = arith.addi %squeeze3A_92, %add3A_93 : i32
    %sub3A_95 = arith.constant 1 : i32
    %sub3A_96 = arith.subi %add3A_94, %sub3A_95 : i32
    %jit3A_97 = arith.constant 40 : i32
    %div3A_98 = arith.divsi %sub3A_96, %jit3A_97 : i32
    %sign3A_99 = arith.constant 0 : i32
    %sign3A_100 = arith.cmpi sgt, %sub3A_96, %sign3A_99 : i32
    %sign3A_101 = arith.extui %sign3A_100 : i1 to i32
    %sign3A_102 = arith.constant 0 : i32
    %sign3A_103 = arith.cmpi slt, %sub3A_96, %sign3A_102 : i32
    %sign3A_104 = arith.extui %sign3A_103 : i1 to i32
    %sign3A_105 = arith.subi %sign3A_101, %sign3A_104 : i32
    %sign3A_106 = arith.constant 0 : i32
    %sign3A_107 = arith.cmpi sgt, %jit3A_97, %sign3A_106 : i32
    %sign3A_108 = arith.extui %sign3A_107 : i1 to i32
    %sign3A_109 = arith.constant 0 : i32
    %sign3A_110 = arith.cmpi slt, %jit3A_97, %sign3A_109 : i32
    %sign3A_111 = arith.extui %sign3A_110 : i1 to i32
    %sign3A_112 = arith.subi %sign3A_108, %sign3A_111 : i32
    %ne3A_113 = arith.cmpi ne, %sign3A_105, %sign3A_112 : i32
    %rem3A_114 = arith.remsi %sub3A_96, %jit3A_97 : i32
    %ne3A_115 = arith.constant 0 : i32
    %ne3A_116 = arith.cmpi ne, %rem3A_114, %ne3A_115 : i32
    %and3A_117 = arith.andi %ne3A_113, %ne3A_116 : i1
    %sub3A_118 = arith.constant 1 : i32
    %sub3A_119 = arith.subi %div3A_98, %sub3A_118 : i32
    %select_n3A_120 = arith.select %and3A_117, %sub3A_119, %div3A_98 : i32
    %while3A_121 = arith.constant 0 : i32
    %while3A_122 = arith.constant 0 : i32
    %while3A_123 = arith.subi %select_n3A_120, %while3A_122 : i32
    %while3A_124 = arith.addi %while3A_122, %while3A_123 : i32
    %while3A_125 = arith.constant 1 : i32
    %while3A_126 = arith.divsi %while3A_123, %while3A_125 : i32
    %while3A_127 = arith.muli %while3A_126, %while3A_125 : i32
    %while3A_128 = arith.addi %while3A_122, %while3A_127 : i32
    %while3A_129 = arith.constant 1 : i32
    scf.for %while3A_137 = %while3A_122 to %while3A_128 step %while3A_129  : i32 {
      %mul3A_138 = arith.constant 40 : i32
      %mul3A_139 = arith.muli %while3A_137, %mul3A_138 : i32
      %add3A_140 = arith.constant 400 : i32
      %add3A_141 = arith.addi %add3A_140, %mul3A_139 : i32
      %mul3A_142 = arith.constant 40 : i32
      %mul3A_143 = arith.muli %while3A_137, %mul3A_142 : i32
      %dma_start3A = arith.constant 0 : i32
      %dma_start3A_144 = tpu.memref_slice %arg10[%mul3A_143, %dma_start3A] : memref<200x64xf32, #tpu.memory_space<vmem>> -> memref<40x64xf32, #tpu.memory_space<vmem>>
      %dma_start3A_145 = tpu.memref_slice %arg6[%add3A_141] : memref<25600xi32, #tpu.memory_space<vmem>> -> memref<40xi32, #tpu.memory_space<vmem>>
      %dma_start3A_146 = arith.constant 0 : i32
      %dma_start3A_147 = arith.constant 0 : i32
      %dma_start3A_148 = tpu.memref_slice %arg4[%dma_start3A_146, %dma_start3A_147] : memref<100000x64xf32, #tpu.memory_space<hbm>> -> memref<100000x64xf32, #tpu.memory_space<hbm>>
      tpu.enqueue_indirect_dma source(%dma_start3A_148 : memref<100000x64xf32, #tpu.memory_space<hbm>>) target(%dma_start3A_144 : memref<40x64xf32, #tpu.memory_space<vmem>>) offsets(%dma_start3A_145 : memref<40xi32, #tpu.memory_space<vmem>>) semaphore(%arg16 : memref<!tpu.dma_semaphore, #tpu.memory_space<semaphore_mem>>)
    }
    %while3A_130 = arith.constant 1 : i32
    scf.for %while3A_137 = %while3A_128 to %while3A_124 step %while3A_130  : i32 {
      %mul3A_138 = arith.constant 40 : i32
      %mul3A_139 = arith.muli %while3A_137, %mul3A_138 : i32
      %add3A_140 = arith.constant 400 : i32
      %add3A_141 = arith.addi %add3A_140, %mul3A_139 : i32
      %mul3A_142 = arith.constant 40 : i32
      %mul3A_143 = arith.muli %while3A_137, %mul3A_142 : i32
      %dma_start3A = arith.constant 0 : i32
      %dma_start3A_144 = tpu.memref_slice %arg10[%mul3A_143, %dma_start3A] : memref<200x64xf32, #tpu.memory_space<vmem>> -> memref<40x64xf32, #tpu.memory_space<vmem>>
      %dma_start3A_145 = tpu.memref_slice %arg6[%add3A_141] : memref<25600xi32, #tpu.memory_space<vmem>> -> memref<40xi32, #tpu.memory_space<vmem>>
      %dma_start3A_146 = arith.constant 0 : i32
      %dma_start3A_147 = arith.constant 0 : i32
      %dma_start3A_148 = tpu.memref_slice %arg4[%dma_start3A_146, %dma_start3A_147] : memref<100000x64xf32, #tpu.memory_space<hbm>> -> memref<100000x64xf32, #tpu.memory_space<hbm>>
      tpu.enqueue_indirect_dma source(%dma_start3A_148 : memref<100000x64xf32, #tpu.memory_space<hbm>>) target(%dma_start3A_144 : memref<40x64xf32, #tpu.memory_space<vmem>>) offsets(%dma_start3A_145 : memref<40xi32, #tpu.memory_space<vmem>>) semaphore(%arg16 : memref<!tpu.dma_semaphore, #tpu.memory_space<semaphore_mem>>)
    }
    %scan3A_131 = arith.constant 0 : i32
    %scan3A_132 = arith.constant 0 : i32
    %scan3A_133 = arith.constant 32 : i32
    %scan3A_134 = arith.addi %scan3A_132, %scan3A_133 : i32
    %scan3A_135 = arith.constant 1 : i32
    scf.for %scan3A_137 = %scan3A_132 to %scan3A_134 step %scan3A_135  : i32 {
      %mul3A_138 = arith.constant 4 : i32
      %mul3A_139 = arith.muli %scan3A_137, %mul3A_138 : i32
      %add3A_140 = arith.constant 0 : i32
      %add3A_141 = arith.addi %mul3A_139, %add3A_140 : i32
      %add3A_142 = arith.constant 4 : i32
      %add3A_143 = arith.addi %add3A_141, %add3A_142 : i32
      %lt3A = arith.constant 128 : i32
      %lt3A_144 = arith.cmpi slt, %add3A_143, %lt3A : i32
      %convert_element_type3A = arith.extui %lt3A_144 : i1 to i32
      %cond3A = arith.constant 0 : i32
      %cond3A_145 = arith.cmpi ne, %convert_element_type3A, %cond3A : i32
      scf.if %cond3A_145 {
        %add3A_768 = arith.constant 4 : i32
        %add3A_769 = arith.addi %add3A_141, %add3A_768 : i32
        %mul3A_770 = arith.constant 200 : i32
        %mul3A_771 = arith.muli %add3A_769, %mul3A_770 : i32
        %mul3A_772 = arith.constant 0 : i32
        %mul3A_773 = vector.broadcast %mul3A_772 : i32 to vector<16xi32>
        %mul3A_774 = arith.muli %iota3A, %mul3A_773 : vector<16xi32>
        %add3A_775 = vector.broadcast %mul3A_771 : i32 to vector<16xi32>
        %add3A_776 = arith.addi %mul3A_774, %add3A_775 : vector<16xi32>
        %add3A_777 = arith.constant 0 : i32
        %add3A_778 = arith.addi %mul3A_771, %add3A_777 : i32
        %get3A_779 = arith.index_cast %add3A_778 : i32 to index
        %get3A_780 = tpu.vector_load %arg6[%get3A_779] {strides = array<i32>} : memref<25600xi32, #tpu.memory_space<vmem>>, vector<16xi32>,
        %get3A_781 = arith.index_cast %add3A_778 : i32 to index
        %get3A_782 = tpu.vector_load %arg7[%get3A_781] {strides = array<i32>} : memref<25600xi32, #tpu.memory_space<vmem>>, vector<16xi32>,
        %ne3A_783 = arith.constant 0 : i32
        %ne3A_784 = vector.broadcast %ne3A_783 : i32 to vector<16xi32>
        %ne3A_785 = arith.cmpi ne, %get3A_782, %ne3A_784 : vector<16xi32>
        %convert_element_type3A_786 = arith.extui %ne3A_785 : vector<16xi1> to vector<16xi32>
        %broadcast_in_dim3A_787 = arith.constant true
        %broadcast_in_dim3A_788 = vector.broadcast %broadcast_in_dim3A_787 : i1 to vector<16xi1>
        %masked_cumsum3A = tpu.scan <sum>, %convert_element_type3A_786 masked %broadcast_in_dim3A_788 : vector<16xi32>, vector<16xi1> -> vector<16xi32>
        %add3A_789 = arith.addi %add3A_776, %masked_cumsum3A : vector<16xi32>
        %sub3A_790 = arith.constant 1 : i32
        %sub3A_791 = vector.broadcast %sub3A_790 : i32 to vector<16xi32>
        %sub3A_792 = arith.subi %add3A_789, %sub3A_791 : vector<16xi32>
        tpu.vector_store_idx %arg6[%sub3A_792], %get3A_780 masked %ne3A_785 : memref<25600xi32, #tpu.memory_space<vmem>>[vector<16xi32>], vector<16xi32>, vector<16xi1>
        %all_reduce_population_count3A = tpu.all_reduce %ne3A_785 {dim = 0 : i64, kind = #tpu.reduction_kind<sum>} : vector<16xi1> -> vector<16xi32>
        %add3A_793 = arith.addi %add3A_776, %all_reduce_population_count3A : vector<16xi32>
        %add3A_794 = arith.constant 16 : i32
        %add3A_795 = arith.addi %mul3A_771, %add3A_794 : i32
        %get3A_796 = arith.index_cast %add3A_795 : i32 to index
        %get3A_797 = tpu.vector_load %arg6[%get3A_796] {strides = array<i32>} : memref<25600xi32, #tpu.memory_space<vmem>>, vector<16xi32>,
        %get3A_798 = arith.index_cast %add3A_795 : i32 to index
        %get3A_799 = tpu.vector_load %arg7[%get3A_798] {strides = array<i32>} : memref<25600xi32, #tpu.memory_space<vmem>>, vector<16xi32>,
        %ne3A_800 = arith.constant 0 : i32
        %ne3A_801 = vector.broadcast %ne3A_800 : i32 to vector<16xi32>
        %ne3A_802 = arith.cmpi ne, %get3A_799, %ne3A_801 : vector<16xi32>
        %convert_element_type3A_803 = arith.extui %ne3A_802 : vector<16xi1> to vector<16xi32>
        %broadcast_in_dim3A_804 = arith.constant true
        %broadcast_in_dim3A_805 = vector.broadcast %broadcast_in_dim3A_804 : i1 to vector<16xi1>
        %masked_cumsum3A_806 = tpu.scan <sum>, %convert_element_type3A_803 masked %broadcast_in_dim3A_805 : vector<16xi32>, vector<16xi1> -> vector<16xi32>
        %add3A_807 = arith.addi %add3A_793, %masked_cumsum3A_806 : vector<16xi32>
        %sub3A_808 = arith.constant 1 : i32
        %sub3A_809 = vector.broadcast %sub3A_808 : i32 to vector<16xi32>
        %sub3A_810 = arith.subi %add3A_807, %sub3A_809 : vector<16xi32>
        tpu.vector_store_idx %arg6[%sub3A_810], %get3A_797 masked %ne3A_802 : memref<25600xi32, #tpu.memory_space<vmem>>[vector<16xi32>], vector<16xi32>, vector<16xi1>
        %all_reduce_population_count3A_811 = tpu.all_reduce %ne3A_802 {dim = 0 : i64, kind = #tpu.reduction_kind<sum>} : vector<16xi1> -> vector<16xi32>
        %add3A_812 = arith.addi %add3A_793, %all_reduce_population_count3A_811 : vector<16xi32>
        %add3A_813 = arith.constant 32 : i32
        %add3A_814 = arith.addi %mul3A_771, %add3A_813 : i32
        %get3A_815 = arith.index_cast %add3A_814 : i32 to index
        %get3A_816 = tpu.vector_load %arg6[%get3A_815] {strides = array<i32>} : memref<25600xi32, #tpu.memory_space<vmem>>, vector<16xi32>,
        %get3A_817 = arith.index_cast %add3A_814 : i32 to index
        %get3A_818 = tpu.vector_load %arg7[%get3A_817] {strides = array<i32>} : memref<25600xi32, #tpu.memory_space<vmem>>, vector<16xi32>,
        %ne3A_819 = arith.constant 0 : i32
        %ne3A_820 = vector.broadcast %ne3A_819 : i32 to vector<16xi32>
        %ne3A_821 = arith.cmpi ne, %get3A_818, %ne3A_820 : vector<16xi32>
        %convert_element_type3A_822 = arith.extui %ne3A_821 : vector<16xi1> to vector<16xi32>
        %broadcast_in_dim3A_823 = arith.constant true
        %broadcast_in_dim3A_824 = vector.broadcast %broadcast_in_dim3A_823 : i1 to vector<16xi1>
        %masked_cumsum3A_825 = tpu.scan <sum>, %convert_element_type3A_822 masked %broadcast_in_dim3A_824 : vector<16xi32>, vector<16xi1> -> vector<16xi32>
        %add3A_826 = arith.addi %add3A_812, %masked_cumsum3A_825 : vector<16xi32>
        %sub3A_827 = arith.constant 1 : i32
        %sub3A_828 = vector.broadcast %sub3A_827 : i32 to vector<16xi32>
        %sub3A_829 = arith.subi %add3A_826, %sub3A_828 : vector<16xi32>
        tpu.vector_store_idx %arg6[%sub3A_829], %get3A_816 masked %ne3A_821 : memref<25600xi32, #tpu.memory_space<vmem>>[vector<16xi32>], vector<16xi32>, vector<16xi1>
        %all_reduce_population_count3A_830 = tpu.all_reduce %ne3A_821 {dim = 0 : i64, kind = #tpu.reduction_kind<sum>} : vector<16xi1> -> vector<16xi32>
        %add3A_831 = arith.addi %add3A_812, %all_reduce_population_count3A_830 : vector<16xi32>
        %add3A_832 = arith.constant 48 : i32
        %add3A_833 = arith.addi %mul3A_771, %add3A_832 : i32
        %get3A_834 = arith.index_cast %add3A_833 : i32 to index
        %get3A_835 = tpu.vector_load %arg6[%get3A_834] {strides = array<i32>} : memref<25600xi32, #tpu.memory_space<vmem>>, vector<16xi32>,
        %get3A_836 = arith.index_cast %add3A_833 : i32 to index
        %get3A_837 = tpu.vector_load %arg7[%get3A_836] {strides = array<i32>} : memref<25600xi32, #tpu.memory_space<vmem>>, vector<16xi32>,
        %ne3A_838 = arith.constant 0 : i32
        %ne3A_839 = vector.broadcast %ne3A_838 : i32 to vector<16xi32>
        %ne3A_840 = arith.cmpi ne, %get3A_837, %ne3A_839 : vector<16xi32>
        %convert_element_type3A_841 = arith.extui %ne3A_840 : vector<16xi1> to vector<16xi32>
        %broadcast_in_dim3A_842 = arith.constant true
        %broadcast_in_dim3A_843 = vector.broadcast %broadcast_in_dim3A_842 : i1 to vector<16xi1>
        %masked_cumsum3A_844 = tpu.scan <sum>, %convert_element_type3A_841 masked %broadcast_in_dim3A_843 : vector<16xi32>, vector<16xi1> -> vector<16xi32>
        %add3A_845 = arith.addi %add3A_831, %masked_cumsum3A_844 : vector<16xi32>
        %sub3A_846 = arith.constant 1 : i32
        %sub3A_847 = vector.broadcast %sub3A_846 : i32 to vector<16xi32>
        %sub3A_848 = arith.subi %add3A_845, %sub3A_847 : vector<16xi32>
        tpu.vector_store_idx %arg6[%sub3A_848], %get3A_835 masked %ne3A_840 : memref<25600xi32, #tpu.memory_space<vmem>>[vector<16xi32>], vector<16xi32>, vector<16xi1>
        %all_reduce_population_count3A_849 = tpu.all_reduce %ne3A_840 {dim = 0 : i64, kind = #tpu.reduction_kind<sum>} : vector<16xi1> -> vector<16xi32>
        %add3A_850 = arith.addi %add3A_831, %all_reduce_population_count3A_849 : vector<16xi32>
        %add3A_851 = arith.constant 64 : i32
        %add3A_852 = arith.addi %mul3A_771, %add3A_851 : i32
        %get3A_853 = arith.index_cast %add3A_852 : i32 to index
        %get3A_854 = tpu.vector_load %arg6[%get3A_853] {strides = array<i32>} : memref<25600xi32, #tpu.memory_space<vmem>>, vector<16xi32>,
        %get3A_855 = arith.index_cast %add3A_852 : i32 to index
        %get3A_856 = tpu.vector_load %arg7[%get3A_855] {strides = array<i32>} : memref<25600xi32, #tpu.memory_space<vmem>>, vector<16xi32>,
        %ne3A_857 = arith.constant 0 : i32
        %ne3A_858 = vector.broadcast %ne3A_857 : i32 to vector<16xi32>
        %ne3A_859 = arith.cmpi ne, %get3A_856, %ne3A_858 : vector<16xi32>
        %convert_element_type3A_860 = arith.extui %ne3A_859 : vector<16xi1> to vector<16xi32>
        %broadcast_in_dim3A_861 = arith.constant true
        %broadcast_in_dim3A_862 = vector.broadcast %broadcast_in_dim3A_861 : i1 to vector<16xi1>
        %masked_cumsum3A_863 = tpu.scan <sum>, %convert_element_type3A_860 masked %broadcast_in_dim3A_862 : vector<16xi32>, vector<16xi1> -> vector<16xi32>
        %add3A_864 = arith.addi %add3A_850, %masked_cumsum3A_863 : vector<16xi32>
        %sub3A_865 = arith.constant 1 : i32
        %sub3A_866 = vector.broadcast %sub3A_865 : i32 to vector<16xi32>
        %sub3A_867 = arith.subi %add3A_864, %sub3A_866 : vector<16xi32>
        tpu.vector_store_idx %arg6[%sub3A_867], %get3A_854 masked %ne3A_859 : memref<25600xi32, #tpu.memory_space<vmem>>[vector<16xi32>], vector<16xi32>, vector<16xi1>
        %all_reduce_population_count3A_868 = tpu.all_reduce %ne3A_859 {dim = 0 : i64, kind = #tpu.reduction_kind<sum>} : vector<16xi1> -> vector<16xi32>
        %add3A_869 = arith.addi %add3A_850, %all_reduce_population_count3A_868 : vector<16xi32>
        %add3A_870 = arith.constant 80 : i32
        %add3A_871 = arith.addi %mul3A_771, %add3A_870 : i32
        %get3A_872 = arith.index_cast %add3A_871 : i32 to index
        %get3A_873 = tpu.vector_load %arg6[%get3A_872] {strides = array<i32>} : memref<25600xi32, #tpu.memory_space<vmem>>, vector<16xi32>,
        %get3A_874 = arith.index_cast %add3A_871 : i32 to index
        %get3A_875 = tpu.vector_load %arg7[%get3A_874] {strides = array<i32>} : memref<25600xi32, #tpu.memory_space<vmem>>, vector<16xi32>,
        %ne3A_876 = arith.constant 0 : i32
        %ne3A_877 = vector.broadcast %ne3A_876 : i32 to vector<16xi32>
        %ne3A_878 = arith.cmpi ne, %get3A_875, %ne3A_877 : vector<16xi32>
        %convert_element_type3A_879 = arith.extui %ne3A_878 : vector<16xi1> to vector<16xi32>
        %broadcast_in_dim3A_880 = arith.constant true
        %broadcast_in_dim3A_881 = vector.broadcast %broadcast_in_dim3A_880 : i1 to vector<16xi1>
        %masked_cumsum3A_882 = tpu.scan <sum>, %convert_element_type3A_879 masked %broadcast_in_dim3A_881 : vector<16xi32>, vector<16xi1> -> vector<16xi32>
        %add3A_883 = arith.addi %add3A_869, %masked_cumsum3A_882 : vector<16xi32>
        %sub3A_884 = arith.constant 1 : i32
        %sub3A_885 = vector.broadcast %sub3A_884 : i32 to vector<16xi32>
        %sub3A_886 = arith.subi %add3A_883, %sub3A_885 : vector<16xi32>
        tpu.vector_store_idx %arg6[%sub3A_886], %get3A_873 masked %ne3A_878 : memref<25600xi32, #tpu.memory_space<vmem>>[vector<16xi32>], vector<16xi32>, vector<16xi1>
        %all_reduce_population_count3A_887 = tpu.all_reduce %ne3A_878 {dim = 0 : i64, kind = #tpu.reduction_kind<sum>} : vector<16xi1> -> vector<16xi32>
        %add3A_888 = arith.addi %add3A_869, %all_reduce_population_count3A_887 : vector<16xi32>
        %add3A_889 = arith.constant 96 : i32
        %add3A_890 = arith.addi %mul3A_771, %add3A_889 : i32
        %get3A_891 = arith.index_cast %add3A_890 : i32 to index
        %get3A_892 = tpu.vector_load %arg6[%get3A_891] {strides = array<i32>} : memref<25600xi32, #tpu.memory_space<vmem>>, vector<16xi32>,
        %get3A_893 = arith.index_cast %add3A_890 : i32 to index
        %get3A_894 = tpu.vector_load %arg7[%get3A_893] {strides = array<i32>} : memref<25600xi32, #tpu.memory_space<vmem>>, vector<16xi32>,
        %ne3A_895 = arith.constant 0 : i32
        %ne3A_896 = vector.broadcast %ne3A_895 : i32 to vector<16xi32>
        %ne3A_897 = arith.cmpi ne, %get3A_894, %ne3A_896 : vector<16xi32>
        %convert_element_type3A_898 = arith.extui %ne3A_897 : vector<16xi1> to vector<16xi32>
        %broadcast_in_dim3A_899 = arith.constant true
        %broadcast_in_dim3A_900 = vector.broadcast %broadcast_in_dim3A_899 : i1 to vector<16xi1>
        %masked_cumsum3A_901 = tpu.scan <sum>, %convert_element_type3A_898 masked %broadcast_in_dim3A_900 : vector<16xi32>, vector<16xi1> -> vector<16xi32>
        %add3A_902 = arith.addi %add3A_888, %masked_cumsum3A_901 : vector<16xi32>
        %sub3A_903 = arith.constant 1 : i32
        %sub3A_904 = vector.broadcast %sub3A_903 : i32 to vector<16xi32>
        %sub3A_905 = arith.subi %add3A_902, %sub3A_904 : vector<16xi32>
        tpu.vector_store_idx %arg6[%sub3A_905], %get3A_892 masked %ne3A_897 : memref<25600xi32, #tpu.memory_space<vmem>>[vector<16xi32>], vector<16xi32>, vector<16xi1>
        %all_reduce_population_count3A_906 = tpu.all_reduce %ne3A_897 {dim = 0 : i64, kind = #tpu.reduction_kind<sum>} : vector<16xi1> -> vector<16xi32>
        %add3A_907 = arith.addi %add3A_888, %all_reduce_population_count3A_906 : vector<16xi32>
        %add3A_908 = arith.constant 112 : i32
        %add3A_909 = arith.addi %mul3A_771, %add3A_908 : i32
        %get3A_910 = arith.index_cast %add3A_909 : i32 to index
        %get3A_911 = tpu.vector_load %arg6[%get3A_910] {strides = array<i32>} : memref<25600xi32, #tpu.memory_space<vmem>>, vector<16xi32>,
        %get3A_912 = arith.index_cast %add3A_909 : i32 to index
        %get3A_913 = tpu.vector_load %arg7[%get3A_912] {strides = array<i32>} : memref<25600xi32, #tpu.memory_space<vmem>>, vector<16xi32>,
        %ne3A_914 = arith.constant 0 : i32
        %ne3A_915 = vector.broadcast %ne3A_914 : i32 to vector<16xi32>
        %ne3A_916 = arith.cmpi ne, %get3A_913, %ne3A_915 : vector<16xi32>
        %convert_element_type3A_917 = arith.extui %ne3A_916 : vector<16xi1> to vector<16xi32>
        %broadcast_in_dim3A_918 = arith.constant true
        %broadcast_in_dim3A_919 = vector.broadcast %broadcast_in_dim3A_918 : i1 to vector<16xi1>
        %masked_cumsum3A_920 = tpu.scan <sum>, %convert_element_type3A_917 masked %broadcast_in_dim3A_919 : vector<16xi32>, vector<16xi1> -> vector<16xi32>
        %add3A_921 = arith.addi %add3A_907, %masked_cumsum3A_920 : vector<16xi32>
        %sub3A_922 = arith.constant 1 : i32
        %sub3A_923 = vector.broadcast %sub3A_922 : i32 to vector<16xi32>
        %sub3A_924 = arith.subi %add3A_921, %sub3A_923 : vector<16xi32>
        tpu.vector_store_idx %arg6[%sub3A_924], %get3A_911 masked %ne3A_916 : memref<25600xi32, #tpu.memory_space<vmem>>[vector<16xi32>], vector<16xi32>, vector<16xi1>
        %all_reduce_population_count3A_925 = tpu.all_reduce %ne3A_916 {dim = 0 : i64, kind = #tpu.reduction_kind<sum>} : vector<16xi1> -> vector<16xi32>
        %add3A_926 = arith.addi %add3A_907, %all_reduce_population_count3A_925 : vector<16xi32>
        %add3A_927 = arith.constant 128 : i32
        %add3A_928 = arith.addi %mul3A_771, %add3A_927 : i32
        %get3A_929 = arith.index_cast %add3A_928 : i32 to index
        %get3A_930 = tpu.vector_load %arg6[%get3A_929] {strides = array<i32>} : memref<25600xi32, #tpu.memory_space<vmem>>, vector<16xi32>,
        %get3A_931 = arith.index_cast %add3A_928 : i32 to index
        %get3A_932 = tpu.vector_load %arg7[%get3A_931] {strides = array<i32>} : memref<25600xi32, #tpu.memory_space<vmem>>, vector<16xi32>,
        %ne3A_933 = arith.constant 0 : i32
        %ne3A_934 = vector.broadcast %ne3A_933 : i32 to vector<16xi32>
        %ne3A_935 = arith.cmpi ne, %get3A_932, %ne3A_934 : vector<16xi32>
        %convert_element_type3A_936 = arith.extui %ne3A_935 : vector<16xi1> to vector<16xi32>
        %broadcast_in_dim3A_937 = arith.constant true
        %broadcast_in_dim3A_938 = vector.broadcast %broadcast_in_dim3A_937 : i1 to vector<16xi1>
        %masked_cumsum3A_939 = tpu.scan <sum>, %convert_element_type3A_936 masked %broadcast_in_dim3A_938 : vector<16xi32>, vector<16xi1> -> vector<16xi32>
        %add3A_940 = arith.addi %add3A_926, %masked_cumsum3A_939 : vector<16xi32>
        %sub3A_941 = arith.constant 1 : i32
        %sub3A_942 = vector.broadcast %sub3A_941 : i32 to vector<16xi32>
        %sub3A_943 = arith.subi %add3A_940, %sub3A_942 : vector<16xi32>
        tpu.vector_store_idx %arg6[%sub3A_943], %get3A_930 masked %ne3A_935 : memref<25600xi32, #tpu.memory_space<vmem>>[vector<16xi32>], vector<16xi32>, vector<16xi1>
        %all_reduce_population_count3A_944 = tpu.all_reduce %ne3A_935 {dim = 0 : i64, kind = #tpu.reduction_kind<sum>} : vector<16xi1> -> vector<16xi32>
        %add3A_945 = arith.addi %add3A_926, %all_reduce_population_count3A_944 : vector<16xi32>
        %add3A_946 = arith.constant 144 : i32
        %add3A_947 = arith.addi %mul3A_771, %add3A_946 : i32
        %get3A_948 = arith.index_cast %add3A_947 : i32 to index
        %get3A_949 = tpu.vector_load %arg6[%get3A_948] {strides = array<i32>} : memref<25600xi32, #tpu.memory_space<vmem>>, vector<16xi32>,
        %get3A_950 = arith.index_cast %add3A_947 : i32 to index
        %get3A_951 = tpu.vector_load %arg7[%get3A_950] {strides = array<i32>} : memref<25600xi32, #tpu.memory_space<vmem>>, vector<16xi32>,
        %ne3A_952 = arith.constant 0 : i32
        %ne3A_953 = vector.broadcast %ne3A_952 : i32 to vector<16xi32>
        %ne3A_954 = arith.cmpi ne, %get3A_951, %ne3A_953 : vector<16xi32>
        %convert_element_type3A_955 = arith.extui %ne3A_954 : vector<16xi1> to vector<16xi32>
        %broadcast_in_dim3A_956 = arith.constant true
        %broadcast_in_dim3A_957 = vector.broadcast %broadcast_in_dim3A_956 : i1 to vector<16xi1>
        %masked_cumsum3A_958 = tpu.scan <sum>, %convert_element_type3A_955 masked %broadcast_in_dim3A_957 : vector<16xi32>, vector<16xi1> -> vector<16xi32>
        %add3A_959 = arith.addi %add3A_945, %masked_cumsum3A_958 : vector<16xi32>
        %sub3A_960 = arith.constant 1 : i32
        %sub3A_961 = vector.broadcast %sub3A_960 : i32 to vector<16xi32>
        %sub3A_962 = arith.subi %add3A_959, %sub3A_961 : vector<16xi32>
        tpu.vector_store_idx %arg6[%sub3A_962], %get3A_949 masked %ne3A_954 : memref<25600xi32, #tpu.memory_space<vmem>>[vector<16xi32>], vector<16xi32>, vector<16xi1>
        %all_reduce_population_count3A_963 = tpu.all_reduce %ne3A_954 {dim = 0 : i64, kind = #tpu.reduction_kind<sum>} : vector<16xi1> -> vector<16xi32>
        %add3A_964 = arith.addi %add3A_945, %all_reduce_population_count3A_963 : vector<16xi32>
        %add3A_965 = arith.constant 160 : i32
        %add3A_966 = arith.addi %mul3A_771, %add3A_965 : i32
        %get3A_967 = arith.index_cast %add3A_966 : i32 to index
        %get3A_968 = tpu.vector_load %arg6[%get3A_967] {strides = array<i32>} : memref<25600xi32, #tpu.memory_space<vmem>>, vector<16xi32>,
        %get3A_969 = arith.index_cast %add3A_966 : i32 to index
        %get3A_970 = tpu.vector_load %arg7[%get3A_969] {strides = array<i32>} : memref<25600xi32, #tpu.memory_space<vmem>>, vector<16xi32>,
        %ne3A_971 = arith.constant 0 : i32
        %ne3A_972 = vector.broadcast %ne3A_971 : i32 to vector<16xi32>
        %ne3A_973 = arith.cmpi ne, %get3A_970, %ne3A_972 : vector<16xi32>
        %convert_element_type3A_974 = arith.extui %ne3A_973 : vector<16xi1> to vector<16xi32>
        %broadcast_in_dim3A_975 = arith.constant true
        %broadcast_in_dim3A_976 = vector.broadcast %broadcast_in_dim3A_975 : i1 to vector<16xi1>
        %masked_cumsum3A_977 = tpu.scan <sum>, %convert_element_type3A_974 masked %broadcast_in_dim3A_976 : vector<16xi32>, vector<16xi1> -> vector<16xi32>
        %add3A_978 = arith.addi %add3A_964, %masked_cumsum3A_977 : vector<16xi32>
        %sub3A_979 = arith.constant 1 : i32
        %sub3A_980 = vector.broadcast %sub3A_979 : i32 to vector<16xi32>
        %sub3A_981 = arith.subi %add3A_978, %sub3A_980 : vector<16xi32>
        tpu.vector_store_idx %arg6[%sub3A_981], %get3A_968 masked %ne3A_973 : memref<25600xi32, #tpu.memory_space<vmem>>[vector<16xi32>], vector<16xi32>, vector<16xi1>
        %all_reduce_population_count3A_982 = tpu.all_reduce %ne3A_973 {dim = 0 : i64, kind = #tpu.reduction_kind<sum>} : vector<16xi1> -> vector<16xi32>
        %add3A_983 = arith.addi %add3A_964, %all_reduce_population_count3A_982 : vector<16xi32>
        %add3A_984 = arith.constant 176 : i32
        %add3A_985 = arith.addi %mul3A_771, %add3A_984 : i32
        %get3A_986 = arith.index_cast %add3A_985 : i32 to index
        %get3A_987 = tpu.vector_load %arg6[%get3A_986] {strides = array<i32>} : memref<25600xi32, #tpu.memory_space<vmem>>, vector<16xi32>,
        %get3A_988 = arith.index_cast %add3A_985 : i32 to index
        %get3A_989 = tpu.vector_load %arg7[%get3A_988] {strides = array<i32>} : memref<25600xi32, #tpu.memory_space<vmem>>, vector<16xi32>,
        %ne3A_990 = arith.constant 0 : i32
        %ne3A_991 = vector.broadcast %ne3A_990 : i32 to vector<16xi32>
        %ne3A_992 = arith.cmpi ne, %get3A_989, %ne3A_991 : vector<16xi32>
        %convert_element_type3A_993 = arith.extui %ne3A_992 : vector<16xi1> to vector<16xi32>
        %broadcast_in_dim3A_994 = arith.constant true
        %broadcast_in_dim3A_995 = vector.broadcast %broadcast_in_dim3A_994 : i1 to vector<16xi1>
        %masked_cumsum3A_996 = tpu.scan <sum>, %convert_element_type3A_993 masked %broadcast_in_dim3A_995 : vector<16xi32>, vector<16xi1> -> vector<16xi32>
        %add3A_997 = arith.addi %add3A_983, %masked_cumsum3A_996 : vector<16xi32>
        %sub3A_998 = arith.constant 1 : i32
        %sub3A_999 = vector.broadcast %sub3A_998 : i32 to vector<16xi32>
        %sub3A_1000 = arith.subi %add3A_997, %sub3A_999 : vector<16xi32>
        tpu.vector_store_idx %arg6[%sub3A_1000], %get3A_987 masked %ne3A_992 : memref<25600xi32, #tpu.memory_space<vmem>>[vector<16xi32>], vector<16xi32>, vector<16xi1>
        %all_reduce_population_count3A_1001 = tpu.all_reduce %ne3A_992 {dim = 0 : i64, kind = #tpu.reduction_kind<sum>} : vector<16xi1> -> vector<16xi32>
        %add3A_1002 = arith.addi %add3A_983, %all_reduce_population_count3A_1001 : vector<16xi32>
        %add3A_1003 = arith.constant 192 : i32
        %add3A_1004 = arith.addi %mul3A_771, %add3A_1003 : i32
        %get3A_1005 = arith.index_cast %add3A_1004 : i32 to index
        %get3A_1006 = tpu.vector_load %arg6[%get3A_1005] {strides = array<i32>} : memref<25600xi32, #tpu.memory_space<vmem>>, vector<16xi32>,
        %get3A_1007 = arith.index_cast %add3A_1004 : i32 to index
        %get3A_1008 = tpu.vector_load %arg7[%get3A_1007] {strides = array<i32>} : memref<25600xi32, #tpu.memory_space<vmem>>, vector<16xi32>,
        %ne3A_1009 = arith.constant 0 : i32
        %ne3A_1010 = vector.broadcast %ne3A_1009 : i32 to vector<16xi32>
        %ne3A_1011 = arith.cmpi ne, %get3A_1008, %ne3A_1010 : vector<16xi32>
        %lt3A_1012 = arith.constant 8 : i32
        %lt3A_1013 = vector.broadcast %lt3A_1012 : i32 to vector<16xi32>
        %lt3A_1014 = arith.cmpi slt, %iota3A, %lt3A_1013 : vector<16xi32>
        %and3A_1015 = arith.andi %ne3A_1011, %lt3A_1014 : vector<16xi1>
        %convert_element_type3A_1016 = arith.extui %and3A_1015 : vector<16xi1> to vector<16xi32>
        %broadcast_in_dim3A_1017 = arith.constant true
        %broadcast_in_dim3A_1018 = vector.broadcast %broadcast_in_dim3A_1017 : i1 to vector<16xi1>
        %masked_cumsum3A_1019 = tpu.scan <sum>, %convert_element_type3A_1016 masked %broadcast_in_dim3A_1018 : vector<16xi32>, vector<16xi1> -> vector<16xi32>
        %add3A_1020 = arith.addi %add3A_1002, %masked_cumsum3A_1019 : vector<16xi32>
        %sub3A_1021 = arith.constant 1 : i32
        %sub3A_1022 = vector.broadcast %sub3A_1021 : i32 to vector<16xi32>
        %sub3A_1023 = arith.subi %add3A_1020, %sub3A_1022 : vector<16xi32>
        tpu.vector_store_idx %arg6[%sub3A_1023], %get3A_1006 masked %and3A_1015 : memref<25600xi32, #tpu.memory_space<vmem>>[vector<16xi32>], vector<16xi32>, vector<16xi1>
        %all_reduce_population_count3A_1024 = tpu.all_reduce %and3A_1015 {dim = 0 : i64, kind = #tpu.reduction_kind<sum>} : vector<16xi1> -> vector<16xi32>
        %add3A_1025 = arith.addi %add3A_1002, %all_reduce_population_count3A_1024 : vector<16xi32>
        %sub3A_1026 = vector.broadcast %mul3A_771 : i32 to vector<16xi32>
        %sub3A_1027 = arith.subi %add3A_1025, %sub3A_1026 : vector<16xi32>
        %swap3A_1028 = arith.index_cast %add3A_769 : i32 to index
        %swap3A_1029 = arith.constant 0 : index
        %swap3A_1030 = tpu.vector_load %arg13[%swap3A_1028, %swap3A_1029] {strides = array<i32>} : memref<128x16xi32, #tpu.memory_space<vmem>>, vector<16xi32>,
        tpu.vector_store %arg13[%swap3A_1028, %swap3A_1029], %sub3A_1027 {strides = array<i32>} : memref<128x16xi32, #tpu.memory_space<vmem>>, vector<16xi32>,
      } else {
      }
      %add3A_146 = arith.constant 3 : i32
      %add3A_147 = arith.addi %add3A_141, %add3A_146 : i32
      %lt3A_148 = arith.constant 128 : i32
      %lt3A_149 = arith.cmpi slt, %add3A_147, %lt3A_148 : i32
      %convert_element_type3A_150 = arith.extui %lt3A_149 : i1 to i32
      %cond3A_151 = arith.constant 0 : i32
      %cond3A_152 = arith.cmpi ne, %convert_element_type3A_150, %cond3A_151 : i32
      scf.if %cond3A_152 {
        %add3A_768 = arith.constant 3 : i32
        %add3A_769 = arith.addi %add3A_141, %add3A_768 : i32
        %get3A_770 = arith.index_cast %add3A_769 : i32 to index
        %get3A_771 = arith.constant 0 : index
        %get3A_772 = tpu.vector_load %arg13[%get3A_770, %get3A_771] {strides = array<i32>} : memref<128x16xi32, #tpu.memory_space<vmem>>, vector<16xi32>,
        %slice3A_773 = vector.extract_strided_slice %get3A_772 {offsets = [0], sizes = [1], strides = [1]} : vector<16xi32> to vector<1xi32>
        %squeeze3A_774 = vector.extract %slice3A_773[0] : i32 from vector<1xi32>
        %add3A_775 = arith.constant 40 : i32
        %add3A_776 = arith.addi %squeeze3A_774, %add3A_775 : i32
        %sub3A_777 = arith.constant 1 : i32
        %sub3A_778 = arith.subi %add3A_776, %sub3A_777 : i32
        %jit3A_779 = arith.constant 40 : i32
        %div3A_780 = arith.divsi %sub3A_778, %jit3A_779 : i32
        %sign3A_781 = arith.constant 0 : i32
        %sign3A_782 = arith.cmpi sgt, %sub3A_778, %sign3A_781 : i32
        %sign3A_783 = arith.extui %sign3A_782 : i1 to i32
        %sign3A_784 = arith.constant 0 : i32
        %sign3A_785 = arith.cmpi slt, %sub3A_778, %sign3A_784 : i32
        %sign3A_786 = arith.extui %sign3A_785 : i1 to i32
        %sign3A_787 = arith.subi %sign3A_783, %sign3A_786 : i32
        %sign3A_788 = arith.constant 0 : i32
        %sign3A_789 = arith.cmpi sgt, %jit3A_779, %sign3A_788 : i32
        %sign3A_790 = arith.extui %sign3A_789 : i1 to i32
        %sign3A_791 = arith.constant 0 : i32
        %sign3A_792 = arith.cmpi slt, %jit3A_779, %sign3A_791 : i32
        %sign3A_793 = arith.extui %sign3A_792 : i1 to i32
        %sign3A_794 = arith.subi %sign3A_790, %sign3A_793 : i32
        %ne3A_795 = arith.cmpi ne, %sign3A_787, %sign3A_794 : i32
        %rem3A_796 = arith.remsi %sub3A_778, %jit3A_779 : i32
        %ne3A_797 = arith.constant 0 : i32
        %ne3A_798 = arith.cmpi ne, %rem3A_796, %ne3A_797 : i32
        %and3A_799 = arith.andi %ne3A_795, %ne3A_798 : i1
        %sub3A_800 = arith.constant 1 : i32
        %sub3A_801 = arith.subi %div3A_780, %sub3A_800 : i32
        %select_n3A_802 = arith.select %and3A_799, %sub3A_801, %div3A_780 : i32
        %while3A_803 = arith.constant 0 : i32
        %while3A_804 = arith.constant 0 : i32
        %while3A_805 = arith.subi %select_n3A_802, %while3A_804 : i32
        %while3A_806 = arith.addi %while3A_804, %while3A_805 : i32
        %while3A_807 = arith.constant 1 : i32
        %while3A_808 = arith.divsi %while3A_805, %while3A_807 : i32
        %while3A_809 = arith.muli %while3A_808, %while3A_807 : i32
        %while3A_810 = arith.addi %while3A_804, %while3A_809 : i32
        %while3A_811 = arith.constant 1 : i32
        scf.for %while3A_813 = %while3A_804 to %while3A_810 step %while3A_811  : i32 {
          %mul3A_814 = arith.constant 200 : i32
          %mul3A_815 = arith.muli %add3A_769, %mul3A_814 : i32
          %mul3A_816 = arith.constant 40 : i32
          %mul3A_817 = arith.muli %while3A_813, %mul3A_816 : i32
          %add3A_818 = arith.addi %mul3A_815, %mul3A_817 : i32
          %mul3A_819 = arith.constant 40 : i32
          %mul3A_820 = arith.muli %while3A_813, %mul3A_819 : i32
          %dma_start3A = arith.constant 0 : i32
          %dma_start3A_821 = tpu.memref_slice %arg11[%mul3A_820, %dma_start3A] : memref<200x64xf32, #tpu.memory_space<vmem>> -> memref<40x64xf32, #tpu.memory_space<vmem>>
          %dma_start3A_822 = tpu.memref_slice %arg6[%add3A_818] : memref<25600xi32, #tpu.memory_space<vmem>> -> memref<40xi32, #tpu.memory_space<vmem>>
          %dma_start3A_823 = arith.constant 0 : i32
          %dma_start3A_824 = arith.constant 0 : i32
          %dma_start3A_825 = tpu.memref_slice %arg4[%dma_start3A_823, %dma_start3A_824] : memref<100000x64xf32, #tpu.memory_space<hbm>> -> memref<100000x64xf32, #tpu.memory_space<hbm>>
          tpu.enqueue_indirect_dma source(%dma_start3A_825 : memref<100000x64xf32, #tpu.memory_space<hbm>>) target(%dma_start3A_821 : memref<40x64xf32, #tpu.memory_space<vmem>>) offsets(%dma_start3A_822 : memref<40xi32, #tpu.memory_space<vmem>>) semaphore(%arg17 : memref<!tpu.dma_semaphore, #tpu.memory_space<semaphore_mem>>)
        }
        %while3A_812 = arith.constant 1 : i32
        scf.for %while3A_813 = %while3A_810 to %while3A_806 step %while3A_812  : i32 {
          %mul3A_814 = arith.constant 200 : i32
          %mul3A_815 = arith.muli %add3A_769, %mul3A_814 : i32
          %mul3A_816 = arith.constant 40 : i32
          %mul3A_817 = arith.muli %while3A_813, %mul3A_816 : i32
          %add3A_818 = arith.addi %mul3A_815, %mul3A_817 : i32
          %mul3A_819 = arith.constant 40 : i32
          %mul3A_820 = arith.muli %while3A_813, %mul3A_819 : i32
          %dma_start3A = arith.constant 0 : i32
          %dma_start3A_821 = tpu.memref_slice %arg11[%mul3A_820, %dma_start3A] : memref<200x64xf32, #tpu.memory_space<vmem>> -> memref<40x64xf32, #tpu.memory_space<vmem>>
          %dma_start3A_822 = tpu.memref_slice %arg6[%add3A_818] : memref<25600xi32, #tpu.memory_space<vmem>> -> memref<40xi32, #tpu.memory_space<vmem>>
          %dma_start3A_823 = arith.constant 0 : i32
          %dma_start3A_824 = arith.constant 0 : i32
          %dma_start3A_825 = tpu.memref_slice %arg4[%dma_start3A_823, %dma_start3A_824] : memref<100000x64xf32, #tpu.memory_space<hbm>> -> memref<100000x64xf32, #tpu.memory_space<hbm>>
          tpu.enqueue_indirect_dma source(%dma_start3A_825 : memref<100000x64xf32, #tpu.memory_space<hbm>>) target(%dma_start3A_821 : memref<40x64xf32, #tpu.memory_space<vmem>>) offsets(%dma_start3A_822 : memref<40xi32, #tpu.memory_space<vmem>>) semaphore(%arg17 : memref<!tpu.dma_semaphore, #tpu.memory_space<semaphore_mem>>)
        }
      } else {
      }
      %get3A_153 = arith.index_cast %add3A_141 : i32 to index
      %get3A_154 = arith.constant 0 : index
      %get3A_155 = tpu.vector_load %arg13[%get3A_153, %get3A_154] {strides = array<i32>} : memref<128x16xi32, #tpu.memory_space<vmem>>, vector<16xi32>,
      %slice3A_156 = vector.extract_strided_slice %get3A_155 {offsets = [0], sizes = [1], strides = [1]} : vector<16xi32> to vector<1xi32>
      %squeeze3A_157 = vector.extract %slice3A_156[0] : i32 from vector<1xi32>
      %add3A_158 = arith.constant 40 : i32
      %add3A_159 = arith.addi %squeeze3A_157, %add3A_158 : i32
      %sub3A_160 = arith.constant 1 : i32
      %sub3A_161 = arith.subi %add3A_159, %sub3A_160 : i32
      %jit3A_162 = arith.constant 40 : i32
      %div3A_163 = arith.divsi %sub3A_161, %jit3A_162 : i32
      %sign3A_164 = arith.constant 0 : i32
      %sign3A_165 = arith.cmpi sgt, %sub3A_161, %sign3A_164 : i32
      %sign3A_166 = arith.extui %sign3A_165 : i1 to i32
      %sign3A_167 = arith.constant 0 : i32
      %sign3A_168 = arith.cmpi slt, %sub3A_161, %sign3A_167 : i32
      %sign3A_169 = arith.extui %sign3A_168 : i1 to i32
      %sign3A_170 = arith.subi %sign3A_166, %sign3A_169 : i32
      %sign3A_171 = arith.constant 0 : i32
      %sign3A_172 = arith.cmpi sgt, %jit3A_162, %sign3A_171 : i32
      %sign3A_173 = arith.extui %sign3A_172 : i1 to i32
      %sign3A_174 = arith.constant 0 : i32
      %sign3A_175 = arith.cmpi slt, %jit3A_162, %sign3A_174 : i32
      %sign3A_176 = arith.extui %sign3A_175 : i1 to i32
      %sign3A_177 = arith.subi %sign3A_173, %sign3A_176 : i32
      %ne3A_178 = arith.cmpi ne, %sign3A_170, %sign3A_177 : i32
      %rem3A_179 = arith.remsi %sub3A_161, %jit3A_162 : i32
      %ne3A_180 = arith.constant 0 : i32
      %ne3A_181 = arith.cmpi ne, %rem3A_179, %ne3A_180 : i32
      %and3A_182 = arith.andi %ne3A_178, %ne3A_181 : i1
      %sub3A_183 = arith.constant 1 : i32
      %sub3A_184 = arith.subi %div3A_163, %sub3A_183 : i32
      %select_n3A_185 = arith.select %and3A_182, %sub3A_184, %div3A_163 : i32
      %while3A_186 = arith.constant 0 : i32
      %while3A_187 = arith.constant 0 : i32
      %while3A_188 = arith.subi %select_n3A_185, %while3A_187 : i32
      %while3A_189 = arith.addi %while3A_187, %while3A_188 : i32
      %while3A_190 = arith.constant 1 : i32
      %while3A_191 = arith.divsi %while3A_188, %while3A_190 : i32
      %while3A_192 = arith.muli %while3A_191, %while3A_190 : i32
      %while3A_193 = arith.addi %while3A_187, %while3A_192 : i32
      %while3A_194 = arith.constant 1 : i32
      scf.for %while3A_768 = %while3A_187 to %while3A_193 step %while3A_194  : i32 {
        %mul3A_769 = arith.constant 200 : i32
        %mul3A_770 = arith.muli %add3A_141, %mul3A_769 : i32
        %mul3A_771 = arith.constant 40 : i32
        %mul3A_772 = arith.muli %while3A_768, %mul3A_771 : i32
        %add3A_773 = arith.addi %mul3A_770, %mul3A_772 : i32
        %mul3A_774 = arith.constant 40 : i32
        %mul3A_775 = arith.muli %while3A_768, %mul3A_774 : i32
        %dma_wait3A = arith.constant 0 : i32
        %dma_wait3A_776 = tpu.memref_slice %arg8[%mul3A_775, %dma_wait3A] : memref<200x64xf32, #tpu.memory_space<vmem>> -> memref<40x64xf32, #tpu.memory_space<vmem>>
        %dma_wait3A_777 = tpu.memref_slice %arg6[%add3A_773] : memref<25600xi32, #tpu.memory_space<vmem>> -> memref<40xi32, #tpu.memory_space<vmem>>
        %dma_wait3A_778 = arith.constant 0 : i32
        %dma_wait3A_779 = arith.constant 0 : i32
        %dma_wait3A_780 = tpu.memref_slice %arg4[%dma_wait3A_778, %dma_wait3A_779] : memref<100000x64xf32, #tpu.memory_space<hbm>> -> memref<100000x64xf32, #tpu.memory_space<hbm>>
        tpu.wait_indirect_dma semaphore(%arg14 : memref<!tpu.dma_semaphore, #tpu.memory_space<semaphore_mem>>) src(%dma_wait3A_780 : memref<100000x64xf32, #tpu.memory_space<hbm>>) dst(%dma_wait3A_776 : memref<40x64xf32, #tpu.memory_space<vmem>>)
      }
      %while3A_195 = arith.constant 1 : i32
      scf.for %while3A_768 = %while3A_193 to %while3A_189 step %while3A_195  : i32 {
        %mul3A_769 = arith.constant 200 : i32
        %mul3A_770 = arith.muli %add3A_141, %mul3A_769 : i32
        %mul3A_771 = arith.constant 40 : i32
        %mul3A_772 = arith.muli %while3A_768, %mul3A_771 : i32
        %add3A_773 = arith.addi %mul3A_770, %mul3A_772 : i32
        %mul3A_774 = arith.constant 40 : i32
        %mul3A_775 = arith.muli %while3A_768, %mul3A_774 : i32
        %dma_wait3A = arith.constant 0 : i32
        %dma_wait3A_776 = tpu.memref_slice %arg8[%mul3A_775, %dma_wait3A] : memref<200x64xf32, #tpu.memory_space<vmem>> -> memref<40x64xf32, #tpu.memory_space<vmem>>
        %dma_wait3A_777 = tpu.memref_slice %arg6[%add3A_773] : memref<25600xi32, #tpu.memory_space<vmem>> -> memref<40xi32, #tpu.memory_space<vmem>>
        %dma_wait3A_778 = arith.constant 0 : i32
        %dma_wait3A_779 = arith.constant 0 : i32
        %dma_wait3A_780 = tpu.memref_slice %arg4[%dma_wait3A_778, %dma_wait3A_779] : memref<100000x64xf32, #tpu.memory_space<hbm>> -> memref<100000x64xf32, #tpu.memory_space<hbm>>
        tpu.wait_indirect_dma semaphore(%arg14 : memref<!tpu.dma_semaphore, #tpu.memory_space<semaphore_mem>>) src(%dma_wait3A_780 : memref<100000x64xf32, #tpu.memory_space<hbm>>) dst(%dma_wait3A_776 : memref<40x64xf32, #tpu.memory_space<vmem>>)
      }
      %add3A_196 = arith.constant 7 : i32
      %add3A_197 = arith.addi %squeeze3A_157, %add3A_196 : i32
      %jit3A_198 = arith.constant 8 : i32
      %div3A_199 = arith.divsi %add3A_197, %jit3A_198 : i32
      %sign3A_200 = arith.constant 0 : i32
      %sign3A_201 = arith.cmpi sgt, %add3A_197, %sign3A_200 : i32
      %sign3A_202 = arith.extui %sign3A_201 : i1 to i32
      %sign3A_203 = arith.constant 0 : i32
      %sign3A_204 = arith.cmpi slt, %add3A_197, %sign3A_203 : i32
      %sign3A_205 = arith.extui %sign3A_204 : i1 to i32
      %sign3A_206 = arith.subi %sign3A_202, %sign3A_205 : i32
      %sign3A_207 = arith.constant 0 : i32
      %sign3A_208 = arith.cmpi sgt, %jit3A_198, %sign3A_207 : i32
      %sign3A_209 = arith.extui %sign3A_208 : i1 to i32
      %sign3A_210 = arith.constant 0 : i32
      %sign3A_211 = arith.cmpi slt, %jit3A_198, %sign3A_210 : i32
      %sign3A_212 = arith.extui %sign3A_211 : i1 to i32
      %sign3A_213 = arith.subi %sign3A_209, %sign3A_212 : i32
      %ne3A_214 = arith.cmpi ne, %sign3A_206, %sign3A_213 : i32
      %rem3A_215 = arith.remsi %add3A_197, %jit3A_198 : i32
      %ne3A_216 = arith.constant 0 : i32
      %ne3A_217 = arith.cmpi ne, %rem3A_215, %ne3A_216 : i32
      %and3A_218 = arith.andi %ne3A_214, %ne3A_217 : i1
      %sub3A_219 = arith.constant 1 : i32
      %sub3A_220 = arith.subi %div3A_199, %sub3A_219 : i32
      %select_n3A_221 = arith.select %and3A_218, %sub3A_220, %div3A_199 : i32
      %mul3A_222 = arith.constant 8 : i32
      %mul3A_223 = arith.muli %select_n3A_221, %mul3A_222 : i32
      %sub3A_224 = arith.subi %mul3A_223, %squeeze3A_157 : i32
      %while3A_225 = arith.constant 0 : i32
      %while3A_226 = arith.constant 0 : i32
      %while3A_227 = arith.subi %sub3A_224, %while3A_226 : i32
      %while3A_228 = arith.addi %while3A_226, %while3A_227 : i32
      %while3A_229 = arith.constant 1 : i32
      %while3A_230 = arith.divsi %while3A_227, %while3A_229 : i32
      %while3A_231 = arith.muli %while3A_230, %while3A_229 : i32
      %while3A_232 = arith.addi %while3A_226, %while3A_231 : i32
      %while3A_233 = arith.constant 1 : i32
      scf.for %while3A_768 = %while3A_226 to %while3A_232 step %while3A_233  : i32 {
        %add3A_769 = arith.addi %squeeze3A_157, %while3A_768 : i32
        %swap3A_770 = arith.index_cast %add3A_769 : i32 to index
        %swap3A_771 = arith.constant 0 : index
        %swap3A_772 = tpu.vector_load %arg8[%swap3A_770, %swap3A_771] {strides = array<i32>} : memref<200x64xf32, #tpu.memory_space<vmem>>, vector<16xf32>,
        tpu.vector_store %arg8[%swap3A_770, %swap3A_771], %broadcast_in_dim3A_5 {strides = array<i32>} : memref<200x64xf32, #tpu.memory_space<vmem>>, vector<16xf32>,
        %add3A_773 = arith.addi %squeeze3A_157, %while3A_768 : i32
        %swap3A_774 = arith.index_cast %add3A_773 : i32 to index
        %swap3A_775 = arith.constant 16 : index
        %swap3A_776 = tpu.vector_load %arg8[%swap3A_774, %swap3A_775] {strides = array<i32>} : memref<200x64xf32, #tpu.memory_space<vmem>>, vector<16xf32>,
        tpu.vector_store %arg8[%swap3A_774, %swap3A_775], %broadcast_in_dim3A_5 {strides = array<i32>} : memref<200x64xf32, #tpu.memory_space<vmem>>, vector<16xf32>,
        %add3A_777 = arith.addi %squeeze3A_157, %while3A_768 : i32
        %swap3A_778 = arith.index_cast %add3A_777 : i32 to index
        %swap3A_779 = arith.constant 32 : index
        %swap3A_780 = tpu.vector_load %arg8[%swap3A_778, %swap3A_779] {strides = array<i32>} : memref<200x64xf32, #tpu.memory_space<vmem>>, vector<16xf32>,
        tpu.vector_store %arg8[%swap3A_778, %swap3A_779], %broadcast_in_dim3A_5 {strides = array<i32>} : memref<200x64xf32, #tpu.memory_space<vmem>>, vector<16xf32>,
        %add3A_781 = arith.addi %squeeze3A_157, %while3A_768 : i32
        %swap3A_782 = arith.index_cast %add3A_781 : i32 to index
        %swap3A_783 = arith.constant 48 : index
        %swap3A_784 = tpu.vector_load %arg8[%swap3A_782, %swap3A_783] {strides = array<i32>} : memref<200x64xf32, #tpu.memory_space<vmem>>, vector<16xf32>,
        tpu.vector_store %arg8[%swap3A_782, %swap3A_783], %broadcast_in_dim3A_5 {strides = array<i32>} : memref<200x64xf32, #tpu.memory_space<vmem>>, vector<16xf32>,
      }
      %while3A_234 = arith.constant 1 : i32
      scf.for %while3A_768 = %while3A_232 to %while3A_228 step %while3A_234  : i32 {
        %add3A_769 = arith.addi %squeeze3A_157, %while3A_768 : i32
        %swap3A_770 = arith.index_cast %add3A_769 : i32 to index
        %swap3A_771 = arith.constant 0 : index
        %swap3A_772 = tpu.vector_load %arg8[%swap3A_770, %swap3A_771] {strides = array<i32>} : memref<200x64xf32, #tpu.memory_space<vmem>>, vector<16xf32>,
        tpu.vector_store %arg8[%swap3A_770, %swap3A_771], %broadcast_in_dim3A_5 {strides = array<i32>} : memref<200x64xf32, #tpu.memory_space<vmem>>, vector<16xf32>,
        %add3A_773 = arith.addi %squeeze3A_157, %while3A_768 : i32
        %swap3A_774 = arith.index_cast %add3A_773 : i32 to index
        %swap3A_775 = arith.constant 16 : index
        %swap3A_776 = tpu.vector_load %arg8[%swap3A_774, %swap3A_775] {strides = array<i32>} : memref<200x64xf32, #tpu.memory_space<vmem>>, vector<16xf32>,
        tpu.vector_store %arg8[%swap3A_774, %swap3A_775], %broadcast_in_dim3A_5 {strides = array<i32>} : memref<200x64xf32, #tpu.memory_space<vmem>>, vector<16xf32>,
        %add3A_777 = arith.addi %squeeze3A_157, %while3A_768 : i32
        %swap3A_778 = arith.index_cast %add3A_777 : i32 to index
        %swap3A_779 = arith.constant 32 : index
        %swap3A_780 = tpu.vector_load %arg8[%swap3A_778, %swap3A_779] {strides = array<i32>} : memref<200x64xf32, #tpu.memory_space<vmem>>, vector<16xf32>,
        tpu.vector_store %arg8[%swap3A_778, %swap3A_779], %broadcast_in_dim3A_5 {strides = array<i32>} : memref<200x64xf32, #tpu.memory_space<vmem>>, vector<16xf32>,
        %add3A_781 = arith.addi %squeeze3A_157, %while3A_768 : i32
        %swap3A_782 = arith.index_cast %add3A_781 : i32 to index
        %swap3A_783 = arith.constant 48 : index
        %swap3A_784 = tpu.vector_load %arg8[%swap3A_782, %swap3A_783] {strides = array<i32>} : memref<200x64xf32, #tpu.memory_space<vmem>>, vector<16xf32>,
        tpu.vector_store %arg8[%swap3A_782, %swap3A_783], %broadcast_in_dim3A_5 {strides = array<i32>} : memref<200x64xf32, #tpu.memory_space<vmem>>, vector<16xf32>,
      }
      %jit3A_235 = arith.constant 8 : i32
      %div3A_236 = arith.divsi %mul3A_223, %jit3A_235 : i32
      %sign3A_237 = arith.constant 0 : i32
      %sign3A_238 = arith.cmpi sgt, %mul3A_223, %sign3A_237 : i32
      %sign3A_239 = arith.extui %sign3A_238 : i1 to i32
      %sign3A_240 = arith.constant 0 : i32
      %sign3A_241 = arith.cmpi slt, %mul3A_223, %sign3A_240 : i32
      %sign3A_242 = arith.extui %sign3A_241 : i1 to i32
      %sign3A_243 = arith.subi %sign3A_239, %sign3A_242 : i32
      %sign3A_244 = arith.constant 0 : i32
      %sign3A_245 = arith.cmpi sgt, %jit3A_235, %sign3A_244 : i32
      %sign3A_246 = arith.extui %sign3A_245 : i1 to i32
      %sign3A_247 = arith.constant 0 : i32
      %sign3A_248 = arith.cmpi slt, %jit3A_235, %sign3A_247 : i32
      %sign3A_249 = arith.extui %sign3A_248 : i1 to i32
      %sign3A_250 = arith.subi %sign3A_246, %sign3A_249 : i32
      %ne3A_251 = arith.cmpi ne, %sign3A_243, %sign3A_250 : i32
      %rem3A_252 = arith.remsi %mul3A_223, %jit3A_235 : i32
      %ne3A_253 = arith.constant 0 : i32
      %ne3A_254 = arith.cmpi ne, %rem3A_252, %ne3A_253 : i32
      %and3A_255 = arith.andi %ne3A_251, %ne3A_254 : i1
      %sub3A_256 = arith.constant 1 : i32
      %sub3A_257 = arith.subi %div3A_236, %sub3A_256 : i32
      %select_n3A_258 = arith.select %and3A_255, %sub3A_257, %div3A_236 : i32
      %while3A_259 = arith.constant 0 : i32
      %while3A_260 = arith.subi %select_n3A_258, %while3A_259 : i32
      %while3A_261 = arith.addi %while3A_259, %while3A_260 : i32
      %while3A_262 = arith.constant 1 : i32
      %while3A_263 = arith.divsi %while3A_260, %while3A_262 : i32
      %while3A_264 = arith.muli %while3A_263, %while3A_262 : i32
      %while3A_265 = arith.addi %while3A_259, %while3A_264 : i32
      %while3A_266 = arith.constant 1 : i32
      %while3A_267:4 = scf.for %while3A_768 = %while3A_259 to %while3A_265 step %while3A_266 iter_args(%while3A_769 = %broadcast_in_dim3A_5, %while3A_770 = %broadcast_in_dim3A_5, %while3A_771 = %broadcast_in_dim3A_5, %while3A_772 = %broadcast_in_dim3A_5) -> (vector<16xf32>, vector<16xf32>, vector<16xf32>, vector<16xf32>)  : i32 {
        %mul3A_773 = arith.constant 8 : i32
        %mul3A_774 = arith.muli %while3A_768, %mul3A_773 : i32
        %add3A_775 = arith.constant 0 : i32
        %add3A_776 = arith.addi %mul3A_774, %add3A_775 : i32
        %get3A_777 = arith.index_cast %add3A_776 : i32 to index
        %get3A_778 = arith.constant 0 : index
        %get3A_779 = tpu.vector_load %arg8[%get3A_777, %get3A_778] {strides = array<i32>} : memref<200x64xf32, #tpu.memory_space<vmem>>, vector<16xf32>,
        %add3A_780 = arith.addf %while3A_769, %get3A_779 : vector<16xf32>
        %get3A_781 = arith.index_cast %add3A_776 : i32 to index
        %get3A_782 = arith.constant 16 : index
        %get3A_783 = tpu.vector_load %arg8[%get3A_781, %get3A_782] {strides = array<i32>} : memref<200x64xf32, #tpu.memory_space<vmem>>, vector<16xf32>,
        %add3A_784 = arith.addf %while3A_770, %get3A_783 : vector<16xf32>
        %get3A_785 = arith.index_cast %add3A_776 : i32 to index
        %get3A_786 = arith.constant 32 : index
        %get3A_787 = tpu.vector_load %arg8[%get3A_785, %get3A_786] {strides = array<i32>} : memref<200x64xf32, #tpu.memory_space<vmem>>, vector<16xf32>,
        %add3A_788 = arith.addf %while3A_771, %get3A_787 : vector<16xf32>
        %get3A_789 = arith.index_cast %add3A_776 : i32 to index
        %get3A_790 = arith.constant 48 : index
        %get3A_791 = tpu.vector_load %arg8[%get3A_789, %get3A_790] {strides = array<i32>} : memref<200x64xf32, #tpu.memory_space<vmem>>, vector<16xf32>,
        %add3A_792 = arith.addf %while3A_772, %get3A_791 : vector<16xf32>
        %mul3A_793 = arith.constant 8 : i32
        %mul3A_794 = arith.muli %while3A_768, %mul3A_793 : i32
        %add3A_795 = arith.constant 1 : i32
        %add3A_796 = arith.addi %mul3A_794, %add3A_795 : i32
        %get3A_797 = arith.index_cast %add3A_796 : i32 to index
        %get3A_798 = arith.constant 0 : index
        %get3A_799 = tpu.vector_load %arg8[%get3A_797, %get3A_798] {strides = array<i32>} : memref<200x64xf32, #tpu.memory_space<vmem>>, vector<16xf32>,
        %add3A_800 = arith.addf %add3A_780, %get3A_799 : vector<16xf32>
        %get3A_801 = arith.index_cast %add3A_796 : i32 to index
        %get3A_802 = arith.constant 16 : index
        %get3A_803 = tpu.vector_load %arg8[%get3A_801, %get3A_802] {strides = array<i32>} : memref<200x64xf32, #tpu.memory_space<vmem>>, vector<16xf32>,
        %add3A_804 = arith.addf %add3A_784, %get3A_803 : vector<16xf32>
        %get3A_805 = arith.index_cast %add3A_796 : i32 to index
        %get3A_806 = arith.constant 32 : index
        %get3A_807 = tpu.vector_load %arg8[%get3A_805, %get3A_806] {strides = array<i32>} : memref<200x64xf32, #tpu.memory_space<vmem>>, vector<16xf32>,
        %add3A_808 = arith.addf %add3A_788, %get3A_807 : vector<16xf32>
        %get3A_809 = arith.index_cast %add3A_796 : i32 to index
        %get3A_810 = arith.constant 48 : index
        %get3A_811 = tpu.vector_load %arg8[%get3A_809, %get3A_810] {strides = array<i32>} : memref<200x64xf32, #tpu.memory_space<vmem>>, vector<16xf32>,
        %add3A_812 = arith.addf %add3A_792, %get3A_811 : vector<16xf32>
        %mul3A_813 = arith.constant 8 : i32
        %mul3A_814 = arith.muli %while3A_768, %mul3A_813 : i32
        %add3A_815 = arith.constant 2 : i32
        %add3A_816 = arith.addi %mul3A_814, %add3A_815 : i32
        %get3A_817 = arith.index_cast %add3A_816 : i32 to index
        %get3A_818 = arith.constant 0 : index
        %get3A_819 = tpu.vector_load %arg8[%get3A_817, %get3A_818] {strides = array<i32>} : memref<200x64xf32, #tpu.memory_space<vmem>>, vector<16xf32>,
        %add3A_820 = arith.addf %add3A_800, %get3A_819 : vector<16xf32>
        %get3A_821 = arith.index_cast %add3A_816 : i32 to index
        %get3A_822 = arith.constant 16 : index
        %get3A_823 = tpu.vector_load %arg8[%get3A_821, %get3A_822] {strides = array<i32>} : memref<200x64xf32, #tpu.memory_space<vmem>>, vector<16xf32>,
        %add3A_824 = arith.addf %add3A_804, %get3A_823 : vector<16xf32>
        %get3A_825 = arith.index_cast %add3A_816 : i32 to index
        %get3A_826 = arith.constant 32 : index
        %get3A_827 = tpu.vector_load %arg8[%get3A_825, %get3A_826] {strides = array<i32>} : memref<200x64xf32, #tpu.memory_space<vmem>>, vector<16xf32>,
        %add3A_828 = arith.addf %add3A_808, %get3A_827 : vector<16xf32>
        %get3A_829 = arith.index_cast %add3A_816 : i32 to index
        %get3A_830 = arith.constant 48 : index
        %get3A_831 = tpu.vector_load %arg8[%get3A_829, %get3A_830] {strides = array<i32>} : memref<200x64xf32, #tpu.memory_space<vmem>>, vector<16xf32>,
        %add3A_832 = arith.addf %add3A_812, %get3A_831 : vector<16xf32>
        %mul3A_833 = arith.constant 8 : i32
        %mul3A_834 = arith.muli %while3A_768, %mul3A_833 : i32
        %add3A_835 = arith.constant 3 : i32
        %add3A_836 = arith.addi %mul3A_834, %add3A_835 : i32
        %get3A_837 = arith.index_cast %add3A_836 : i32 to index
        %get3A_838 = arith.constant 0 : index
        %get3A_839 = tpu.vector_load %arg8[%get3A_837, %get3A_838] {strides = array<i32>} : memref<200x64xf32, #tpu.memory_space<vmem>>, vector<16xf32>,
        %add3A_840 = arith.addf %add3A_820, %get3A_839 : vector<16xf32>
        %get3A_841 = arith.index_cast %add3A_836 : i32 to index
        %get3A_842 = arith.constant 16 : index
        %get3A_843 = tpu.vector_load %arg8[%get3A_841, %get3A_842] {strides = array<i32>} : memref<200x64xf32, #tpu.memory_space<vmem>>, vector<16xf32>,
        %add3A_844 = arith.addf %add3A_824, %get3A_843 : vector<16xf32>
        %get3A_845 = arith.index_cast %add3A_836 : i32 to index
        %get3A_846 = arith.constant 32 : index
        %get3A_847 = tpu.vector_load %arg8[%get3A_845, %get3A_846] {strides = array<i32>} : memref<200x64xf32, #tpu.memory_space<vmem>>, vector<16xf32>,
        %add3A_848 = arith.addf %add3A_828, %get3A_847 : vector<16xf32>
        %get3A_849 = arith.index_cast %add3A_836 : i32 to index
        %get3A_850 = arith.constant 48 : index
        %get3A_851 = tpu.vector_load %arg8[%get3A_849, %get3A_850] {strides = array<i32>} : memref<200x64xf32, #tpu.memory_space<vmem>>, vector<16xf32>,
        %add3A_852 = arith.addf %add3A_832, %get3A_851 : vector<16xf32>
        %mul3A_853 = arith.constant 8 : i32
        %mul3A_854 = arith.muli %while3A_768, %mul3A_853 : i32
        %add3A_855 = arith.constant 4 : i32
        %add3A_856 = arith.addi %mul3A_854, %add3A_855 : i32
        %get3A_857 = arith.index_cast %add3A_856 : i32 to index
        %get3A_858 = arith.constant 0 : index
        %get3A_859 = tpu.vector_load %arg8[%get3A_857, %get3A_858] {strides = array<i32>} : memref<200x64xf32, #tpu.memory_space<vmem>>, vector<16xf32>,
        %add3A_860 = arith.addf %add3A_840, %get3A_859 : vector<16xf32>
        %get3A_861 = arith.index_cast %add3A_856 : i32 to index
        %get3A_862 = arith.constant 16 : index
        %get3A_863 = tpu.vector_load %arg8[%get3A_861, %get3A_862] {strides = array<i32>} : memref<200x64xf32, #tpu.memory_space<vmem>>, vector<16xf32>,
        %add3A_864 = arith.addf %add3A_844, %get3A_863 : vector<16xf32>
        %get3A_865 = arith.index_cast %add3A_856 : i32 to index
        %get3A_866 = arith.constant 32 : index
        %get3A_867 = tpu.vector_load %arg8[%get3A_865, %get3A_866] {strides = array<i32>} : memref<200x64xf32, #tpu.memory_space<vmem>>, vector<16xf32>,
        %add3A_868 = arith.addf %add3A_848, %get3A_867 : vector<16xf32>
        %get3A_869 = arith.index_cast %add3A_856 : i32 to index
        %get3A_870 = arith.constant 48 : index
        %get3A_871 = tpu.vector_load %arg8[%get3A_869, %get3A_870] {strides = array<i32>} : memref<200x64xf32, #tpu.memory_space<vmem>>, vector<16xf32>,
        %add3A_872 = arith.addf %add3A_852, %get3A_871 : vector<16xf32>
        %mul3A_873 = arith.constant 8 : i32
        %mul3A_874 = arith.muli %while3A_768, %mul3A_873 : i32
        %add3A_875 = arith.constant 5 : i32
        %add3A_876 = arith.addi %mul3A_874, %add3A_875 : i32
        %get3A_877 = arith.index_cast %add3A_876 : i32 to index
        %get3A_878 = arith.constant 0 : index
        %get3A_879 = tpu.vector_load %arg8[%get3A_877, %get3A_878] {strides = array<i32>} : memref<200x64xf32, #tpu.memory_space<vmem>>, vector<16xf32>,
        %add3A_880 = arith.addf %add3A_860, %get3A_879 : vector<16xf32>
        %get3A_881 = arith.index_cast %add3A_876 : i32 to index
        %get3A_882 = arith.constant 16 : index
        %get3A_883 = tpu.vector_load %arg8[%get3A_881, %get3A_882] {strides = array<i32>} : memref<200x64xf32, #tpu.memory_space<vmem>>, vector<16xf32>,
        %add3A_884 = arith.addf %add3A_864, %get3A_883 : vector<16xf32>
        %get3A_885 = arith.index_cast %add3A_876 : i32 to index
        %get3A_886 = arith.constant 32 : index
        %get3A_887 = tpu.vector_load %arg8[%get3A_885, %get3A_886] {strides = array<i32>} : memref<200x64xf32, #tpu.memory_space<vmem>>, vector<16xf32>,
        %add3A_888 = arith.addf %add3A_868, %get3A_887 : vector<16xf32>
        %get3A_889 = arith.index_cast %add3A_876 : i32 to index
        %get3A_890 = arith.constant 48 : index
        %get3A_891 = tpu.vector_load %arg8[%get3A_889, %get3A_890] {strides = array<i32>} : memref<200x64xf32, #tpu.memory_space<vmem>>, vector<16xf32>,
        %add3A_892 = arith.addf %add3A_872, %get3A_891 : vector<16xf32>
        %mul3A_893 = arith.constant 8 : i32
        %mul3A_894 = arith.muli %while3A_768, %mul3A_893 : i32
        %add3A_895 = arith.constant 6 : i32
        %add3A_896 = arith.addi %mul3A_894, %add3A_895 : i32
        %get3A_897 = arith.index_cast %add3A_896 : i32 to index
        %get3A_898 = arith.constant 0 : index
        %get3A_899 = tpu.vector_load %arg8[%get3A_897, %get3A_898] {strides = array<i32>} : memref<200x64xf32, #tpu.memory_space<vmem>>, vector<16xf32>,
        %add3A_900 = arith.addf %add3A_880, %get3A_899 : vector<16xf32>
        %get3A_901 = arith.index_cast %add3A_896 : i32 to index
        %get3A_902 = arith.constant 16 : index
        %get3A_903 = tpu.vector_load %arg8[%get3A_901, %get3A_902] {strides = array<i32>} : memref<200x64xf32, #tpu.memory_space<vmem>>, vector<16xf32>,
        %add3A_904 = arith.addf %add3A_884, %get3A_903 : vector<16xf32>
        %get3A_905 = arith.index_cast %add3A_896 : i32 to index
        %get3A_906 = arith.constant 32 : index
        %get3A_907 = tpu.vector_load %arg8[%get3A_905, %get3A_906] {strides = array<i32>} : memref<200x64xf32, #tpu.memory_space<vmem>>, vector<16xf32>,
        %add3A_908 = arith.addf %add3A_888, %get3A_907 : vector<16xf32>
        %get3A_909 = arith.index_cast %add3A_896 : i32 to index
        %get3A_910 = arith.constant 48 : index
        %get3A_911 = tpu.vector_load %arg8[%get3A_909, %get3A_910] {strides = array<i32>} : memref<200x64xf32, #tpu.memory_space<vmem>>, vector<16xf32>,
        %add3A_912 = arith.addf %add3A_892, %get3A_911 : vector<16xf32>
        %mul3A_913 = arith.constant 8 : i32
        %mul3A_914 = arith.muli %while3A_768, %mul3A_913 : i32
        %add3A_915 = arith.constant 7 : i32
        %add3A_916 = arith.addi %mul3A_914, %add3A_915 : i32
        %get3A_917 = arith.index_cast %add3A_916 : i32 to index
        %get3A_918 = arith.constant 0 : index
        %get3A_919 = tpu.vector_load %arg8[%get3A_917, %get3A_918] {strides = array<i32>} : memref<200x64xf32, #tpu.memory_space<vmem>>, vector<16xf32>,
        %add3A_920 = arith.addf %add3A_900, %get3A_919 : vector<16xf32>
        %get3A_921 = arith.index_cast %add3A_916 : i32 to index
        %get3A_922 = arith.constant 16 : index
        %get3A_923 = tpu.vector_load %arg8[%get3A_921, %get3A_922] {strides = array<i32>} : memref<200x64xf32, #tpu.memory_space<vmem>>, vector<16xf32>,
        %add3A_924 = arith.addf %add3A_904, %get3A_923 : vector<16xf32>
        %get3A_925 = arith.index_cast %add3A_916 : i32 to index
        %get3A_926 = arith.constant 32 : index
        %get3A_927 = tpu.vector_load %arg8[%get3A_925, %get3A_926] {strides = array<i32>} : memref<200x64xf32, #tpu.memory_space<vmem>>, vector<16xf32>,
        %add3A_928 = arith.addf %add3A_908, %get3A_927 : vector<16xf32>
        %get3A_929 = arith.index_cast %add3A_916 : i32 to index
        %get3A_930 = arith.constant 48 : index
        %get3A_931 = tpu.vector_load %arg8[%get3A_929, %get3A_930] {strides = array<i32>} : memref<200x64xf32, #tpu.memory_space<vmem>>, vector<16xf32>,
        %add3A_932 = arith.addf %add3A_912, %get3A_931 : vector<16xf32>
        scf.yield %add3A_920, %add3A_924, %add3A_928, %add3A_932 : vector<16xf32>, vector<16xf32>, vector<16xf32>, vector<16xf32>
      }
      %while3A_268 = arith.constant 1 : i32
      %while3A_269:4 = scf.for %while3A_768 = %while3A_265 to %while3A_261 step %while3A_268 iter_args(%while3A_769 = %while3A_267#0, %while3A_770 = %while3A_267#1, %while3A_771 = %while3A_267#2, %while3A_772 = %while3A_267#3) -> (vector<16xf32>, vector<16xf32>, vector<16xf32>, vector<16xf32>)  : i32 {
        %mul3A_773 = arith.constant 8 : i32
        %mul3A_774 = arith.muli %while3A_768, %mul3A_773 : i32
        %add3A_775 = arith.constant 0 : i32
        %add3A_776 = arith.addi %mul3A_774, %add3A_775 : i32
        %get3A_777 = arith.index_cast %add3A_776 : i32 to index
        %get3A_778 = arith.constant 0 : index
        %get3A_779 = tpu.vector_load %arg8[%get3A_777, %get3A_778] {strides = array<i32>} : memref<200x64xf32, #tpu.memory_space<vmem>>, vector<16xf32>,
        %add3A_780 = arith.addf %while3A_769, %get3A_779 : vector<16xf32>
        %get3A_781 = arith.index_cast %add3A_776 : i32 to index
        %get3A_782 = arith.constant 16 : index
        %get3A_783 = tpu.vector_load %arg8[%get3A_781, %get3A_782] {strides = array<i32>} : memref<200x64xf32, #tpu.memory_space<vmem>>, vector<16xf32>,
        %add3A_784 = arith.addf %while3A_770, %get3A_783 : vector<16xf32>
        %get3A_785 = arith.index_cast %add3A_776 : i32 to index
        %get3A_786 = arith.constant 32 : index
        %get3A_787 = tpu.vector_load %arg8[%get3A_785, %get3A_786] {strides = array<i32>} : memref<200x64xf32, #tpu.memory_space<vmem>>, vector<16xf32>,
        %add3A_788 = arith.addf %while3A_771, %get3A_787 : vector<16xf32>
        %get3A_789 = arith.index_cast %add3A_776 : i32 to index
        %get3A_790 = arith.constant 48 : index
        %get3A_791 = tpu.vector_load %arg8[%get3A_789, %get3A_790] {strides = array<i32>} : memref<200x64xf32, #tpu.memory_space<vmem>>, vector<16xf32>,
        %add3A_792 = arith.addf %while3A_772, %get3A_791 : vector<16xf32>
        %mul3A_793 = arith.constant 8 : i32
        %mul3A_794 = arith.muli %while3A_768, %mul3A_793 : i32
        %add3A_795 = arith.constant 1 : i32
        %add3A_796 = arith.addi %mul3A_794, %add3A_795 : i32
        %get3A_797 = arith.index_cast %add3A_796 : i32 to index
        %get3A_798 = arith.constant 0 : index
        %get3A_799 = tpu.vector_load %arg8[%get3A_797, %get3A_798] {strides = array<i32>} : memref<200x64xf32, #tpu.memory_space<vmem>>, vector<16xf32>,
        %add3A_800 = arith.addf %add3A_780, %get3A_799 : vector<16xf32>
        %get3A_801 = arith.index_cast %add3A_796 : i32 to index
        %get3A_802 = arith.constant 16 : index
        %get3A_803 = tpu.vector_load %arg8[%get3A_801, %get3A_802] {strides = array<i32>} : memref<200x64xf32, #tpu.memory_space<vmem>>, vector<16xf32>,
        %add3A_804 = arith.addf %add3A_784, %get3A_803 : vector<16xf32>
        %get3A_805 = arith.index_cast %add3A_796 : i32 to index
        %get3A_806 = arith.constant 32 : index
        %get3A_807 = tpu.vector_load %arg8[%get3A_805, %get3A_806] {strides = array<i32>} : memref<200x64xf32, #tpu.memory_space<vmem>>, vector<16xf32>,
        %add3A_808 = arith.addf %add3A_788, %get3A_807 : vector<16xf32>
        %get3A_809 = arith.index_cast %add3A_796 : i32 to index
        %get3A_810 = arith.constant 48 : index
        %get3A_811 = tpu.vector_load %arg8[%get3A_809, %get3A_810] {strides = array<i32>} : memref<200x64xf32, #tpu.memory_space<vmem>>, vector<16xf32>,
        %add3A_812 = arith.addf %add3A_792, %get3A_811 : vector<16xf32>
        %mul3A_813 = arith.constant 8 : i32
        %mul3A_814 = arith.muli %while3A_768, %mul3A_813 : i32
        %add3A_815 = arith.constant 2 : i32
        %add3A_816 = arith.addi %mul3A_814, %add3A_815 : i32
        %get3A_817 = arith.index_cast %add3A_816 : i32 to index
        %get3A_818 = arith.constant 0 : index
        %get3A_819 = tpu.vector_load %arg8[%get3A_817, %get3A_818] {strides = array<i32>} : memref<200x64xf32, #tpu.memory_space<vmem>>, vector<16xf32>,
        %add3A_820 = arith.addf %add3A_800, %get3A_819 : vector<16xf32>
        %get3A_821 = arith.index_cast %add3A_816 : i32 to index
        %get3A_822 = arith.constant 16 : index
        %get3A_823 = tpu.vector_load %arg8[%get3A_821, %get3A_822] {strides = array<i32>} : memref<200x64xf32, #tpu.memory_space<vmem>>, vector<16xf32>,
        %add3A_824 = arith.addf %add3A_804, %get3A_823 : vector<16xf32>
        %get3A_825 = arith.index_cast %add3A_816 : i32 to index
        %get3A_826 = arith.constant 32 : index
        %get3A_827 = tpu.vector_load %arg8[%get3A_825, %get3A_826] {strides = array<i32>} : memref<200x64xf32, #tpu.memory_space<vmem>>, vector<16xf32>,
        %add3A_828 = arith.addf %add3A_808, %get3A_827 : vector<16xf32>
        %get3A_829 = arith.index_cast %add3A_816 : i32 to index
        %get3A_830 = arith.constant 48 : index
        %get3A_831 = tpu.vector_load %arg8[%get3A_829, %get3A_830] {strides = array<i32>} : memref<200x64xf32, #tpu.memory_space<vmem>>, vector<16xf32>,
        %add3A_832 = arith.addf %add3A_812, %get3A_831 : vector<16xf32>
        %mul3A_833 = arith.constant 8 : i32
        %mul3A_834 = arith.muli %while3A_768, %mul3A_833 : i32
        %add3A_835 = arith.constant 3 : i32
        %add3A_836 = arith.addi %mul3A_834, %add3A_835 : i32
        %get3A_837 = arith.index_cast %add3A_836 : i32 to index
        %get3A_838 = arith.constant 0 : index
        %get3A_839 = tpu.vector_load %arg8[%get3A_837, %get3A_838] {strides = array<i32>} : memref<200x64xf32, #tpu.memory_space<vmem>>, vector<16xf32>,
        %add3A_840 = arith.addf %add3A_820, %get3A_839 : vector<16xf32>
        %get3A_841 = arith.index_cast %add3A_836 : i32 to index
        %get3A_842 = arith.constant 16 : index
        %get3A_843 = tpu.vector_load %arg8[%get3A_841, %get3A_842] {strides = array<i32>} : memref<200x64xf32, #tpu.memory_space<vmem>>, vector<16xf32>,
        %add3A_844 = arith.addf %add3A_824, %get3A_843 : vector<16xf32>
        %get3A_845 = arith.index_cast %add3A_836 : i32 to index
        %get3A_846 = arith.constant 32 : index
        %get3A_847 = tpu.vector_load %arg8[%get3A_845, %get3A_846] {strides = array<i32>} : memref<200x64xf32, #tpu.memory_space<vmem>>, vector<16xf32>,
        %add3A_848 = arith.addf %add3A_828, %get3A_847 : vector<16xf32>
        %get3A_849 = arith.index_cast %add3A_836 : i32 to index
        %get3A_850 = arith.constant 48 : index
        %get3A_851 = tpu.vector_load %arg8[%get3A_849, %get3A_850] {strides = array<i32>} : memref<200x64xf32, #tpu.memory_space<vmem>>, vector<16xf32>,
        %add3A_852 = arith.addf %add3A_832, %get3A_851 : vector<16xf32>
        %mul3A_853 = arith.constant 8 : i32
        %mul3A_854 = arith.muli %while3A_768, %mul3A_853 : i32
        %add3A_855 = arith.constant 4 : i32
        %add3A_856 = arith.addi %mul3A_854, %add3A_855 : i32
        %get3A_857 = arith.index_cast %add3A_856 : i32 to index
        %get3A_858 = arith.constant 0 : index
        %get3A_859 = tpu.vector_load %arg8[%get3A_857, %get3A_858] {strides = array<i32>} : memref<200x64xf32, #tpu.memory_space<vmem>>, vector<16xf32>,
        %add3A_860 = arith.addf %add3A_840, %get3A_859 : vector<16xf32>
        %get3A_861 = arith.index_cast %add3A_856 : i32 to index
        %get3A_862 = arith.constant 16 : index
        %get3A_863 = tpu.vector_load %arg8[%get3A_861, %get3A_862] {strides = array<i32>} : memref<200x64xf32, #tpu.memory_space<vmem>>, vector<16xf32>,
        %add3A_864 = arith.addf %add3A_844, %get3A_863 : vector<16xf32>
        %get3A_865 = arith.index_cast %add3A_856 : i32 to index
        %get3A_866 = arith.constant 32 : index
        %get3A_867 = tpu.vector_load %arg8[%get3A_865, %get3A_866] {strides = array<i32>} : memref<200x64xf32, #tpu.memory_space<vmem>>, vector<16xf32>,
        %add3A_868 = arith.addf %add3A_848, %get3A_867 : vector<16xf32>
        %get3A_869 = arith.index_cast %add3A_856 : i32 to index
        %get3A_870 = arith.constant 48 : index
        %get3A_871 = tpu.vector_load %arg8[%get3A_869, %get3A_870] {strides = array<i32>} : memref<200x64xf32, #tpu.memory_space<vmem>>, vector<16xf32>,
        %add3A_872 = arith.addf %add3A_852, %get3A_871 : vector<16xf32>
        %mul3A_873 = arith.constant 8 : i32
        %mul3A_874 = arith.muli %while3A_768, %mul3A_873 : i32
        %add3A_875 = arith.constant 5 : i32
        %add3A_876 = arith.addi %mul3A_874, %add3A_875 : i32
        %get3A_877 = arith.index_cast %add3A_876 : i32 to index
        %get3A_878 = arith.constant 0 : index
        %get3A_879 = tpu.vector_load %arg8[%get3A_877, %get3A_878] {strides = array<i32>} : memref<200x64xf32, #tpu.memory_space<vmem>>, vector<16xf32>,
        %add3A_880 = arith.addf %add3A_860, %get3A_879 : vector<16xf32>
        %get3A_881 = arith.index_cast %add3A_876 : i32 to index
        %get3A_882 = arith.constant 16 : index
        %get3A_883 = tpu.vector_load %arg8[%get3A_881, %get3A_882] {strides = array<i32>} : memref<200x64xf32, #tpu.memory_space<vmem>>, vector<16xf32>,
        %add3A_884 = arith.addf %add3A_864, %get3A_883 : vector<16xf32>
        %get3A_885 = arith.index_cast %add3A_876 : i32 to index
        %get3A_886 = arith.constant 32 : index
        %get3A_887 = tpu.vector_load %arg8[%get3A_885, %get3A_886] {strides = array<i32>} : memref<200x64xf32, #tpu.memory_space<vmem>>, vector<16xf32>,
        %add3A_888 = arith.addf %add3A_868, %get3A_887 : vector<16xf32>
        %get3A_889 = arith.index_cast %add3A_876 : i32 to index
        %get3A_890 = arith.constant 48 : index
        %get3A_891 = tpu.vector_load %arg8[%get3A_889, %get3A_890] {strides = array<i32>} : memref<200x64xf32, #tpu.memory_space<vmem>>, vector<16xf32>,
        %add3A_892 = arith.addf %add3A_872, %get3A_891 : vector<16xf32>
        %mul3A_893 = arith.constant 8 : i32
        %mul3A_894 = arith.muli %while3A_768, %mul3A_893 : i32
        %add3A_895 = arith.constant 6 : i32
        %add3A_896 = arith.addi %mul3A_894, %add3A_895 : i32
        %get3A_897 = arith.index_cast %add3A_896 : i32 to index
        %get3A_898 = arith.constant 0 : index
        %get3A_899 = tpu.vector_load %arg8[%get3A_897, %get3A_898] {strides = array<i32>} : memref<200x64xf32, #tpu.memory_space<vmem>>, vector<16xf32>,
        %add3A_900 = arith.addf %add3A_880, %get3A_899 : vector<16xf32>
        %get3A_901 = arith.index_cast %add3A_896 : i32 to index
        %get3A_902 = arith.constant 16 : index
        %get3A_903 = tpu.vector_load %arg8[%get3A_901, %get3A_902] {strides = array<i32>} : memref<200x64xf32, #tpu.memory_space<vmem>>, vector<16xf32>,
        %add3A_904 = arith.addf %add3A_884, %get3A_903 : vector<16xf32>
        %get3A_905 = arith.index_cast %add3A_896 : i32 to index
        %get3A_906 = arith.constant 32 : index
        %get3A_907 = tpu.vector_load %arg8[%get3A_905, %get3A_906] {strides = array<i32>} : memref<200x64xf32, #tpu.memory_space<vmem>>, vector<16xf32>,
        %add3A_908 = arith.addf %add3A_888, %get3A_907 : vector<16xf32>
        %get3A_909 = arith.index_cast %add3A_896 : i32 to index
        %get3A_910 = arith.constant 48 : index
        %get3A_911 = tpu.vector_load %arg8[%get3A_909, %get3A_910] {strides = array<i32>} : memref<200x64xf32, #tpu.memory_space<vmem>>, vector<16xf32>,
        %add3A_912 = arith.addf %add3A_892, %get3A_911 : vector<16xf32>
        %mul3A_913 = arith.constant 8 : i32
        %mul3A_914 = arith.muli %while3A_768, %mul3A_913 : i32
        %add3A_915 = arith.constant 7 : i32
        %add3A_916 = arith.addi %mul3A_914, %add3A_915 : i32
        %get3A_917 = arith.index_cast %add3A_916 : i32 to index
        %get3A_918 = arith.constant 0 : index
        %get3A_919 = tpu.vector_load %arg8[%get3A_917, %get3A_918] {strides = array<i32>} : memref<200x64xf32, #tpu.memory_space<vmem>>, vector<16xf32>,
        %add3A_920 = arith.addf %add3A_900, %get3A_919 : vector<16xf32>
        %get3A_921 = arith.index_cast %add3A_916 : i32 to index
        %get3A_922 = arith.constant 16 : index
        %get3A_923 = tpu.vector_load %arg8[%get3A_921, %get3A_922] {strides = array<i32>} : memref<200x64xf32, #tpu.memory_space<vmem>>, vector<16xf32>,
        %add3A_924 = arith.addf %add3A_904, %get3A_923 : vector<16xf32>
        %get3A_925 = arith.index_cast %add3A_916 : i32 to index
        %get3A_926 = arith.constant 32 : index
        %get3A_927 = tpu.vector_load %arg8[%get3A_925, %get3A_926] {strides = array<i32>} : memref<200x64xf32, #tpu.memory_space<vmem>>, vector<16xf32>,
        %add3A_928 = arith.addf %add3A_908, %get3A_927 : vector<16xf32>
        %get3A_929 = arith.index_cast %add3A_916 : i32 to index
        %get3A_930 = arith.constant 48 : index
        %get3A_931 = tpu.vector_load %arg8[%get3A_929, %get3A_930] {strides = array<i32>} : memref<200x64xf32, #tpu.memory_space<vmem>>, vector<16xf32>,
        %add3A_932 = arith.addf %add3A_912, %get3A_931 : vector<16xf32>
        scf.yield %add3A_920, %add3A_924, %add3A_928, %add3A_932 : vector<16xf32>, vector<16xf32>, vector<16xf32>, vector<16xf32>
      }
      %convert_element_type3A_270 = arith.sitofp %squeeze3A_157 : i32 to f32
      %add3A_271 = arith.constant 9.99999971E-10 : f32
      %add3A_272 = arith.addf %convert_element_type3A_270, %add3A_271 : f32
      %add3A_273 = vector.broadcast %add3A_272 : f32 to vector<16xf32>
      %add3A_274 = arith.addf %broadcast_in_dim3A_5, %add3A_273 : vector<16xf32>
      %add3A_275 = arith.constant 1.000000e+00 : f32
      %add3A_276 = vector.broadcast %add3A_275 : f32 to vector<16xf32>
      %add3A_277 = arith.addf %broadcast_in_dim3A_5, %add3A_276 : vector<16xf32>
      %div3A_278 = arith.divf %add3A_277, %add3A_274 : vector<16xf32>
      %mul3A_279 = arith.mulf %while3A_269#0, %div3A_278 : vector<16xf32>
      %swap3A = arith.index_cast %add3A_141 : i32 to index
      %swap3A_280 = arith.constant 0 : index
      %swap3A_281 = tpu.vector_load %arg12[%swap3A, %swap3A_280] {strides = array<i32>} : memref<128x64xf32, #tpu.memory_space<vmem>>, vector<16xf32>,
      tpu.vector_store %arg12[%swap3A, %swap3A_280], %mul3A_279 {strides = array<i32>} : memref<128x64xf32, #tpu.memory_space<vmem>>, vector<16xf32>,
      %mul3A_282 = arith.mulf %while3A_269#1, %div3A_278 : vector<16xf32>
      %swap3A_283 = arith.index_cast %add3A_141 : i32 to index
      %swap3A_284 = arith.constant 16 : index
      %swap3A_285 = tpu.vector_load %arg12[%swap3A_283, %swap3A_284] {strides = array<i32>} : memref<128x64xf32, #tpu.memory_space<vmem>>, vector<16xf32>,
      tpu.vector_store %arg12[%swap3A_283, %swap3A_284], %mul3A_282 {strides = array<i32>} : memref<128x64xf32, #tpu.memory_space<vmem>>, vector<16xf32>,
      %mul3A_286 = arith.mulf %while3A_269#2, %div3A_278 : vector<16xf32>
      %swap3A_287 = arith.index_cast %add3A_141 : i32 to index
      %swap3A_288 = arith.constant 32 : index
      %swap3A_289 = tpu.vector_load %arg12[%swap3A_287, %swap3A_288] {strides = array<i32>} : memref<128x64xf32, #tpu.memory_space<vmem>>, vector<16xf32>,
      tpu.vector_store %arg12[%swap3A_287, %swap3A_288], %mul3A_286 {strides = array<i32>} : memref<128x64xf32, #tpu.memory_space<vmem>>, vector<16xf32>,
      %mul3A_290 = arith.mulf %while3A_269#3, %div3A_278 : vector<16xf32>
      %swap3A_291 = arith.index_cast %add3A_141 : i32 to index
      %swap3A_292 = arith.constant 48 : index
      %swap3A_293 = tpu.vector_load %arg12[%swap3A_291, %swap3A_292] {strides = array<i32>} : memref<128x64xf32, #tpu.memory_space<vmem>>, vector<16xf32>,
      tpu.vector_store %arg12[%swap3A_291, %swap3A_292], %mul3A_290 {strides = array<i32>} : memref<128x64xf32, #tpu.memory_space<vmem>>, vector<16xf32>,
      %add3A_294 = arith.constant 1 : i32
      %add3A_295 = arith.addi %mul3A_139, %add3A_294 : i32
      %add3A_296 = arith.constant 4 : i32
      %add3A_297 = arith.addi %add3A_295, %add3A_296 : i32
      %lt3A_298 = arith.constant 128 : i32
      %lt3A_299 = arith.cmpi slt, %add3A_297, %lt3A_298 : i32
      %convert_element_type3A_300 = arith.extui %lt3A_299 : i1 to i32
      %cond3A_301 = arith.constant 0 : i32
      %cond3A_302 = arith.cmpi ne, %convert_element_type3A_300, %cond3A_301 : i32
      scf.if %cond3A_302 {
        %add3A_768 = arith.constant 4 : i32
        %add3A_769 = arith.addi %add3A_295, %add3A_768 : i32
        %mul3A_770 = arith.constant 200 : i32
        %mul3A_771 = arith.muli %add3A_769, %mul3A_770 : i32
        %mul3A_772 = arith.constant 0 : i32
        %mul3A_773 = vector.broadcast %mul3A_772 : i32 to vector<16xi32>
        %mul3A_774 = arith.muli %iota3A, %mul3A_773 : vector<16xi32>
        %add3A_775 = vector.broadcast %mul3A_771 : i32 to vector<16xi32>
        %add3A_776 = arith.addi %mul3A_774, %add3A_775 : vector<16xi32>
        %add3A_777 = arith.constant 0 : i32
        %add3A_778 = arith.addi %mul3A_771, %add3A_777 : i32
        %get3A_779 = arith.index_cast %add3A_778 : i32 to index
        %get3A_780 = tpu.vector_load %arg6[%get3A_779] {strides = array<i32>} : memref<25600xi32, #tpu.memory_space<vmem>>, vector<16xi32>,
        %get3A_781 = arith.index_cast %add3A_778 : i32 to index
        %get3A_782 = tpu.vector_load %arg7[%get3A_781] {strides = array<i32>} : memref<25600xi32, #tpu.memory_space<vmem>>, vector<16xi32>,
        %ne3A_783 = arith.constant 0 : i32
        %ne3A_784 = vector.broadcast %ne3A_783 : i32 to vector<16xi32>
        %ne3A_785 = arith.cmpi ne, %get3A_782, %ne3A_784 : vector<16xi32>
        %convert_element_type3A_786 = arith.extui %ne3A_785 : vector<16xi1> to vector<16xi32>
        %broadcast_in_dim3A_787 = arith.constant true
        %broadcast_in_dim3A_788 = vector.broadcast %broadcast_in_dim3A_787 : i1 to vector<16xi1>
        %masked_cumsum3A = tpu.scan <sum>, %convert_element_type3A_786 masked %broadcast_in_dim3A_788 : vector<16xi32>, vector<16xi1> -> vector<16xi32>
        %add3A_789 = arith.addi %add3A_776, %masked_cumsum3A : vector<16xi32>
        %sub3A_790 = arith.constant 1 : i32
        %sub3A_791 = vector.broadcast %sub3A_790 : i32 to vector<16xi32>
        %sub3A_792 = arith.subi %add3A_789, %sub3A_791 : vector<16xi32>
        tpu.vector_store_idx %arg6[%sub3A_792], %get3A_780 masked %ne3A_785 : memref<25600xi32, #tpu.memory_space<vmem>>[vector<16xi32>], vector<16xi32>, vector<16xi1>
        %all_reduce_population_count3A = tpu.all_reduce %ne3A_785 {dim = 0 : i64, kind = #tpu.reduction_kind<sum>} : vector<16xi1> -> vector<16xi32>
        %add3A_793 = arith.addi %add3A_776, %all_reduce_population_count3A : vector<16xi32>
        %add3A_794 = arith.constant 16 : i32
        %add3A_795 = arith.addi %mul3A_771, %add3A_794 : i32
        %get3A_796 = arith.index_cast %add3A_795 : i32 to index
        %get3A_797 = tpu.vector_load %arg6[%get3A_796] {strides = array<i32>} : memref<25600xi32, #tpu.memory_space<vmem>>, vector<16xi32>,
        %get3A_798 = arith.index_cast %add3A_795 : i32 to index
        %get3A_799 = tpu.vector_load %arg7[%get3A_798] {strides = array<i32>} : memref<25600xi32, #tpu.memory_space<vmem>>, vector<16xi32>,
        %ne3A_800 = arith.constant 0 : i32
        %ne3A_801 = vector.broadcast %ne3A_800 : i32 to vector<16xi32>
        %ne3A_802 = arith.cmpi ne, %get3A_799, %ne3A_801 : vector<16xi32>
        %convert_element_type3A_803 = arith.extui %ne3A_802 : vector<16xi1> to vector<16xi32>
        %broadcast_in_dim3A_804 = arith.constant true
        %broadcast_in_dim3A_805 = vector.broadcast %broadcast_in_dim3A_804 : i1 to vector<16xi1>
        %masked_cumsum3A_806 = tpu.scan <sum>, %convert_element_type3A_803 masked %broadcast_in_dim3A_805 : vector<16xi32>, vector<16xi1> -> vector<16xi32>
        %add3A_807 = arith.addi %add3A_793, %masked_cumsum3A_806 : vector<16xi32>
        %sub3A_808 = arith.constant 1 : i32
        %sub3A_809 = vector.broadcast %sub3A_808 : i32 to vector<16xi32>
        %sub3A_810 = arith.subi %add3A_807, %sub3A_809 : vector<16xi32>
        tpu.vector_store_idx %arg6[%sub3A_810], %get3A_797 masked %ne3A_802 : memref<25600xi32, #tpu.memory_space<vmem>>[vector<16xi32>], vector<16xi32>, vector<16xi1>
        %all_reduce_population_count3A_811 = tpu.all_reduce %ne3A_802 {dim = 0 : i64, kind = #tpu.reduction_kind<sum>} : vector<16xi1> -> vector<16xi32>
        %add3A_812 = arith.addi %add3A_793, %all_reduce_population_count3A_811 : vector<16xi32>
        %add3A_813 = arith.constant 32 : i32
        %add3A_814 = arith.addi %mul3A_771, %add3A_813 : i32
        %get3A_815 = arith.index_cast %add3A_814 : i32 to index
        %get3A_816 = tpu.vector_load %arg6[%get3A_815] {strides = array<i32>} : memref<25600xi32, #tpu.memory_space<vmem>>, vector<16xi32>,
        %get3A_817 = arith.index_cast %add3A_814 : i32 to index
        %get3A_818 = tpu.vector_load %arg7[%get3A_817] {strides = array<i32>} : memref<25600xi32, #tpu.memory_space<vmem>>, vector<16xi32>,
        %ne3A_819 = arith.constant 0 : i32
        %ne3A_820 = vector.broadcast %ne3A_819 : i32 to vector<16xi32>
        %ne3A_821 = arith.cmpi ne, %get3A_818, %ne3A_820 : vector<16xi32>
        %convert_element_type3A_822 = arith.extui %ne3A_821 : vector<16xi1> to vector<16xi32>
        %broadcast_in_dim3A_823 = arith.constant true
        %broadcast_in_dim3A_824 = vector.broadcast %broadcast_in_dim3A_823 : i1 to vector<16xi1>
        %masked_cumsum3A_825 = tpu.scan <sum>, %convert_element_type3A_822 masked %broadcast_in_dim3A_824 : vector<16xi32>, vector<16xi1> -> vector<16xi32>
        %add3A_826 = arith.addi %add3A_812, %masked_cumsum3A_825 : vector<16xi32>
        %sub3A_827 = arith.constant 1 : i32
        %sub3A_828 = vector.broadcast %sub3A_827 : i32 to vector<16xi32>
        %sub3A_829 = arith.subi %add3A_826, %sub3A_828 : vector<16xi32>
        tpu.vector_store_idx %arg6[%sub3A_829], %get3A_816 masked %ne3A_821 : memref<25600xi32, #tpu.memory_space<vmem>>[vector<16xi32>], vector<16xi32>, vector<16xi1>
        %all_reduce_population_count3A_830 = tpu.all_reduce %ne3A_821 {dim = 0 : i64, kind = #tpu.reduction_kind<sum>} : vector<16xi1> -> vector<16xi32>
        %add3A_831 = arith.addi %add3A_812, %all_reduce_population_count3A_830 : vector<16xi32>
        %add3A_832 = arith.constant 48 : i32
        %add3A_833 = arith.addi %mul3A_771, %add3A_832 : i32
        %get3A_834 = arith.index_cast %add3A_833 : i32 to index
        %get3A_835 = tpu.vector_load %arg6[%get3A_834] {strides = array<i32>} : memref<25600xi32, #tpu.memory_space<vmem>>, vector<16xi32>,
        %get3A_836 = arith.index_cast %add3A_833 : i32 to index
        %get3A_837 = tpu.vector_load %arg7[%get3A_836] {strides = array<i32>} : memref<25600xi32, #tpu.memory_space<vmem>>, vector<16xi32>,
        %ne3A_838 = arith.constant 0 : i32
        %ne3A_839 = vector.broadcast %ne3A_838 : i32 to vector<16xi32>
        %ne3A_840 = arith.cmpi ne, %get3A_837, %ne3A_839 : vector<16xi32>
        %convert_element_type3A_841 = arith.extui %ne3A_840 : vector<16xi1> to vector<16xi32>
        %broadcast_in_dim3A_842 = arith.constant true
        %broadcast_in_dim3A_843 = vector.broadcast %broadcast_in_dim3A_842 : i1 to vector<16xi1>
        %masked_cumsum3A_844 = tpu.scan <sum>, %convert_element_type3A_841 masked %broadcast_in_dim3A_843 : vector<16xi32>, vector<16xi1> -> vector<16xi32>
        %add3A_845 = arith.addi %add3A_831, %masked_cumsum3A_844 : vector<16xi32>
        %sub3A_846 = arith.constant 1 : i32
        %sub3A_847 = vector.broadcast %sub3A_846 : i32 to vector<16xi32>
        %sub3A_848 = arith.subi %add3A_845, %sub3A_847 : vector<16xi32>
        tpu.vector_store_idx %arg6[%sub3A_848], %get3A_835 masked %ne3A_840 : memref<25600xi32, #tpu.memory_space<vmem>>[vector<16xi32>], vector<16xi32>, vector<16xi1>
        %all_reduce_population_count3A_849 = tpu.all_reduce %ne3A_840 {dim = 0 : i64, kind = #tpu.reduction_kind<sum>} : vector<16xi1> -> vector<16xi32>
        %add3A_850 = arith.addi %add3A_831, %all_reduce_population_count3A_849 : vector<16xi32>
        %add3A_851 = arith.constant 64 : i32
        %add3A_852 = arith.addi %mul3A_771, %add3A_851 : i32
        %get3A_853 = arith.index_cast %add3A_852 : i32 to index
        %get3A_854 = tpu.vector_load %arg6[%get3A_853] {strides = array<i32>} : memref<25600xi32, #tpu.memory_space<vmem>>, vector<16xi32>,
        %get3A_855 = arith.index_cast %add3A_852 : i32 to index
        %get3A_856 = tpu.vector_load %arg7[%get3A_855] {strides = array<i32>} : memref<25600xi32, #tpu.memory_space<vmem>>, vector<16xi32>,
        %ne3A_857 = arith.constant 0 : i32
        %ne3A_858 = vector.broadcast %ne3A_857 : i32 to vector<16xi32>
        %ne3A_859 = arith.cmpi ne, %get3A_856, %ne3A_858 : vector<16xi32>
        %convert_element_type3A_860 = arith.extui %ne3A_859 : vector<16xi1> to vector<16xi32>
        %broadcast_in_dim3A_861 = arith.constant true
        %broadcast_in_dim3A_862 = vector.broadcast %broadcast_in_dim3A_861 : i1 to vector<16xi1>
        %masked_cumsum3A_863 = tpu.scan <sum>, %convert_element_type3A_860 masked %broadcast_in_dim3A_862 : vector<16xi32>, vector<16xi1> -> vector<16xi32>
        %add3A_864 = arith.addi %add3A_850, %masked_cumsum3A_863 : vector<16xi32>
        %sub3A_865 = arith.constant 1 : i32
        %sub3A_866 = vector.broadcast %sub3A_865 : i32 to vector<16xi32>
        %sub3A_867 = arith.subi %add3A_864, %sub3A_866 : vector<16xi32>
        tpu.vector_store_idx %arg6[%sub3A_867], %get3A_854 masked %ne3A_859 : memref<25600xi32, #tpu.memory_space<vmem>>[vector<16xi32>], vector<16xi32>, vector<16xi1>
        %all_reduce_population_count3A_868 = tpu.all_reduce %ne3A_859 {dim = 0 : i64, kind = #tpu.reduction_kind<sum>} : vector<16xi1> -> vector<16xi32>
        %add3A_869 = arith.addi %add3A_850, %all_reduce_population_count3A_868 : vector<16xi32>
        %add3A_870 = arith.constant 80 : i32
        %add3A_871 = arith.addi %mul3A_771, %add3A_870 : i32
        %get3A_872 = arith.index_cast %add3A_871 : i32 to index
        %get3A_873 = tpu.vector_load %arg6[%get3A_872] {strides = array<i32>} : memref<25600xi32, #tpu.memory_space<vmem>>, vector<16xi32>,
        %get3A_874 = arith.index_cast %add3A_871 : i32 to index
        %get3A_875 = tpu.vector_load %arg7[%get3A_874] {strides = array<i32>} : memref<25600xi32, #tpu.memory_space<vmem>>, vector<16xi32>,
        %ne3A_876 = arith.constant 0 : i32
        %ne3A_877 = vector.broadcast %ne3A_876 : i32 to vector<16xi32>
        %ne3A_878 = arith.cmpi ne, %get3A_875, %ne3A_877 : vector<16xi32>
        %convert_element_type3A_879 = arith.extui %ne3A_878 : vector<16xi1> to vector<16xi32>
        %broadcast_in_dim3A_880 = arith.constant true
        %broadcast_in_dim3A_881 = vector.broadcast %broadcast_in_dim3A_880 : i1 to vector<16xi1>
        %masked_cumsum3A_882 = tpu.scan <sum>, %convert_element_type3A_879 masked %broadcast_in_dim3A_881 : vector<16xi32>, vector<16xi1> -> vector<16xi32>
        %add3A_883 = arith.addi %add3A_869, %masked_cumsum3A_882 : vector<16xi32>
        %sub3A_884 = arith.constant 1 : i32
        %sub3A_885 = vector.broadcast %sub3A_884 : i32 to vector<16xi32>
        %sub3A_886 = arith.subi %add3A_883, %sub3A_885 : vector<16xi32>
        tpu.vector_store_idx %arg6[%sub3A_886], %get3A_873 masked %ne3A_878 : memref<25600xi32, #tpu.memory_space<vmem>>[vector<16xi32>], vector<16xi32>, vector<16xi1>
        %all_reduce_population_count3A_887 = tpu.all_reduce %ne3A_878 {dim = 0 : i64, kind = #tpu.reduction_kind<sum>} : vector<16xi1> -> vector<16xi32>
        %add3A_888 = arith.addi %add3A_869, %all_reduce_population_count3A_887 : vector<16xi32>
        %add3A_889 = arith.constant 96 : i32
        %add3A_890 = arith.addi %mul3A_771, %add3A_889 : i32
        %get3A_891 = arith.index_cast %add3A_890 : i32 to index
        %get3A_892 = tpu.vector_load %arg6[%get3A_891] {strides = array<i32>} : memref<25600xi32, #tpu.memory_space<vmem>>, vector<16xi32>,
        %get3A_893 = arith.index_cast %add3A_890 : i32 to index
        %get3A_894 = tpu.vector_load %arg7[%get3A_893] {strides = array<i32>} : memref<25600xi32, #tpu.memory_space<vmem>>, vector<16xi32>,
        %ne3A_895 = arith.constant 0 : i32
        %ne3A_896 = vector.broadcast %ne3A_895 : i32 to vector<16xi32>
        %ne3A_897 = arith.cmpi ne, %get3A_894, %ne3A_896 : vector<16xi32>
        %convert_element_type3A_898 = arith.extui %ne3A_897 : vector<16xi1> to vector<16xi32>
        %broadcast_in_dim3A_899 = arith.constant true
        %broadcast_in_dim3A_900 = vector.broadcast %broadcast_in_dim3A_899 : i1 to vector<16xi1>
        %masked_cumsum3A_901 = tpu.scan <sum>, %convert_element_type3A_898 masked %broadcast_in_dim3A_900 : vector<16xi32>, vector<16xi1> -> vector<16xi32>
        %add3A_902 = arith.addi %add3A_888, %masked_cumsum3A_901 : vector<16xi32>
        %sub3A_903 = arith.constant 1 : i32
        %sub3A_904 = vector.broadcast %sub3A_903 : i32 to vector<16xi32>
        %sub3A_905 = arith.subi %add3A_902, %sub3A_904 : vector<16xi32>
        tpu.vector_store_idx %arg6[%sub3A_905], %get3A_892 masked %ne3A_897 : memref<25600xi32, #tpu.memory_space<vmem>>[vector<16xi32>], vector<16xi32>, vector<16xi1>
        %all_reduce_population_count3A_906 = tpu.all_reduce %ne3A_897 {dim = 0 : i64, kind = #tpu.reduction_kind<sum>} : vector<16xi1> -> vector<16xi32>
        %add3A_907 = arith.addi %add3A_888, %all_reduce_population_count3A_906 : vector<16xi32>
        %add3A_908 = arith.constant 112 : i32
        %add3A_909 = arith.addi %mul3A_771, %add3A_908 : i32
        %get3A_910 = arith.index_cast %add3A_909 : i32 to index
        %get3A_911 = tpu.vector_load %arg6[%get3A_910] {strides = array<i32>} : memref<25600xi32, #tpu.memory_space<vmem>>, vector<16xi32>,
        %get3A_912 = arith.index_cast %add3A_909 : i32 to index
        %get3A_913 = tpu.vector_load %arg7[%get3A_912] {strides = array<i32>} : memref<25600xi32, #tpu.memory_space<vmem>>, vector<16xi32>,
        %ne3A_914 = arith.constant 0 : i32
        %ne3A_915 = vector.broadcast %ne3A_914 : i32 to vector<16xi32>
        %ne3A_916 = arith.cmpi ne, %get3A_913, %ne3A_915 : vector<16xi32>
        %convert_element_type3A_917 = arith.extui %ne3A_916 : vector<16xi1> to vector<16xi32>
        %broadcast_in_dim3A_918 = arith.constant true
        %broadcast_in_dim3A_919 = vector.broadcast %broadcast_in_dim3A_918 : i1 to vector<16xi1>
        %masked_cumsum3A_920 = tpu.scan <sum>, %convert_element_type3A_917 masked %broadcast_in_dim3A_919 : vector<16xi32>, vector<16xi1> -> vector<16xi32>
        %add3A_921 = arith.addi %add3A_907, %masked_cumsum3A_920 : vector<16xi32>
        %sub3A_922 = arith.constant 1 : i32
        %sub3A_923 = vector.broadcast %sub3A_922 : i32 to vector<16xi32>
        %sub3A_924 = arith.subi %add3A_921, %sub3A_923 : vector<16xi32>
        tpu.vector_store_idx %arg6[%sub3A_924], %get3A_911 masked %ne3A_916 : memref<25600xi32, #tpu.memory_space<vmem>>[vector<16xi32>], vector<16xi32>, vector<16xi1>
        %all_reduce_population_count3A_925 = tpu.all_reduce %ne3A_916 {dim = 0 : i64, kind = #tpu.reduction_kind<sum>} : vector<16xi1> -> vector<16xi32>
        %add3A_926 = arith.addi %add3A_907, %all_reduce_population_count3A_925 : vector<16xi32>
        %add3A_927 = arith.constant 128 : i32
        %add3A_928 = arith.addi %mul3A_771, %add3A_927 : i32
        %get3A_929 = arith.index_cast %add3A_928 : i32 to index
        %get3A_930 = tpu.vector_load %arg6[%get3A_929] {strides = array<i32>} : memref<25600xi32, #tpu.memory_space<vmem>>, vector<16xi32>,
        %get3A_931 = arith.index_cast %add3A_928 : i32 to index
        %get3A_932 = tpu.vector_load %arg7[%get3A_931] {strides = array<i32>} : memref<25600xi32, #tpu.memory_space<vmem>>, vector<16xi32>,
        %ne3A_933 = arith.constant 0 : i32
        %ne3A_934 = vector.broadcast %ne3A_933 : i32 to vector<16xi32>
        %ne3A_935 = arith.cmpi ne, %get3A_932, %ne3A_934 : vector<16xi32>
        %convert_element_type3A_936 = arith.extui %ne3A_935 : vector<16xi1> to vector<16xi32>
        %broadcast_in_dim3A_937 = arith.constant true
        %broadcast_in_dim3A_938 = vector.broadcast %broadcast_in_dim3A_937 : i1 to vector<16xi1>
        %masked_cumsum3A_939 = tpu.scan <sum>, %convert_element_type3A_936 masked %broadcast_in_dim3A_938 : vector<16xi32>, vector<16xi1> -> vector<16xi32>
        %add3A_940 = arith.addi %add3A_926, %masked_cumsum3A_939 : vector<16xi32>
        %sub3A_941 = arith.constant 1 : i32
        %sub3A_942 = vector.broadcast %sub3A_941 : i32 to vector<16xi32>
        %sub3A_943 = arith.subi %add3A_940, %sub3A_942 : vector<16xi32>
        tpu.vector_store_idx %arg6[%sub3A_943], %get3A_930 masked %ne3A_935 : memref<25600xi32, #tpu.memory_space<vmem>>[vector<16xi32>], vector<16xi32>, vector<16xi1>
        %all_reduce_population_count3A_944 = tpu.all_reduce %ne3A_935 {dim = 0 : i64, kind = #tpu.reduction_kind<sum>} : vector<16xi1> -> vector<16xi32>
        %add3A_945 = arith.addi %add3A_926, %all_reduce_population_count3A_944 : vector<16xi32>
        %add3A_946 = arith.constant 144 : i32
        %add3A_947 = arith.addi %mul3A_771, %add3A_946 : i32
        %get3A_948 = arith.index_cast %add3A_947 : i32 to index
        %get3A_949 = tpu.vector_load %arg6[%get3A_948] {strides = array<i32>} : memref<25600xi32, #tpu.memory_space<vmem>>, vector<16xi32>,
        %get3A_950 = arith.index_cast %add3A_947 : i32 to index
        %get3A_951 = tpu.vector_load %arg7[%get3A_950] {strides = array<i32>} : memref<25600xi32, #tpu.memory_space<vmem>>, vector<16xi32>,
        %ne3A_952 = arith.constant 0 : i32
        %ne3A_953 = vector.broadcast %ne3A_952 : i32 to vector<16xi32>
        %ne3A_954 = arith.cmpi ne, %get3A_951, %ne3A_953 : vector<16xi32>
        %convert_element_type3A_955 = arith.extui %ne3A_954 : vector<16xi1> to vector<16xi32>
        %broadcast_in_dim3A_956 = arith.constant true
        %broadcast_in_dim3A_957 = vector.broadcast %broadcast_in_dim3A_956 : i1 to vector<16xi1>
        %masked_cumsum3A_958 = tpu.scan <sum>, %convert_element_type3A_955 masked %broadcast_in_dim3A_957 : vector<16xi32>, vector<16xi1> -> vector<16xi32>
        %add3A_959 = arith.addi %add3A_945, %masked_cumsum3A_958 : vector<16xi32>
        %sub3A_960 = arith.constant 1 : i32
        %sub3A_961 = vector.broadcast %sub3A_960 : i32 to vector<16xi32>
        %sub3A_962 = arith.subi %add3A_959, %sub3A_961 : vector<16xi32>
        tpu.vector_store_idx %arg6[%sub3A_962], %get3A_949 masked %ne3A_954 : memref<25600xi32, #tpu.memory_space<vmem>>[vector<16xi32>], vector<16xi32>, vector<16xi1>
        %all_reduce_population_count3A_963 = tpu.all_reduce %ne3A_954 {dim = 0 : i64, kind = #tpu.reduction_kind<sum>} : vector<16xi1> -> vector<16xi32>
        %add3A_964 = arith.addi %add3A_945, %all_reduce_population_count3A_963 : vector<16xi32>
        %add3A_965 = arith.constant 160 : i32
        %add3A_966 = arith.addi %mul3A_771, %add3A_965 : i32
        %get3A_967 = arith.index_cast %add3A_966 : i32 to index
        %get3A_968 = tpu.vector_load %arg6[%get3A_967] {strides = array<i32>} : memref<25600xi32, #tpu.memory_space<vmem>>, vector<16xi32>,
        %get3A_969 = arith.index_cast %add3A_966 : i32 to index
        %get3A_970 = tpu.vector_load %arg7[%get3A_969] {strides = array<i32>} : memref<25600xi32, #tpu.memory_space<vmem>>, vector<16xi32>,
        %ne3A_971 = arith.constant 0 : i32
        %ne3A_972 = vector.broadcast %ne3A_971 : i32 to vector<16xi32>
        %ne3A_973 = arith.cmpi ne, %get3A_970, %ne3A_972 : vector<16xi32>
        %convert_element_type3A_974 = arith.extui %ne3A_973 : vector<16xi1> to vector<16xi32>
        %broadcast_in_dim3A_975 = arith.constant true
        %broadcast_in_dim3A_976 = vector.broadcast %broadcast_in_dim3A_975 : i1 to vector<16xi1>
        %masked_cumsum3A_977 = tpu.scan <sum>, %convert_element_type3A_974 masked %broadcast_in_dim3A_976 : vector<16xi32>, vector<16xi1> -> vector<16xi32>
        %add3A_978 = arith.addi %add3A_964, %masked_cumsum3A_977 : vector<16xi32>
        %sub3A_979 = arith.constant 1 : i32
        %sub3A_980 = vector.broadcast %sub3A_979 : i32 to vector<16xi32>
        %sub3A_981 = arith.subi %add3A_978, %sub3A_980 : vector<16xi32>
        tpu.vector_store_idx %arg6[%sub3A_981], %get3A_968 masked %ne3A_973 : memref<25600xi32, #tpu.memory_space<vmem>>[vector<16xi32>], vector<16xi32>, vector<16xi1>
        %all_reduce_population_count3A_982 = tpu.all_reduce %ne3A_973 {dim = 0 : i64, kind = #tpu.reduction_kind<sum>} : vector<16xi1> -> vector<16xi32>
        %add3A_983 = arith.addi %add3A_964, %all_reduce_population_count3A_982 : vector<16xi32>
        %add3A_984 = arith.constant 176 : i32
        %add3A_985 = arith.addi %mul3A_771, %add3A_984 : i32
        %get3A_986 = arith.index_cast %add3A_985 : i32 to index
        %get3A_987 = tpu.vector_load %arg6[%get3A_986] {strides = array<i32>} : memref<25600xi32, #tpu.memory_space<vmem>>, vector<16xi32>,
        %get3A_988 = arith.index_cast %add3A_985 : i32 to index
        %get3A_989 = tpu.vector_load %arg7[%get3A_988] {strides = array<i32>} : memref<25600xi32, #tpu.memory_space<vmem>>, vector<16xi32>,
        %ne3A_990 = arith.constant 0 : i32
        %ne3A_991 = vector.broadcast %ne3A_990 : i32 to vector<16xi32>
        %ne3A_992 = arith.cmpi ne, %get3A_989, %ne3A_991 : vector<16xi32>
        %convert_element_type3A_993 = arith.extui %ne3A_992 : vector<16xi1> to vector<16xi32>
        %broadcast_in_dim3A_994 = arith.constant true
        %broadcast_in_dim3A_995 = vector.broadcast %broadcast_in_dim3A_994 : i1 to vector<16xi1>
        %masked_cumsum3A_996 = tpu.scan <sum>, %convert_element_type3A_993 masked %broadcast_in_dim3A_995 : vector<16xi32>, vector<16xi1> -> vector<16xi32>
        %add3A_997 = arith.addi %add3A_983, %masked_cumsum3A_996 : vector<16xi32>
        %sub3A_998 = arith.constant 1 : i32
        %sub3A_999 = vector.broadcast %sub3A_998 : i32 to vector<16xi32>
        %sub3A_1000 = arith.subi %add3A_997, %sub3A_999 : vector<16xi32>
        tpu.vector_store_idx %arg6[%sub3A_1000], %get3A_987 masked %ne3A_992 : memref<25600xi32, #tpu.memory_space<vmem>>[vector<16xi32>], vector<16xi32>, vector<16xi1>
        %all_reduce_population_count3A_1001 = tpu.all_reduce %ne3A_992 {dim = 0 : i64, kind = #tpu.reduction_kind<sum>} : vector<16xi1> -> vector<16xi32>
        %add3A_1002 = arith.addi %add3A_983, %all_reduce_population_count3A_1001 : vector<16xi32>
        %add3A_1003 = arith.constant 192 : i32
        %add3A_1004 = arith.addi %mul3A_771, %add3A_1003 : i32
        %get3A_1005 = arith.index_cast %add3A_1004 : i32 to index
        %get3A_1006 = tpu.vector_load %arg6[%get3A_1005] {strides = array<i32>} : memref<25600xi32, #tpu.memory_space<vmem>>, vector<16xi32>,
        %get3A_1007 = arith.index_cast %add3A_1004 : i32 to index
        %get3A_1008 = tpu.vector_load %arg7[%get3A_1007] {strides = array<i32>} : memref<25600xi32, #tpu.memory_space<vmem>>, vector<16xi32>,
        %ne3A_1009 = arith.constant 0 : i32
        %ne3A_1010 = vector.broadcast %ne3A_1009 : i32 to vector<16xi32>
        %ne3A_1011 = arith.cmpi ne, %get3A_1008, %ne3A_1010 : vector<16xi32>
        %lt3A_1012 = arith.constant 8 : i32
        %lt3A_1013 = vector.broadcast %lt3A_1012 : i32 to vector<16xi32>
        %lt3A_1014 = arith.cmpi slt, %iota3A, %lt3A_1013 : vector<16xi32>
        %and3A_1015 = arith.andi %ne3A_1011, %lt3A_1014 : vector<16xi1>
        %convert_element_type3A_1016 = arith.extui %and3A_1015 : vector<16xi1> to vector<16xi32>
        %broadcast_in_dim3A_1017 = arith.constant true
        %broadcast_in_dim3A_1018 = vector.broadcast %broadcast_in_dim3A_1017 : i1 to vector<16xi1>
        %masked_cumsum3A_1019 = tpu.scan <sum>, %convert_element_type3A_1016 masked %broadcast_in_dim3A_1018 : vector<16xi32>, vector<16xi1> -> vector<16xi32>
        %add3A_1020 = arith.addi %add3A_1002, %masked_cumsum3A_1019 : vector<16xi32>
        %sub3A_1021 = arith.constant 1 : i32
        %sub3A_1022 = vector.broadcast %sub3A_1021 : i32 to vector<16xi32>
        %sub3A_1023 = arith.subi %add3A_1020, %sub3A_1022 : vector<16xi32>
        tpu.vector_store_idx %arg6[%sub3A_1023], %get3A_1006 masked %and3A_1015 : memref<25600xi32, #tpu.memory_space<vmem>>[vector<16xi32>], vector<16xi32>, vector<16xi1>
        %all_reduce_population_count3A_1024 = tpu.all_reduce %and3A_1015 {dim = 0 : i64, kind = #tpu.reduction_kind<sum>} : vector<16xi1> -> vector<16xi32>
        %add3A_1025 = arith.addi %add3A_1002, %all_reduce_population_count3A_1024 : vector<16xi32>
        %sub3A_1026 = vector.broadcast %mul3A_771 : i32 to vector<16xi32>
        %sub3A_1027 = arith.subi %add3A_1025, %sub3A_1026 : vector<16xi32>
        %swap3A_1028 = arith.index_cast %add3A_769 : i32 to index
        %swap3A_1029 = arith.constant 0 : index
        %swap3A_1030 = tpu.vector_load %arg13[%swap3A_1028, %swap3A_1029] {strides = array<i32>} : memref<128x16xi32, #tpu.memory_space<vmem>>, vector<16xi32>,
        tpu.vector_store %arg13[%swap3A_1028, %swap3A_1029], %sub3A_1027 {strides = array<i32>} : memref<128x16xi32, #tpu.memory_space<vmem>>, vector<16xi32>,
      } else {
      }
      %add3A_303 = arith.constant 3 : i32
      %add3A_304 = arith.addi %add3A_295, %add3A_303 : i32
      %lt3A_305 = arith.constant 128 : i32
      %lt3A_306 = arith.cmpi slt, %add3A_304, %lt3A_305 : i32
      %convert_element_type3A_307 = arith.extui %lt3A_306 : i1 to i32
      %cond3A_308 = arith.constant 0 : i32
      %cond3A_309 = arith.cmpi ne, %convert_element_type3A_307, %cond3A_308 : i32
      scf.if %cond3A_309 {
        %add3A_768 = arith.constant 3 : i32
        %add3A_769 = arith.addi %add3A_295, %add3A_768 : i32
        %get3A_770 = arith.index_cast %add3A_769 : i32 to index
        %get3A_771 = arith.constant 0 : index
        %get3A_772 = tpu.vector_load %arg13[%get3A_770, %get3A_771] {strides = array<i32>} : memref<128x16xi32, #tpu.memory_space<vmem>>, vector<16xi32>,
        %slice3A_773 = vector.extract_strided_slice %get3A_772 {offsets = [0], sizes = [1], strides = [1]} : vector<16xi32> to vector<1xi32>
        %squeeze3A_774 = vector.extract %slice3A_773[0] : i32 from vector<1xi32>
        %add3A_775 = arith.constant 40 : i32
        %add3A_776 = arith.addi %squeeze3A_774, %add3A_775 : i32
        %sub3A_777 = arith.constant 1 : i32
        %sub3A_778 = arith.subi %add3A_776, %sub3A_777 : i32
        %jit3A_779 = arith.constant 40 : i32
        %div3A_780 = arith.divsi %sub3A_778, %jit3A_779 : i32
        %sign3A_781 = arith.constant 0 : i32
        %sign3A_782 = arith.cmpi sgt, %sub3A_778, %sign3A_781 : i32
        %sign3A_783 = arith.extui %sign3A_782 : i1 to i32
        %sign3A_784 = arith.constant 0 : i32
        %sign3A_785 = arith.cmpi slt, %sub3A_778, %sign3A_784 : i32
        %sign3A_786 = arith.extui %sign3A_785 : i1 to i32
        %sign3A_787 = arith.subi %sign3A_783, %sign3A_786 : i32
        %sign3A_788 = arith.constant 0 : i32
        %sign3A_789 = arith.cmpi sgt, %jit3A_779, %sign3A_788 : i32
        %sign3A_790 = arith.extui %sign3A_789 : i1 to i32
        %sign3A_791 = arith.constant 0 : i32
        %sign3A_792 = arith.cmpi slt, %jit3A_779, %sign3A_791 : i32
        %sign3A_793 = arith.extui %sign3A_792 : i1 to i32
        %sign3A_794 = arith.subi %sign3A_790, %sign3A_793 : i32
        %ne3A_795 = arith.cmpi ne, %sign3A_787, %sign3A_794 : i32
        %rem3A_796 = arith.remsi %sub3A_778, %jit3A_779 : i32
        %ne3A_797 = arith.constant 0 : i32
        %ne3A_798 = arith.cmpi ne, %rem3A_796, %ne3A_797 : i32
        %and3A_799 = arith.andi %ne3A_795, %ne3A_798 : i1
        %sub3A_800 = arith.constant 1 : i32
        %sub3A_801 = arith.subi %div3A_780, %sub3A_800 : i32
        %select_n3A_802 = arith.select %and3A_799, %sub3A_801, %div3A_780 : i32
        %while3A_803 = arith.constant 0 : i32
        %while3A_804 = arith.constant 0 : i32
        %while3A_805 = arith.subi %select_n3A_802, %while3A_804 : i32
        %while3A_806 = arith.addi %while3A_804, %while3A_805 : i32
        %while3A_807 = arith.constant 1 : i32
        %while3A_808 = arith.divsi %while3A_805, %while3A_807 : i32
        %while3A_809 = arith.muli %while3A_808, %while3A_807 : i32
        %while3A_810 = arith.addi %while3A_804, %while3A_809 : i32
        %while3A_811 = arith.constant 1 : i32
        scf.for %while3A_813 = %while3A_804 to %while3A_810 step %while3A_811  : i32 {
          %mul3A_814 = arith.constant 200 : i32
          %mul3A_815 = arith.muli %add3A_769, %mul3A_814 : i32
          %mul3A_816 = arith.constant 40 : i32
          %mul3A_817 = arith.muli %while3A_813, %mul3A_816 : i32
          %add3A_818 = arith.addi %mul3A_815, %mul3A_817 : i32
          %mul3A_819 = arith.constant 40 : i32
          %mul3A_820 = arith.muli %while3A_813, %mul3A_819 : i32
          %dma_start3A = arith.constant 0 : i32
          %dma_start3A_821 = tpu.memref_slice %arg8[%mul3A_820, %dma_start3A] : memref<200x64xf32, #tpu.memory_space<vmem>> -> memref<40x64xf32, #tpu.memory_space<vmem>>
          %dma_start3A_822 = tpu.memref_slice %arg6[%add3A_818] : memref<25600xi32, #tpu.memory_space<vmem>> -> memref<40xi32, #tpu.memory_space<vmem>>
          %dma_start3A_823 = arith.constant 0 : i32
          %dma_start3A_824 = arith.constant 0 : i32
          %dma_start3A_825 = tpu.memref_slice %arg4[%dma_start3A_823, %dma_start3A_824] : memref<100000x64xf32, #tpu.memory_space<hbm>> -> memref<100000x64xf32, #tpu.memory_space<hbm>>
          tpu.enqueue_indirect_dma source(%dma_start3A_825 : memref<100000x64xf32, #tpu.memory_space<hbm>>) target(%dma_start3A_821 : memref<40x64xf32, #tpu.memory_space<vmem>>) offsets(%dma_start3A_822 : memref<40xi32, #tpu.memory_space<vmem>>) semaphore(%arg14 : memref<!tpu.dma_semaphore, #tpu.memory_space<semaphore_mem>>)
        }
        %while3A_812 = arith.constant 1 : i32
        scf.for %while3A_813 = %while3A_810 to %while3A_806 step %while3A_812  : i32 {
          %mul3A_814 = arith.constant 200 : i32
          %mul3A_815 = arith.muli %add3A_769, %mul3A_814 : i32
          %mul3A_816 = arith.constant 40 : i32
          %mul3A_817 = arith.muli %while3A_813, %mul3A_816 : i32
          %add3A_818 = arith.addi %mul3A_815, %mul3A_817 : i32
          %mul3A_819 = arith.constant 40 : i32
          %mul3A_820 = arith.muli %while3A_813, %mul3A_819 : i32
          %dma_start3A = arith.constant 0 : i32
          %dma_start3A_821 = tpu.memref_slice %arg8[%mul3A_820, %dma_start3A] : memref<200x64xf32, #tpu.memory_space<vmem>> -> memref<40x64xf32, #tpu.memory_space<vmem>>
          %dma_start3A_822 = tpu.memref_slice %arg6[%add3A_818] : memref<25600xi32, #tpu.memory_space<vmem>> -> memref<40xi32, #tpu.memory_space<vmem>>
          %dma_start3A_823 = arith.constant 0 : i32
          %dma_start3A_824 = arith.constant 0 : i32
          %dma_start3A_825 = tpu.memref_slice %arg4[%dma_start3A_823, %dma_start3A_824] : memref<100000x64xf32, #tpu.memory_space<hbm>> -> memref<100000x64xf32, #tpu.memory_space<hbm>>
          tpu.enqueue_indirect_dma source(%dma_start3A_825 : memref<100000x64xf32, #tpu.memory_space<hbm>>) target(%dma_start3A_821 : memref<40x64xf32, #tpu.memory_space<vmem>>) offsets(%dma_start3A_822 : memref<40xi32, #tpu.memory_space<vmem>>) semaphore(%arg14 : memref<!tpu.dma_semaphore, #tpu.memory_space<semaphore_mem>>)
        }
      } else {
      }
      %get3A_310 = arith.index_cast %add3A_295 : i32 to index
      %get3A_311 = arith.constant 0 : index
      %get3A_312 = tpu.vector_load %arg13[%get3A_310, %get3A_311] {strides = array<i32>} : memref<128x16xi32, #tpu.memory_space<vmem>>, vector<16xi32>,
      %slice3A_313 = vector.extract_strided_slice %get3A_312 {offsets = [0], sizes = [1], strides = [1]} : vector<16xi32> to vector<1xi32>
      %squeeze3A_314 = vector.extract %slice3A_313[0] : i32 from vector<1xi32>
      %add3A_315 = arith.constant 40 : i32
      %add3A_316 = arith.addi %squeeze3A_314, %add3A_315 : i32
      %sub3A_317 = arith.constant 1 : i32
      %sub3A_318 = arith.subi %add3A_316, %sub3A_317 : i32
      %jit3A_319 = arith.constant 40 : i32
      %div3A_320 = arith.divsi %sub3A_318, %jit3A_319 : i32
      %sign3A_321 = arith.constant 0 : i32
      %sign3A_322 = arith.cmpi sgt, %sub3A_318, %sign3A_321 : i32
      %sign3A_323 = arith.extui %sign3A_322 : i1 to i32
      %sign3A_324 = arith.constant 0 : i32
      %sign3A_325 = arith.cmpi slt, %sub3A_318, %sign3A_324 : i32
      %sign3A_326 = arith.extui %sign3A_325 : i1 to i32
      %sign3A_327 = arith.subi %sign3A_323, %sign3A_326 : i32
      %sign3A_328 = arith.constant 0 : i32
      %sign3A_329 = arith.cmpi sgt, %jit3A_319, %sign3A_328 : i32
      %sign3A_330 = arith.extui %sign3A_329 : i1 to i32
      %sign3A_331 = arith.constant 0 : i32
      %sign3A_332 = arith.cmpi slt, %jit3A_319, %sign3A_331 : i32
      %sign3A_333 = arith.extui %sign3A_332 : i1 to i32
      %sign3A_334 = arith.subi %sign3A_330, %sign3A_333 : i32
      %ne3A_335 = arith.cmpi ne, %sign3A_327, %sign3A_334 : i32
      %rem3A_336 = arith.remsi %sub3A_318, %jit3A_319 : i32
      %ne3A_337 = arith.constant 0 : i32
      %ne3A_338 = arith.cmpi ne, %rem3A_336, %ne3A_337 : i32
      %and3A_339 = arith.andi %ne3A_335, %ne3A_338 : i1
      %sub3A_340 = arith.constant 1 : i32
      %sub3A_341 = arith.subi %div3A_320, %sub3A_340 : i32
      %select_n3A_342 = arith.select %and3A_339, %sub3A_341, %div3A_320 : i32
      %while3A_343 = arith.constant 0 : i32
      %while3A_344 = arith.constant 0 : i32
      %while3A_345 = arith.subi %select_n3A_342, %while3A_344 : i32
      %while3A_346 = arith.addi %while3A_344, %while3A_345 : i32
      %while3A_347 = arith.constant 1 : i32
      %while3A_348 = arith.divsi %while3A_345, %while3A_347 : i32
      %while3A_349 = arith.muli %while3A_348, %while3A_347 : i32
      %while3A_350 = arith.addi %while3A_344, %while3A_349 : i32
      %while3A_351 = arith.constant 1 : i32
      scf.for %while3A_768 = %while3A_344 to %while3A_350 step %while3A_351  : i32 {
        %mul3A_769 = arith.constant 200 : i32
        %mul3A_770 = arith.muli %add3A_295, %mul3A_769 : i32
        %mul3A_771 = arith.constant 40 : i32
        %mul3A_772 = arith.muli %while3A_768, %mul3A_771 : i32
        %add3A_773 = arith.addi %mul3A_770, %mul3A_772 : i32
        %mul3A_774 = arith.constant 40 : i32
        %mul3A_775 = arith.muli %while3A_768, %mul3A_774 : i32
        %dma_wait3A = arith.constant 0 : i32
        %dma_wait3A_776 = tpu.memref_slice %arg9[%mul3A_775, %dma_wait3A] : memref<200x64xf32, #tpu.memory_space<vmem>> -> memref<40x64xf32, #tpu.memory_space<vmem>>
        %dma_wait3A_777 = tpu.memref_slice %arg6[%add3A_773] : memref<25600xi32, #tpu.memory_space<vmem>> -> memref<40xi32, #tpu.memory_space<vmem>>
        %dma_wait3A_778 = arith.constant 0 : i32
        %dma_wait3A_779 = arith.constant 0 : i32
        %dma_wait3A_780 = tpu.memref_slice %arg4[%dma_wait3A_778, %dma_wait3A_779] : memref<100000x64xf32, #tpu.memory_space<hbm>> -> memref<100000x64xf32, #tpu.memory_space<hbm>>
        tpu.wait_indirect_dma semaphore(%arg15 : memref<!tpu.dma_semaphore, #tpu.memory_space<semaphore_mem>>) src(%dma_wait3A_780 : memref<100000x64xf32, #tpu.memory_space<hbm>>) dst(%dma_wait3A_776 : memref<40x64xf32, #tpu.memory_space<vmem>>)
      }
      %while3A_352 = arith.constant 1 : i32
      scf.for %while3A_768 = %while3A_350 to %while3A_346 step %while3A_352  : i32 {
        %mul3A_769 = arith.constant 200 : i32
        %mul3A_770 = arith.muli %add3A_295, %mul3A_769 : i32
        %mul3A_771 = arith.constant 40 : i32
        %mul3A_772 = arith.muli %while3A_768, %mul3A_771 : i32
        %add3A_773 = arith.addi %mul3A_770, %mul3A_772 : i32
        %mul3A_774 = arith.constant 40 : i32
        %mul3A_775 = arith.muli %while3A_768, %mul3A_774 : i32
        %dma_wait3A = arith.constant 0 : i32
        %dma_wait3A_776 = tpu.memref_slice %arg9[%mul3A_775, %dma_wait3A] : memref<200x64xf32, #tpu.memory_space<vmem>> -> memref<40x64xf32, #tpu.memory_space<vmem>>
        %dma_wait3A_777 = tpu.memref_slice %arg6[%add3A_773] : memref<25600xi32, #tpu.memory_space<vmem>> -> memref<40xi32, #tpu.memory_space<vmem>>
        %dma_wait3A_778 = arith.constant 0 : i32
        %dma_wait3A_779 = arith.constant 0 : i32
        %dma_wait3A_780 = tpu.memref_slice %arg4[%dma_wait3A_778, %dma_wait3A_779] : memref<100000x64xf32, #tpu.memory_space<hbm>> -> memref<100000x64xf32, #tpu.memory_space<hbm>>
        tpu.wait_indirect_dma semaphore(%arg15 : memref<!tpu.dma_semaphore, #tpu.memory_space<semaphore_mem>>) src(%dma_wait3A_780 : memref<100000x64xf32, #tpu.memory_space<hbm>>) dst(%dma_wait3A_776 : memref<40x64xf32, #tpu.memory_space<vmem>>)
      }
      %add3A_353 = arith.constant 7 : i32
      %add3A_354 = arith.addi %squeeze3A_314, %add3A_353 : i32
      %jit3A_355 = arith.constant 8 : i32
      %div3A_356 = arith.divsi %add3A_354, %jit3A_355 : i32
      %sign3A_357 = arith.constant 0 : i32
      %sign3A_358 = arith.cmpi sgt, %add3A_354, %sign3A_357 : i32
      %sign3A_359 = arith.extui %sign3A_358 : i1 to i32
      %sign3A_360 = arith.constant 0 : i32
      %sign3A_361 = arith.cmpi slt, %add3A_354, %sign3A_360 : i32
      %sign3A_362 = arith.extui %sign3A_361 : i1 to i32
      %sign3A_363 = arith.subi %sign3A_359, %sign3A_362 : i32
      %sign3A_364 = arith.constant 0 : i32
      %sign3A_365 = arith.cmpi sgt, %jit3A_355, %sign3A_364 : i32
      %sign3A_366 = arith.extui %sign3A_365 : i1 to i32
      %sign3A_367 = arith.constant 0 : i32
      %sign3A_368 = arith.cmpi slt, %jit3A_355, %sign3A_367 : i32
      %sign3A_369 = arith.extui %sign3A_368 : i1 to i32
      %sign3A_370 = arith.subi %sign3A_366, %sign3A_369 : i32
      %ne3A_371 = arith.cmpi ne, %sign3A_363, %sign3A_370 : i32
      %rem3A_372 = arith.remsi %add3A_354, %jit3A_355 : i32
      %ne3A_373 = arith.constant 0 : i32
      %ne3A_374 = arith.cmpi ne, %rem3A_372, %ne3A_373 : i32
      %and3A_375 = arith.andi %ne3A_371, %ne3A_374 : i1
      %sub3A_376 = arith.constant 1 : i32
      %sub3A_377 = arith.subi %div3A_356, %sub3A_376 : i32
      %select_n3A_378 = arith.select %and3A_375, %sub3A_377, %div3A_356 : i32
      %mul3A_379 = arith.constant 8 : i32
      %mul3A_380 = arith.muli %select_n3A_378, %mul3A_379 : i32
      %sub3A_381 = arith.subi %mul3A_380, %squeeze3A_314 : i32
      %while3A_382 = arith.constant 0 : i32
      %while3A_383 = arith.constant 0 : i32
      %while3A_384 = arith.subi %sub3A_381, %while3A_383 : i32
      %while3A_385 = arith.addi %while3A_383, %while3A_384 : i32
      %while3A_386 = arith.constant 1 : i32
      %while3A_387 = arith.divsi %while3A_384, %while3A_386 : i32
      %while3A_388 = arith.muli %while3A_387, %while3A_386 : i32
      %while3A_389 = arith.addi %while3A_383, %while3A_388 : i32
      %while3A_390 = arith.constant 1 : i32
      scf.for %while3A_768 = %while3A_383 to %while3A_389 step %while3A_390  : i32 {
        %add3A_769 = arith.addi %squeeze3A_314, %while3A_768 : i32
        %swap3A_770 = arith.index_cast %add3A_769 : i32 to index
        %swap3A_771 = arith.constant 0 : index
        %swap3A_772 = tpu.vector_load %arg9[%swap3A_770, %swap3A_771] {strides = array<i32>} : memref<200x64xf32, #tpu.memory_space<vmem>>, vector<16xf32>,
        tpu.vector_store %arg9[%swap3A_770, %swap3A_771], %broadcast_in_dim3A_5 {strides = array<i32>} : memref<200x64xf32, #tpu.memory_space<vmem>>, vector<16xf32>,
        %add3A_773 = arith.addi %squeeze3A_314, %while3A_768 : i32
        %swap3A_774 = arith.index_cast %add3A_773 : i32 to index
        %swap3A_775 = arith.constant 16 : index
        %swap3A_776 = tpu.vector_load %arg9[%swap3A_774, %swap3A_775] {strides = array<i32>} : memref<200x64xf32, #tpu.memory_space<vmem>>, vector<16xf32>,
        tpu.vector_store %arg9[%swap3A_774, %swap3A_775], %broadcast_in_dim3A_5 {strides = array<i32>} : memref<200x64xf32, #tpu.memory_space<vmem>>, vector<16xf32>,
        %add3A_777 = arith.addi %squeeze3A_314, %while3A_768 : i32
        %swap3A_778 = arith.index_cast %add3A_777 : i32 to index
        %swap3A_779 = arith.constant 32 : index
        %swap3A_780 = tpu.vector_load %arg9[%swap3A_778, %swap3A_779] {strides = array<i32>} : memref<200x64xf32, #tpu.memory_space<vmem>>, vector<16xf32>,
        tpu.vector_store %arg9[%swap3A_778, %swap3A_779], %broadcast_in_dim3A_5 {strides = array<i32>} : memref<200x64xf32, #tpu.memory_space<vmem>>, vector<16xf32>,
        %add3A_781 = arith.addi %squeeze3A_314, %while3A_768 : i32
        %swap3A_782 = arith.index_cast %add3A_781 : i32 to index
        %swap3A_783 = arith.constant 48 : index
        %swap3A_784 = tpu.vector_load %arg9[%swap3A_782, %swap3A_783] {strides = array<i32>} : memref<200x64xf32, #tpu.memory_space<vmem>>, vector<16xf32>,
        tpu.vector_store %arg9[%swap3A_782, %swap3A_783], %broadcast_in_dim3A_5 {strides = array<i32>} : memref<200x64xf32, #tpu.memory_space<vmem>>, vector<16xf32>,
      }
      %while3A_391 = arith.constant 1 : i32
      scf.for %while3A_768 = %while3A_389 to %while3A_385 step %while3A_391  : i32 {
        %add3A_769 = arith.addi %squeeze3A_314, %while3A_768 : i32
        %swap3A_770 = arith.index_cast %add3A_769 : i32 to index
        %swap3A_771 = arith.constant 0 : index
        %swap3A_772 = tpu.vector_load %arg9[%swap3A_770, %swap3A_771] {strides = array<i32>} : memref<200x64xf32, #tpu.memory_space<vmem>>, vector<16xf32>,
        tpu.vector_store %arg9[%swap3A_770, %swap3A_771], %broadcast_in_dim3A_5 {strides = array<i32>} : memref<200x64xf32, #tpu.memory_space<vmem>>, vector<16xf32>,
        %add3A_773 = arith.addi %squeeze3A_314, %while3A_768 : i32
        %swap3A_774 = arith.index_cast %add3A_773 : i32 to index
        %swap3A_775 = arith.constant 16 : index
        %swap3A_776 = tpu.vector_load %arg9[%swap3A_774, %swap3A_775] {strides = array<i32>} : memref<200x64xf32, #tpu.memory_space<vmem>>, vector<16xf32>,
        tpu.vector_store %arg9[%swap3A_774, %swap3A_775], %broadcast_in_dim3A_5 {strides = array<i32>} : memref<200x64xf32, #tpu.memory_space<vmem>>, vector<16xf32>,
        %add3A_777 = arith.addi %squeeze3A_314, %while3A_768 : i32
        %swap3A_778 = arith.index_cast %add3A_777 : i32 to index
        %swap3A_779 = arith.constant 32 : index
        %swap3A_780 = tpu.vector_load %arg9[%swap3A_778, %swap3A_779] {strides = array<i32>} : memref<200x64xf32, #tpu.memory_space<vmem>>, vector<16xf32>,
        tpu.vector_store %arg9[%swap3A_778, %swap3A_779], %broadcast_in_dim3A_5 {strides = array<i32>} : memref<200x64xf32, #tpu.memory_space<vmem>>, vector<16xf32>,
        %add3A_781 = arith.addi %squeeze3A_314, %while3A_768 : i32
        %swap3A_782 = arith.index_cast %add3A_781 : i32 to index
        %swap3A_783 = arith.constant 48 : index
        %swap3A_784 = tpu.vector_load %arg9[%swap3A_782, %swap3A_783] {strides = array<i32>} : memref<200x64xf32, #tpu.memory_space<vmem>>, vector<16xf32>,
        tpu.vector_store %arg9[%swap3A_782, %swap3A_783], %broadcast_in_dim3A_5 {strides = array<i32>} : memref<200x64xf32, #tpu.memory_space<vmem>>, vector<16xf32>,
      }
      %jit3A_392 = arith.constant 8 : i32
      %div3A_393 = arith.divsi %mul3A_380, %jit3A_392 : i32
      %sign3A_394 = arith.constant 0 : i32
      %sign3A_395 = arith.cmpi sgt, %mul3A_380, %sign3A_394 : i32
      %sign3A_396 = arith.extui %sign3A_395 : i1 to i32
      %sign3A_397 = arith.constant 0 : i32
      %sign3A_398 = arith.cmpi slt, %mul3A_380, %sign3A_397 : i32
      %sign3A_399 = arith.extui %sign3A_398 : i1 to i32
      %sign3A_400 = arith.subi %sign3A_396, %sign3A_399 : i32
      %sign3A_401 = arith.constant 0 : i32
      %sign3A_402 = arith.cmpi sgt, %jit3A_392, %sign3A_401 : i32
      %sign3A_403 = arith.extui %sign3A_402 : i1 to i32
      %sign3A_404 = arith.constant 0 : i32
      %sign3A_405 = arith.cmpi slt, %jit3A_392, %sign3A_404 : i32
      %sign3A_406 = arith.extui %sign3A_405 : i1 to i32
      %sign3A_407 = arith.subi %sign3A_403, %sign3A_406 : i32
      %ne3A_408 = arith.cmpi ne, %sign3A_400, %sign3A_407 : i32
      %rem3A_409 = arith.remsi %mul3A_380, %jit3A_392 : i32
      %ne3A_410 = arith.constant 0 : i32
      %ne3A_411 = arith.cmpi ne, %rem3A_409, %ne3A_410 : i32
      %and3A_412 = arith.andi %ne3A_408, %ne3A_411 : i1
      %sub3A_413 = arith.constant 1 : i32
      %sub3A_414 = arith.subi %div3A_393, %sub3A_413 : i32
      %select_n3A_415 = arith.select %and3A_412, %sub3A_414, %div3A_393 : i32
      %while3A_416 = arith.constant 0 : i32
      %while3A_417 = arith.subi %select_n3A_415, %while3A_416 : i32
      %while3A_418 = arith.addi %while3A_416, %while3A_417 : i32
      %while3A_419 = arith.constant 1 : i32
      %while3A_420 = arith.divsi %while3A_417, %while3A_419 : i32
      %while3A_421 = arith.muli %while3A_420, %while3A_419 : i32
      %while3A_422 = arith.addi %while3A_416, %while3A_421 : i32
      %while3A_423 = arith.constant 1 : i32
      %while3A_424:4 = scf.for %while3A_768 = %while3A_416 to %while3A_422 step %while3A_423 iter_args(%while3A_769 = %broadcast_in_dim3A_5, %while3A_770 = %broadcast_in_dim3A_5, %while3A_771 = %broadcast_in_dim3A_5, %while3A_772 = %broadcast_in_dim3A_5) -> (vector<16xf32>, vector<16xf32>, vector<16xf32>, vector<16xf32>)  : i32 {
        %mul3A_773 = arith.constant 8 : i32
        %mul3A_774 = arith.muli %while3A_768, %mul3A_773 : i32
        %add3A_775 = arith.constant 0 : i32
        %add3A_776 = arith.addi %mul3A_774, %add3A_775 : i32
        %get3A_777 = arith.index_cast %add3A_776 : i32 to index
        %get3A_778 = arith.constant 0 : index
        %get3A_779 = tpu.vector_load %arg9[%get3A_777, %get3A_778] {strides = array<i32>} : memref<200x64xf32, #tpu.memory_space<vmem>>, vector<16xf32>,
        %add3A_780 = arith.addf %while3A_769, %get3A_779 : vector<16xf32>
        %get3A_781 = arith.index_cast %add3A_776 : i32 to index
        %get3A_782 = arith.constant 16 : index
        %get3A_783 = tpu.vector_load %arg9[%get3A_781, %get3A_782] {strides = array<i32>} : memref<200x64xf32, #tpu.memory_space<vmem>>, vector<16xf32>,
        %add3A_784 = arith.addf %while3A_770, %get3A_783 : vector<16xf32>
        %get3A_785 = arith.index_cast %add3A_776 : i32 to index
        %get3A_786 = arith.constant 32 : index
        %get3A_787 = tpu.vector_load %arg9[%get3A_785, %get3A_786] {strides = array<i32>} : memref<200x64xf32, #tpu.memory_space<vmem>>, vector<16xf32>,
        %add3A_788 = arith.addf %while3A_771, %get3A_787 : vector<16xf32>
        %get3A_789 = arith.index_cast %add3A_776 : i32 to index
        %get3A_790 = arith.constant 48 : index
        %get3A_791 = tpu.vector_load %arg9[%get3A_789, %get3A_790] {strides = array<i32>} : memref<200x64xf32, #tpu.memory_space<vmem>>, vector<16xf32>,
        %add3A_792 = arith.addf %while3A_772, %get3A_791 : vector<16xf32>
        %mul3A_793 = arith.constant 8 : i32
        %mul3A_794 = arith.muli %while3A_768, %mul3A_793 : i32
        %add3A_795 = arith.constant 1 : i32
        %add3A_796 = arith.addi %mul3A_794, %add3A_795 : i32
        %get3A_797 = arith.index_cast %add3A_796 : i32 to index
        %get3A_798 = arith.constant 0 : index
        %get3A_799 = tpu.vector_load %arg9[%get3A_797, %get3A_798] {strides = array<i32>} : memref<200x64xf32, #tpu.memory_space<vmem>>, vector<16xf32>,
        %add3A_800 = arith.addf %add3A_780, %get3A_799 : vector<16xf32>
        %get3A_801 = arith.index_cast %add3A_796 : i32 to index
        %get3A_802 = arith.constant 16 : index
        %get3A_803 = tpu.vector_load %arg9[%get3A_801, %get3A_802] {strides = array<i32>} : memref<200x64xf32, #tpu.memory_space<vmem>>, vector<16xf32>,
        %add3A_804 = arith.addf %add3A_784, %get3A_803 : vector<16xf32>
        %get3A_805 = arith.index_cast %add3A_796 : i32 to index
        %get3A_806 = arith.constant 32 : index
        %get3A_807 = tpu.vector_load %arg9[%get3A_805, %get3A_806] {strides = array<i32>} : memref<200x64xf32, #tpu.memory_space<vmem>>, vector<16xf32>,
        %add3A_808 = arith.addf %add3A_788, %get3A_807 : vector<16xf32>
        %get3A_809 = arith.index_cast %add3A_796 : i32 to index
        %get3A_810 = arith.constant 48 : index
        %get3A_811 = tpu.vector_load %arg9[%get3A_809, %get3A_810] {strides = array<i32>} : memref<200x64xf32, #tpu.memory_space<vmem>>, vector<16xf32>,
        %add3A_812 = arith.addf %add3A_792, %get3A_811 : vector<16xf32>
        %mul3A_813 = arith.constant 8 : i32
        %mul3A_814 = arith.muli %while3A_768, %mul3A_813 : i32
        %add3A_815 = arith.constant 2 : i32
        %add3A_816 = arith.addi %mul3A_814, %add3A_815 : i32
        %get3A_817 = arith.index_cast %add3A_816 : i32 to index
        %get3A_818 = arith.constant 0 : index
        %get3A_819 = tpu.vector_load %arg9[%get3A_817, %get3A_818] {strides = array<i32>} : memref<200x64xf32, #tpu.memory_space<vmem>>, vector<16xf32>,
        %add3A_820 = arith.addf %add3A_800, %get3A_819 : vector<16xf32>
        %get3A_821 = arith.index_cast %add3A_816 : i32 to index
        %get3A_822 = arith.constant 16 : index
        %get3A_823 = tpu.vector_load %arg9[%get3A_821, %get3A_822] {strides = array<i32>} : memref<200x64xf32, #tpu.memory_space<vmem>>, vector<16xf32>,
        %add3A_824 = arith.addf %add3A_804, %get3A_823 : vector<16xf32>
        %get3A_825 = arith.index_cast %add3A_816 : i32 to index
        %get3A_826 = arith.constant 32 : index
        %get3A_827 = tpu.vector_load %arg9[%get3A_825, %get3A_826] {strides = array<i32>} : memref<200x64xf32, #tpu.memory_space<vmem>>, vector<16xf32>,
        %add3A_828 = arith.addf %add3A_808, %get3A_827 : vector<16xf32>
        %get3A_829 = arith.index_cast %add3A_816 : i32 to index
        %get3A_830 = arith.constant 48 : index
        %get3A_831 = tpu.vector_load %arg9[%get3A_829, %get3A_830] {strides = array<i32>} : memref<200x64xf32, #tpu.memory_space<vmem>>, vector<16xf32>,
        %add3A_832 = arith.addf %add3A_812, %get3A_831 : vector<16xf32>
        %mul3A_833 = arith.constant 8 : i32
        %mul3A_834 = arith.muli %while3A_768, %mul3A_833 : i32
        %add3A_835 = arith.constant 3 : i32
        %add3A_836 = arith.addi %mul3A_834, %add3A_835 : i32
        %get3A_837 = arith.index_cast %add3A_836 : i32 to index
        %get3A_838 = arith.constant 0 : index
        %get3A_839 = tpu.vector_load %arg9[%get3A_837, %get3A_838] {strides = array<i32>} : memref<200x64xf32, #tpu.memory_space<vmem>>, vector<16xf32>,
        %add3A_840 = arith.addf %add3A_820, %get3A_839 : vector<16xf32>
        %get3A_841 = arith.index_cast %add3A_836 : i32 to index
        %get3A_842 = arith.constant 16 : index
        %get3A_843 = tpu.vector_load %arg9[%get3A_841, %get3A_842] {strides = array<i32>} : memref<200x64xf32, #tpu.memory_space<vmem>>, vector<16xf32>,
        %add3A_844 = arith.addf %add3A_824, %get3A_843 : vector<16xf32>
        %get3A_845 = arith.index_cast %add3A_836 : i32 to index
        %get3A_846 = arith.constant 32 : index
        %get3A_847 = tpu.vector_load %arg9[%get3A_845, %get3A_846] {strides = array<i32>} : memref<200x64xf32, #tpu.memory_space<vmem>>, vector<16xf32>,
        %add3A_848 = arith.addf %add3A_828, %get3A_847 : vector<16xf32>
        %get3A_849 = arith.index_cast %add3A_836 : i32 to index
        %get3A_850 = arith.constant 48 : index
        %get3A_851 = tpu.vector_load %arg9[%get3A_849, %get3A_850] {strides = array<i32>} : memref<200x64xf32, #tpu.memory_space<vmem>>, vector<16xf32>,
        %add3A_852 = arith.addf %add3A_832, %get3A_851 : vector<16xf32>
        %mul3A_853 = arith.constant 8 : i32
        %mul3A_854 = arith.muli %while3A_768, %mul3A_853 : i32
        %add3A_855 = arith.constant 4 : i32
        %add3A_856 = arith.addi %mul3A_854, %add3A_855 : i32
        %get3A_857 = arith.index_cast %add3A_856 : i32 to index
        %get3A_858 = arith.constant 0 : index
        %get3A_859 = tpu.vector_load %arg9[%get3A_857, %get3A_858] {strides = array<i32>} : memref<200x64xf32, #tpu.memory_space<vmem>>, vector<16xf32>,
        %add3A_860 = arith.addf %add3A_840, %get3A_859 : vector<16xf32>
        %get3A_861 = arith.index_cast %add3A_856 : i32 to index
        %get3A_862 = arith.constant 16 : index
        %get3A_863 = tpu.vector_load %arg9[%get3A_861, %get3A_862] {strides = array<i32>} : memref<200x64xf32, #tpu.memory_space<vmem>>, vector<16xf32>,
        %add3A_864 = arith.addf %add3A_844, %get3A_863 : vector<16xf32>
        %get3A_865 = arith.index_cast %add3A_856 : i32 to index
        %get3A_866 = arith.constant 32 : index
        %get3A_867 = tpu.vector_load %arg9[%get3A_865, %get3A_866] {strides = array<i32>} : memref<200x64xf32, #tpu.memory_space<vmem>>, vector<16xf32>,
        %add3A_868 = arith.addf %add3A_848, %get3A_867 : vector<16xf32>
        %get3A_869 = arith.index_cast %add3A_856 : i32 to index
        %get3A_870 = arith.constant 48 : index
        %get3A_871 = tpu.vector_load %arg9[%get3A_869, %get3A_870] {strides = array<i32>} : memref<200x64xf32, #tpu.memory_space<vmem>>, vector<16xf32>,
        %add3A_872 = arith.addf %add3A_852, %get3A_871 : vector<16xf32>
        %mul3A_873 = arith.constant 8 : i32
        %mul3A_874 = arith.muli %while3A_768, %mul3A_873 : i32
        %add3A_875 = arith.constant 5 : i32
        %add3A_876 = arith.addi %mul3A_874, %add3A_875 : i32
        %get3A_877 = arith.index_cast %add3A_876 : i32 to index
        %get3A_878 = arith.constant 0 : index
        %get3A_879 = tpu.vector_load %arg9[%get3A_877, %get3A_878] {strides = array<i32>} : memref<200x64xf32, #tpu.memory_space<vmem>>, vector<16xf32>,
        %add3A_880 = arith.addf %add3A_860, %get3A_879 : vector<16xf32>
        %get3A_881 = arith.index_cast %add3A_876 : i32 to index
        %get3A_882 = arith.constant 16 : index
        %get3A_883 = tpu.vector_load %arg9[%get3A_881, %get3A_882] {strides = array<i32>} : memref<200x64xf32, #tpu.memory_space<vmem>>, vector<16xf32>,
        %add3A_884 = arith.addf %add3A_864, %get3A_883 : vector<16xf32>
        %get3A_885 = arith.index_cast %add3A_876 : i32 to index
        %get3A_886 = arith.constant 32 : index
        %get3A_887 = tpu.vector_load %arg9[%get3A_885, %get3A_886] {strides = array<i32>} : memref<200x64xf32, #tpu.memory_space<vmem>>, vector<16xf32>,
        %add3A_888 = arith.addf %add3A_868, %get3A_887 : vector<16xf32>
        %get3A_889 = arith.index_cast %add3A_876 : i32 to index
        %get3A_890 = arith.constant 48 : index
        %get3A_891 = tpu.vector_load %arg9[%get3A_889, %get3A_890] {strides = array<i32>} : memref<200x64xf32, #tpu.memory_space<vmem>>, vector<16xf32>,
        %add3A_892 = arith.addf %add3A_872, %get3A_891 : vector<16xf32>
        %mul3A_893 = arith.constant 8 : i32
        %mul3A_894 = arith.muli %while3A_768, %mul3A_893 : i32
        %add3A_895 = arith.constant 6 : i32
        %add3A_896 = arith.addi %mul3A_894, %add3A_895 : i32
        %get3A_897 = arith.index_cast %add3A_896 : i32 to index
        %get3A_898 = arith.constant 0 : index
        %get3A_899 = tpu.vector_load %arg9[%get3A_897, %get3A_898] {strides = array<i32>} : memref<200x64xf32, #tpu.memory_space<vmem>>, vector<16xf32>,
        %add3A_900 = arith.addf %add3A_880, %get3A_899 : vector<16xf32>
        %get3A_901 = arith.index_cast %add3A_896 : i32 to index
        %get3A_902 = arith.constant 16 : index
        %get3A_903 = tpu.vector_load %arg9[%get3A_901, %get3A_902] {strides = array<i32>} : memref<200x64xf32, #tpu.memory_space<vmem>>, vector<16xf32>,
        %add3A_904 = arith.addf %add3A_884, %get3A_903 : vector<16xf32>
        %get3A_905 = arith.index_cast %add3A_896 : i32 to index
        %get3A_906 = arith.constant 32 : index
        %get3A_907 = tpu.vector_load %arg9[%get3A_905, %get3A_906] {strides = array<i32>} : memref<200x64xf32, #tpu.memory_space<vmem>>, vector<16xf32>,
        %add3A_908 = arith.addf %add3A_888, %get3A_907 : vector<16xf32>
        %get3A_909 = arith.index_cast %add3A_896 : i32 to index
        %get3A_910 = arith.constant 48 : index
        %get3A_911 = tpu.vector_load %arg9[%get3A_909, %get3A_910] {strides = array<i32>} : memref<200x64xf32, #tpu.memory_space<vmem>>, vector<16xf32>,
        %add3A_912 = arith.addf %add3A_892, %get3A_911 : vector<16xf32>
        %mul3A_913 = arith.constant 8 : i32
        %mul3A_914 = arith.muli %while3A_768, %mul3A_913 : i32
        %add3A_915 = arith.constant 7 : i32
        %add3A_916 = arith.addi %mul3A_914, %add3A_915 : i32
        %get3A_917 = arith.index_cast %add3A_916 : i32 to index
        %get3A_918 = arith.constant 0 : index
        %get3A_919 = tpu.vector_load %arg9[%get3A_917, %get3A_918] {strides = array<i32>} : memref<200x64xf32, #tpu.memory_space<vmem>>, vector<16xf32>,
        %add3A_920 = arith.addf %add3A_900, %get3A_919 : vector<16xf32>
        %get3A_921 = arith.index_cast %add3A_916 : i32 to index
        %get3A_922 = arith.constant 16 : index
        %get3A_923 = tpu.vector_load %arg9[%get3A_921, %get3A_922] {strides = array<i32>} : memref<200x64xf32, #tpu.memory_space<vmem>>, vector<16xf32>,
        %add3A_924 = arith.addf %add3A_904, %get3A_923 : vector<16xf32>
        %get3A_925 = arith.index_cast %add3A_916 : i32 to index
        %get3A_926 = arith.constant 32 : index
        %get3A_927 = tpu.vector_load %arg9[%get3A_925, %get3A_926] {strides = array<i32>} : memref<200x64xf32, #tpu.memory_space<vmem>>, vector<16xf32>,
        %add3A_928 = arith.addf %add3A_908, %get3A_927 : vector<16xf32>
        %get3A_929 = arith.index_cast %add3A_916 : i32 to index
        %get3A_930 = arith.constant 48 : index
        %get3A_931 = tpu.vector_load %arg9[%get3A_929, %get3A_930] {strides = array<i32>} : memref<200x64xf32, #tpu.memory_space<vmem>>, vector<16xf32>,
        %add3A_932 = arith.addf %add3A_912, %get3A_931 : vector<16xf32>
        scf.yield %add3A_920, %add3A_924, %add3A_928, %add3A_932 : vector<16xf32>, vector<16xf32>, vector<16xf32>, vector<16xf32>
      }
      %while3A_425 = arith.constant 1 : i32
      %while3A_426:4 = scf.for %while3A_768 = %while3A_422 to %while3A_418 step %while3A_425 iter_args(%while3A_769 = %while3A_424#0, %while3A_770 = %while3A_424#1, %while3A_771 = %while3A_424#2, %while3A_772 = %while3A_424#3) -> (vector<16xf32>, vector<16xf32>, vector<16xf32>, vector<16xf32>)  : i32 {
        %mul3A_773 = arith.constant 8 : i32
        %mul3A_774 = arith.muli %while3A_768, %mul3A_773 : i32
        %add3A_775 = arith.constant 0 : i32
        %add3A_776 = arith.addi %mul3A_774, %add3A_775 : i32
        %get3A_777 = arith.index_cast %add3A_776 : i32 to index
        %get3A_778 = arith.constant 0 : index
        %get3A_779 = tpu.vector_load %arg9[%get3A_777, %get3A_778] {strides = array<i32>} : memref<200x64xf32, #tpu.memory_space<vmem>>, vector<16xf32>,
        %add3A_780 = arith.addf %while3A_769, %get3A_779 : vector<16xf32>
        %get3A_781 = arith.index_cast %add3A_776 : i32 to index
        %get3A_782 = arith.constant 16 : index
        %get3A_783 = tpu.vector_load %arg9[%get3A_781, %get3A_782] {strides = array<i32>} : memref<200x64xf32, #tpu.memory_space<vmem>>, vector<16xf32>,
        %add3A_784 = arith.addf %while3A_770, %get3A_783 : vector<16xf32>
        %get3A_785 = arith.index_cast %add3A_776 : i32 to index
        %get3A_786 = arith.constant 32 : index
        %get3A_787 = tpu.vector_load %arg9[%get3A_785, %get3A_786] {strides = array<i32>} : memref<200x64xf32, #tpu.memory_space<vmem>>, vector<16xf32>,
        %add3A_788 = arith.addf %while3A_771, %get3A_787 : vector<16xf32>
        %get3A_789 = arith.index_cast %add3A_776 : i32 to index
        %get3A_790 = arith.constant 48 : index
        %get3A_791 = tpu.vector_load %arg9[%get3A_789, %get3A_790] {strides = array<i32>} : memref<200x64xf32, #tpu.memory_space<vmem>>, vector<16xf32>,
        %add3A_792 = arith.addf %while3A_772, %get3A_791 : vector<16xf32>
        %mul3A_793 = arith.constant 8 : i32
        %mul3A_794 = arith.muli %while3A_768, %mul3A_793 : i32
        %add3A_795 = arith.constant 1 : i32
        %add3A_796 = arith.addi %mul3A_794, %add3A_795 : i32
        %get3A_797 = arith.index_cast %add3A_796 : i32 to index
        %get3A_798 = arith.constant 0 : index
        %get3A_799 = tpu.vector_load %arg9[%get3A_797, %get3A_798] {strides = array<i32>} : memref<200x64xf32, #tpu.memory_space<vmem>>, vector<16xf32>,
        %add3A_800 = arith.addf %add3A_780, %get3A_799 : vector<16xf32>
        %get3A_801 = arith.index_cast %add3A_796 : i32 to index
        %get3A_802 = arith.constant 16 : index
        %get3A_803 = tpu.vector_load %arg9[%get3A_801, %get3A_802] {strides = array<i32>} : memref<200x64xf32, #tpu.memory_space<vmem>>, vector<16xf32>,
        %add3A_804 = arith.addf %add3A_784, %get3A_803 : vector<16xf32>
        %get3A_805 = arith.index_cast %add3A_796 : i32 to index
        %get3A_806 = arith.constant 32 : index
        %get3A_807 = tpu.vector_load %arg9[%get3A_805, %get3A_806] {strides = array<i32>} : memref<200x64xf32, #tpu.memory_space<vmem>>, vector<16xf32>,
        %add3A_808 = arith.addf %add3A_788, %get3A_807 : vector<16xf32>
        %get3A_809 = arith.index_cast %add3A_796 : i32 to index
        %get3A_810 = arith.constant 48 : index
        %get3A_811 = tpu.vector_load %arg9[%get3A_809, %get3A_810] {strides = array<i32>} : memref<200x64xf32, #tpu.memory_space<vmem>>, vector<16xf32>,
        %add3A_812 = arith.addf %add3A_792, %get3A_811 : vector<16xf32>
        %mul3A_813 = arith.constant 8 : i32
        %mul3A_814 = arith.muli %while3A_768, %mul3A_813 : i32
        %add3A_815 = arith.constant 2 : i32
        %add3A_816 = arith.addi %mul3A_814, %add3A_815 : i32
        %get3A_817 = arith.index_cast %add3A_816 : i32 to index
        %get3A_818 = arith.constant 0 : index
        %get3A_819 = tpu.vector_load %arg9[%get3A_817, %get3A_818] {strides = array<i32>} : memref<200x64xf32, #tpu.memory_space<vmem>>, vector<16xf32>,
        %add3A_820 = arith.addf %add3A_800, %get3A_819 : vector<16xf32>
        %get3A_821 = arith.index_cast %add3A_816 : i32 to index
        %get3A_822 = arith.constant 16 : index
        %get3A_823 = tpu.vector_load %arg9[%get3A_821, %get3A_822] {strides = array<i32>} : memref<200x64xf32, #tpu.memory_space<vmem>>, vector<16xf32>,
        %add3A_824 = arith.addf %add3A_804, %get3A_823 : vector<16xf32>
        %get3A_825 = arith.index_cast %add3A_816 : i32 to index
        %get3A_826 = arith.constant 32 : index
        %get3A_827 = tpu.vector_load %arg9[%get3A_825, %get3A_826] {strides = array<i32>} : memref<200x64xf32, #tpu.memory_space<vmem>>, vector<16xf32>,
        %add3A_828 = arith.addf %add3A_808, %get3A_827 : vector<16xf32>
        %get3A_829 = arith.index_cast %add3A_816 : i32 to index
        %get3A_830 = arith.constant 48 : index
        %get3A_831 = tpu.vector_load %arg9[%get3A_829, %get3A_830] {strides = array<i32>} : memref<200x64xf32, #tpu.memory_space<vmem>>, vector<16xf32>,
        %add3A_832 = arith.addf %add3A_812, %get3A_831 : vector<16xf32>
        %mul3A_833 = arith.constant 8 : i32
        %mul3A_834 = arith.muli %while3A_768, %mul3A_833 : i32
        %add3A_835 = arith.constant 3 : i32
        %add3A_836 = arith.addi %mul3A_834, %add3A_835 : i32
        %get3A_837 = arith.index_cast %add3A_836 : i32 to index
        %get3A_838 = arith.constant 0 : index
        %get3A_839 = tpu.vector_load %arg9[%get3A_837, %get3A_838] {strides = array<i32>} : memref<200x64xf32, #tpu.memory_space<vmem>>, vector<16xf32>,
        %add3A_840 = arith.addf %add3A_820, %get3A_839 : vector<16xf32>
        %get3A_841 = arith.index_cast %add3A_836 : i32 to index
        %get3A_842 = arith.constant 16 : index
        %get3A_843 = tpu.vector_load %arg9[%get3A_841, %get3A_842] {strides = array<i32>} : memref<200x64xf32, #tpu.memory_space<vmem>>, vector<16xf32>,
        %add3A_844 = arith.addf %add3A_824, %get3A_843 : vector<16xf32>
        %get3A_845 = arith.index_cast %add3A_836 : i32 to index
        %get3A_846 = arith.constant 32 : index
        %get3A_847 = tpu.vector_load %arg9[%get3A_845, %get3A_846] {strides = array<i32>} : memref<200x64xf32, #tpu.memory_space<vmem>>, vector<16xf32>,
        %add3A_848 = arith.addf %add3A_828, %get3A_847 : vector<16xf32>
        %get3A_849 = arith.index_cast %add3A_836 : i32 to index
        %get3A_850 = arith.constant 48 : index
        %get3A_851 = tpu.vector_load %arg9[%get3A_849, %get3A_850] {strides = array<i32>} : memref<200x64xf32, #tpu.memory_space<vmem>>, vector<16xf32>,
        %add3A_852 = arith.addf %add3A_832, %get3A_851 : vector<16xf32>
        %mul3A_853 = arith.constant 8 : i32
        %mul3A_854 = arith.muli %while3A_768, %mul3A_853 : i32
        %add3A_855 = arith.constant 4 : i32
        %add3A_856 = arith.addi %mul3A_854, %add3A_855 : i32
        %get3A_857 = arith.index_cast %add3A_856 : i32 to index
        %get3A_858 = arith.constant 0 : index
        %get3A_859 = tpu.vector_load %arg9[%get3A_857, %get3A_858] {strides = array<i32>} : memref<200x64xf32, #tpu.memory_space<vmem>>, vector<16xf32>,
        %add3A_860 = arith.addf %add3A_840, %get3A_859 : vector<16xf32>
        %get3A_861 = arith.index_cast %add3A_856 : i32 to index
        %get3A_862 = arith.constant 16 : index
        %get3A_863 = tpu.vector_load %arg9[%get3A_861, %get3A_862] {strides = array<i32>} : memref<200x64xf32, #tpu.memory_space<vmem>>, vector<16xf32>,
        %add3A_864 = arith.addf %add3A_844, %get3A_863 : vector<16xf32>
        %get3A_865 = arith.index_cast %add3A_856 : i32 to index
        %get3A_866 = arith.constant 32 : index
        %get3A_867 = tpu.vector_load %arg9[%get3A_865, %get3A_866] {strides = array<i32>} : memref<200x64xf32, #tpu.memory_space<vmem>>, vector<16xf32>,
        %add3A_868 = arith.addf %add3A_848, %get3A_867 : vector<16xf32>
        %get3A_869 = arith.index_cast %add3A_856 : i32 to index
        %get3A_870 = arith.constant 48 : index
        %get3A_871 = tpu.vector_load %arg9[%get3A_869, %get3A_870] {strides = array<i32>} : memref<200x64xf32, #tpu.memory_space<vmem>>, vector<16xf32>,
        %add3A_872 = arith.addf %add3A_852, %get3A_871 : vector<16xf32>
        %mul3A_873 = arith.constant 8 : i32
        %mul3A_874 = arith.muli %while3A_768, %mul3A_873 : i32
        %add3A_875 = arith.constant 5 : i32
        %add3A_876 = arith.addi %mul3A_874, %add3A_875 : i32
        %get3A_877 = arith.index_cast %add3A_876 : i32 to index
        %get3A_878 = arith.constant 0 : index
        %get3A_879 = tpu.vector_load %arg9[%get3A_877, %get3A_878] {strides = array<i32>} : memref<200x64xf32, #tpu.memory_space<vmem>>, vector<16xf32>,
        %add3A_880 = arith.addf %add3A_860, %get3A_879 : vector<16xf32>
        %get3A_881 = arith.index_cast %add3A_876 : i32 to index
        %get3A_882 = arith.constant 16 : index
        %get3A_883 = tpu.vector_load %arg9[%get3A_881, %get3A_882] {strides = array<i32>} : memref<200x64xf32, #tpu.memory_space<vmem>>, vector<16xf32>,
        %add3A_884 = arith.addf %add3A_864, %get3A_883 : vector<16xf32>
        %get3A_885 = arith.index_cast %add3A_876 : i32 to index
        %get3A_886 = arith.constant 32 : index
        %get3A_887 = tpu.vector_load %arg9[%get3A_885, %get3A_886] {strides = array<i32>} : memref<200x64xf32, #tpu.memory_space<vmem>>, vector<16xf32>,
        %add3A_888 = arith.addf %add3A_868, %get3A_887 : vector<16xf32>
        %get3A_889 = arith.index_cast %add3A_876 : i32 to index
        %get3A_890 = arith.constant 48 : index
        %get3A_891 = tpu.vector_load %arg9[%get3A_889, %get3A_890] {strides = array<i32>} : memref<200x64xf32, #tpu.memory_space<vmem>>, vector<16xf32>,
        %add3A_892 = arith.addf %add3A_872, %get3A_891 : vector<16xf32>
        %mul3A_893 = arith.constant 8 : i32
        %mul3A_894 = arith.muli %while3A_768, %mul3A_893 : i32
        %add3A_895 = arith.constant 6 : i32
        %add3A_896 = arith.addi %mul3A_894, %add3A_895 : i32
        %get3A_897 = arith.index_cast %add3A_896 : i32 to index
        %get3A_898 = arith.constant 0 : index
        %get3A_899 = tpu.vector_load %arg9[%get3A_897, %get3A_898] {strides = array<i32>} : memref<200x64xf32, #tpu.memory_space<vmem>>, vector<16xf32>,
        %add3A_900 = arith.addf %add3A_880, %get3A_899 : vector<16xf32>
        %get3A_901 = arith.index_cast %add3A_896 : i32 to index
        %get3A_902 = arith.constant 16 : index
        %get3A_903 = tpu.vector_load %arg9[%get3A_901, %get3A_902] {strides = array<i32>} : memref<200x64xf32, #tpu.memory_space<vmem>>, vector<16xf32>,
        %add3A_904 = arith.addf %add3A_884, %get3A_903 : vector<16xf32>
        %get3A_905 = arith.index_cast %add3A_896 : i32 to index
        %get3A_906 = arith.constant 32 : index
        %get3A_907 = tpu.vector_load %arg9[%get3A_905, %get3A_906] {strides = array<i32>} : memref<200x64xf32, #tpu.memory_space<vmem>>, vector<16xf32>,
        %add3A_908 = arith.addf %add3A_888, %get3A_907 : vector<16xf32>
        %get3A_909 = arith.index_cast %add3A_896 : i32 to index
        %get3A_910 = arith.constant 48 : index
        %get3A_911 = tpu.vector_load %arg9[%get3A_909, %get3A_910] {strides = array<i32>} : memref<200x64xf32, #tpu.memory_space<vmem>>, vector<16xf32>,
        %add3A_912 = arith.addf %add3A_892, %get3A_911 : vector<16xf32>
        %mul3A_913 = arith.constant 8 : i32
        %mul3A_914 = arith.muli %while3A_768, %mul3A_913 : i32
        %add3A_915 = arith.constant 7 : i32
        %add3A_916 = arith.addi %mul3A_914, %add3A_915 : i32
        %get3A_917 = arith.index_cast %add3A_916 : i32 to index
        %get3A_918 = arith.constant 0 : index
        %get3A_919 = tpu.vector_load %arg9[%get3A_917, %get3A_918] {strides = array<i32>} : memref<200x64xf32, #tpu.memory_space<vmem>>, vector<16xf32>,
        %add3A_920 = arith.addf %add3A_900, %get3A_919 : vector<16xf32>
        %get3A_921 = arith.index_cast %add3A_916 : i32 to index
        %get3A_922 = arith.constant 16 : index
        %get3A_923 = tpu.vector_load %arg9[%get3A_921, %get3A_922] {strides = array<i32>} : memref<200x64xf32, #tpu.memory_space<vmem>>, vector<16xf32>,
        %add3A_924 = arith.addf %add3A_904, %get3A_923 : vector<16xf32>
        %get3A_925 = arith.index_cast %add3A_916 : i32 to index
        %get3A_926 = arith.constant 32 : index
        %get3A_927 = tpu.vector_load %arg9[%get3A_925, %get3A_926] {strides = array<i32>} : memref<200x64xf32, #tpu.memory_space<vmem>>, vector<16xf32>,
        %add3A_928 = arith.addf %add3A_908, %get3A_927 : vector<16xf32>
        %get3A_929 = arith.index_cast %add3A_916 : i32 to index
        %get3A_930 = arith.constant 48 : index
        %get3A_931 = tpu.vector_load %arg9[%get3A_929, %get3A_930] {strides = array<i32>} : memref<200x64xf32, #tpu.memory_space<vmem>>, vector<16xf32>,
        %add3A_932 = arith.addf %add3A_912, %get3A_931 : vector<16xf32>
        scf.yield %add3A_920, %add3A_924, %add3A_928, %add3A_932 : vector<16xf32>, vector<16xf32>, vector<16xf32>, vector<16xf32>
      }
      %convert_element_type3A_427 = arith.sitofp %squeeze3A_314 : i32 to f32
      %add3A_428 = arith.constant 9.99999971E-10 : f32
      %add3A_429 = arith.addf %convert_element_type3A_427, %add3A_428 : f32
      %add3A_430 = vector.broadcast %add3A_429 : f32 to vector<16xf32>
      %add3A_431 = arith.addf %broadcast_in_dim3A_5, %add3A_430 : vector<16xf32>
      %add3A_432 = arith.constant 1.000000e+00 : f32
      %add3A_433 = vector.broadcast %add3A_432 : f32 to vector<16xf32>
      %add3A_434 = arith.addf %broadcast_in_dim3A_5, %add3A_433 : vector<16xf32>
      %div3A_435 = arith.divf %add3A_434, %add3A_431 : vector<16xf32>
      %mul3A_436 = arith.mulf %while3A_426#0, %div3A_435 : vector<16xf32>
      %swap3A_437 = arith.index_cast %add3A_295 : i32 to index
      %swap3A_438 = arith.constant 0 : index
      %swap3A_439 = tpu.vector_load %arg12[%swap3A_437, %swap3A_438] {strides = array<i32>} : memref<128x64xf32, #tpu.memory_space<vmem>>, vector<16xf32>,
      tpu.vector_store %arg12[%swap3A_437, %swap3A_438], %mul3A_436 {strides = array<i32>} : memref<128x64xf32, #tpu.memory_space<vmem>>, vector<16xf32>,
      %mul3A_440 = arith.mulf %while3A_426#1, %div3A_435 : vector<16xf32>
      %swap3A_441 = arith.index_cast %add3A_295 : i32 to index
      %swap3A_442 = arith.constant 16 : index
      %swap3A_443 = tpu.vector_load %arg12[%swap3A_441, %swap3A_442] {strides = array<i32>} : memref<128x64xf32, #tpu.memory_space<vmem>>, vector<16xf32>,
      tpu.vector_store %arg12[%swap3A_441, %swap3A_442], %mul3A_440 {strides = array<i32>} : memref<128x64xf32, #tpu.memory_space<vmem>>, vector<16xf32>,
      %mul3A_444 = arith.mulf %while3A_426#2, %div3A_435 : vector<16xf32>
      %swap3A_445 = arith.index_cast %add3A_295 : i32 to index
      %swap3A_446 = arith.constant 32 : index
      %swap3A_447 = tpu.vector_load %arg12[%swap3A_445, %swap3A_446] {strides = array<i32>} : memref<128x64xf32, #tpu.memory_space<vmem>>, vector<16xf32>,
      tpu.vector_store %arg12[%swap3A_445, %swap3A_446], %mul3A_444 {strides = array<i32>} : memref<128x64xf32, #tpu.memory_space<vmem>>, vector<16xf32>,
      %mul3A_448 = arith.mulf %while3A_426#3, %div3A_435 : vector<16xf32>
      %swap3A_449 = arith.index_cast %add3A_295 : i32 to index
      %swap3A_450 = arith.constant 48 : index
      %swap3A_451 = tpu.vector_load %arg12[%swap3A_449, %swap3A_450] {strides = array<i32>} : memref<128x64xf32, #tpu.memory_space<vmem>>, vector<16xf32>,
      tpu.vector_store %arg12[%swap3A_449, %swap3A_450], %mul3A_448 {strides = array<i32>} : memref<128x64xf32, #tpu.memory_space<vmem>>, vector<16xf32>,
      %add3A_452 = arith.constant 2 : i32
      %add3A_453 = arith.addi %mul3A_139, %add3A_452 : i32
      %add3A_454 = arith.constant 4 : i32
      %add3A_455 = arith.addi %add3A_453, %add3A_454 : i32
      %lt3A_456 = arith.constant 128 : i32
      %lt3A_457 = arith.cmpi slt, %add3A_455, %lt3A_456 : i32
      %convert_element_type3A_458 = arith.extui %lt3A_457 : i1 to i32
      %cond3A_459 = arith.constant 0 : i32
      %cond3A_460 = arith.cmpi ne, %convert_element_type3A_458, %cond3A_459 : i32
      scf.if %cond3A_460 {
        %add3A_768 = arith.constant 4 : i32
        %add3A_769 = arith.addi %add3A_453, %add3A_768 : i32
        %mul3A_770 = arith.constant 200 : i32
        %mul3A_771 = arith.muli %add3A_769, %mul3A_770 : i32
        %mul3A_772 = arith.constant 0 : i32
        %mul3A_773 = vector.broadcast %mul3A_772 : i32 to vector<16xi32>
        %mul3A_774 = arith.muli %iota3A, %mul3A_773 : vector<16xi32>
        %add3A_775 = vector.broadcast %mul3A_771 : i32 to vector<16xi32>
        %add3A_776 = arith.addi %mul3A_774, %add3A_775 : vector<16xi32>
        %add3A_777 = arith.constant 0 : i32
        %add3A_778 = arith.addi %mul3A_771, %add3A_777 : i32
        %get3A_779 = arith.index_cast %add3A_778 : i32 to index
        %get3A_780 = tpu.vector_load %arg6[%get3A_779] {strides = array<i32>} : memref<25600xi32, #tpu.memory_space<vmem>>, vector<16xi32>,
        %get3A_781 = arith.index_cast %add3A_778 : i32 to index
        %get3A_782 = tpu.vector_load %arg7[%get3A_781] {strides = array<i32>} : memref<25600xi32, #tpu.memory_space<vmem>>, vector<16xi32>,
        %ne3A_783 = arith.constant 0 : i32
        %ne3A_784 = vector.broadcast %ne3A_783 : i32 to vector<16xi32>
        %ne3A_785 = arith.cmpi ne, %get3A_782, %ne3A_784 : vector<16xi32>
        %convert_element_type3A_786 = arith.extui %ne3A_785 : vector<16xi1> to vector<16xi32>
        %broadcast_in_dim3A_787 = arith.constant true
        %broadcast_in_dim3A_788 = vector.broadcast %broadcast_in_dim3A_787 : i1 to vector<16xi1>
        %masked_cumsum3A = tpu.scan <sum>, %convert_element_type3A_786 masked %broadcast_in_dim3A_788 : vector<16xi32>, vector<16xi1> -> vector<16xi32>
        %add3A_789 = arith.addi %add3A_776, %masked_cumsum3A : vector<16xi32>
        %sub3A_790 = arith.constant 1 : i32
        %sub3A_791 = vector.broadcast %sub3A_790 : i32 to vector<16xi32>
        %sub3A_792 = arith.subi %add3A_789, %sub3A_791 : vector<16xi32>
        tpu.vector_store_idx %arg6[%sub3A_792], %get3A_780 masked %ne3A_785 : memref<25600xi32, #tpu.memory_space<vmem>>[vector<16xi32>], vector<16xi32>, vector<16xi1>
        %all_reduce_population_count3A = tpu.all_reduce %ne3A_785 {dim = 0 : i64, kind = #tpu.reduction_kind<sum>} : vector<16xi1> -> vector<16xi32>
        %add3A_793 = arith.addi %add3A_776, %all_reduce_population_count3A : vector<16xi32>
        %add3A_794 = arith.constant 16 : i32
        %add3A_795 = arith.addi %mul3A_771, %add3A_794 : i32
        %get3A_796 = arith.index_cast %add3A_795 : i32 to index
        %get3A_797 = tpu.vector_load %arg6[%get3A_796] {strides = array<i32>} : memref<25600xi32, #tpu.memory_space<vmem>>, vector<16xi32>,
        %get3A_798 = arith.index_cast %add3A_795 : i32 to index
        %get3A_799 = tpu.vector_load %arg7[%get3A_798] {strides = array<i32>} : memref<25600xi32, #tpu.memory_space<vmem>>, vector<16xi32>,
        %ne3A_800 = arith.constant 0 : i32
        %ne3A_801 = vector.broadcast %ne3A_800 : i32 to vector<16xi32>
        %ne3A_802 = arith.cmpi ne, %get3A_799, %ne3A_801 : vector<16xi32>
        %convert_element_type3A_803 = arith.extui %ne3A_802 : vector<16xi1> to vector<16xi32>
        %broadcast_in_dim3A_804 = arith.constant true
        %broadcast_in_dim3A_805 = vector.broadcast %broadcast_in_dim3A_804 : i1 to vector<16xi1>
        %masked_cumsum3A_806 = tpu.scan <sum>, %convert_element_type3A_803 masked %broadcast_in_dim3A_805 : vector<16xi32>, vector<16xi1> -> vector<16xi32>
        %add3A_807 = arith.addi %add3A_793, %masked_cumsum3A_806 : vector<16xi32>
        %sub3A_808 = arith.constant 1 : i32
        %sub3A_809 = vector.broadcast %sub3A_808 : i32 to vector<16xi32>
        %sub3A_810 = arith.subi %add3A_807, %sub3A_809 : vector<16xi32>
        tpu.vector_store_idx %arg6[%sub3A_810], %get3A_797 masked %ne3A_802 : memref<25600xi32, #tpu.memory_space<vmem>>[vector<16xi32>], vector<16xi32>, vector<16xi1>
        %all_reduce_population_count3A_811 = tpu.all_reduce %ne3A_802 {dim = 0 : i64, kind = #tpu.reduction_kind<sum>} : vector<16xi1> -> vector<16xi32>
        %add3A_812 = arith.addi %add3A_793, %all_reduce_population_count3A_811 : vector<16xi32>
        %add3A_813 = arith.constant 32 : i32
        %add3A_814 = arith.addi %mul3A_771, %add3A_813 : i32
        %get3A_815 = arith.index_cast %add3A_814 : i32 to index
        %get3A_816 = tpu.vector_load %arg6[%get3A_815] {strides = array<i32>} : memref<25600xi32, #tpu.memory_space<vmem>>, vector<16xi32>,
        %get3A_817 = arith.index_cast %add3A_814 : i32 to index
        %get3A_818 = tpu.vector_load %arg7[%get3A_817] {strides = array<i32>} : memref<25600xi32, #tpu.memory_space<vmem>>, vector<16xi32>,
        %ne3A_819 = arith.constant 0 : i32
        %ne3A_820 = vector.broadcast %ne3A_819 : i32 to vector<16xi32>
        %ne3A_821 = arith.cmpi ne, %get3A_818, %ne3A_820 : vector<16xi32>
        %convert_element_type3A_822 = arith.extui %ne3A_821 : vector<16xi1> to vector<16xi32>
        %broadcast_in_dim3A_823 = arith.constant true
        %broadcast_in_dim3A_824 = vector.broadcast %broadcast_in_dim3A_823 : i1 to vector<16xi1>
        %masked_cumsum3A_825 = tpu.scan <sum>, %convert_element_type3A_822 masked %broadcast_in_dim3A_824 : vector<16xi32>, vector<16xi1> -> vector<16xi32>
        %add3A_826 = arith.addi %add3A_812, %masked_cumsum3A_825 : vector<16xi32>
        %sub3A_827 = arith.constant 1 : i32
        %sub3A_828 = vector.broadcast %sub3A_827 : i32 to vector<16xi32>
        %sub3A_829 = arith.subi %add3A_826, %sub3A_828 : vector<16xi32>
        tpu.vector_store_idx %arg6[%sub3A_829], %get3A_816 masked %ne3A_821 : memref<25600xi32, #tpu.memory_space<vmem>>[vector<16xi32>], vector<16xi32>, vector<16xi1>
        %all_reduce_population_count3A_830 = tpu.all_reduce %ne3A_821 {dim = 0 : i64, kind = #tpu.reduction_kind<sum>} : vector<16xi1> -> vector<16xi32>
        %add3A_831 = arith.addi %add3A_812, %all_reduce_population_count3A_830 : vector<16xi32>
        %add3A_832 = arith.constant 48 : i32
        %add3A_833 = arith.addi %mul3A_771, %add3A_832 : i32
        %get3A_834 = arith.index_cast %add3A_833 : i32 to index
        %get3A_835 = tpu.vector_load %arg6[%get3A_834] {strides = array<i32>} : memref<25600xi32, #tpu.memory_space<vmem>>, vector<16xi32>,
        %get3A_836 = arith.index_cast %add3A_833 : i32 to index
        %get3A_837 = tpu.vector_load %arg7[%get3A_836] {strides = array<i32>} : memref<25600xi32, #tpu.memory_space<vmem>>, vector<16xi32>,
        %ne3A_838 = arith.constant 0 : i32
        %ne3A_839 = vector.broadcast %ne3A_838 : i32 to vector<16xi32>
        %ne3A_840 = arith.cmpi ne, %get3A_837, %ne3A_839 : vector<16xi32>
        %convert_element_type3A_841 = arith.extui %ne3A_840 : vector<16xi1> to vector<16xi32>
        %broadcast_in_dim3A_842 = arith.constant true
        %broadcast_in_dim3A_843 = vector.broadcast %broadcast_in_dim3A_842 : i1 to vector<16xi1>
        %masked_cumsum3A_844 = tpu.scan <sum>, %convert_element_type3A_841 masked %broadcast_in_dim3A_843 : vector<16xi32>, vector<16xi1> -> vector<16xi32>
        %add3A_845 = arith.addi %add3A_831, %masked_cumsum3A_844 : vector<16xi32>
        %sub3A_846 = arith.constant 1 : i32
        %sub3A_847 = vector.broadcast %sub3A_846 : i32 to vector<16xi32>
        %sub3A_848 = arith.subi %add3A_845, %sub3A_847 : vector<16xi32>
        tpu.vector_store_idx %arg6[%sub3A_848], %get3A_835 masked %ne3A_840 : memref<25600xi32, #tpu.memory_space<vmem>>[vector<16xi32>], vector<16xi32>, vector<16xi1>
        %all_reduce_population_count3A_849 = tpu.all_reduce %ne3A_840 {dim = 0 : i64, kind = #tpu.reduction_kind<sum>} : vector<16xi1> -> vector<16xi32>
        %add3A_850 = arith.addi %add3A_831, %all_reduce_population_count3A_849 : vector<16xi32>
        %add3A_851 = arith.constant 64 : i32
        %add3A_852 = arith.addi %mul3A_771, %add3A_851 : i32
        %get3A_853 = arith.index_cast %add3A_852 : i32 to index
        %get3A_854 = tpu.vector_load %arg6[%get3A_853] {strides = array<i32>} : memref<25600xi32, #tpu.memory_space<vmem>>, vector<16xi32>,
        %get3A_855 = arith.index_cast %add3A_852 : i32 to index
        %get3A_856 = tpu.vector_load %arg7[%get3A_855] {strides = array<i32>} : memref<25600xi32, #tpu.memory_space<vmem>>, vector<16xi32>,
        %ne3A_857 = arith.constant 0 : i32
        %ne3A_858 = vector.broadcast %ne3A_857 : i32 to vector<16xi32>
        %ne3A_859 = arith.cmpi ne, %get3A_856, %ne3A_858 : vector<16xi32>
        %convert_element_type3A_860 = arith.extui %ne3A_859 : vector<16xi1> to vector<16xi32>
        %broadcast_in_dim3A_861 = arith.constant true
        %broadcast_in_dim3A_862 = vector.broadcast %broadcast_in_dim3A_861 : i1 to vector<16xi1>
        %masked_cumsum3A_863 = tpu.scan <sum>, %convert_element_type3A_860 masked %broadcast_in_dim3A_862 : vector<16xi32>, vector<16xi1> -> vector<16xi32>
        %add3A_864 = arith.addi %add3A_850, %masked_cumsum3A_863 : vector<16xi32>
        %sub3A_865 = arith.constant 1 : i32
        %sub3A_866 = vector.broadcast %sub3A_865 : i32 to vector<16xi32>
        %sub3A_867 = arith.subi %add3A_864, %sub3A_866 : vector<16xi32>
        tpu.vector_store_idx %arg6[%sub3A_867], %get3A_854 masked %ne3A_859 : memref<25600xi32, #tpu.memory_space<vmem>>[vector<16xi32>], vector<16xi32>, vector<16xi1>
        %all_reduce_population_count3A_868 = tpu.all_reduce %ne3A_859 {dim = 0 : i64, kind = #tpu.reduction_kind<sum>} : vector<16xi1> -> vector<16xi32>
        %add3A_869 = arith.addi %add3A_850, %all_reduce_population_count3A_868 : vector<16xi32>
        %add3A_870 = arith.constant 80 : i32
        %add3A_871 = arith.addi %mul3A_771, %add3A_870 : i32
        %get3A_872 = arith.index_cast %add3A_871 : i32 to index
        %get3A_873 = tpu.vector_load %arg6[%get3A_872] {strides = array<i32>} : memref<25600xi32, #tpu.memory_space<vmem>>, vector<16xi32>,
        %get3A_874 = arith.index_cast %add3A_871 : i32 to index
        %get3A_875 = tpu.vector_load %arg7[%get3A_874] {strides = array<i32>} : memref<25600xi32, #tpu.memory_space<vmem>>, vector<16xi32>,
        %ne3A_876 = arith.constant 0 : i32
        %ne3A_877 = vector.broadcast %ne3A_876 : i32 to vector<16xi32>
        %ne3A_878 = arith.cmpi ne, %get3A_875, %ne3A_877 : vector<16xi32>
        %convert_element_type3A_879 = arith.extui %ne3A_878 : vector<16xi1> to vector<16xi32>
        %broadcast_in_dim3A_880 = arith.constant true
        %broadcast_in_dim3A_881 = vector.broadcast %broadcast_in_dim3A_880 : i1 to vector<16xi1>
        %masked_cumsum3A_882 = tpu.scan <sum>, %convert_element_type3A_879 masked %broadcast_in_dim3A_881 : vector<16xi32>, vector<16xi1> -> vector<16xi32>
        %add3A_883 = arith.addi %add3A_869, %masked_cumsum3A_882 : vector<16xi32>
        %sub3A_884 = arith.constant 1 : i32
        %sub3A_885 = vector.broadcast %sub3A_884 : i32 to vector<16xi32>
        %sub3A_886 = arith.subi %add3A_883, %sub3A_885 : vector<16xi32>
        tpu.vector_store_idx %arg6[%sub3A_886], %get3A_873 masked %ne3A_878 : memref<25600xi32, #tpu.memory_space<vmem>>[vector<16xi32>], vector<16xi32>, vector<16xi1>
        %all_reduce_population_count3A_887 = tpu.all_reduce %ne3A_878 {dim = 0 : i64, kind = #tpu.reduction_kind<sum>} : vector<16xi1> -> vector<16xi32>
        %add3A_888 = arith.addi %add3A_869, %all_reduce_population_count3A_887 : vector<16xi32>
        %add3A_889 = arith.constant 96 : i32
        %add3A_890 = arith.addi %mul3A_771, %add3A_889 : i32
        %get3A_891 = arith.index_cast %add3A_890 : i32 to index
        %get3A_892 = tpu.vector_load %arg6[%get3A_891] {strides = array<i32>} : memref<25600xi32, #tpu.memory_space<vmem>>, vector<16xi32>,
        %get3A_893 = arith.index_cast %add3A_890 : i32 to index
        %get3A_894 = tpu.vector_load %arg7[%get3A_893] {strides = array<i32>} : memref<25600xi32, #tpu.memory_space<vmem>>, vector<16xi32>,
        %ne3A_895 = arith.constant 0 : i32
        %ne3A_896 = vector.broadcast %ne3A_895 : i32 to vector<16xi32>
        %ne3A_897 = arith.cmpi ne, %get3A_894, %ne3A_896 : vector<16xi32>
        %convert_element_type3A_898 = arith.extui %ne3A_897 : vector<16xi1> to vector<16xi32>
        %broadcast_in_dim3A_899 = arith.constant true
        %broadcast_in_dim3A_900 = vector.broadcast %broadcast_in_dim3A_899 : i1 to vector<16xi1>
        %masked_cumsum3A_901 = tpu.scan <sum>, %convert_element_type3A_898 masked %broadcast_in_dim3A_900 : vector<16xi32>, vector<16xi1> -> vector<16xi32>
        %add3A_902 = arith.addi %add3A_888, %masked_cumsum3A_901 : vector<16xi32>
        %sub3A_903 = arith.constant 1 : i32
        %sub3A_904 = vector.broadcast %sub3A_903 : i32 to vector<16xi32>
        %sub3A_905 = arith.subi %add3A_902, %sub3A_904 : vector<16xi32>
        tpu.vector_store_idx %arg6[%sub3A_905], %get3A_892 masked %ne3A_897 : memref<25600xi32, #tpu.memory_space<vmem>>[vector<16xi32>], vector<16xi32>, vector<16xi1>
        %all_reduce_population_count3A_906 = tpu.all_reduce %ne3A_897 {dim = 0 : i64, kind = #tpu.reduction_kind<sum>} : vector<16xi1> -> vector<16xi32>
        %add3A_907 = arith.addi %add3A_888, %all_reduce_population_count3A_906 : vector<16xi32>
        %add3A_908 = arith.constant 112 : i32
        %add3A_909 = arith.addi %mul3A_771, %add3A_908 : i32
        %get3A_910 = arith.index_cast %add3A_909 : i32 to index
        %get3A_911 = tpu.vector_load %arg6[%get3A_910] {strides = array<i32>} : memref<25600xi32, #tpu.memory_space<vmem>>, vector<16xi32>,
        %get3A_912 = arith.index_cast %add3A_909 : i32 to index
        %get3A_913 = tpu.vector_load %arg7[%get3A_912] {strides = array<i32>} : memref<25600xi32, #tpu.memory_space<vmem>>, vector<16xi32>,
        %ne3A_914 = arith.constant 0 : i32
        %ne3A_915 = vector.broadcast %ne3A_914 : i32 to vector<16xi32>
        %ne3A_916 = arith.cmpi ne, %get3A_913, %ne3A_915 : vector<16xi32>
        %convert_element_type3A_917 = arith.extui %ne3A_916 : vector<16xi1> to vector<16xi32>
        %broadcast_in_dim3A_918 = arith.constant true
        %broadcast_in_dim3A_919 = vector.broadcast %broadcast_in_dim3A_918 : i1 to vector<16xi1>
        %masked_cumsum3A_920 = tpu.scan <sum>, %convert_element_type3A_917 masked %broadcast_in_dim3A_919 : vector<16xi32>, vector<16xi1> -> vector<16xi32>
        %add3A_921 = arith.addi %add3A_907, %masked_cumsum3A_920 : vector<16xi32>
        %sub3A_922 = arith.constant 1 : i32
        %sub3A_923 = vector.broadcast %sub3A_922 : i32 to vector<16xi32>
        %sub3A_924 = arith.subi %add3A_921, %sub3A_923 : vector<16xi32>
        tpu.vector_store_idx %arg6[%sub3A_924], %get3A_911 masked %ne3A_916 : memref<25600xi32, #tpu.memory_space<vmem>>[vector<16xi32>], vector<16xi32>, vector<16xi1>
        %all_reduce_population_count3A_925 = tpu.all_reduce %ne3A_916 {dim = 0 : i64, kind = #tpu.reduction_kind<sum>} : vector<16xi1> -> vector<16xi32>
        %add3A_926 = arith.addi %add3A_907, %all_reduce_population_count3A_925 : vector<16xi32>
        %add3A_927 = arith.constant 128 : i32
        %add3A_928 = arith.addi %mul3A_771, %add3A_927 : i32
        %get3A_929 = arith.index_cast %add3A_928 : i32 to index
        %get3A_930 = tpu.vector_load %arg6[%get3A_929] {strides = array<i32>} : memref<25600xi32, #tpu.memory_space<vmem>>, vector<16xi32>,
        %get3A_931 = arith.index_cast %add3A_928 : i32 to index
        %get3A_932 = tpu.vector_load %arg7[%get3A_931] {strides = array<i32>} : memref<25600xi32, #tpu.memory_space<vmem>>, vector<16xi32>,
        %ne3A_933 = arith.constant 0 : i32
        %ne3A_934 = vector.broadcast %ne3A_933 : i32 to vector<16xi32>
        %ne3A_935 = arith.cmpi ne, %get3A_932, %ne3A_934 : vector<16xi32>
        %convert_element_type3A_936 = arith.extui %ne3A_935 : vector<16xi1> to vector<16xi32>
        %broadcast_in_dim3A_937 = arith.constant true
        %broadcast_in_dim3A_938 = vector.broadcast %broadcast_in_dim3A_937 : i1 to vector<16xi1>
        %masked_cumsum3A_939 = tpu.scan <sum>, %convert_element_type3A_936 masked %broadcast_in_dim3A_938 : vector<16xi32>, vector<16xi1> -> vector<16xi32>
        %add3A_940 = arith.addi %add3A_926, %masked_cumsum3A_939 : vector<16xi32>
        %sub3A_941 = arith.constant 1 : i32
        %sub3A_942 = vector.broadcast %sub3A_941 : i32 to vector<16xi32>
        %sub3A_943 = arith.subi %add3A_940, %sub3A_942 : vector<16xi32>
        tpu.vector_store_idx %arg6[%sub3A_943], %get3A_930 masked %ne3A_935 : memref<25600xi32, #tpu.memory_space<vmem>>[vector<16xi32>], vector<16xi32>, vector<16xi1>
        %all_reduce_population_count3A_944 = tpu.all_reduce %ne3A_935 {dim = 0 : i64, kind = #tpu.reduction_kind<sum>} : vector<16xi1> -> vector<16xi32>
        %add3A_945 = arith.addi %add3A_926, %all_reduce_population_count3A_944 : vector<16xi32>
        %add3A_946 = arith.constant 144 : i32
        %add3A_947 = arith.addi %mul3A_771, %add3A_946 : i32
        %get3A_948 = arith.index_cast %add3A_947 : i32 to index
        %get3A_949 = tpu.vector_load %arg6[%get3A_948] {strides = array<i32>} : memref<25600xi32, #tpu.memory_space<vmem>>, vector<16xi32>,
        %get3A_950 = arith.index_cast %add3A_947 : i32 to index
        %get3A_951 = tpu.vector_load %arg7[%get3A_950] {strides = array<i32>} : memref<25600xi32, #tpu.memory_space<vmem>>, vector<16xi32>,
        %ne3A_952 = arith.constant 0 : i32
        %ne3A_953 = vector.broadcast %ne3A_952 : i32 to vector<16xi32>
        %ne3A_954 = arith.cmpi ne, %get3A_951, %ne3A_953 : vector<16xi32>
        %convert_element_type3A_955 = arith.extui %ne3A_954 : vector<16xi1> to vector<16xi32>
        %broadcast_in_dim3A_956 = arith.constant true
        %broadcast_in_dim3A_957 = vector.broadcast %broadcast_in_dim3A_956 : i1 to vector<16xi1>
        %masked_cumsum3A_958 = tpu.scan <sum>, %convert_element_type3A_955 masked %broadcast_in_dim3A_957 : vector<16xi32>, vector<16xi1> -> vector<16xi32>
        %add3A_959 = arith.addi %add3A_945, %masked_cumsum3A_958 : vector<16xi32>
        %sub3A_960 = arith.constant 1 : i32
        %sub3A_961 = vector.broadcast %sub3A_960 : i32 to vector<16xi32>
        %sub3A_962 = arith.subi %add3A_959, %sub3A_961 : vector<16xi32>
        tpu.vector_store_idx %arg6[%sub3A_962], %get3A_949 masked %ne3A_954 : memref<25600xi32, #tpu.memory_space<vmem>>[vector<16xi32>], vector<16xi32>, vector<16xi1>
        %all_reduce_population_count3A_963 = tpu.all_reduce %ne3A_954 {dim = 0 : i64, kind = #tpu.reduction_kind<sum>} : vector<16xi1> -> vector<16xi32>
        %add3A_964 = arith.addi %add3A_945, %all_reduce_population_count3A_963 : vector<16xi32>
        %add3A_965 = arith.constant 160 : i32
        %add3A_966 = arith.addi %mul3A_771, %add3A_965 : i32
        %get3A_967 = arith.index_cast %add3A_966 : i32 to index
        %get3A_968 = tpu.vector_load %arg6[%get3A_967] {strides = array<i32>} : memref<25600xi32, #tpu.memory_space<vmem>>, vector<16xi32>,
        %get3A_969 = arith.index_cast %add3A_966 : i32 to index
        %get3A_970 = tpu.vector_load %arg7[%get3A_969] {strides = array<i32>} : memref<25600xi32, #tpu.memory_space<vmem>>, vector<16xi32>,
        %ne3A_971 = arith.constant 0 : i32
        %ne3A_972 = vector.broadcast %ne3A_971 : i32 to vector<16xi32>
        %ne3A_973 = arith.cmpi ne, %get3A_970, %ne3A_972 : vector<16xi32>
        %convert_element_type3A_974 = arith.extui %ne3A_973 : vector<16xi1> to vector<16xi32>
        %broadcast_in_dim3A_975 = arith.constant true
        %broadcast_in_dim3A_976 = vector.broadcast %broadcast_in_dim3A_975 : i1 to vector<16xi1>
        %masked_cumsum3A_977 = tpu.scan <sum>, %convert_element_type3A_974 masked %broadcast_in_dim3A_976 : vector<16xi32>, vector<16xi1> -> vector<16xi32>
        %add3A_978 = arith.addi %add3A_964, %masked_cumsum3A_977 : vector<16xi32>
        %sub3A_979 = arith.constant 1 : i32
        %sub3A_980 = vector.broadcast %sub3A_979 : i32 to vector<16xi32>
        %sub3A_981 = arith.subi %add3A_978, %sub3A_980 : vector<16xi32>
        tpu.vector_store_idx %arg6[%sub3A_981], %get3A_968 masked %ne3A_973 : memref<25600xi32, #tpu.memory_space<vmem>>[vector<16xi32>], vector<16xi32>, vector<16xi1>
        %all_reduce_population_count3A_982 = tpu.all_reduce %ne3A_973 {dim = 0 : i64, kind = #tpu.reduction_kind<sum>} : vector<16xi1> -> vector<16xi32>
        %add3A_983 = arith.addi %add3A_964, %all_reduce_population_count3A_982 : vector<16xi32>
        %add3A_984 = arith.constant 176 : i32
        %add3A_985 = arith.addi %mul3A_771, %add3A_984 : i32
        %get3A_986 = arith.index_cast %add3A_985 : i32 to index
        %get3A_987 = tpu.vector_load %arg6[%get3A_986] {strides = array<i32>} : memref<25600xi32, #tpu.memory_space<vmem>>, vector<16xi32>,
        %get3A_988 = arith.index_cast %add3A_985 : i32 to index
        %get3A_989 = tpu.vector_load %arg7[%get3A_988] {strides = array<i32>} : memref<25600xi32, #tpu.memory_space<vmem>>, vector<16xi32>,
        %ne3A_990 = arith.constant 0 : i32
        %ne3A_991 = vector.broadcast %ne3A_990 : i32 to vector<16xi32>
        %ne3A_992 = arith.cmpi ne, %get3A_989, %ne3A_991 : vector<16xi32>
        %convert_element_type3A_993 = arith.extui %ne3A_992 : vector<16xi1> to vector<16xi32>
        %broadcast_in_dim3A_994 = arith.constant true
        %broadcast_in_dim3A_995 = vector.broadcast %broadcast_in_dim3A_994 : i1 to vector<16xi1>
        %masked_cumsum3A_996 = tpu.scan <sum>, %convert_element_type3A_993 masked %broadcast_in_dim3A_995 : vector<16xi32>, vector<16xi1> -> vector<16xi32>
        %add3A_997 = arith.addi %add3A_983, %masked_cumsum3A_996 : vector<16xi32>
        %sub3A_998 = arith.constant 1 : i32
        %sub3A_999 = vector.broadcast %sub3A_998 : i32 to vector<16xi32>
        %sub3A_1000 = arith.subi %add3A_997, %sub3A_999 : vector<16xi32>
        tpu.vector_store_idx %arg6[%sub3A_1000], %get3A_987 masked %ne3A_992 : memref<25600xi32, #tpu.memory_space<vmem>>[vector<16xi32>], vector<16xi32>, vector<16xi1>
        %all_reduce_population_count3A_1001 = tpu.all_reduce %ne3A_992 {dim = 0 : i64, kind = #tpu.reduction_kind<sum>} : vector<16xi1> -> vector<16xi32>
        %add3A_1002 = arith.addi %add3A_983, %all_reduce_population_count3A_1001 : vector<16xi32>
        %add3A_1003 = arith.constant 192 : i32
        %add3A_1004 = arith.addi %mul3A_771, %add3A_1003 : i32
        %get3A_1005 = arith.index_cast %add3A_1004 : i32 to index
        %get3A_1006 = tpu.vector_load %arg6[%get3A_1005] {strides = array<i32>} : memref<25600xi32, #tpu.memory_space<vmem>>, vector<16xi32>,
        %get3A_1007 = arith.index_cast %add3A_1004 : i32 to index
        %get3A_1008 = tpu.vector_load %arg7[%get3A_1007] {strides = array<i32>} : memref<25600xi32, #tpu.memory_space<vmem>>, vector<16xi32>,
        %ne3A_1009 = arith.constant 0 : i32
        %ne3A_1010 = vector.broadcast %ne3A_1009 : i32 to vector<16xi32>
        %ne3A_1011 = arith.cmpi ne, %get3A_1008, %ne3A_1010 : vector<16xi32>
        %lt3A_1012 = arith.constant 8 : i32
        %lt3A_1013 = vector.broadcast %lt3A_1012 : i32 to vector<16xi32>
        %lt3A_1014 = arith.cmpi slt, %iota3A, %lt3A_1013 : vector<16xi32>
        %and3A_1015 = arith.andi %ne3A_1011, %lt3A_1014 : vector<16xi1>
        %convert_element_type3A_1016 = arith.extui %and3A_1015 : vector<16xi1> to vector<16xi32>
        %broadcast_in_dim3A_1017 = arith.constant true
        %broadcast_in_dim3A_1018 = vector.broadcast %broadcast_in_dim3A_1017 : i1 to vector<16xi1>
        %masked_cumsum3A_1019 = tpu.scan <sum>, %convert_element_type3A_1016 masked %broadcast_in_dim3A_1018 : vector<16xi32>, vector<16xi1> -> vector<16xi32>
        %add3A_1020 = arith.addi %add3A_1002, %masked_cumsum3A_1019 : vector<16xi32>
        %sub3A_1021 = arith.constant 1 : i32
        %sub3A_1022 = vector.broadcast %sub3A_1021 : i32 to vector<16xi32>
        %sub3A_1023 = arith.subi %add3A_1020, %sub3A_1022 : vector<16xi32>
        tpu.vector_store_idx %arg6[%sub3A_1023], %get3A_1006 masked %and3A_1015 : memref<25600xi32, #tpu.memory_space<vmem>>[vector<16xi32>], vector<16xi32>, vector<16xi1>
        %all_reduce_population_count3A_1024 = tpu.all_reduce %and3A_1015 {dim = 0 : i64, kind = #tpu.reduction_kind<sum>} : vector<16xi1> -> vector<16xi32>
        %add3A_1025 = arith.addi %add3A_1002, %all_reduce_population_count3A_1024 : vector<16xi32>
        %sub3A_1026 = vector.broadcast %mul3A_771 : i32 to vector<16xi32>
        %sub3A_1027 = arith.subi %add3A_1025, %sub3A_1026 : vector<16xi32>
        %swap3A_1028 = arith.index_cast %add3A_769 : i32 to index
        %swap3A_1029 = arith.constant 0 : index
        %swap3A_1030 = tpu.vector_load %arg13[%swap3A_1028, %swap3A_1029] {strides = array<i32>} : memref<128x16xi32, #tpu.memory_space<vmem>>, vector<16xi32>,
        tpu.vector_store %arg13[%swap3A_1028, %swap3A_1029], %sub3A_1027 {strides = array<i32>} : memref<128x16xi32, #tpu.memory_space<vmem>>, vector<16xi32>,
      } else {
      }
      %add3A_461 = arith.constant 3 : i32
      %add3A_462 = arith.addi %add3A_453, %add3A_461 : i32
      %lt3A_463 = arith.constant 128 : i32
      %lt3A_464 = arith.cmpi slt, %add3A_462, %lt3A_463 : i32
      %convert_element_type3A_465 = arith.extui %lt3A_464 : i1 to i32
      %cond3A_466 = arith.constant 0 : i32
      %cond3A_467 = arith.cmpi ne, %convert_element_type3A_465, %cond3A_466 : i32
      scf.if %cond3A_467 {
        %add3A_768 = arith.constant 3 : i32
        %add3A_769 = arith.addi %add3A_453, %add3A_768 : i32
        %get3A_770 = arith.index_cast %add3A_769 : i32 to index
        %get3A_771 = arith.constant 0 : index
        %get3A_772 = tpu.vector_load %arg13[%get3A_770, %get3A_771] {strides = array<i32>} : memref<128x16xi32, #tpu.memory_space<vmem>>, vector<16xi32>,
        %slice3A_773 = vector.extract_strided_slice %get3A_772 {offsets = [0], sizes = [1], strides = [1]} : vector<16xi32> to vector<1xi32>
        %squeeze3A_774 = vector.extract %slice3A_773[0] : i32 from vector<1xi32>
        %add3A_775 = arith.constant 40 : i32
        %add3A_776 = arith.addi %squeeze3A_774, %add3A_775 : i32
        %sub3A_777 = arith.constant 1 : i32
        %sub3A_778 = arith.subi %add3A_776, %sub3A_777 : i32
        %jit3A_779 = arith.constant 40 : i32
        %div3A_780 = arith.divsi %sub3A_778, %jit3A_779 : i32
        %sign3A_781 = arith.constant 0 : i32
        %sign3A_782 = arith.cmpi sgt, %sub3A_778, %sign3A_781 : i32
        %sign3A_783 = arith.extui %sign3A_782 : i1 to i32
        %sign3A_784 = arith.constant 0 : i32
        %sign3A_785 = arith.cmpi slt, %sub3A_778, %sign3A_784 : i32
        %sign3A_786 = arith.extui %sign3A_785 : i1 to i32
        %sign3A_787 = arith.subi %sign3A_783, %sign3A_786 : i32
        %sign3A_788 = arith.constant 0 : i32
        %sign3A_789 = arith.cmpi sgt, %jit3A_779, %sign3A_788 : i32
        %sign3A_790 = arith.extui %sign3A_789 : i1 to i32
        %sign3A_791 = arith.constant 0 : i32
        %sign3A_792 = arith.cmpi slt, %jit3A_779, %sign3A_791 : i32
        %sign3A_793 = arith.extui %sign3A_792 : i1 to i32
        %sign3A_794 = arith.subi %sign3A_790, %sign3A_793 : i32
        %ne3A_795 = arith.cmpi ne, %sign3A_787, %sign3A_794 : i32
        %rem3A_796 = arith.remsi %sub3A_778, %jit3A_779 : i32
        %ne3A_797 = arith.constant 0 : i32
        %ne3A_798 = arith.cmpi ne, %rem3A_796, %ne3A_797 : i32
        %and3A_799 = arith.andi %ne3A_795, %ne3A_798 : i1
        %sub3A_800 = arith.constant 1 : i32
        %sub3A_801 = arith.subi %div3A_780, %sub3A_800 : i32
        %select_n3A_802 = arith.select %and3A_799, %sub3A_801, %div3A_780 : i32
        %while3A_803 = arith.constant 0 : i32
        %while3A_804 = arith.constant 0 : i32
        %while3A_805 = arith.subi %select_n3A_802, %while3A_804 : i32
        %while3A_806 = arith.addi %while3A_804, %while3A_805 : i32
        %while3A_807 = arith.constant 1 : i32
        %while3A_808 = arith.divsi %while3A_805, %while3A_807 : i32
        %while3A_809 = arith.muli %while3A_808, %while3A_807 : i32
        %while3A_810 = arith.addi %while3A_804, %while3A_809 : i32
        %while3A_811 = arith.constant 1 : i32
        scf.for %while3A_813 = %while3A_804 to %while3A_810 step %while3A_811  : i32 {
          %mul3A_814 = arith.constant 200 : i32
          %mul3A_815 = arith.muli %add3A_769, %mul3A_814 : i32
          %mul3A_816 = arith.constant 40 : i32
          %mul3A_817 = arith.muli %while3A_813, %mul3A_816 : i32
          %add3A_818 = arith.addi %mul3A_815, %mul3A_817 : i32
          %mul3A_819 = arith.constant 40 : i32
          %mul3A_820 = arith.muli %while3A_813, %mul3A_819 : i32
          %dma_start3A = arith.constant 0 : i32
          %dma_start3A_821 = tpu.memref_slice %arg9[%mul3A_820, %dma_start3A] : memref<200x64xf32, #tpu.memory_space<vmem>> -> memref<40x64xf32, #tpu.memory_space<vmem>>
          %dma_start3A_822 = tpu.memref_slice %arg6[%add3A_818] : memref<25600xi32, #tpu.memory_space<vmem>> -> memref<40xi32, #tpu.memory_space<vmem>>
          %dma_start3A_823 = arith.constant 0 : i32
          %dma_start3A_824 = arith.constant 0 : i32
          %dma_start3A_825 = tpu.memref_slice %arg4[%dma_start3A_823, %dma_start3A_824] : memref<100000x64xf32, #tpu.memory_space<hbm>> -> memref<100000x64xf32, #tpu.memory_space<hbm>>
          tpu.enqueue_indirect_dma source(%dma_start3A_825 : memref<100000x64xf32, #tpu.memory_space<hbm>>) target(%dma_start3A_821 : memref<40x64xf32, #tpu.memory_space<vmem>>) offsets(%dma_start3A_822 : memref<40xi32, #tpu.memory_space<vmem>>) semaphore(%arg15 : memref<!tpu.dma_semaphore, #tpu.memory_space<semaphore_mem>>)
        }
        %while3A_812 = arith.constant 1 : i32
        scf.for %while3A_813 = %while3A_810 to %while3A_806 step %while3A_812  : i32 {
          %mul3A_814 = arith.constant 200 : i32
          %mul3A_815 = arith.muli %add3A_769, %mul3A_814 : i32
          %mul3A_816 = arith.constant 40 : i32
          %mul3A_817 = arith.muli %while3A_813, %mul3A_816 : i32
          %add3A_818 = arith.addi %mul3A_815, %mul3A_817 : i32
          %mul3A_819 = arith.constant 40 : i32
          %mul3A_820 = arith.muli %while3A_813, %mul3A_819 : i32
          %dma_start3A = arith.constant 0 : i32
          %dma_start3A_821 = tpu.memref_slice %arg9[%mul3A_820, %dma_start3A] : memref<200x64xf32, #tpu.memory_space<vmem>> -> memref<40x64xf32, #tpu.memory_space<vmem>>
          %dma_start3A_822 = tpu.memref_slice %arg6[%add3A_818] : memref<25600xi32, #tpu.memory_space<vmem>> -> memref<40xi32, #tpu.memory_space<vmem>>
          %dma_start3A_823 = arith.constant 0 : i32
          %dma_start3A_824 = arith.constant 0 : i32
          %dma_start3A_825 = tpu.memref_slice %arg4[%dma_start3A_823, %dma_start3A_824] : memref<100000x64xf32, #tpu.memory_space<hbm>> -> memref<100000x64xf32, #tpu.memory_space<hbm>>
          tpu.enqueue_indirect_dma source(%dma_start3A_825 : memref<100000x64xf32, #tpu.memory_space<hbm>>) target(%dma_start3A_821 : memref<40x64xf32, #tpu.memory_space<vmem>>) offsets(%dma_start3A_822 : memref<40xi32, #tpu.memory_space<vmem>>) semaphore(%arg15 : memref<!tpu.dma_semaphore, #tpu.memory_space<semaphore_mem>>)
        }
      } else {
      }
      %get3A_468 = arith.index_cast %add3A_453 : i32 to index
      %get3A_469 = arith.constant 0 : index
      %get3A_470 = tpu.vector_load %arg13[%get3A_468, %get3A_469] {strides = array<i32>} : memref<128x16xi32, #tpu.memory_space<vmem>>, vector<16xi32>,
      %slice3A_471 = vector.extract_strided_slice %get3A_470 {offsets = [0], sizes = [1], strides = [1]} : vector<16xi32> to vector<1xi32>
      %squeeze3A_472 = vector.extract %slice3A_471[0] : i32 from vector<1xi32>
      %add3A_473 = arith.constant 40 : i32
      %add3A_474 = arith.addi %squeeze3A_472, %add3A_473 : i32
      %sub3A_475 = arith.constant 1 : i32
      %sub3A_476 = arith.subi %add3A_474, %sub3A_475 : i32
      %jit3A_477 = arith.constant 40 : i32
      %div3A_478 = arith.divsi %sub3A_476, %jit3A_477 : i32
      %sign3A_479 = arith.constant 0 : i32
      %sign3A_480 = arith.cmpi sgt, %sub3A_476, %sign3A_479 : i32
      %sign3A_481 = arith.extui %sign3A_480 : i1 to i32
      %sign3A_482 = arith.constant 0 : i32
      %sign3A_483 = arith.cmpi slt, %sub3A_476, %sign3A_482 : i32
      %sign3A_484 = arith.extui %sign3A_483 : i1 to i32
      %sign3A_485 = arith.subi %sign3A_481, %sign3A_484 : i32
      %sign3A_486 = arith.constant 0 : i32
      %sign3A_487 = arith.cmpi sgt, %jit3A_477, %sign3A_486 : i32
      %sign3A_488 = arith.extui %sign3A_487 : i1 to i32
      %sign3A_489 = arith.constant 0 : i32
      %sign3A_490 = arith.cmpi slt, %jit3A_477, %sign3A_489 : i32
      %sign3A_491 = arith.extui %sign3A_490 : i1 to i32
      %sign3A_492 = arith.subi %sign3A_488, %sign3A_491 : i32
      %ne3A_493 = arith.cmpi ne, %sign3A_485, %sign3A_492 : i32
      %rem3A_494 = arith.remsi %sub3A_476, %jit3A_477 : i32
      %ne3A_495 = arith.constant 0 : i32
      %ne3A_496 = arith.cmpi ne, %rem3A_494, %ne3A_495 : i32
      %and3A_497 = arith.andi %ne3A_493, %ne3A_496 : i1
      %sub3A_498 = arith.constant 1 : i32
      %sub3A_499 = arith.subi %div3A_478, %sub3A_498 : i32
      %select_n3A_500 = arith.select %and3A_497, %sub3A_499, %div3A_478 : i32
      %while3A_501 = arith.constant 0 : i32
      %while3A_502 = arith.constant 0 : i32
      %while3A_503 = arith.subi %select_n3A_500, %while3A_502 : i32
      %while3A_504 = arith.addi %while3A_502, %while3A_503 : i32
      %while3A_505 = arith.constant 1 : i32
      %while3A_506 = arith.divsi %while3A_503, %while3A_505 : i32
      %while3A_507 = arith.muli %while3A_506, %while3A_505 : i32
      %while3A_508 = arith.addi %while3A_502, %while3A_507 : i32
      %while3A_509 = arith.constant 1 : i32
      scf.for %while3A_768 = %while3A_502 to %while3A_508 step %while3A_509  : i32 {
        %mul3A_769 = arith.constant 200 : i32
        %mul3A_770 = arith.muli %add3A_453, %mul3A_769 : i32
        %mul3A_771 = arith.constant 40 : i32
        %mul3A_772 = arith.muli %while3A_768, %mul3A_771 : i32
        %add3A_773 = arith.addi %mul3A_770, %mul3A_772 : i32
        %mul3A_774 = arith.constant 40 : i32
        %mul3A_775 = arith.muli %while3A_768, %mul3A_774 : i32
        %dma_wait3A = arith.constant 0 : i32
        %dma_wait3A_776 = tpu.memref_slice %arg10[%mul3A_775, %dma_wait3A] : memref<200x64xf32, #tpu.memory_space<vmem>> -> memref<40x64xf32, #tpu.memory_space<vmem>>
        %dma_wait3A_777 = tpu.memref_slice %arg6[%add3A_773] : memref<25600xi32, #tpu.memory_space<vmem>> -> memref<40xi32, #tpu.memory_space<vmem>>
        %dma_wait3A_778 = arith.constant 0 : i32
        %dma_wait3A_779 = arith.constant 0 : i32
        %dma_wait3A_780 = tpu.memref_slice %arg4[%dma_wait3A_778, %dma_wait3A_779] : memref<100000x64xf32, #tpu.memory_space<hbm>> -> memref<100000x64xf32, #tpu.memory_space<hbm>>
        tpu.wait_indirect_dma semaphore(%arg16 : memref<!tpu.dma_semaphore, #tpu.memory_space<semaphore_mem>>) src(%dma_wait3A_780 : memref<100000x64xf32, #tpu.memory_space<hbm>>) dst(%dma_wait3A_776 : memref<40x64xf32, #tpu.memory_space<vmem>>)
      }
      %while3A_510 = arith.constant 1 : i32
      scf.for %while3A_768 = %while3A_508 to %while3A_504 step %while3A_510  : i32 {
        %mul3A_769 = arith.constant 200 : i32
        %mul3A_770 = arith.muli %add3A_453, %mul3A_769 : i32
        %mul3A_771 = arith.constant 40 : i32
        %mul3A_772 = arith.muli %while3A_768, %mul3A_771 : i32
        %add3A_773 = arith.addi %mul3A_770, %mul3A_772 : i32
        %mul3A_774 = arith.constant 40 : i32
        %mul3A_775 = arith.muli %while3A_768, %mul3A_774 : i32
        %dma_wait3A = arith.constant 0 : i32
        %dma_wait3A_776 = tpu.memref_slice %arg10[%mul3A_775, %dma_wait3A] : memref<200x64xf32, #tpu.memory_space<vmem>> -> memref<40x64xf32, #tpu.memory_space<vmem>>
        %dma_wait3A_777 = tpu.memref_slice %arg6[%add3A_773] : memref<25600xi32, #tpu.memory_space<vmem>> -> memref<40xi32, #tpu.memory_space<vmem>>
        %dma_wait3A_778 = arith.constant 0 : i32
        %dma_wait3A_779 = arith.constant 0 : i32
        %dma_wait3A_780 = tpu.memref_slice %arg4[%dma_wait3A_778, %dma_wait3A_779] : memref<100000x64xf32, #tpu.memory_space<hbm>> -> memref<100000x64xf32, #tpu.memory_space<hbm>>
        tpu.wait_indirect_dma semaphore(%arg16 : memref<!tpu.dma_semaphore, #tpu.memory_space<semaphore_mem>>) src(%dma_wait3A_780 : memref<100000x64xf32, #tpu.memory_space<hbm>>) dst(%dma_wait3A_776 : memref<40x64xf32, #tpu.memory_space<vmem>>)
      }
      %add3A_511 = arith.constant 7 : i32
      %add3A_512 = arith.addi %squeeze3A_472, %add3A_511 : i32
      %jit3A_513 = arith.constant 8 : i32
      %div3A_514 = arith.divsi %add3A_512, %jit3A_513 : i32
      %sign3A_515 = arith.constant 0 : i32
      %sign3A_516 = arith.cmpi sgt, %add3A_512, %sign3A_515 : i32
      %sign3A_517 = arith.extui %sign3A_516 : i1 to i32
      %sign3A_518 = arith.constant 0 : i32
      %sign3A_519 = arith.cmpi slt, %add3A_512, %sign3A_518 : i32
      %sign3A_520 = arith.extui %sign3A_519 : i1 to i32
      %sign3A_521 = arith.subi %sign3A_517, %sign3A_520 : i32
      %sign3A_522 = arith.constant 0 : i32
      %sign3A_523 = arith.cmpi sgt, %jit3A_513, %sign3A_522 : i32
      %sign3A_524 = arith.extui %sign3A_523 : i1 to i32
      %sign3A_525 = arith.constant 0 : i32
      %sign3A_526 = arith.cmpi slt, %jit3A_513, %sign3A_525 : i32
      %sign3A_527 = arith.extui %sign3A_526 : i1 to i32
      %sign3A_528 = arith.subi %sign3A_524, %sign3A_527 : i32
      %ne3A_529 = arith.cmpi ne, %sign3A_521, %sign3A_528 : i32
      %rem3A_530 = arith.remsi %add3A_512, %jit3A_513 : i32
      %ne3A_531 = arith.constant 0 : i32
      %ne3A_532 = arith.cmpi ne, %rem3A_530, %ne3A_531 : i32
      %and3A_533 = arith.andi %ne3A_529, %ne3A_532 : i1
      %sub3A_534 = arith.constant 1 : i32
      %sub3A_535 = arith.subi %div3A_514, %sub3A_534 : i32
      %select_n3A_536 = arith.select %and3A_533, %sub3A_535, %div3A_514 : i32
      %mul3A_537 = arith.constant 8 : i32
      %mul3A_538 = arith.muli %select_n3A_536, %mul3A_537 : i32
      %sub3A_539 = arith.subi %mul3A_538, %squeeze3A_472 : i32
      %while3A_540 = arith.constant 0 : i32
      %while3A_541 = arith.constant 0 : i32
      %while3A_542 = arith.subi %sub3A_539, %while3A_541 : i32
      %while3A_543 = arith.addi %while3A_541, %while3A_542 : i32
      %while3A_544 = arith.constant 1 : i32
      %while3A_545 = arith.divsi %while3A_542, %while3A_544 : i32
      %while3A_546 = arith.muli %while3A_545, %while3A_544 : i32
      %while3A_547 = arith.addi %while3A_541, %while3A_546 : i32
      %while3A_548 = arith.constant 1 : i32
      scf.for %while3A_768 = %while3A_541 to %while3A_547 step %while3A_548  : i32 {
        %add3A_769 = arith.addi %squeeze3A_472, %while3A_768 : i32
        %swap3A_770 = arith.index_cast %add3A_769 : i32 to index
        %swap3A_771 = arith.constant 0 : index
        %swap3A_772 = tpu.vector_load %arg10[%swap3A_770, %swap3A_771] {strides = array<i32>} : memref<200x64xf32, #tpu.memory_space<vmem>>, vector<16xf32>,
        tpu.vector_store %arg10[%swap3A_770, %swap3A_771], %broadcast_in_dim3A_5 {strides = array<i32>} : memref<200x64xf32, #tpu.memory_space<vmem>>, vector<16xf32>,
        %add3A_773 = arith.addi %squeeze3A_472, %while3A_768 : i32
        %swap3A_774 = arith.index_cast %add3A_773 : i32 to index
        %swap3A_775 = arith.constant 16 : index
        %swap3A_776 = tpu.vector_load %arg10[%swap3A_774, %swap3A_775] {strides = array<i32>} : memref<200x64xf32, #tpu.memory_space<vmem>>, vector<16xf32>,
        tpu.vector_store %arg10[%swap3A_774, %swap3A_775], %broadcast_in_dim3A_5 {strides = array<i32>} : memref<200x64xf32, #tpu.memory_space<vmem>>, vector<16xf32>,
        %add3A_777 = arith.addi %squeeze3A_472, %while3A_768 : i32
        %swap3A_778 = arith.index_cast %add3A_777 : i32 to index
        %swap3A_779 = arith.constant 32 : index
        %swap3A_780 = tpu.vector_load %arg10[%swap3A_778, %swap3A_779] {strides = array<i32>} : memref<200x64xf32, #tpu.memory_space<vmem>>, vector<16xf32>,
        tpu.vector_store %arg10[%swap3A_778, %swap3A_779], %broadcast_in_dim3A_5 {strides = array<i32>} : memref<200x64xf32, #tpu.memory_space<vmem>>, vector<16xf32>,
        %add3A_781 = arith.addi %squeeze3A_472, %while3A_768 : i32
        %swap3A_782 = arith.index_cast %add3A_781 : i32 to index
        %swap3A_783 = arith.constant 48 : index
        %swap3A_784 = tpu.vector_load %arg10[%swap3A_782, %swap3A_783] {strides = array<i32>} : memref<200x64xf32, #tpu.memory_space<vmem>>, vector<16xf32>,
        tpu.vector_store %arg10[%swap3A_782, %swap3A_783], %broadcast_in_dim3A_5 {strides = array<i32>} : memref<200x64xf32, #tpu.memory_space<vmem>>, vector<16xf32>,
      }
      %while3A_549 = arith.constant 1 : i32
      scf.for %while3A_768 = %while3A_547 to %while3A_543 step %while3A_549  : i32 {
        %add3A_769 = arith.addi %squeeze3A_472, %while3A_768 : i32
        %swap3A_770 = arith.index_cast %add3A_769 : i32 to index
        %swap3A_771 = arith.constant 0 : index
        %swap3A_772 = tpu.vector_load %arg10[%swap3A_770, %swap3A_771] {strides = array<i32>} : memref<200x64xf32, #tpu.memory_space<vmem>>, vector<16xf32>,
        tpu.vector_store %arg10[%swap3A_770, %swap3A_771], %broadcast_in_dim3A_5 {strides = array<i32>} : memref<200x64xf32, #tpu.memory_space<vmem>>, vector<16xf32>,
        %add3A_773 = arith.addi %squeeze3A_472, %while3A_768 : i32
        %swap3A_774 = arith.index_cast %add3A_773 : i32 to index
        %swap3A_775 = arith.constant 16 : index
        %swap3A_776 = tpu.vector_load %arg10[%swap3A_774, %swap3A_775] {strides = array<i32>} : memref<200x64xf32, #tpu.memory_space<vmem>>, vector<16xf32>,
        tpu.vector_store %arg10[%swap3A_774, %swap3A_775], %broadcast_in_dim3A_5 {strides = array<i32>} : memref<200x64xf32, #tpu.memory_space<vmem>>, vector<16xf32>,
        %add3A_777 = arith.addi %squeeze3A_472, %while3A_768 : i32
        %swap3A_778 = arith.index_cast %add3A_777 : i32 to index
        %swap3A_779 = arith.constant 32 : index
        %swap3A_780 = tpu.vector_load %arg10[%swap3A_778, %swap3A_779] {strides = array<i32>} : memref<200x64xf32, #tpu.memory_space<vmem>>, vector<16xf32>,
        tpu.vector_store %arg10[%swap3A_778, %swap3A_779], %broadcast_in_dim3A_5 {strides = array<i32>} : memref<200x64xf32, #tpu.memory_space<vmem>>, vector<16xf32>,
        %add3A_781 = arith.addi %squeeze3A_472, %while3A_768 : i32
        %swap3A_782 = arith.index_cast %add3A_781 : i32 to index
        %swap3A_783 = arith.constant 48 : index
        %swap3A_784 = tpu.vector_load %arg10[%swap3A_782, %swap3A_783] {strides = array<i32>} : memref<200x64xf32, #tpu.memory_space<vmem>>, vector<16xf32>,
        tpu.vector_store %arg10[%swap3A_782, %swap3A_783], %broadcast_in_dim3A_5 {strides = array<i32>} : memref<200x64xf32, #tpu.memory_space<vmem>>, vector<16xf32>,
      }
      %jit3A_550 = arith.constant 8 : i32
      %div3A_551 = arith.divsi %mul3A_538, %jit3A_550 : i32
      %sign3A_552 = arith.constant 0 : i32
      %sign3A_553 = arith.cmpi sgt, %mul3A_538, %sign3A_552 : i32
      %sign3A_554 = arith.extui %sign3A_553 : i1 to i32
      %sign3A_555 = arith.constant 0 : i32
      %sign3A_556 = arith.cmpi slt, %mul3A_538, %sign3A_555 : i32
      %sign3A_557 = arith.extui %sign3A_556 : i1 to i32
      %sign3A_558 = arith.subi %sign3A_554, %sign3A_557 : i32
      %sign3A_559 = arith.constant 0 : i32
      %sign3A_560 = arith.cmpi sgt, %jit3A_550, %sign3A_559 : i32
      %sign3A_561 = arith.extui %sign3A_560 : i1 to i32
      %sign3A_562 = arith.constant 0 : i32
      %sign3A_563 = arith.cmpi slt, %jit3A_550, %sign3A_562 : i32
      %sign3A_564 = arith.extui %sign3A_563 : i1 to i32
      %sign3A_565 = arith.subi %sign3A_561, %sign3A_564 : i32
      %ne3A_566 = arith.cmpi ne, %sign3A_558, %sign3A_565 : i32
      %rem3A_567 = arith.remsi %mul3A_538, %jit3A_550 : i32
      %ne3A_568 = arith.constant 0 : i32
      %ne3A_569 = arith.cmpi ne, %rem3A_567, %ne3A_568 : i32
      %and3A_570 = arith.andi %ne3A_566, %ne3A_569 : i1
      %sub3A_571 = arith.constant 1 : i32
      %sub3A_572 = arith.subi %div3A_551, %sub3A_571 : i32
      %select_n3A_573 = arith.select %and3A_570, %sub3A_572, %div3A_551 : i32
      %while3A_574 = arith.constant 0 : i32
      %while3A_575 = arith.subi %select_n3A_573, %while3A_574 : i32
      %while3A_576 = arith.addi %while3A_574, %while3A_575 : i32
      %while3A_577 = arith.constant 1 : i32
      %while3A_578 = arith.divsi %while3A_575, %while3A_577 : i32
      %while3A_579 = arith.muli %while3A_578, %while3A_577 : i32
      %while3A_580 = arith.addi %while3A_574, %while3A_579 : i32
      %while3A_581 = arith.constant 1 : i32
      %while3A_582:4 = scf.for %while3A_768 = %while3A_574 to %while3A_580 step %while3A_581 iter_args(%while3A_769 = %broadcast_in_dim3A_5, %while3A_770 = %broadcast_in_dim3A_5, %while3A_771 = %broadcast_in_dim3A_5, %while3A_772 = %broadcast_in_dim3A_5) -> (vector<16xf32>, vector<16xf32>, vector<16xf32>, vector<16xf32>)  : i32 {
        %mul3A_773 = arith.constant 8 : i32
        %mul3A_774 = arith.muli %while3A_768, %mul3A_773 : i32
        %add3A_775 = arith.constant 0 : i32
        %add3A_776 = arith.addi %mul3A_774, %add3A_775 : i32
        %get3A_777 = arith.index_cast %add3A_776 : i32 to index
        %get3A_778 = arith.constant 0 : index
        %get3A_779 = tpu.vector_load %arg10[%get3A_777, %get3A_778] {strides = array<i32>} : memref<200x64xf32, #tpu.memory_space<vmem>>, vector<16xf32>,
        %add3A_780 = arith.addf %while3A_769, %get3A_779 : vector<16xf32>
        %get3A_781 = arith.index_cast %add3A_776 : i32 to index
        %get3A_782 = arith.constant 16 : index
        %get3A_783 = tpu.vector_load %arg10[%get3A_781, %get3A_782] {strides = array<i32>} : memref<200x64xf32, #tpu.memory_space<vmem>>, vector<16xf32>,
        %add3A_784 = arith.addf %while3A_770, %get3A_783 : vector<16xf32>
        %get3A_785 = arith.index_cast %add3A_776 : i32 to index
        %get3A_786 = arith.constant 32 : index
        %get3A_787 = tpu.vector_load %arg10[%get3A_785, %get3A_786] {strides = array<i32>} : memref<200x64xf32, #tpu.memory_space<vmem>>, vector<16xf32>,
        %add3A_788 = arith.addf %while3A_771, %get3A_787 : vector<16xf32>
        %get3A_789 = arith.index_cast %add3A_776 : i32 to index
        %get3A_790 = arith.constant 48 : index
        %get3A_791 = tpu.vector_load %arg10[%get3A_789, %get3A_790] {strides = array<i32>} : memref<200x64xf32, #tpu.memory_space<vmem>>, vector<16xf32>,
        %add3A_792 = arith.addf %while3A_772, %get3A_791 : vector<16xf32>
        %mul3A_793 = arith.constant 8 : i32
        %mul3A_794 = arith.muli %while3A_768, %mul3A_793 : i32
        %add3A_795 = arith.constant 1 : i32
        %add3A_796 = arith.addi %mul3A_794, %add3A_795 : i32
        %get3A_797 = arith.index_cast %add3A_796 : i32 to index
        %get3A_798 = arith.constant 0 : index
        %get3A_799 = tpu.vector_load %arg10[%get3A_797, %get3A_798] {strides = array<i32>} : memref<200x64xf32, #tpu.memory_space<vmem>>, vector<16xf32>,
        %add3A_800 = arith.addf %add3A_780, %get3A_799 : vector<16xf32>
        %get3A_801 = arith.index_cast %add3A_796 : i32 to index
        %get3A_802 = arith.constant 16 : index
        %get3A_803 = tpu.vector_load %arg10[%get3A_801, %get3A_802] {strides = array<i32>} : memref<200x64xf32, #tpu.memory_space<vmem>>, vector<16xf32>,
        %add3A_804 = arith.addf %add3A_784, %get3A_803 : vector<16xf32>
        %get3A_805 = arith.index_cast %add3A_796 : i32 to index
        %get3A_806 = arith.constant 32 : index
        %get3A_807 = tpu.vector_load %arg10[%get3A_805, %get3A_806] {strides = array<i32>} : memref<200x64xf32, #tpu.memory_space<vmem>>, vector<16xf32>,
        %add3A_808 = arith.addf %add3A_788, %get3A_807 : vector<16xf32>
        %get3A_809 = arith.index_cast %add3A_796 : i32 to index
        %get3A_810 = arith.constant 48 : index
        %get3A_811 = tpu.vector_load %arg10[%get3A_809, %get3A_810] {strides = array<i32>} : memref<200x64xf32, #tpu.memory_space<vmem>>, vector<16xf32>,
        %add3A_812 = arith.addf %add3A_792, %get3A_811 : vector<16xf32>
        %mul3A_813 = arith.constant 8 : i32
        %mul3A_814 = arith.muli %while3A_768, %mul3A_813 : i32
        %add3A_815 = arith.constant 2 : i32
        %add3A_816 = arith.addi %mul3A_814, %add3A_815 : i32
        %get3A_817 = arith.index_cast %add3A_816 : i32 to index
        %get3A_818 = arith.constant 0 : index
        %get3A_819 = tpu.vector_load %arg10[%get3A_817, %get3A_818] {strides = array<i32>} : memref<200x64xf32, #tpu.memory_space<vmem>>, vector<16xf32>,
        %add3A_820 = arith.addf %add3A_800, %get3A_819 : vector<16xf32>
        %get3A_821 = arith.index_cast %add3A_816 : i32 to index
        %get3A_822 = arith.constant 16 : index
        %get3A_823 = tpu.vector_load %arg10[%get3A_821, %get3A_822] {strides = array<i32>} : memref<200x64xf32, #tpu.memory_space<vmem>>, vector<16xf32>,
        %add3A_824 = arith.addf %add3A_804, %get3A_823 : vector<16xf32>
        %get3A_825 = arith.index_cast %add3A_816 : i32 to index
        %get3A_826 = arith.constant 32 : index
        %get3A_827 = tpu.vector_load %arg10[%get3A_825, %get3A_826] {strides = array<i32>} : memref<200x64xf32, #tpu.memory_space<vmem>>, vector<16xf32>,
        %add3A_828 = arith.addf %add3A_808, %get3A_827 : vector<16xf32>
        %get3A_829 = arith.index_cast %add3A_816 : i32 to index
        %get3A_830 = arith.constant 48 : index
        %get3A_831 = tpu.vector_load %arg10[%get3A_829, %get3A_830] {strides = array<i32>} : memref<200x64xf32, #tpu.memory_space<vmem>>, vector<16xf32>,
        %add3A_832 = arith.addf %add3A_812, %get3A_831 : vector<16xf32>
        %mul3A_833 = arith.constant 8 : i32
        %mul3A_834 = arith.muli %while3A_768, %mul3A_833 : i32
        %add3A_835 = arith.constant 3 : i32
        %add3A_836 = arith.addi %mul3A_834, %add3A_835 : i32
        %get3A_837 = arith.index_cast %add3A_836 : i32 to index
        %get3A_838 = arith.constant 0 : index
        %get3A_839 = tpu.vector_load %arg10[%get3A_837, %get3A_838] {strides = array<i32>} : memref<200x64xf32, #tpu.memory_space<vmem>>, vector<16xf32>,
        %add3A_840 = arith.addf %add3A_820, %get3A_839 : vector<16xf32>
        %get3A_841 = arith.index_cast %add3A_836 : i32 to index
        %get3A_842 = arith.constant 16 : index
        %get3A_843 = tpu.vector_load %arg10[%get3A_841, %get3A_842] {strides = array<i32>} : memref<200x64xf32, #tpu.memory_space<vmem>>, vector<16xf32>,
        %add3A_844 = arith.addf %add3A_824, %get3A_843 : vector<16xf32>
        %get3A_845 = arith.index_cast %add3A_836 : i32 to index
        %get3A_846 = arith.constant 32 : index
        %get3A_847 = tpu.vector_load %arg10[%get3A_845, %get3A_846] {strides = array<i32>} : memref<200x64xf32, #tpu.memory_space<vmem>>, vector<16xf32>,
        %add3A_848 = arith.addf %add3A_828, %get3A_847 : vector<16xf32>
        %get3A_849 = arith.index_cast %add3A_836 : i32 to index
        %get3A_850 = arith.constant 48 : index
        %get3A_851 = tpu.vector_load %arg10[%get3A_849, %get3A_850] {strides = array<i32>} : memref<200x64xf32, #tpu.memory_space<vmem>>, vector<16xf32>,
        %add3A_852 = arith.addf %add3A_832, %get3A_851 : vector<16xf32>
        %mul3A_853 = arith.constant 8 : i32
        %mul3A_854 = arith.muli %while3A_768, %mul3A_853 : i32
        %add3A_855 = arith.constant 4 : i32
        %add3A_856 = arith.addi %mul3A_854, %add3A_855 : i32
        %get3A_857 = arith.index_cast %add3A_856 : i32 to index
        %get3A_858 = arith.constant 0 : index
        %get3A_859 = tpu.vector_load %arg10[%get3A_857, %get3A_858] {strides = array<i32>} : memref<200x64xf32, #tpu.memory_space<vmem>>, vector<16xf32>,
        %add3A_860 = arith.addf %add3A_840, %get3A_859 : vector<16xf32>
        %get3A_861 = arith.index_cast %add3A_856 : i32 to index
        %get3A_862 = arith.constant 16 : index
        %get3A_863 = tpu.vector_load %arg10[%get3A_861, %get3A_862] {strides = array<i32>} : memref<200x64xf32, #tpu.memory_space<vmem>>, vector<16xf32>,
        %add3A_864 = arith.addf %add3A_844, %get3A_863 : vector<16xf32>
        %get3A_865 = arith.index_cast %add3A_856 : i32 to index
        %get3A_866 = arith.constant 32 : index
        %get3A_867 = tpu.vector_load %arg10[%get3A_865, %get3A_866] {strides = array<i32>} : memref<200x64xf32, #tpu.memory_space<vmem>>, vector<16xf32>,
        %add3A_868 = arith.addf %add3A_848, %get3A_867 : vector<16xf32>
        %get3A_869 = arith.index_cast %add3A_856 : i32 to index
        %get3A_870 = arith.constant 48 : index
        %get3A_871 = tpu.vector_load %arg10[%get3A_869, %get3A_870] {strides = array<i32>} : memref<200x64xf32, #tpu.memory_space<vmem>>, vector<16xf32>,
        %add3A_872 = arith.addf %add3A_852, %get3A_871 : vector<16xf32>
        %mul3A_873 = arith.constant 8 : i32
        %mul3A_874 = arith.muli %while3A_768, %mul3A_873 : i32
        %add3A_875 = arith.constant 5 : i32
        %add3A_876 = arith.addi %mul3A_874, %add3A_875 : i32
        %get3A_877 = arith.index_cast %add3A_876 : i32 to index
        %get3A_878 = arith.constant 0 : index
        %get3A_879 = tpu.vector_load %arg10[%get3A_877, %get3A_878] {strides = array<i32>} : memref<200x64xf32, #tpu.memory_space<vmem>>, vector<16xf32>,
        %add3A_880 = arith.addf %add3A_860, %get3A_879 : vector<16xf32>
        %get3A_881 = arith.index_cast %add3A_876 : i32 to index
        %get3A_882 = arith.constant 16 : index
        %get3A_883 = tpu.vector_load %arg10[%get3A_881, %get3A_882] {strides = array<i32>} : memref<200x64xf32, #tpu.memory_space<vmem>>, vector<16xf32>,
        %add3A_884 = arith.addf %add3A_864, %get3A_883 : vector<16xf32>
        %get3A_885 = arith.index_cast %add3A_876 : i32 to index
        %get3A_886 = arith.constant 32 : index
        %get3A_887 = tpu.vector_load %arg10[%get3A_885, %get3A_886] {strides = array<i32>} : memref<200x64xf32, #tpu.memory_space<vmem>>, vector<16xf32>,
        %add3A_888 = arith.addf %add3A_868, %get3A_887 : vector<16xf32>
        %get3A_889 = arith.index_cast %add3A_876 : i32 to index
        %get3A_890 = arith.constant 48 : index
        %get3A_891 = tpu.vector_load %arg10[%get3A_889, %get3A_890] {strides = array<i32>} : memref<200x64xf32, #tpu.memory_space<vmem>>, vector<16xf32>,
        %add3A_892 = arith.addf %add3A_872, %get3A_891 : vector<16xf32>
        %mul3A_893 = arith.constant 8 : i32
        %mul3A_894 = arith.muli %while3A_768, %mul3A_893 : i32
        %add3A_895 = arith.constant 6 : i32
        %add3A_896 = arith.addi %mul3A_894, %add3A_895 : i32
        %get3A_897 = arith.index_cast %add3A_896 : i32 to index
        %get3A_898 = arith.constant 0 : index
        %get3A_899 = tpu.vector_load %arg10[%get3A_897, %get3A_898] {strides = array<i32>} : memref<200x64xf32, #tpu.memory_space<vmem>>, vector<16xf32>,
        %add3A_900 = arith.addf %add3A_880, %get3A_899 : vector<16xf32>
        %get3A_901 = arith.index_cast %add3A_896 : i32 to index
        %get3A_902 = arith.constant 16 : index
        %get3A_903 = tpu.vector_load %arg10[%get3A_901, %get3A_902] {strides = array<i32>} : memref<200x64xf32, #tpu.memory_space<vmem>>, vector<16xf32>,
        %add3A_904 = arith.addf %add3A_884, %get3A_903 : vector<16xf32>
        %get3A_905 = arith.index_cast %add3A_896 : i32 to index
        %get3A_906 = arith.constant 32 : index
        %get3A_907 = tpu.vector_load %arg10[%get3A_905, %get3A_906] {strides = array<i32>} : memref<200x64xf32, #tpu.memory_space<vmem>>, vector<16xf32>,
        %add3A_908 = arith.addf %add3A_888, %get3A_907 : vector<16xf32>
        %get3A_909 = arith.index_cast %add3A_896 : i32 to index
        %get3A_910 = arith.constant 48 : index
        %get3A_911 = tpu.vector_load %arg10[%get3A_909, %get3A_910] {strides = array<i32>} : memref<200x64xf32, #tpu.memory_space<vmem>>, vector<16xf32>,
        %add3A_912 = arith.addf %add3A_892, %get3A_911 : vector<16xf32>
        %mul3A_913 = arith.constant 8 : i32
        %mul3A_914 = arith.muli %while3A_768, %mul3A_913 : i32
        %add3A_915 = arith.constant 7 : i32
        %add3A_916 = arith.addi %mul3A_914, %add3A_915 : i32
        %get3A_917 = arith.index_cast %add3A_916 : i32 to index
        %get3A_918 = arith.constant 0 : index
        %get3A_919 = tpu.vector_load %arg10[%get3A_917, %get3A_918] {strides = array<i32>} : memref<200x64xf32, #tpu.memory_space<vmem>>, vector<16xf32>,
        %add3A_920 = arith.addf %add3A_900, %get3A_919 : vector<16xf32>
        %get3A_921 = arith.index_cast %add3A_916 : i32 to index
        %get3A_922 = arith.constant 16 : index
        %get3A_923 = tpu.vector_load %arg10[%get3A_921, %get3A_922] {strides = array<i32>} : memref<200x64xf32, #tpu.memory_space<vmem>>, vector<16xf32>,
        %add3A_924 = arith.addf %add3A_904, %get3A_923 : vector<16xf32>
        %get3A_925 = arith.index_cast %add3A_916 : i32 to index
        %get3A_926 = arith.constant 32 : index
        %get3A_927 = tpu.vector_load %arg10[%get3A_925, %get3A_926] {strides = array<i32>} : memref<200x64xf32, #tpu.memory_space<vmem>>, vector<16xf32>,
        %add3A_928 = arith.addf %add3A_908, %get3A_927 : vector<16xf32>
        %get3A_929 = arith.index_cast %add3A_916 : i32 to index
        %get3A_930 = arith.constant 48 : index
        %get3A_931 = tpu.vector_load %arg10[%get3A_929, %get3A_930] {strides = array<i32>} : memref<200x64xf32, #tpu.memory_space<vmem>>, vector<16xf32>,
        %add3A_932 = arith.addf %add3A_912, %get3A_931 : vector<16xf32>
        scf.yield %add3A_920, %add3A_924, %add3A_928, %add3A_932 : vector<16xf32>, vector<16xf32>, vector<16xf32>, vector<16xf32>
      }
      %while3A_583 = arith.constant 1 : i32
      %while3A_584:4 = scf.for %while3A_768 = %while3A_580 to %while3A_576 step %while3A_583 iter_args(%while3A_769 = %while3A_582#0, %while3A_770 = %while3A_582#1, %while3A_771 = %while3A_582#2, %while3A_772 = %while3A_582#3) -> (vector<16xf32>, vector<16xf32>, vector<16xf32>, vector<16xf32>)  : i32 {
        %mul3A_773 = arith.constant 8 : i32
        %mul3A_774 = arith.muli %while3A_768, %mul3A_773 : i32
        %add3A_775 = arith.constant 0 : i32
        %add3A_776 = arith.addi %mul3A_774, %add3A_775 : i32
        %get3A_777 = arith.index_cast %add3A_776 : i32 to index
        %get3A_778 = arith.constant 0 : index
        %get3A_779 = tpu.vector_load %arg10[%get3A_777, %get3A_778] {strides = array<i32>} : memref<200x64xf32, #tpu.memory_space<vmem>>, vector<16xf32>,
        %add3A_780 = arith.addf %while3A_769, %get3A_779 : vector<16xf32>
        %get3A_781 = arith.index_cast %add3A_776 : i32 to index
        %get3A_782 = arith.constant 16 : index
        %get3A_783 = tpu.vector_load %arg10[%get3A_781, %get3A_782] {strides = array<i32>} : memref<200x64xf32, #tpu.memory_space<vmem>>, vector<16xf32>,
        %add3A_784 = arith.addf %while3A_770, %get3A_783 : vector<16xf32>
        %get3A_785 = arith.index_cast %add3A_776 : i32 to index
        %get3A_786 = arith.constant 32 : index
        %get3A_787 = tpu.vector_load %arg10[%get3A_785, %get3A_786] {strides = array<i32>} : memref<200x64xf32, #tpu.memory_space<vmem>>, vector<16xf32>,
        %add3A_788 = arith.addf %while3A_771, %get3A_787 : vector<16xf32>
        %get3A_789 = arith.index_cast %add3A_776 : i32 to index
        %get3A_790 = arith.constant 48 : index
        %get3A_791 = tpu.vector_load %arg10[%get3A_789, %get3A_790] {strides = array<i32>} : memref<200x64xf32, #tpu.memory_space<vmem>>, vector<16xf32>,
        %add3A_792 = arith.addf %while3A_772, %get3A_791 : vector<16xf32>
        %mul3A_793 = arith.constant 8 : i32
        %mul3A_794 = arith.muli %while3A_768, %mul3A_793 : i32
        %add3A_795 = arith.constant 1 : i32
        %add3A_796 = arith.addi %mul3A_794, %add3A_795 : i32
        %get3A_797 = arith.index_cast %add3A_796 : i32 to index
        %get3A_798 = arith.constant 0 : index
        %get3A_799 = tpu.vector_load %arg10[%get3A_797, %get3A_798] {strides = array<i32>} : memref<200x64xf32, #tpu.memory_space<vmem>>, vector<16xf32>,
        %add3A_800 = arith.addf %add3A_780, %get3A_799 : vector<16xf32>
        %get3A_801 = arith.index_cast %add3A_796 : i32 to index
        %get3A_802 = arith.constant 16 : index
        %get3A_803 = tpu.vector_load %arg10[%get3A_801, %get3A_802] {strides = array<i32>} : memref<200x64xf32, #tpu.memory_space<vmem>>, vector<16xf32>,
        %add3A_804 = arith.addf %add3A_784, %get3A_803 : vector<16xf32>
        %get3A_805 = arith.index_cast %add3A_796 : i32 to index
        %get3A_806 = arith.constant 32 : index
        %get3A_807 = tpu.vector_load %arg10[%get3A_805, %get3A_806] {strides = array<i32>} : memref<200x64xf32, #tpu.memory_space<vmem>>, vector<16xf32>,
        %add3A_808 = arith.addf %add3A_788, %get3A_807 : vector<16xf32>
        %get3A_809 = arith.index_cast %add3A_796 : i32 to index
        %get3A_810 = arith.constant 48 : index
        %get3A_811 = tpu.vector_load %arg10[%get3A_809, %get3A_810] {strides = array<i32>} : memref<200x64xf32, #tpu.memory_space<vmem>>, vector<16xf32>,
        %add3A_812 = arith.addf %add3A_792, %get3A_811 : vector<16xf32>
        %mul3A_813 = arith.constant 8 : i32
        %mul3A_814 = arith.muli %while3A_768, %mul3A_813 : i32
        %add3A_815 = arith.constant 2 : i32
        %add3A_816 = arith.addi %mul3A_814, %add3A_815 : i32
        %get3A_817 = arith.index_cast %add3A_816 : i32 to index
        %get3A_818 = arith.constant 0 : index
        %get3A_819 = tpu.vector_load %arg10[%get3A_817, %get3A_818] {strides = array<i32>} : memref<200x64xf32, #tpu.memory_space<vmem>>, vector<16xf32>,
        %add3A_820 = arith.addf %add3A_800, %get3A_819 : vector<16xf32>
        %get3A_821 = arith.index_cast %add3A_816 : i32 to index
        %get3A_822 = arith.constant 16 : index
        %get3A_823 = tpu.vector_load %arg10[%get3A_821, %get3A_822] {strides = array<i32>} : memref<200x64xf32, #tpu.memory_space<vmem>>, vector<16xf32>,
        %add3A_824 = arith.addf %add3A_804, %get3A_823 : vector<16xf32>
        %get3A_825 = arith.index_cast %add3A_816 : i32 to index
        %get3A_826 = arith.constant 32 : index
        %get3A_827 = tpu.vector_load %arg10[%get3A_825, %get3A_826] {strides = array<i32>} : memref<200x64xf32, #tpu.memory_space<vmem>>, vector<16xf32>,
        %add3A_828 = arith.addf %add3A_808, %get3A_827 : vector<16xf32>
        %get3A_829 = arith.index_cast %add3A_816 : i32 to index
        %get3A_830 = arith.constant 48 : index
        %get3A_831 = tpu.vector_load %arg10[%get3A_829, %get3A_830] {strides = array<i32>} : memref<200x64xf32, #tpu.memory_space<vmem>>, vector<16xf32>,
        %add3A_832 = arith.addf %add3A_812, %get3A_831 : vector<16xf32>
        %mul3A_833 = arith.constant 8 : i32
        %mul3A_834 = arith.muli %while3A_768, %mul3A_833 : i32
        %add3A_835 = arith.constant 3 : i32
        %add3A_836 = arith.addi %mul3A_834, %add3A_835 : i32
        %get3A_837 = arith.index_cast %add3A_836 : i32 to index
        %get3A_838 = arith.constant 0 : index
        %get3A_839 = tpu.vector_load %arg10[%get3A_837, %get3A_838] {strides = array<i32>} : memref<200x64xf32, #tpu.memory_space<vmem>>, vector<16xf32>,
        %add3A_840 = arith.addf %add3A_820, %get3A_839 : vector<16xf32>
        %get3A_841 = arith.index_cast %add3A_836 : i32 to index
        %get3A_842 = arith.constant 16 : index
        %get3A_843 = tpu.vector_load %arg10[%get3A_841, %get3A_842] {strides = array<i32>} : memref<200x64xf32, #tpu.memory_space<vmem>>, vector<16xf32>,
        %add3A_844 = arith.addf %add3A_824, %get3A_843 : vector<16xf32>
        %get3A_845 = arith.index_cast %add3A_836 : i32 to index
        %get3A_846 = arith.constant 32 : index
        %get3A_847 = tpu.vector_load %arg10[%get3A_845, %get3A_846] {strides = array<i32>} : memref<200x64xf32, #tpu.memory_space<vmem>>, vector<16xf32>,
        %add3A_848 = arith.addf %add3A_828, %get3A_847 : vector<16xf32>
        %get3A_849 = arith.index_cast %add3A_836 : i32 to index
        %get3A_850 = arith.constant 48 : index
        %get3A_851 = tpu.vector_load %arg10[%get3A_849, %get3A_850] {strides = array<i32>} : memref<200x64xf32, #tpu.memory_space<vmem>>, vector<16xf32>,
        %add3A_852 = arith.addf %add3A_832, %get3A_851 : vector<16xf32>
        %mul3A_853 = arith.constant 8 : i32
        %mul3A_854 = arith.muli %while3A_768, %mul3A_853 : i32
        %add3A_855 = arith.constant 4 : i32
        %add3A_856 = arith.addi %mul3A_854, %add3A_855 : i32
        %get3A_857 = arith.index_cast %add3A_856 : i32 to index
        %get3A_858 = arith.constant 0 : index
        %get3A_859 = tpu.vector_load %arg10[%get3A_857, %get3A_858] {strides = array<i32>} : memref<200x64xf32, #tpu.memory_space<vmem>>, vector<16xf32>,
        %add3A_860 = arith.addf %add3A_840, %get3A_859 : vector<16xf32>
        %get3A_861 = arith.index_cast %add3A_856 : i32 to index
        %get3A_862 = arith.constant 16 : index
        %get3A_863 = tpu.vector_load %arg10[%get3A_861, %get3A_862] {strides = array<i32>} : memref<200x64xf32, #tpu.memory_space<vmem>>, vector<16xf32>,
        %add3A_864 = arith.addf %add3A_844, %get3A_863 : vector<16xf32>
        %get3A_865 = arith.index_cast %add3A_856 : i32 to index
        %get3A_866 = arith.constant 32 : index
        %get3A_867 = tpu.vector_load %arg10[%get3A_865, %get3A_866] {strides = array<i32>} : memref<200x64xf32, #tpu.memory_space<vmem>>, vector<16xf32>,
        %add3A_868 = arith.addf %add3A_848, %get3A_867 : vector<16xf32>
        %get3A_869 = arith.index_cast %add3A_856 : i32 to index
        %get3A_870 = arith.constant 48 : index
        %get3A_871 = tpu.vector_load %arg10[%get3A_869, %get3A_870] {strides = array<i32>} : memref<200x64xf32, #tpu.memory_space<vmem>>, vector<16xf32>,
        %add3A_872 = arith.addf %add3A_852, %get3A_871 : vector<16xf32>
        %mul3A_873 = arith.constant 8 : i32
        %mul3A_874 = arith.muli %while3A_768, %mul3A_873 : i32
        %add3A_875 = arith.constant 5 : i32
        %add3A_876 = arith.addi %mul3A_874, %add3A_875 : i32
        %get3A_877 = arith.index_cast %add3A_876 : i32 to index
        %get3A_878 = arith.constant 0 : index
        %get3A_879 = tpu.vector_load %arg10[%get3A_877, %get3A_878] {strides = array<i32>} : memref<200x64xf32, #tpu.memory_space<vmem>>, vector<16xf32>,
        %add3A_880 = arith.addf %add3A_860, %get3A_879 : vector<16xf32>
        %get3A_881 = arith.index_cast %add3A_876 : i32 to index
        %get3A_882 = arith.constant 16 : index
        %get3A_883 = tpu.vector_load %arg10[%get3A_881, %get3A_882] {strides = array<i32>} : memref<200x64xf32, #tpu.memory_space<vmem>>, vector<16xf32>,
        %add3A_884 = arith.addf %add3A_864, %get3A_883 : vector<16xf32>
        %get3A_885 = arith.index_cast %add3A_876 : i32 to index
        %get3A_886 = arith.constant 32 : index
        %get3A_887 = tpu.vector_load %arg10[%get3A_885, %get3A_886] {strides = array<i32>} : memref<200x64xf32, #tpu.memory_space<vmem>>, vector<16xf32>,
        %add3A_888 = arith.addf %add3A_868, %get3A_887 : vector<16xf32>
        %get3A_889 = arith.index_cast %add3A_876 : i32 to index
        %get3A_890 = arith.constant 48 : index
        %get3A_891 = tpu.vector_load %arg10[%get3A_889, %get3A_890] {strides = array<i32>} : memref<200x64xf32, #tpu.memory_space<vmem>>, vector<16xf32>,
        %add3A_892 = arith.addf %add3A_872, %get3A_891 : vector<16xf32>
        %mul3A_893 = arith.constant 8 : i32
        %mul3A_894 = arith.muli %while3A_768, %mul3A_893 : i32
        %add3A_895 = arith.constant 6 : i32
        %add3A_896 = arith.addi %mul3A_894, %add3A_895 : i32
        %get3A_897 = arith.index_cast %add3A_896 : i32 to index
        %get3A_898 = arith.constant 0 : index
        %get3A_899 = tpu.vector_load %arg10[%get3A_897, %get3A_898] {strides = array<i32>} : memref<200x64xf32, #tpu.memory_space<vmem>>, vector<16xf32>,
        %add3A_900 = arith.addf %add3A_880, %get3A_899 : vector<16xf32>
        %get3A_901 = arith.index_cast %add3A_896 : i32 to index
        %get3A_902 = arith.constant 16 : index
        %get3A_903 = tpu.vector_load %arg10[%get3A_901, %get3A_902] {strides = array<i32>} : memref<200x64xf32, #tpu.memory_space<vmem>>, vector<16xf32>,
        %add3A_904 = arith.addf %add3A_884, %get3A_903 : vector<16xf32>
        %get3A_905 = arith.index_cast %add3A_896 : i32 to index
        %get3A_906 = arith.constant 32 : index
        %get3A_907 = tpu.vector_load %arg10[%get3A_905, %get3A_906] {strides = array<i32>} : memref<200x64xf32, #tpu.memory_space<vmem>>, vector<16xf32>,
        %add3A_908 = arith.addf %add3A_888, %get3A_907 : vector<16xf32>
        %get3A_909 = arith.index_cast %add3A_896 : i32 to index
        %get3A_910 = arith.constant 48 : index
        %get3A_911 = tpu.vector_load %arg10[%get3A_909, %get3A_910] {strides = array<i32>} : memref<200x64xf32, #tpu.memory_space<vmem>>, vector<16xf32>,
        %add3A_912 = arith.addf %add3A_892, %get3A_911 : vector<16xf32>
        %mul3A_913 = arith.constant 8 : i32
        %mul3A_914 = arith.muli %while3A_768, %mul3A_913 : i32
        %add3A_915 = arith.constant 7 : i32
        %add3A_916 = arith.addi %mul3A_914, %add3A_915 : i32
        %get3A_917 = arith.index_cast %add3A_916 : i32 to index
        %get3A_918 = arith.constant 0 : index
        %get3A_919 = tpu.vector_load %arg10[%get3A_917, %get3A_918] {strides = array<i32>} : memref<200x64xf32, #tpu.memory_space<vmem>>, vector<16xf32>,
        %add3A_920 = arith.addf %add3A_900, %get3A_919 : vector<16xf32>
        %get3A_921 = arith.index_cast %add3A_916 : i32 to index
        %get3A_922 = arith.constant 16 : index
        %get3A_923 = tpu.vector_load %arg10[%get3A_921, %get3A_922] {strides = array<i32>} : memref<200x64xf32, #tpu.memory_space<vmem>>, vector<16xf32>,
        %add3A_924 = arith.addf %add3A_904, %get3A_923 : vector<16xf32>
        %get3A_925 = arith.index_cast %add3A_916 : i32 to index
        %get3A_926 = arith.constant 32 : index
        %get3A_927 = tpu.vector_load %arg10[%get3A_925, %get3A_926] {strides = array<i32>} : memref<200x64xf32, #tpu.memory_space<vmem>>, vector<16xf32>,
        %add3A_928 = arith.addf %add3A_908, %get3A_927 : vector<16xf32>
        %get3A_929 = arith.index_cast %add3A_916 : i32 to index
        %get3A_930 = arith.constant 48 : index
        %get3A_931 = tpu.vector_load %arg10[%get3A_929, %get3A_930] {strides = array<i32>} : memref<200x64xf32, #tpu.memory_space<vmem>>, vector<16xf32>,
        %add3A_932 = arith.addf %add3A_912, %get3A_931 : vector<16xf32>
        scf.yield %add3A_920, %add3A_924, %add3A_928, %add3A_932 : vector<16xf32>, vector<16xf32>, vector<16xf32>, vector<16xf32>
      }
      %convert_element_type3A_585 = arith.sitofp %squeeze3A_472 : i32 to f32
      %add3A_586 = arith.constant 9.99999971E-10 : f32
      %add3A_587 = arith.addf %convert_element_type3A_585, %add3A_586 : f32
      %add3A_588 = vector.broadcast %add3A_587 : f32 to vector<16xf32>
      %add3A_589 = arith.addf %broadcast_in_dim3A_5, %add3A_588 : vector<16xf32>
      %add3A_590 = arith.constant 1.000000e+00 : f32
      %add3A_591 = vector.broadcast %add3A_590 : f32 to vector<16xf32>
      %add3A_592 = arith.addf %broadcast_in_dim3A_5, %add3A_591 : vector<16xf32>
      %div3A_593 = arith.divf %add3A_592, %add3A_589 : vector<16xf32>
      %mul3A_594 = arith.mulf %while3A_584#0, %div3A_593 : vector<16xf32>
      %swap3A_595 = arith.index_cast %add3A_453 : i32 to index
      %swap3A_596 = arith.constant 0 : index
      %swap3A_597 = tpu.vector_load %arg12[%swap3A_595, %swap3A_596] {strides = array<i32>} : memref<128x64xf32, #tpu.memory_space<vmem>>, vector<16xf32>,
      tpu.vector_store %arg12[%swap3A_595, %swap3A_596], %mul3A_594 {strides = array<i32>} : memref<128x64xf32, #tpu.memory_space<vmem>>, vector<16xf32>,
      %mul3A_598 = arith.mulf %while3A_584#1, %div3A_593 : vector<16xf32>
      %swap3A_599 = arith.index_cast %add3A_453 : i32 to index
      %swap3A_600 = arith.constant 16 : index
      %swap3A_601 = tpu.vector_load %arg12[%swap3A_599, %swap3A_600] {strides = array<i32>} : memref<128x64xf32, #tpu.memory_space<vmem>>, vector<16xf32>,
      tpu.vector_store %arg12[%swap3A_599, %swap3A_600], %mul3A_598 {strides = array<i32>} : memref<128x64xf32, #tpu.memory_space<vmem>>, vector<16xf32>,
      %mul3A_602 = arith.mulf %while3A_584#2, %div3A_593 : vector<16xf32>
      %swap3A_603 = arith.index_cast %add3A_453 : i32 to index
      %swap3A_604 = arith.constant 32 : index
      %swap3A_605 = tpu.vector_load %arg12[%swap3A_603, %swap3A_604] {strides = array<i32>} : memref<128x64xf32, #tpu.memory_space<vmem>>, vector<16xf32>,
      tpu.vector_store %arg12[%swap3A_603, %swap3A_604], %mul3A_602 {strides = array<i32>} : memref<128x64xf32, #tpu.memory_space<vmem>>, vector<16xf32>,
      %mul3A_606 = arith.mulf %while3A_584#3, %div3A_593 : vector<16xf32>
      %swap3A_607 = arith.index_cast %add3A_453 : i32 to index
      %swap3A_608 = arith.constant 48 : index
      %swap3A_609 = tpu.vector_load %arg12[%swap3A_607, %swap3A_608] {strides = array<i32>} : memref<128x64xf32, #tpu.memory_space<vmem>>, vector<16xf32>,
      tpu.vector_store %arg12[%swap3A_607, %swap3A_608], %mul3A_606 {strides = array<i32>} : memref<128x64xf32, #tpu.memory_space<vmem>>, vector<16xf32>,
      %add3A_610 = arith.constant 3 : i32
      %add3A_611 = arith.addi %mul3A_139, %add3A_610 : i32
      %add3A_612 = arith.constant 4 : i32
      %add3A_613 = arith.addi %add3A_611, %add3A_612 : i32
      %lt3A_614 = arith.constant 128 : i32
      %lt3A_615 = arith.cmpi slt, %add3A_613, %lt3A_614 : i32
      %convert_element_type3A_616 = arith.extui %lt3A_615 : i1 to i32
      %cond3A_617 = arith.constant 0 : i32
      %cond3A_618 = arith.cmpi ne, %convert_element_type3A_616, %cond3A_617 : i32
      scf.if %cond3A_618 {
        %add3A_768 = arith.constant 4 : i32
        %add3A_769 = arith.addi %add3A_611, %add3A_768 : i32
        %mul3A_770 = arith.constant 200 : i32
        %mul3A_771 = arith.muli %add3A_769, %mul3A_770 : i32
        %mul3A_772 = arith.constant 0 : i32
        %mul3A_773 = vector.broadcast %mul3A_772 : i32 to vector<16xi32>
        %mul3A_774 = arith.muli %iota3A, %mul3A_773 : vector<16xi32>
        %add3A_775 = vector.broadcast %mul3A_771 : i32 to vector<16xi32>
        %add3A_776 = arith.addi %mul3A_774, %add3A_775 : vector<16xi32>
        %add3A_777 = arith.constant 0 : i32
        %add3A_778 = arith.addi %mul3A_771, %add3A_777 : i32
        %get3A_779 = arith.index_cast %add3A_778 : i32 to index
        %get3A_780 = tpu.vector_load %arg6[%get3A_779] {strides = array<i32>} : memref<25600xi32, #tpu.memory_space<vmem>>, vector<16xi32>,
        %get3A_781 = arith.index_cast %add3A_778 : i32 to index
        %get3A_782 = tpu.vector_load %arg7[%get3A_781] {strides = array<i32>} : memref<25600xi32, #tpu.memory_space<vmem>>, vector<16xi32>,
        %ne3A_783 = arith.constant 0 : i32
        %ne3A_784 = vector.broadcast %ne3A_783 : i32 to vector<16xi32>
        %ne3A_785 = arith.cmpi ne, %get3A_782, %ne3A_784 : vector<16xi32>
        %convert_element_type3A_786 = arith.extui %ne3A_785 : vector<16xi1> to vector<16xi32>
        %broadcast_in_dim3A_787 = arith.constant true
        %broadcast_in_dim3A_788 = vector.broadcast %broadcast_in_dim3A_787 : i1 to vector<16xi1>
        %masked_cumsum3A = tpu.scan <sum>, %convert_element_type3A_786 masked %broadcast_in_dim3A_788 : vector<16xi32>, vector<16xi1> -> vector<16xi32>
        %add3A_789 = arith.addi %add3A_776, %masked_cumsum3A : vector<16xi32>
        %sub3A_790 = arith.constant 1 : i32
        %sub3A_791 = vector.broadcast %sub3A_790 : i32 to vector<16xi32>
        %sub3A_792 = arith.subi %add3A_789, %sub3A_791 : vector<16xi32>
        tpu.vector_store_idx %arg6[%sub3A_792], %get3A_780 masked %ne3A_785 : memref<25600xi32, #tpu.memory_space<vmem>>[vector<16xi32>], vector<16xi32>, vector<16xi1>
        %all_reduce_population_count3A = tpu.all_reduce %ne3A_785 {dim = 0 : i64, kind = #tpu.reduction_kind<sum>} : vector<16xi1> -> vector<16xi32>
        %add3A_793 = arith.addi %add3A_776, %all_reduce_population_count3A : vector<16xi32>
        %add3A_794 = arith.constant 16 : i32
        %add3A_795 = arith.addi %mul3A_771, %add3A_794 : i32
        %get3A_796 = arith.index_cast %add3A_795 : i32 to index
        %get3A_797 = tpu.vector_load %arg6[%get3A_796] {strides = array<i32>} : memref<25600xi32, #tpu.memory_space<vmem>>, vector<16xi32>,
        %get3A_798 = arith.index_cast %add3A_795 : i32 to index
        %get3A_799 = tpu.vector_load %arg7[%get3A_798] {strides = array<i32>} : memref<25600xi32, #tpu.memory_space<vmem>>, vector<16xi32>,
        %ne3A_800 = arith.constant 0 : i32
        %ne3A_801 = vector.broadcast %ne3A_800 : i32 to vector<16xi32>
        %ne3A_802 = arith.cmpi ne, %get3A_799, %ne3A_801 : vector<16xi32>
        %convert_element_type3A_803 = arith.extui %ne3A_802 : vector<16xi1> to vector<16xi32>
        %broadcast_in_dim3A_804 = arith.constant true
        %broadcast_in_dim3A_805 = vector.broadcast %broadcast_in_dim3A_804 : i1 to vector<16xi1>
        %masked_cumsum3A_806 = tpu.scan <sum>, %convert_element_type3A_803 masked %broadcast_in_dim3A_805 : vector<16xi32>, vector<16xi1> -> vector<16xi32>
        %add3A_807 = arith.addi %add3A_793, %masked_cumsum3A_806 : vector<16xi32>
        %sub3A_808 = arith.constant 1 : i32
        %sub3A_809 = vector.broadcast %sub3A_808 : i32 to vector<16xi32>
        %sub3A_810 = arith.subi %add3A_807, %sub3A_809 : vector<16xi32>
        tpu.vector_store_idx %arg6[%sub3A_810], %get3A_797 masked %ne3A_802 : memref<25600xi32, #tpu.memory_space<vmem>>[vector<16xi32>], vector<16xi32>, vector<16xi1>
        %all_reduce_population_count3A_811 = tpu.all_reduce %ne3A_802 {dim = 0 : i64, kind = #tpu.reduction_kind<sum>} : vector<16xi1> -> vector<16xi32>
        %add3A_812 = arith.addi %add3A_793, %all_reduce_population_count3A_811 : vector<16xi32>
        %add3A_813 = arith.constant 32 : i32
        %add3A_814 = arith.addi %mul3A_771, %add3A_813 : i32
        %get3A_815 = arith.index_cast %add3A_814 : i32 to index
        %get3A_816 = tpu.vector_load %arg6[%get3A_815] {strides = array<i32>} : memref<25600xi32, #tpu.memory_space<vmem>>, vector<16xi32>,
        %get3A_817 = arith.index_cast %add3A_814 : i32 to index
        %get3A_818 = tpu.vector_load %arg7[%get3A_817] {strides = array<i32>} : memref<25600xi32, #tpu.memory_space<vmem>>, vector<16xi32>,
        %ne3A_819 = arith.constant 0 : i32
        %ne3A_820 = vector.broadcast %ne3A_819 : i32 to vector<16xi32>
        %ne3A_821 = arith.cmpi ne, %get3A_818, %ne3A_820 : vector<16xi32>
        %convert_element_type3A_822 = arith.extui %ne3A_821 : vector<16xi1> to vector<16xi32>
        %broadcast_in_dim3A_823 = arith.constant true
        %broadcast_in_dim3A_824 = vector.broadcast %broadcast_in_dim3A_823 : i1 to vector<16xi1>
        %masked_cumsum3A_825 = tpu.scan <sum>, %convert_element_type3A_822 masked %broadcast_in_dim3A_824 : vector<16xi32>, vector<16xi1> -> vector<16xi32>
        %add3A_826 = arith.addi %add3A_812, %masked_cumsum3A_825 : vector<16xi32>
        %sub3A_827 = arith.constant 1 : i32
        %sub3A_828 = vector.broadcast %sub3A_827 : i32 to vector<16xi32>
        %sub3A_829 = arith.subi %add3A_826, %sub3A_828 : vector<16xi32>
        tpu.vector_store_idx %arg6[%sub3A_829], %get3A_816 masked %ne3A_821 : memref<25600xi32, #tpu.memory_space<vmem>>[vector<16xi32>], vector<16xi32>, vector<16xi1>
        %all_reduce_population_count3A_830 = tpu.all_reduce %ne3A_821 {dim = 0 : i64, kind = #tpu.reduction_kind<sum>} : vector<16xi1> -> vector<16xi32>
        %add3A_831 = arith.addi %add3A_812, %all_reduce_population_count3A_830 : vector<16xi32>
        %add3A_832 = arith.constant 48 : i32
        %add3A_833 = arith.addi %mul3A_771, %add3A_832 : i32
        %get3A_834 = arith.index_cast %add3A_833 : i32 to index
        %get3A_835 = tpu.vector_load %arg6[%get3A_834] {strides = array<i32>} : memref<25600xi32, #tpu.memory_space<vmem>>, vector<16xi32>,
        %get3A_836 = arith.index_cast %add3A_833 : i32 to index
        %get3A_837 = tpu.vector_load %arg7[%get3A_836] {strides = array<i32>} : memref<25600xi32, #tpu.memory_space<vmem>>, vector<16xi32>,
        %ne3A_838 = arith.constant 0 : i32
        %ne3A_839 = vector.broadcast %ne3A_838 : i32 to vector<16xi32>
        %ne3A_840 = arith.cmpi ne, %get3A_837, %ne3A_839 : vector<16xi32>
        %convert_element_type3A_841 = arith.extui %ne3A_840 : vector<16xi1> to vector<16xi32>
        %broadcast_in_dim3A_842 = arith.constant true
        %broadcast_in_dim3A_843 = vector.broadcast %broadcast_in_dim3A_842 : i1 to vector<16xi1>
        %masked_cumsum3A_844 = tpu.scan <sum>, %convert_element_type3A_841 masked %broadcast_in_dim3A_843 : vector<16xi32>, vector<16xi1> -> vector<16xi32>
        %add3A_845 = arith.addi %add3A_831, %masked_cumsum3A_844 : vector<16xi32>
        %sub3A_846 = arith.constant 1 : i32
        %sub3A_847 = vector.broadcast %sub3A_846 : i32 to vector<16xi32>
        %sub3A_848 = arith.subi %add3A_845, %sub3A_847 : vector<16xi32>
        tpu.vector_store_idx %arg6[%sub3A_848], %get3A_835 masked %ne3A_840 : memref<25600xi32, #tpu.memory_space<vmem>>[vector<16xi32>], vector<16xi32>, vector<16xi1>
        %all_reduce_population_count3A_849 = tpu.all_reduce %ne3A_840 {dim = 0 : i64, kind = #tpu.reduction_kind<sum>} : vector<16xi1> -> vector<16xi32>
        %add3A_850 = arith.addi %add3A_831, %all_reduce_population_count3A_849 : vector<16xi32>
        %add3A_851 = arith.constant 64 : i32
        %add3A_852 = arith.addi %mul3A_771, %add3A_851 : i32
        %get3A_853 = arith.index_cast %add3A_852 : i32 to index
        %get3A_854 = tpu.vector_load %arg6[%get3A_853] {strides = array<i32>} : memref<25600xi32, #tpu.memory_space<vmem>>, vector<16xi32>,
        %get3A_855 = arith.index_cast %add3A_852 : i32 to index
        %get3A_856 = tpu.vector_load %arg7[%get3A_855] {strides = array<i32>} : memref<25600xi32, #tpu.memory_space<vmem>>, vector<16xi32>,
        %ne3A_857 = arith.constant 0 : i32
        %ne3A_858 = vector.broadcast %ne3A_857 : i32 to vector<16xi32>
        %ne3A_859 = arith.cmpi ne, %get3A_856, %ne3A_858 : vector<16xi32>
        %convert_element_type3A_860 = arith.extui %ne3A_859 : vector<16xi1> to vector<16xi32>
        %broadcast_in_dim3A_861 = arith.constant true
        %broadcast_in_dim3A_862 = vector.broadcast %broadcast_in_dim3A_861 : i1 to vector<16xi1>
        %masked_cumsum3A_863 = tpu.scan <sum>, %convert_element_type3A_860 masked %broadcast_in_dim3A_862 : vector<16xi32>, vector<16xi1> -> vector<16xi32>
        %add3A_864 = arith.addi %add3A_850, %masked_cumsum3A_863 : vector<16xi32>
        %sub3A_865 = arith.constant 1 : i32
        %sub3A_866 = vector.broadcast %sub3A_865 : i32 to vector<16xi32>
        %sub3A_867 = arith.subi %add3A_864, %sub3A_866 : vector<16xi32>
        tpu.vector_store_idx %arg6[%sub3A_867], %get3A_854 masked %ne3A_859 : memref<25600xi32, #tpu.memory_space<vmem>>[vector<16xi32>], vector<16xi32>, vector<16xi1>
        %all_reduce_population_count3A_868 = tpu.all_reduce %ne3A_859 {dim = 0 : i64, kind = #tpu.reduction_kind<sum>} : vector<16xi1> -> vector<16xi32>
        %add3A_869 = arith.addi %add3A_850, %all_reduce_population_count3A_868 : vector<16xi32>
        %add3A_870 = arith.constant 80 : i32
        %add3A_871 = arith.addi %mul3A_771, %add3A_870 : i32
        %get3A_872 = arith.index_cast %add3A_871 : i32 to index
        %get3A_873 = tpu.vector_load %arg6[%get3A_872] {strides = array<i32>} : memref<25600xi32, #tpu.memory_space<vmem>>, vector<16xi32>,
        %get3A_874 = arith.index_cast %add3A_871 : i32 to index
        %get3A_875 = tpu.vector_load %arg7[%get3A_874] {strides = array<i32>} : memref<25600xi32, #tpu.memory_space<vmem>>, vector<16xi32>,
        %ne3A_876 = arith.constant 0 : i32
        %ne3A_877 = vector.broadcast %ne3A_876 : i32 to vector<16xi32>
        %ne3A_878 = arith.cmpi ne, %get3A_875, %ne3A_877 : vector<16xi32>
        %convert_element_type3A_879 = arith.extui %ne3A_878 : vector<16xi1> to vector<16xi32>
        %broadcast_in_dim3A_880 = arith.constant true
        %broadcast_in_dim3A_881 = vector.broadcast %broadcast_in_dim3A_880 : i1 to vector<16xi1>
        %masked_cumsum3A_882 = tpu.scan <sum>, %convert_element_type3A_879 masked %broadcast_in_dim3A_881 : vector<16xi32>, vector<16xi1> -> vector<16xi32>
        %add3A_883 = arith.addi %add3A_869, %masked_cumsum3A_882 : vector<16xi32>
        %sub3A_884 = arith.constant 1 : i32
        %sub3A_885 = vector.broadcast %sub3A_884 : i32 to vector<16xi32>
        %sub3A_886 = arith.subi %add3A_883, %sub3A_885 : vector<16xi32>
        tpu.vector_store_idx %arg6[%sub3A_886], %get3A_873 masked %ne3A_878 : memref<25600xi32, #tpu.memory_space<vmem>>[vector<16xi32>], vector<16xi32>, vector<16xi1>
        %all_reduce_population_count3A_887 = tpu.all_reduce %ne3A_878 {dim = 0 : i64, kind = #tpu.reduction_kind<sum>} : vector<16xi1> -> vector<16xi32>
        %add3A_888 = arith.addi %add3A_869, %all_reduce_population_count3A_887 : vector<16xi32>
        %add3A_889 = arith.constant 96 : i32
        %add3A_890 = arith.addi %mul3A_771, %add3A_889 : i32
        %get3A_891 = arith.index_cast %add3A_890 : i32 to index
        %get3A_892 = tpu.vector_load %arg6[%get3A_891] {strides = array<i32>} : memref<25600xi32, #tpu.memory_space<vmem>>, vector<16xi32>,
        %get3A_893 = arith.index_cast %add3A_890 : i32 to index
        %get3A_894 = tpu.vector_load %arg7[%get3A_893] {strides = array<i32>} : memref<25600xi32, #tpu.memory_space<vmem>>, vector<16xi32>,
        %ne3A_895 = arith.constant 0 : i32
        %ne3A_896 = vector.broadcast %ne3A_895 : i32 to vector<16xi32>
        %ne3A_897 = arith.cmpi ne, %get3A_894, %ne3A_896 : vector<16xi32>
        %convert_element_type3A_898 = arith.extui %ne3A_897 : vector<16xi1> to vector<16xi32>
        %broadcast_in_dim3A_899 = arith.constant true
        %broadcast_in_dim3A_900 = vector.broadcast %broadcast_in_dim3A_899 : i1 to vector<16xi1>
        %masked_cumsum3A_901 = tpu.scan <sum>, %convert_element_type3A_898 masked %broadcast_in_dim3A_900 : vector<16xi32>, vector<16xi1> -> vector<16xi32>
        %add3A_902 = arith.addi %add3A_888, %masked_cumsum3A_901 : vector<16xi32>
        %sub3A_903 = arith.constant 1 : i32
        %sub3A_904 = vector.broadcast %sub3A_903 : i32 to vector<16xi32>
        %sub3A_905 = arith.subi %add3A_902, %sub3A_904 : vector<16xi32>
        tpu.vector_store_idx %arg6[%sub3A_905], %get3A_892 masked %ne3A_897 : memref<25600xi32, #tpu.memory_space<vmem>>[vector<16xi32>], vector<16xi32>, vector<16xi1>
        %all_reduce_population_count3A_906 = tpu.all_reduce %ne3A_897 {dim = 0 : i64, kind = #tpu.reduction_kind<sum>} : vector<16xi1> -> vector<16xi32>
        %add3A_907 = arith.addi %add3A_888, %all_reduce_population_count3A_906 : vector<16xi32>
        %add3A_908 = arith.constant 112 : i32
        %add3A_909 = arith.addi %mul3A_771, %add3A_908 : i32
        %get3A_910 = arith.index_cast %add3A_909 : i32 to index
        %get3A_911 = tpu.vector_load %arg6[%get3A_910] {strides = array<i32>} : memref<25600xi32, #tpu.memory_space<vmem>>, vector<16xi32>,
        %get3A_912 = arith.index_cast %add3A_909 : i32 to index
        %get3A_913 = tpu.vector_load %arg7[%get3A_912] {strides = array<i32>} : memref<25600xi32, #tpu.memory_space<vmem>>, vector<16xi32>,
        %ne3A_914 = arith.constant 0 : i32
        %ne3A_915 = vector.broadcast %ne3A_914 : i32 to vector<16xi32>
        %ne3A_916 = arith.cmpi ne, %get3A_913, %ne3A_915 : vector<16xi32>
        %convert_element_type3A_917 = arith.extui %ne3A_916 : vector<16xi1> to vector<16xi32>
        %broadcast_in_dim3A_918 = arith.constant true
        %broadcast_in_dim3A_919 = vector.broadcast %broadcast_in_dim3A_918 : i1 to vector<16xi1>
        %masked_cumsum3A_920 = tpu.scan <sum>, %convert_element_type3A_917 masked %broadcast_in_dim3A_919 : vector<16xi32>, vector<16xi1> -> vector<16xi32>
        %add3A_921 = arith.addi %add3A_907, %masked_cumsum3A_920 : vector<16xi32>
        %sub3A_922 = arith.constant 1 : i32
        %sub3A_923 = vector.broadcast %sub3A_922 : i32 to vector<16xi32>
        %sub3A_924 = arith.subi %add3A_921, %sub3A_923 : vector<16xi32>
        tpu.vector_store_idx %arg6[%sub3A_924], %get3A_911 masked %ne3A_916 : memref<25600xi32, #tpu.memory_space<vmem>>[vector<16xi32>], vector<16xi32>, vector<16xi1>
        %all_reduce_population_count3A_925 = tpu.all_reduce %ne3A_916 {dim = 0 : i64, kind = #tpu.reduction_kind<sum>} : vector<16xi1> -> vector<16xi32>
        %add3A_926 = arith.addi %add3A_907, %all_reduce_population_count3A_925 : vector<16xi32>
        %add3A_927 = arith.constant 128 : i32
        %add3A_928 = arith.addi %mul3A_771, %add3A_927 : i32
        %get3A_929 = arith.index_cast %add3A_928 : i32 to index
        %get3A_930 = tpu.vector_load %arg6[%get3A_929] {strides = array<i32>} : memref<25600xi32, #tpu.memory_space<vmem>>, vector<16xi32>,
        %get3A_931 = arith.index_cast %add3A_928 : i32 to index
        %get3A_932 = tpu.vector_load %arg7[%get3A_931] {strides = array<i32>} : memref<25600xi32, #tpu.memory_space<vmem>>, vector<16xi32>,
        %ne3A_933 = arith.constant 0 : i32
        %ne3A_934 = vector.broadcast %ne3A_933 : i32 to vector<16xi32>
        %ne3A_935 = arith.cmpi ne, %get3A_932, %ne3A_934 : vector<16xi32>
        %convert_element_type3A_936 = arith.extui %ne3A_935 : vector<16xi1> to vector<16xi32>
        %broadcast_in_dim3A_937 = arith.constant true
        %broadcast_in_dim3A_938 = vector.broadcast %broadcast_in_dim3A_937 : i1 to vector<16xi1>
        %masked_cumsum3A_939 = tpu.scan <sum>, %convert_element_type3A_936 masked %broadcast_in_dim3A_938 : vector<16xi32>, vector<16xi1> -> vector<16xi32>
        %add3A_940 = arith.addi %add3A_926, %masked_cumsum3A_939 : vector<16xi32>
        %sub3A_941 = arith.constant 1 : i32
        %sub3A_942 = vector.broadcast %sub3A_941 : i32 to vector<16xi32>
        %sub3A_943 = arith.subi %add3A_940, %sub3A_942 : vector<16xi32>
        tpu.vector_store_idx %arg6[%sub3A_943], %get3A_930 masked %ne3A_935 : memref<25600xi32, #tpu.memory_space<vmem>>[vector<16xi32>], vector<16xi32>, vector<16xi1>
        %all_reduce_population_count3A_944 = tpu.all_reduce %ne3A_935 {dim = 0 : i64, kind = #tpu.reduction_kind<sum>} : vector<16xi1> -> vector<16xi32>
        %add3A_945 = arith.addi %add3A_926, %all_reduce_population_count3A_944 : vector<16xi32>
        %add3A_946 = arith.constant 144 : i32
        %add3A_947 = arith.addi %mul3A_771, %add3A_946 : i32
        %get3A_948 = arith.index_cast %add3A_947 : i32 to index
        %get3A_949 = tpu.vector_load %arg6[%get3A_948] {strides = array<i32>} : memref<25600xi32, #tpu.memory_space<vmem>>, vector<16xi32>,
        %get3A_950 = arith.index_cast %add3A_947 : i32 to index
        %get3A_951 = tpu.vector_load %arg7[%get3A_950] {strides = array<i32>} : memref<25600xi32, #tpu.memory_space<vmem>>, vector<16xi32>,
        %ne3A_952 = arith.constant 0 : i32
        %ne3A_953 = vector.broadcast %ne3A_952 : i32 to vector<16xi32>
        %ne3A_954 = arith.cmpi ne, %get3A_951, %ne3A_953 : vector<16xi32>
        %convert_element_type3A_955 = arith.extui %ne3A_954 : vector<16xi1> to vector<16xi32>
        %broadcast_in_dim3A_956 = arith.constant true
        %broadcast_in_dim3A_957 = vector.broadcast %broadcast_in_dim3A_956 : i1 to vector<16xi1>
        %masked_cumsum3A_958 = tpu.scan <sum>, %convert_element_type3A_955 masked %broadcast_in_dim3A_957 : vector<16xi32>, vector<16xi1> -> vector<16xi32>
        %add3A_959 = arith.addi %add3A_945, %masked_cumsum3A_958 : vector<16xi32>
        %sub3A_960 = arith.constant 1 : i32
        %sub3A_961 = vector.broadcast %sub3A_960 : i32 to vector<16xi32>
        %sub3A_962 = arith.subi %add3A_959, %sub3A_961 : vector<16xi32>
        tpu.vector_store_idx %arg6[%sub3A_962], %get3A_949 masked %ne3A_954 : memref<25600xi32, #tpu.memory_space<vmem>>[vector<16xi32>], vector<16xi32>, vector<16xi1>
        %all_reduce_population_count3A_963 = tpu.all_reduce %ne3A_954 {dim = 0 : i64, kind = #tpu.reduction_kind<sum>} : vector<16xi1> -> vector<16xi32>
        %add3A_964 = arith.addi %add3A_945, %all_reduce_population_count3A_963 : vector<16xi32>
        %add3A_965 = arith.constant 160 : i32
        %add3A_966 = arith.addi %mul3A_771, %add3A_965 : i32
        %get3A_967 = arith.index_cast %add3A_966 : i32 to index
        %get3A_968 = tpu.vector_load %arg6[%get3A_967] {strides = array<i32>} : memref<25600xi32, #tpu.memory_space<vmem>>, vector<16xi32>,
        %get3A_969 = arith.index_cast %add3A_966 : i32 to index
        %get3A_970 = tpu.vector_load %arg7[%get3A_969] {strides = array<i32>} : memref<25600xi32, #tpu.memory_space<vmem>>, vector<16xi32>,
        %ne3A_971 = arith.constant 0 : i32
        %ne3A_972 = vector.broadcast %ne3A_971 : i32 to vector<16xi32>
        %ne3A_973 = arith.cmpi ne, %get3A_970, %ne3A_972 : vector<16xi32>
        %convert_element_type3A_974 = arith.extui %ne3A_973 : vector<16xi1> to vector<16xi32>
        %broadcast_in_dim3A_975 = arith.constant true
        %broadcast_in_dim3A_976 = vector.broadcast %broadcast_in_dim3A_975 : i1 to vector<16xi1>
        %masked_cumsum3A_977 = tpu.scan <sum>, %convert_element_type3A_974 masked %broadcast_in_dim3A_976 : vector<16xi32>, vector<16xi1> -> vector<16xi32>
        %add3A_978 = arith.addi %add3A_964, %masked_cumsum3A_977 : vector<16xi32>
        %sub3A_979 = arith.constant 1 : i32
        %sub3A_980 = vector.broadcast %sub3A_979 : i32 to vector<16xi32>
        %sub3A_981 = arith.subi %add3A_978, %sub3A_980 : vector<16xi32>
        tpu.vector_store_idx %arg6[%sub3A_981], %get3A_968 masked %ne3A_973 : memref<25600xi32, #tpu.memory_space<vmem>>[vector<16xi32>], vector<16xi32>, vector<16xi1>
        %all_reduce_population_count3A_982 = tpu.all_reduce %ne3A_973 {dim = 0 : i64, kind = #tpu.reduction_kind<sum>} : vector<16xi1> -> vector<16xi32>
        %add3A_983 = arith.addi %add3A_964, %all_reduce_population_count3A_982 : vector<16xi32>
        %add3A_984 = arith.constant 176 : i32
        %add3A_985 = arith.addi %mul3A_771, %add3A_984 : i32
        %get3A_986 = arith.index_cast %add3A_985 : i32 to index
        %get3A_987 = tpu.vector_load %arg6[%get3A_986] {strides = array<i32>} : memref<25600xi32, #tpu.memory_space<vmem>>, vector<16xi32>,
        %get3A_988 = arith.index_cast %add3A_985 : i32 to index
        %get3A_989 = tpu.vector_load %arg7[%get3A_988] {strides = array<i32>} : memref<25600xi32, #tpu.memory_space<vmem>>, vector<16xi32>,
        %ne3A_990 = arith.constant 0 : i32
        %ne3A_991 = vector.broadcast %ne3A_990 : i32 to vector<16xi32>
        %ne3A_992 = arith.cmpi ne, %get3A_989, %ne3A_991 : vector<16xi32>
        %convert_element_type3A_993 = arith.extui %ne3A_992 : vector<16xi1> to vector<16xi32>
        %broadcast_in_dim3A_994 = arith.constant true
        %broadcast_in_dim3A_995 = vector.broadcast %broadcast_in_dim3A_994 : i1 to vector<16xi1>
        %masked_cumsum3A_996 = tpu.scan <sum>, %convert_element_type3A_993 masked %broadcast_in_dim3A_995 : vector<16xi32>, vector<16xi1> -> vector<16xi32>
        %add3A_997 = arith.addi %add3A_983, %masked_cumsum3A_996 : vector<16xi32>
        %sub3A_998 = arith.constant 1 : i32
        %sub3A_999 = vector.broadcast %sub3A_998 : i32 to vector<16xi32>
        %sub3A_1000 = arith.subi %add3A_997, %sub3A_999 : vector<16xi32>
        tpu.vector_store_idx %arg6[%sub3A_1000], %get3A_987 masked %ne3A_992 : memref<25600xi32, #tpu.memory_space<vmem>>[vector<16xi32>], vector<16xi32>, vector<16xi1>
        %all_reduce_population_count3A_1001 = tpu.all_reduce %ne3A_992 {dim = 0 : i64, kind = #tpu.reduction_kind<sum>} : vector<16xi1> -> vector<16xi32>
        %add3A_1002 = arith.addi %add3A_983, %all_reduce_population_count3A_1001 : vector<16xi32>
        %add3A_1003 = arith.constant 192 : i32
        %add3A_1004 = arith.addi %mul3A_771, %add3A_1003 : i32
        %get3A_1005 = arith.index_cast %add3A_1004 : i32 to index
        %get3A_1006 = tpu.vector_load %arg6[%get3A_1005] {strides = array<i32>} : memref<25600xi32, #tpu.memory_space<vmem>>, vector<16xi32>,
        %get3A_1007 = arith.index_cast %add3A_1004 : i32 to index
        %get3A_1008 = tpu.vector_load %arg7[%get3A_1007] {strides = array<i32>} : memref<25600xi32, #tpu.memory_space<vmem>>, vector<16xi32>,
        %ne3A_1009 = arith.constant 0 : i32
        %ne3A_1010 = vector.broadcast %ne3A_1009 : i32 to vector<16xi32>
        %ne3A_1011 = arith.cmpi ne, %get3A_1008, %ne3A_1010 : vector<16xi32>
        %lt3A_1012 = arith.constant 8 : i32
        %lt3A_1013 = vector.broadcast %lt3A_1012 : i32 to vector<16xi32>
        %lt3A_1014 = arith.cmpi slt, %iota3A, %lt3A_1013 : vector<16xi32>
        %and3A_1015 = arith.andi %ne3A_1011, %lt3A_1014 : vector<16xi1>
        %convert_element_type3A_1016 = arith.extui %and3A_1015 : vector<16xi1> to vector<16xi32>
        %broadcast_in_dim3A_1017 = arith.constant true
        %broadcast_in_dim3A_1018 = vector.broadcast %broadcast_in_dim3A_1017 : i1 to vector<16xi1>
        %masked_cumsum3A_1019 = tpu.scan <sum>, %convert_element_type3A_1016 masked %broadcast_in_dim3A_1018 : vector<16xi32>, vector<16xi1> -> vector<16xi32>
        %add3A_1020 = arith.addi %add3A_1002, %masked_cumsum3A_1019 : vector<16xi32>
        %sub3A_1021 = arith.constant 1 : i32
        %sub3A_1022 = vector.broadcast %sub3A_1021 : i32 to vector<16xi32>
        %sub3A_1023 = arith.subi %add3A_1020, %sub3A_1022 : vector<16xi32>
        tpu.vector_store_idx %arg6[%sub3A_1023], %get3A_1006 masked %and3A_1015 : memref<25600xi32, #tpu.memory_space<vmem>>[vector<16xi32>], vector<16xi32>, vector<16xi1>
        %all_reduce_population_count3A_1024 = tpu.all_reduce %and3A_1015 {dim = 0 : i64, kind = #tpu.reduction_kind<sum>} : vector<16xi1> -> vector<16xi32>
        %add3A_1025 = arith.addi %add3A_1002, %all_reduce_population_count3A_1024 : vector<16xi32>
        %sub3A_1026 = vector.broadcast %mul3A_771 : i32 to vector<16xi32>
        %sub3A_1027 = arith.subi %add3A_1025, %sub3A_1026 : vector<16xi32>
        %swap3A_1028 = arith.index_cast %add3A_769 : i32 to index
        %swap3A_1029 = arith.constant 0 : index
        %swap3A_1030 = tpu.vector_load %arg13[%swap3A_1028, %swap3A_1029] {strides = array<i32>} : memref<128x16xi32, #tpu.memory_space<vmem>>, vector<16xi32>,
        tpu.vector_store %arg13[%swap3A_1028, %swap3A_1029], %sub3A_1027 {strides = array<i32>} : memref<128x16xi32, #tpu.memory_space<vmem>>, vector<16xi32>,
      } else {
      }
      %add3A_619 = arith.constant 3 : i32
      %add3A_620 = arith.addi %add3A_611, %add3A_619 : i32
      %lt3A_621 = arith.constant 128 : i32
      %lt3A_622 = arith.cmpi slt, %add3A_620, %lt3A_621 : i32
      %convert_element_type3A_623 = arith.extui %lt3A_622 : i1 to i32
      %cond3A_624 = arith.constant 0 : i32
      %cond3A_625 = arith.cmpi ne, %convert_element_type3A_623, %cond3A_624 : i32
      scf.if %cond3A_625 {
        %add3A_768 = arith.constant 3 : i32
        %add3A_769 = arith.addi %add3A_611, %add3A_768 : i32
        %get3A_770 = arith.index_cast %add3A_769 : i32 to index
        %get3A_771 = arith.constant 0 : index
        %get3A_772 = tpu.vector_load %arg13[%get3A_770, %get3A_771] {strides = array<i32>} : memref<128x16xi32, #tpu.memory_space<vmem>>, vector<16xi32>,
        %slice3A_773 = vector.extract_strided_slice %get3A_772 {offsets = [0], sizes = [1], strides = [1]} : vector<16xi32> to vector<1xi32>
        %squeeze3A_774 = vector.extract %slice3A_773[0] : i32 from vector<1xi32>
        %add3A_775 = arith.constant 40 : i32
        %add3A_776 = arith.addi %squeeze3A_774, %add3A_775 : i32
        %sub3A_777 = arith.constant 1 : i32
        %sub3A_778 = arith.subi %add3A_776, %sub3A_777 : i32
        %jit3A_779 = arith.constant 40 : i32
        %div3A_780 = arith.divsi %sub3A_778, %jit3A_779 : i32
        %sign3A_781 = arith.constant 0 : i32
        %sign3A_782 = arith.cmpi sgt, %sub3A_778, %sign3A_781 : i32
        %sign3A_783 = arith.extui %sign3A_782 : i1 to i32
        %sign3A_784 = arith.constant 0 : i32
        %sign3A_785 = arith.cmpi slt, %sub3A_778, %sign3A_784 : i32
        %sign3A_786 = arith.extui %sign3A_785 : i1 to i32
        %sign3A_787 = arith.subi %sign3A_783, %sign3A_786 : i32
        %sign3A_788 = arith.constant 0 : i32
        %sign3A_789 = arith.cmpi sgt, %jit3A_779, %sign3A_788 : i32
        %sign3A_790 = arith.extui %sign3A_789 : i1 to i32
        %sign3A_791 = arith.constant 0 : i32
        %sign3A_792 = arith.cmpi slt, %jit3A_779, %sign3A_791 : i32
        %sign3A_793 = arith.extui %sign3A_792 : i1 to i32
        %sign3A_794 = arith.subi %sign3A_790, %sign3A_793 : i32
        %ne3A_795 = arith.cmpi ne, %sign3A_787, %sign3A_794 : i32
        %rem3A_796 = arith.remsi %sub3A_778, %jit3A_779 : i32
        %ne3A_797 = arith.constant 0 : i32
        %ne3A_798 = arith.cmpi ne, %rem3A_796, %ne3A_797 : i32
        %and3A_799 = arith.andi %ne3A_795, %ne3A_798 : i1
        %sub3A_800 = arith.constant 1 : i32
        %sub3A_801 = arith.subi %div3A_780, %sub3A_800 : i32
        %select_n3A_802 = arith.select %and3A_799, %sub3A_801, %div3A_780 : i32
        %while3A_803 = arith.constant 0 : i32
        %while3A_804 = arith.constant 0 : i32
        %while3A_805 = arith.subi %select_n3A_802, %while3A_804 : i32
        %while3A_806 = arith.addi %while3A_804, %while3A_805 : i32
        %while3A_807 = arith.constant 1 : i32
        %while3A_808 = arith.divsi %while3A_805, %while3A_807 : i32
        %while3A_809 = arith.muli %while3A_808, %while3A_807 : i32
        %while3A_810 = arith.addi %while3A_804, %while3A_809 : i32
        %while3A_811 = arith.constant 1 : i32
        scf.for %while3A_813 = %while3A_804 to %while3A_810 step %while3A_811  : i32 {
          %mul3A_814 = arith.constant 200 : i32
          %mul3A_815 = arith.muli %add3A_769, %mul3A_814 : i32
          %mul3A_816 = arith.constant 40 : i32
          %mul3A_817 = arith.muli %while3A_813, %mul3A_816 : i32
          %add3A_818 = arith.addi %mul3A_815, %mul3A_817 : i32
          %mul3A_819 = arith.constant 40 : i32
          %mul3A_820 = arith.muli %while3A_813, %mul3A_819 : i32
          %dma_start3A = arith.constant 0 : i32
          %dma_start3A_821 = tpu.memref_slice %arg10[%mul3A_820, %dma_start3A] : memref<200x64xf32, #tpu.memory_space<vmem>> -> memref<40x64xf32, #tpu.memory_space<vmem>>
          %dma_start3A_822 = tpu.memref_slice %arg6[%add3A_818] : memref<25600xi32, #tpu.memory_space<vmem>> -> memref<40xi32, #tpu.memory_space<vmem>>
          %dma_start3A_823 = arith.constant 0 : i32
          %dma_start3A_824 = arith.constant 0 : i32
          %dma_start3A_825 = tpu.memref_slice %arg4[%dma_start3A_823, %dma_start3A_824] : memref<100000x64xf32, #tpu.memory_space<hbm>> -> memref<100000x64xf32, #tpu.memory_space<hbm>>
          tpu.enqueue_indirect_dma source(%dma_start3A_825 : memref<100000x64xf32, #tpu.memory_space<hbm>>) target(%dma_start3A_821 : memref<40x64xf32, #tpu.memory_space<vmem>>) offsets(%dma_start3A_822 : memref<40xi32, #tpu.memory_space<vmem>>) semaphore(%arg16 : memref<!tpu.dma_semaphore, #tpu.memory_space<semaphore_mem>>)
        }
        %while3A_812 = arith.constant 1 : i32
        scf.for %while3A_813 = %while3A_810 to %while3A_806 step %while3A_812  : i32 {
          %mul3A_814 = arith.constant 200 : i32
          %mul3A_815 = arith.muli %add3A_769, %mul3A_814 : i32
          %mul3A_816 = arith.constant 40 : i32
          %mul3A_817 = arith.muli %while3A_813, %mul3A_816 : i32
          %add3A_818 = arith.addi %mul3A_815, %mul3A_817 : i32
          %mul3A_819 = arith.constant 40 : i32
          %mul3A_820 = arith.muli %while3A_813, %mul3A_819 : i32
          %dma_start3A = arith.constant 0 : i32
          %dma_start3A_821 = tpu.memref_slice %arg10[%mul3A_820, %dma_start3A] : memref<200x64xf32, #tpu.memory_space<vmem>> -> memref<40x64xf32, #tpu.memory_space<vmem>>
          %dma_start3A_822 = tpu.memref_slice %arg6[%add3A_818] : memref<25600xi32, #tpu.memory_space<vmem>> -> memref<40xi32, #tpu.memory_space<vmem>>
          %dma_start3A_823 = arith.constant 0 : i32
          %dma_start3A_824 = arith.constant 0 : i32
          %dma_start3A_825 = tpu.memref_slice %arg4[%dma_start3A_823, %dma_start3A_824] : memref<100000x64xf32, #tpu.memory_space<hbm>> -> memref<100000x64xf32, #tpu.memory_space<hbm>>
          tpu.enqueue_indirect_dma source(%dma_start3A_825 : memref<100000x64xf32, #tpu.memory_space<hbm>>) target(%dma_start3A_821 : memref<40x64xf32, #tpu.memory_space<vmem>>) offsets(%dma_start3A_822 : memref<40xi32, #tpu.memory_space<vmem>>) semaphore(%arg16 : memref<!tpu.dma_semaphore, #tpu.memory_space<semaphore_mem>>)
        }
      } else {
      }
      %get3A_626 = arith.index_cast %add3A_611 : i32 to index
      %get3A_627 = arith.constant 0 : index
      %get3A_628 = tpu.vector_load %arg13[%get3A_626, %get3A_627] {strides = array<i32>} : memref<128x16xi32, #tpu.memory_space<vmem>>, vector<16xi32>,
      %slice3A_629 = vector.extract_strided_slice %get3A_628 {offsets = [0], sizes = [1], strides = [1]} : vector<16xi32> to vector<1xi32>
      %squeeze3A_630 = vector.extract %slice3A_629[0] : i32 from vector<1xi32>
      %add3A_631 = arith.constant 40 : i32
      %add3A_632 = arith.addi %squeeze3A_630, %add3A_631 : i32
      %sub3A_633 = arith.constant 1 : i32
      %sub3A_634 = arith.subi %add3A_632, %sub3A_633 : i32
      %jit3A_635 = arith.constant 40 : i32
      %div3A_636 = arith.divsi %sub3A_634, %jit3A_635 : i32
      %sign3A_637 = arith.constant 0 : i32
      %sign3A_638 = arith.cmpi sgt, %sub3A_634, %sign3A_637 : i32
      %sign3A_639 = arith.extui %sign3A_638 : i1 to i32
      %sign3A_640 = arith.constant 0 : i32
      %sign3A_641 = arith.cmpi slt, %sub3A_634, %sign3A_640 : i32
      %sign3A_642 = arith.extui %sign3A_641 : i1 to i32
      %sign3A_643 = arith.subi %sign3A_639, %sign3A_642 : i32
      %sign3A_644 = arith.constant 0 : i32
      %sign3A_645 = arith.cmpi sgt, %jit3A_635, %sign3A_644 : i32
      %sign3A_646 = arith.extui %sign3A_645 : i1 to i32
      %sign3A_647 = arith.constant 0 : i32
      %sign3A_648 = arith.cmpi slt, %jit3A_635, %sign3A_647 : i32
      %sign3A_649 = arith.extui %sign3A_648 : i1 to i32
      %sign3A_650 = arith.subi %sign3A_646, %sign3A_649 : i32
      %ne3A_651 = arith.cmpi ne, %sign3A_643, %sign3A_650 : i32
      %rem3A_652 = arith.remsi %sub3A_634, %jit3A_635 : i32
      %ne3A_653 = arith.constant 0 : i32
      %ne3A_654 = arith.cmpi ne, %rem3A_652, %ne3A_653 : i32
      %and3A_655 = arith.andi %ne3A_651, %ne3A_654 : i1
      %sub3A_656 = arith.constant 1 : i32
      %sub3A_657 = arith.subi %div3A_636, %sub3A_656 : i32
      %select_n3A_658 = arith.select %and3A_655, %sub3A_657, %div3A_636 : i32
      %while3A_659 = arith.constant 0 : i32
      %while3A_660 = arith.constant 0 : i32
      %while3A_661 = arith.subi %select_n3A_658, %while3A_660 : i32
      %while3A_662 = arith.addi %while3A_660, %while3A_661 : i32
      %while3A_663 = arith.constant 1 : i32
      %while3A_664 = arith.divsi %while3A_661, %while3A_663 : i32
      %while3A_665 = arith.muli %while3A_664, %while3A_663 : i32
      %while3A_666 = arith.addi %while3A_660, %while3A_665 : i32
      %while3A_667 = arith.constant 1 : i32
      scf.for %while3A_768 = %while3A_660 to %while3A_666 step %while3A_667  : i32 {
        %mul3A_769 = arith.constant 200 : i32
        %mul3A_770 = arith.muli %add3A_611, %mul3A_769 : i32
        %mul3A_771 = arith.constant 40 : i32
        %mul3A_772 = arith.muli %while3A_768, %mul3A_771 : i32
        %add3A_773 = arith.addi %mul3A_770, %mul3A_772 : i32
        %mul3A_774 = arith.constant 40 : i32
        %mul3A_775 = arith.muli %while3A_768, %mul3A_774 : i32
        %dma_wait3A = arith.constant 0 : i32
        %dma_wait3A_776 = tpu.memref_slice %arg11[%mul3A_775, %dma_wait3A] : memref<200x64xf32, #tpu.memory_space<vmem>> -> memref<40x64xf32, #tpu.memory_space<vmem>>
        %dma_wait3A_777 = tpu.memref_slice %arg6[%add3A_773] : memref<25600xi32, #tpu.memory_space<vmem>> -> memref<40xi32, #tpu.memory_space<vmem>>
        %dma_wait3A_778 = arith.constant 0 : i32
        %dma_wait3A_779 = arith.constant 0 : i32
        %dma_wait3A_780 = tpu.memref_slice %arg4[%dma_wait3A_778, %dma_wait3A_779] : memref<100000x64xf32, #tpu.memory_space<hbm>> -> memref<100000x64xf32, #tpu.memory_space<hbm>>
        tpu.wait_indirect_dma semaphore(%arg17 : memref<!tpu.dma_semaphore, #tpu.memory_space<semaphore_mem>>) src(%dma_wait3A_780 : memref<100000x64xf32, #tpu.memory_space<hbm>>) dst(%dma_wait3A_776 : memref<40x64xf32, #tpu.memory_space<vmem>>)
      }
      %while3A_668 = arith.constant 1 : i32
      scf.for %while3A_768 = %while3A_666 to %while3A_662 step %while3A_668  : i32 {
        %mul3A_769 = arith.constant 200 : i32
        %mul3A_770 = arith.muli %add3A_611, %mul3A_769 : i32
        %mul3A_771 = arith.constant 40 : i32
        %mul3A_772 = arith.muli %while3A_768, %mul3A_771 : i32
        %add3A_773 = arith.addi %mul3A_770, %mul3A_772 : i32
        %mul3A_774 = arith.constant 40 : i32
        %mul3A_775 = arith.muli %while3A_768, %mul3A_774 : i32
        %dma_wait3A = arith.constant 0 : i32
        %dma_wait3A_776 = tpu.memref_slice %arg11[%mul3A_775, %dma_wait3A] : memref<200x64xf32, #tpu.memory_space<vmem>> -> memref<40x64xf32, #tpu.memory_space<vmem>>
        %dma_wait3A_777 = tpu.memref_slice %arg6[%add3A_773] : memref<25600xi32, #tpu.memory_space<vmem>> -> memref<40xi32, #tpu.memory_space<vmem>>
        %dma_wait3A_778 = arith.constant 0 : i32
        %dma_wait3A_779 = arith.constant 0 : i32
        %dma_wait3A_780 = tpu.memref_slice %arg4[%dma_wait3A_778, %dma_wait3A_779] : memref<100000x64xf32, #tpu.memory_space<hbm>> -> memref<100000x64xf32, #tpu.memory_space<hbm>>
        tpu.wait_indirect_dma semaphore(%arg17 : memref<!tpu.dma_semaphore, #tpu.memory_space<semaphore_mem>>) src(%dma_wait3A_780 : memref<100000x64xf32, #tpu.memory_space<hbm>>) dst(%dma_wait3A_776 : memref<40x64xf32, #tpu.memory_space<vmem>>)
      }
      %add3A_669 = arith.constant 7 : i32
      %add3A_670 = arith.addi %squeeze3A_630, %add3A_669 : i32
      %jit3A_671 = arith.constant 8 : i32
      %div3A_672 = arith.divsi %add3A_670, %jit3A_671 : i32
      %sign3A_673 = arith.constant 0 : i32
      %sign3A_674 = arith.cmpi sgt, %add3A_670, %sign3A_673 : i32
      %sign3A_675 = arith.extui %sign3A_674 : i1 to i32
      %sign3A_676 = arith.constant 0 : i32
      %sign3A_677 = arith.cmpi slt, %add3A_670, %sign3A_676 : i32
      %sign3A_678 = arith.extui %sign3A_677 : i1 to i32
      %sign3A_679 = arith.subi %sign3A_675, %sign3A_678 : i32
      %sign3A_680 = arith.constant 0 : i32
      %sign3A_681 = arith.cmpi sgt, %jit3A_671, %sign3A_680 : i32
      %sign3A_682 = arith.extui %sign3A_681 : i1 to i32
      %sign3A_683 = arith.constant 0 : i32
      %sign3A_684 = arith.cmpi slt, %jit3A_671, %sign3A_683 : i32
      %sign3A_685 = arith.extui %sign3A_684 : i1 to i32
      %sign3A_686 = arith.subi %sign3A_682, %sign3A_685 : i32
      %ne3A_687 = arith.cmpi ne, %sign3A_679, %sign3A_686 : i32
      %rem3A_688 = arith.remsi %add3A_670, %jit3A_671 : i32
      %ne3A_689 = arith.constant 0 : i32
      %ne3A_690 = arith.cmpi ne, %rem3A_688, %ne3A_689 : i32
      %and3A_691 = arith.andi %ne3A_687, %ne3A_690 : i1
      %sub3A_692 = arith.constant 1 : i32
      %sub3A_693 = arith.subi %div3A_672, %sub3A_692 : i32
      %select_n3A_694 = arith.select %and3A_691, %sub3A_693, %div3A_672 : i32
      %mul3A_695 = arith.constant 8 : i32
      %mul3A_696 = arith.muli %select_n3A_694, %mul3A_695 : i32
      %sub3A_697 = arith.subi %mul3A_696, %squeeze3A_630 : i32
      %while3A_698 = arith.constant 0 : i32
      %while3A_699 = arith.constant 0 : i32
      %while3A_700 = arith.subi %sub3A_697, %while3A_699 : i32
      %while3A_701 = arith.addi %while3A_699, %while3A_700 : i32
      %while3A_702 = arith.constant 1 : i32
      %while3A_703 = arith.divsi %while3A_700, %while3A_702 : i32
      %while3A_704 = arith.muli %while3A_703, %while3A_702 : i32
      %while3A_705 = arith.addi %while3A_699, %while3A_704 : i32
      %while3A_706 = arith.constant 1 : i32
      scf.for %while3A_768 = %while3A_699 to %while3A_705 step %while3A_706  : i32 {
        %add3A_769 = arith.addi %squeeze3A_630, %while3A_768 : i32
        %swap3A_770 = arith.index_cast %add3A_769 : i32 to index
        %swap3A_771 = arith.constant 0 : index
        %swap3A_772 = tpu.vector_load %arg11[%swap3A_770, %swap3A_771] {strides = array<i32>} : memref<200x64xf32, #tpu.memory_space<vmem>>, vector<16xf32>,
        tpu.vector_store %arg11[%swap3A_770, %swap3A_771], %broadcast_in_dim3A_5 {strides = array<i32>} : memref<200x64xf32, #tpu.memory_space<vmem>>, vector<16xf32>,
        %add3A_773 = arith.addi %squeeze3A_630, %while3A_768 : i32
        %swap3A_774 = arith.index_cast %add3A_773 : i32 to index
        %swap3A_775 = arith.constant 16 : index
        %swap3A_776 = tpu.vector_load %arg11[%swap3A_774, %swap3A_775] {strides = array<i32>} : memref<200x64xf32, #tpu.memory_space<vmem>>, vector<16xf32>,
        tpu.vector_store %arg11[%swap3A_774, %swap3A_775], %broadcast_in_dim3A_5 {strides = array<i32>} : memref<200x64xf32, #tpu.memory_space<vmem>>, vector<16xf32>,
        %add3A_777 = arith.addi %squeeze3A_630, %while3A_768 : i32
        %swap3A_778 = arith.index_cast %add3A_777 : i32 to index
        %swap3A_779 = arith.constant 32 : index
        %swap3A_780 = tpu.vector_load %arg11[%swap3A_778, %swap3A_779] {strides = array<i32>} : memref<200x64xf32, #tpu.memory_space<vmem>>, vector<16xf32>,
        tpu.vector_store %arg11[%swap3A_778, %swap3A_779], %broadcast_in_dim3A_5 {strides = array<i32>} : memref<200x64xf32, #tpu.memory_space<vmem>>, vector<16xf32>,
        %add3A_781 = arith.addi %squeeze3A_630, %while3A_768 : i32
        %swap3A_782 = arith.index_cast %add3A_781 : i32 to index
        %swap3A_783 = arith.constant 48 : index
        %swap3A_784 = tpu.vector_load %arg11[%swap3A_782, %swap3A_783] {strides = array<i32>} : memref<200x64xf32, #tpu.memory_space<vmem>>, vector<16xf32>,
        tpu.vector_store %arg11[%swap3A_782, %swap3A_783], %broadcast_in_dim3A_5 {strides = array<i32>} : memref<200x64xf32, #tpu.memory_space<vmem>>, vector<16xf32>,
      }
      %while3A_707 = arith.constant 1 : i32
      scf.for %while3A_768 = %while3A_705 to %while3A_701 step %while3A_707  : i32 {
        %add3A_769 = arith.addi %squeeze3A_630, %while3A_768 : i32
        %swap3A_770 = arith.index_cast %add3A_769 : i32 to index
        %swap3A_771 = arith.constant 0 : index
        %swap3A_772 = tpu.vector_load %arg11[%swap3A_770, %swap3A_771] {strides = array<i32>} : memref<200x64xf32, #tpu.memory_space<vmem>>, vector<16xf32>,
        tpu.vector_store %arg11[%swap3A_770, %swap3A_771], %broadcast_in_dim3A_5 {strides = array<i32>} : memref<200x64xf32, #tpu.memory_space<vmem>>, vector<16xf32>,
        %add3A_773 = arith.addi %squeeze3A_630, %while3A_768 : i32
        %swap3A_774 = arith.index_cast %add3A_773 : i32 to index
        %swap3A_775 = arith.constant 16 : index
        %swap3A_776 = tpu.vector_load %arg11[%swap3A_774, %swap3A_775] {strides = array<i32>} : memref<200x64xf32, #tpu.memory_space<vmem>>, vector<16xf32>,
        tpu.vector_store %arg11[%swap3A_774, %swap3A_775], %broadcast_in_dim3A_5 {strides = array<i32>} : memref<200x64xf32, #tpu.memory_space<vmem>>, vector<16xf32>,
        %add3A_777 = arith.addi %squeeze3A_630, %while3A_768 : i32
        %swap3A_778 = arith.index_cast %add3A_777 : i32 to index
        %swap3A_779 = arith.constant 32 : index
        %swap3A_780 = tpu.vector_load %arg11[%swap3A_778, %swap3A_779] {strides = array<i32>} : memref<200x64xf32, #tpu.memory_space<vmem>>, vector<16xf32>,
        tpu.vector_store %arg11[%swap3A_778, %swap3A_779], %broadcast_in_dim3A_5 {strides = array<i32>} : memref<200x64xf32, #tpu.memory_space<vmem>>, vector<16xf32>,
        %add3A_781 = arith.addi %squeeze3A_630, %while3A_768 : i32
        %swap3A_782 = arith.index_cast %add3A_781 : i32 to index
        %swap3A_783 = arith.constant 48 : index
        %swap3A_784 = tpu.vector_load %arg11[%swap3A_782, %swap3A_783] {strides = array<i32>} : memref<200x64xf32, #tpu.memory_space<vmem>>, vector<16xf32>,
        tpu.vector_store %arg11[%swap3A_782, %swap3A_783], %broadcast_in_dim3A_5 {strides = array<i32>} : memref<200x64xf32, #tpu.memory_space<vmem>>, vector<16xf32>,
      }
      %jit3A_708 = arith.constant 8 : i32
      %div3A_709 = arith.divsi %mul3A_696, %jit3A_708 : i32
      %sign3A_710 = arith.constant 0 : i32
      %sign3A_711 = arith.cmpi sgt, %mul3A_696, %sign3A_710 : i32
      %sign3A_712 = arith.extui %sign3A_711 : i1 to i32
      %sign3A_713 = arith.constant 0 : i32
      %sign3A_714 = arith.cmpi slt, %mul3A_696, %sign3A_713 : i32
      %sign3A_715 = arith.extui %sign3A_714 : i1 to i32
      %sign3A_716 = arith.subi %sign3A_712, %sign3A_715 : i32
      %sign3A_717 = arith.constant 0 : i32
      %sign3A_718 = arith.cmpi sgt, %jit3A_708, %sign3A_717 : i32
      %sign3A_719 = arith.extui %sign3A_718 : i1 to i32
      %sign3A_720 = arith.constant 0 : i32
      %sign3A_721 = arith.cmpi slt, %jit3A_708, %sign3A_720 : i32
      %sign3A_722 = arith.extui %sign3A_721 : i1 to i32
      %sign3A_723 = arith.subi %sign3A_719, %sign3A_722 : i32
      %ne3A_724 = arith.cmpi ne, %sign3A_716, %sign3A_723 : i32
      %rem3A_725 = arith.remsi %mul3A_696, %jit3A_708 : i32
      %ne3A_726 = arith.constant 0 : i32
      %ne3A_727 = arith.cmpi ne, %rem3A_725, %ne3A_726 : i32
      %and3A_728 = arith.andi %ne3A_724, %ne3A_727 : i1
      %sub3A_729 = arith.constant 1 : i32
      %sub3A_730 = arith.subi %div3A_709, %sub3A_729 : i32
      %select_n3A_731 = arith.select %and3A_728, %sub3A_730, %div3A_709 : i32
      %while3A_732 = arith.constant 0 : i32
      %while3A_733 = arith.subi %select_n3A_731, %while3A_732 : i32
      %while3A_734 = arith.addi %while3A_732, %while3A_733 : i32
      %while3A_735 = arith.constant 1 : i32
      %while3A_736 = arith.divsi %while3A_733, %while3A_735 : i32
      %while3A_737 = arith.muli %while3A_736, %while3A_735 : i32
      %while3A_738 = arith.addi %while3A_732, %while3A_737 : i32
      %while3A_739 = arith.constant 1 : i32
      %while3A_740:4 = scf.for %while3A_768 = %while3A_732 to %while3A_738 step %while3A_739 iter_args(%while3A_769 = %broadcast_in_dim3A_5, %while3A_770 = %broadcast_in_dim3A_5, %while3A_771 = %broadcast_in_dim3A_5, %while3A_772 = %broadcast_in_dim3A_5) -> (vector<16xf32>, vector<16xf32>, vector<16xf32>, vector<16xf32>)  : i32 {
        %mul3A_773 = arith.constant 8 : i32
        %mul3A_774 = arith.muli %while3A_768, %mul3A_773 : i32
        %add3A_775 = arith.constant 0 : i32
        %add3A_776 = arith.addi %mul3A_774, %add3A_775 : i32
        %get3A_777 = arith.index_cast %add3A_776 : i32 to index
        %get3A_778 = arith.constant 0 : index
        %get3A_779 = tpu.vector_load %arg11[%get3A_777, %get3A_778] {strides = array<i32>} : memref<200x64xf32, #tpu.memory_space<vmem>>, vector<16xf32>,
        %add3A_780 = arith.addf %while3A_769, %get3A_779 : vector<16xf32>
        %get3A_781 = arith.index_cast %add3A_776 : i32 to index
        %get3A_782 = arith.constant 16 : index
        %get3A_783 = tpu.vector_load %arg11[%get3A_781, %get3A_782] {strides = array<i32>} : memref<200x64xf32, #tpu.memory_space<vmem>>, vector<16xf32>,
        %add3A_784 = arith.addf %while3A_770, %get3A_783 : vector<16xf32>
        %get3A_785 = arith.index_cast %add3A_776 : i32 to index
        %get3A_786 = arith.constant 32 : index
        %get3A_787 = tpu.vector_load %arg11[%get3A_785, %get3A_786] {strides = array<i32>} : memref<200x64xf32, #tpu.memory_space<vmem>>, vector<16xf32>,
        %add3A_788 = arith.addf %while3A_771, %get3A_787 : vector<16xf32>
        %get3A_789 = arith.index_cast %add3A_776 : i32 to index
        %get3A_790 = arith.constant 48 : index
        %get3A_791 = tpu.vector_load %arg11[%get3A_789, %get3A_790] {strides = array<i32>} : memref<200x64xf32, #tpu.memory_space<vmem>>, vector<16xf32>,
        %add3A_792 = arith.addf %while3A_772, %get3A_791 : vector<16xf32>
        %mul3A_793 = arith.constant 8 : i32
        %mul3A_794 = arith.muli %while3A_768, %mul3A_793 : i32
        %add3A_795 = arith.constant 1 : i32
        %add3A_796 = arith.addi %mul3A_794, %add3A_795 : i32
        %get3A_797 = arith.index_cast %add3A_796 : i32 to index
        %get3A_798 = arith.constant 0 : index
        %get3A_799 = tpu.vector_load %arg11[%get3A_797, %get3A_798] {strides = array<i32>} : memref<200x64xf32, #tpu.memory_space<vmem>>, vector<16xf32>,
        %add3A_800 = arith.addf %add3A_780, %get3A_799 : vector<16xf32>
        %get3A_801 = arith.index_cast %add3A_796 : i32 to index
        %get3A_802 = arith.constant 16 : index
        %get3A_803 = tpu.vector_load %arg11[%get3A_801, %get3A_802] {strides = array<i32>} : memref<200x64xf32, #tpu.memory_space<vmem>>, vector<16xf32>,
        %add3A_804 = arith.addf %add3A_784, %get3A_803 : vector<16xf32>
        %get3A_805 = arith.index_cast %add3A_796 : i32 to index
        %get3A_806 = arith.constant 32 : index
        %get3A_807 = tpu.vector_load %arg11[%get3A_805, %get3A_806] {strides = array<i32>} : memref<200x64xf32, #tpu.memory_space<vmem>>, vector<16xf32>,
        %add3A_808 = arith.addf %add3A_788, %get3A_807 : vector<16xf32>
        %get3A_809 = arith.index_cast %add3A_796 : i32 to index
        %get3A_810 = arith.constant 48 : index
        %get3A_811 = tpu.vector_load %arg11[%get3A_809, %get3A_810] {strides = array<i32>} : memref<200x64xf32, #tpu.memory_space<vmem>>, vector<16xf32>,
        %add3A_812 = arith.addf %add3A_792, %get3A_811 : vector<16xf32>
        %mul3A_813 = arith.constant 8 : i32
        %mul3A_814 = arith.muli %while3A_768, %mul3A_813 : i32
        %add3A_815 = arith.constant 2 : i32
        %add3A_816 = arith.addi %mul3A_814, %add3A_815 : i32
        %get3A_817 = arith.index_cast %add3A_816 : i32 to index
        %get3A_818 = arith.constant 0 : index
        %get3A_819 = tpu.vector_load %arg11[%get3A_817, %get3A_818] {strides = array<i32>} : memref<200x64xf32, #tpu.memory_space<vmem>>, vector<16xf32>,
        %add3A_820 = arith.addf %add3A_800, %get3A_819 : vector<16xf32>
        %get3A_821 = arith.index_cast %add3A_816 : i32 to index
        %get3A_822 = arith.constant 16 : index
        %get3A_823 = tpu.vector_load %arg11[%get3A_821, %get3A_822] {strides = array<i32>} : memref<200x64xf32, #tpu.memory_space<vmem>>, vector<16xf32>,
        %add3A_824 = arith.addf %add3A_804, %get3A_823 : vector<16xf32>
        %get3A_825 = arith.index_cast %add3A_816 : i32 to index
        %get3A_826 = arith.constant 32 : index
        %get3A_827 = tpu.vector_load %arg11[%get3A_825, %get3A_826] {strides = array<i32>} : memref<200x64xf32, #tpu.memory_space<vmem>>, vector<16xf32>,
        %add3A_828 = arith.addf %add3A_808, %get3A_827 : vector<16xf32>
        %get3A_829 = arith.index_cast %add3A_816 : i32 to index
        %get3A_830 = arith.constant 48 : index
        %get3A_831 = tpu.vector_load %arg11[%get3A_829, %get3A_830] {strides = array<i32>} : memref<200x64xf32, #tpu.memory_space<vmem>>, vector<16xf32>,
        %add3A_832 = arith.addf %add3A_812, %get3A_831 : vector<16xf32>
        %mul3A_833 = arith.constant 8 : i32
        %mul3A_834 = arith.muli %while3A_768, %mul3A_833 : i32
        %add3A_835 = arith.constant 3 : i32
        %add3A_836 = arith.addi %mul3A_834, %add3A_835 : i32
        %get3A_837 = arith.index_cast %add3A_836 : i32 to index
        %get3A_838 = arith.constant 0 : index
        %get3A_839 = tpu.vector_load %arg11[%get3A_837, %get3A_838] {strides = array<i32>} : memref<200x64xf32, #tpu.memory_space<vmem>>, vector<16xf32>,
        %add3A_840 = arith.addf %add3A_820, %get3A_839 : vector<16xf32>
        %get3A_841 = arith.index_cast %add3A_836 : i32 to index
        %get3A_842 = arith.constant 16 : index
        %get3A_843 = tpu.vector_load %arg11[%get3A_841, %get3A_842] {strides = array<i32>} : memref<200x64xf32, #tpu.memory_space<vmem>>, vector<16xf32>,
        %add3A_844 = arith.addf %add3A_824, %get3A_843 : vector<16xf32>
        %get3A_845 = arith.index_cast %add3A_836 : i32 to index
        %get3A_846 = arith.constant 32 : index
        %get3A_847 = tpu.vector_load %arg11[%get3A_845, %get3A_846] {strides = array<i32>} : memref<200x64xf32, #tpu.memory_space<vmem>>, vector<16xf32>,
        %add3A_848 = arith.addf %add3A_828, %get3A_847 : vector<16xf32>
        %get3A_849 = arith.index_cast %add3A_836 : i32 to index
        %get3A_850 = arith.constant 48 : index
        %get3A_851 = tpu.vector_load %arg11[%get3A_849, %get3A_850] {strides = array<i32>} : memref<200x64xf32, #tpu.memory_space<vmem>>, vector<16xf32>,
        %add3A_852 = arith.addf %add3A_832, %get3A_851 : vector<16xf32>
        %mul3A_853 = arith.constant 8 : i32
        %mul3A_854 = arith.muli %while3A_768, %mul3A_853 : i32
        %add3A_855 = arith.constant 4 : i32
        %add3A_856 = arith.addi %mul3A_854, %add3A_855 : i32
        %get3A_857 = arith.index_cast %add3A_856 : i32 to index
        %get3A_858 = arith.constant 0 : index
        %get3A_859 = tpu.vector_load %arg11[%get3A_857, %get3A_858] {strides = array<i32>} : memref<200x64xf32, #tpu.memory_space<vmem>>, vector<16xf32>,
        %add3A_860 = arith.addf %add3A_840, %get3A_859 : vector<16xf32>
        %get3A_861 = arith.index_cast %add3A_856 : i32 to index
        %get3A_862 = arith.constant 16 : index
        %get3A_863 = tpu.vector_load %arg11[%get3A_861, %get3A_862] {strides = array<i32>} : memref<200x64xf32, #tpu.memory_space<vmem>>, vector<16xf32>,
        %add3A_864 = arith.addf %add3A_844, %get3A_863 : vector<16xf32>
        %get3A_865 = arith.index_cast %add3A_856 : i32 to index
        %get3A_866 = arith.constant 32 : index
        %get3A_867 = tpu.vector_load %arg11[%get3A_865, %get3A_866] {strides = array<i32>} : memref<200x64xf32, #tpu.memory_space<vmem>>, vector<16xf32>,
        %add3A_868 = arith.addf %add3A_848, %get3A_867 : vector<16xf32>
        %get3A_869 = arith.index_cast %add3A_856 : i32 to index
        %get3A_870 = arith.constant 48 : index
        %get3A_871 = tpu.vector_load %arg11[%get3A_869, %get3A_870] {strides = array<i32>} : memref<200x64xf32, #tpu.memory_space<vmem>>, vector<16xf32>,
        %add3A_872 = arith.addf %add3A_852, %get3A_871 : vector<16xf32>
        %mul3A_873 = arith.constant 8 : i32
        %mul3A_874 = arith.muli %while3A_768, %mul3A_873 : i32
        %add3A_875 = arith.constant 5 : i32
        %add3A_876 = arith.addi %mul3A_874, %add3A_875 : i32
        %get3A_877 = arith.index_cast %add3A_876 : i32 to index
        %get3A_878 = arith.constant 0 : index
        %get3A_879 = tpu.vector_load %arg11[%get3A_877, %get3A_878] {strides = array<i32>} : memref<200x64xf32, #tpu.memory_space<vmem>>, vector<16xf32>,
        %add3A_880 = arith.addf %add3A_860, %get3A_879 : vector<16xf32>
        %get3A_881 = arith.index_cast %add3A_876 : i32 to index
        %get3A_882 = arith.constant 16 : index
        %get3A_883 = tpu.vector_load %arg11[%get3A_881, %get3A_882] {strides = array<i32>} : memref<200x64xf32, #tpu.memory_space<vmem>>, vector<16xf32>,
        %add3A_884 = arith.addf %add3A_864, %get3A_883 : vector<16xf32>
        %get3A_885 = arith.index_cast %add3A_876 : i32 to index
        %get3A_886 = arith.constant 32 : index
        %get3A_887 = tpu.vector_load %arg11[%get3A_885, %get3A_886] {strides = array<i32>} : memref<200x64xf32, #tpu.memory_space<vmem>>, vector<16xf32>,
        %add3A_888 = arith.addf %add3A_868, %get3A_887 : vector<16xf32>
        %get3A_889 = arith.index_cast %add3A_876 : i32 to index
        %get3A_890 = arith.constant 48 : index
        %get3A_891 = tpu.vector_load %arg11[%get3A_889, %get3A_890] {strides = array<i32>} : memref<200x64xf32, #tpu.memory_space<vmem>>, vector<16xf32>,
        %add3A_892 = arith.addf %add3A_872, %get3A_891 : vector<16xf32>
        %mul3A_893 = arith.constant 8 : i32
        %mul3A_894 = arith.muli %while3A_768, %mul3A_893 : i32
        %add3A_895 = arith.constant 6 : i32
        %add3A_896 = arith.addi %mul3A_894, %add3A_895 : i32
        %get3A_897 = arith.index_cast %add3A_896 : i32 to index
        %get3A_898 = arith.constant 0 : index
        %get3A_899 = tpu.vector_load %arg11[%get3A_897, %get3A_898] {strides = array<i32>} : memref<200x64xf32, #tpu.memory_space<vmem>>, vector<16xf32>,
        %add3A_900 = arith.addf %add3A_880, %get3A_899 : vector<16xf32>
        %get3A_901 = arith.index_cast %add3A_896 : i32 to index
        %get3A_902 = arith.constant 16 : index
        %get3A_903 = tpu.vector_load %arg11[%get3A_901, %get3A_902] {strides = array<i32>} : memref<200x64xf32, #tpu.memory_space<vmem>>, vector<16xf32>,
        %add3A_904 = arith.addf %add3A_884, %get3A_903 : vector<16xf32>
        %get3A_905 = arith.index_cast %add3A_896 : i32 to index
        %get3A_906 = arith.constant 32 : index
        %get3A_907 = tpu.vector_load %arg11[%get3A_905, %get3A_906] {strides = array<i32>} : memref<200x64xf32, #tpu.memory_space<vmem>>, vector<16xf32>,
        %add3A_908 = arith.addf %add3A_888, %get3A_907 : vector<16xf32>
        %get3A_909 = arith.index_cast %add3A_896 : i32 to index
        %get3A_910 = arith.constant 48 : index
        %get3A_911 = tpu.vector_load %arg11[%get3A_909, %get3A_910] {strides = array<i32>} : memref<200x64xf32, #tpu.memory_space<vmem>>, vector<16xf32>,
        %add3A_912 = arith.addf %add3A_892, %get3A_911 : vector<16xf32>
        %mul3A_913 = arith.constant 8 : i32
        %mul3A_914 = arith.muli %while3A_768, %mul3A_913 : i32
        %add3A_915 = arith.constant 7 : i32
        %add3A_916 = arith.addi %mul3A_914, %add3A_915 : i32
        %get3A_917 = arith.index_cast %add3A_916 : i32 to index
        %get3A_918 = arith.constant 0 : index
        %get3A_919 = tpu.vector_load %arg11[%get3A_917, %get3A_918] {strides = array<i32>} : memref<200x64xf32, #tpu.memory_space<vmem>>, vector<16xf32>,
        %add3A_920 = arith.addf %add3A_900, %get3A_919 : vector<16xf32>
        %get3A_921 = arith.index_cast %add3A_916 : i32 to index
        %get3A_922 = arith.constant 16 : index
        %get3A_923 = tpu.vector_load %arg11[%get3A_921, %get3A_922] {strides = array<i32>} : memref<200x64xf32, #tpu.memory_space<vmem>>, vector<16xf32>,
        %add3A_924 = arith.addf %add3A_904, %get3A_923 : vector<16xf32>
        %get3A_925 = arith.index_cast %add3A_916 : i32 to index
        %get3A_926 = arith.constant 32 : index
        %get3A_927 = tpu.vector_load %arg11[%get3A_925, %get3A_926] {strides = array<i32>} : memref<200x64xf32, #tpu.memory_space<vmem>>, vector<16xf32>,
        %add3A_928 = arith.addf %add3A_908, %get3A_927 : vector<16xf32>
        %get3A_929 = arith.index_cast %add3A_916 : i32 to index
        %get3A_930 = arith.constant 48 : index
        %get3A_931 = tpu.vector_load %arg11[%get3A_929, %get3A_930] {strides = array<i32>} : memref<200x64xf32, #tpu.memory_space<vmem>>, vector<16xf32>,
        %add3A_932 = arith.addf %add3A_912, %get3A_931 : vector<16xf32>
        scf.yield %add3A_920, %add3A_924, %add3A_928, %add3A_932 : vector<16xf32>, vector<16xf32>, vector<16xf32>, vector<16xf32>
      }
      %while3A_741 = arith.constant 1 : i32
      %while3A_742:4 = scf.for %while3A_768 = %while3A_738 to %while3A_734 step %while3A_741 iter_args(%while3A_769 = %while3A_740#0, %while3A_770 = %while3A_740#1, %while3A_771 = %while3A_740#2, %while3A_772 = %while3A_740#3) -> (vector<16xf32>, vector<16xf32>, vector<16xf32>, vector<16xf32>)  : i32 {
        %mul3A_773 = arith.constant 8 : i32
        %mul3A_774 = arith.muli %while3A_768, %mul3A_773 : i32
        %add3A_775 = arith.constant 0 : i32
        %add3A_776 = arith.addi %mul3A_774, %add3A_775 : i32
        %get3A_777 = arith.index_cast %add3A_776 : i32 to index
        %get3A_778 = arith.constant 0 : index
        %get3A_779 = tpu.vector_load %arg11[%get3A_777, %get3A_778] {strides = array<i32>} : memref<200x64xf32, #tpu.memory_space<vmem>>, vector<16xf32>,
        %add3A_780 = arith.addf %while3A_769, %get3A_779 : vector<16xf32>
        %get3A_781 = arith.index_cast %add3A_776 : i32 to index
        %get3A_782 = arith.constant 16 : index
        %get3A_783 = tpu.vector_load %arg11[%get3A_781, %get3A_782] {strides = array<i32>} : memref<200x64xf32, #tpu.memory_space<vmem>>, vector<16xf32>,
        %add3A_784 = arith.addf %while3A_770, %get3A_783 : vector<16xf32>
        %get3A_785 = arith.index_cast %add3A_776 : i32 to index
        %get3A_786 = arith.constant 32 : index
        %get3A_787 = tpu.vector_load %arg11[%get3A_785, %get3A_786] {strides = array<i32>} : memref<200x64xf32, #tpu.memory_space<vmem>>, vector<16xf32>,
        %add3A_788 = arith.addf %while3A_771, %get3A_787 : vector<16xf32>
        %get3A_789 = arith.index_cast %add3A_776 : i32 to index
        %get3A_790 = arith.constant 48 : index
        %get3A_791 = tpu.vector_load %arg11[%get3A_789, %get3A_790] {strides = array<i32>} : memref<200x64xf32, #tpu.memory_space<vmem>>, vector<16xf32>,
        %add3A_792 = arith.addf %while3A_772, %get3A_791 : vector<16xf32>
        %mul3A_793 = arith.constant 8 : i32
        %mul3A_794 = arith.muli %while3A_768, %mul3A_793 : i32
        %add3A_795 = arith.constant 1 : i32
        %add3A_796 = arith.addi %mul3A_794, %add3A_795 : i32
        %get3A_797 = arith.index_cast %add3A_796 : i32 to index
        %get3A_798 = arith.constant 0 : index
        %get3A_799 = tpu.vector_load %arg11[%get3A_797, %get3A_798] {strides = array<i32>} : memref<200x64xf32, #tpu.memory_space<vmem>>, vector<16xf32>,
        %add3A_800 = arith.addf %add3A_780, %get3A_799 : vector<16xf32>
        %get3A_801 = arith.index_cast %add3A_796 : i32 to index
        %get3A_802 = arith.constant 16 : index
        %get3A_803 = tpu.vector_load %arg11[%get3A_801, %get3A_802] {strides = array<i32>} : memref<200x64xf32, #tpu.memory_space<vmem>>, vector<16xf32>,
        %add3A_804 = arith.addf %add3A_784, %get3A_803 : vector<16xf32>
        %get3A_805 = arith.index_cast %add3A_796 : i32 to index
        %get3A_806 = arith.constant 32 : index
        %get3A_807 = tpu.vector_load %arg11[%get3A_805, %get3A_806] {strides = array<i32>} : memref<200x64xf32, #tpu.memory_space<vmem>>, vector<16xf32>,
        %add3A_808 = arith.addf %add3A_788, %get3A_807 : vector<16xf32>
        %get3A_809 = arith.index_cast %add3A_796 : i32 to index
        %get3A_810 = arith.constant 48 : index
        %get3A_811 = tpu.vector_load %arg11[%get3A_809, %get3A_810] {strides = array<i32>} : memref<200x64xf32, #tpu.memory_space<vmem>>, vector<16xf32>,
        %add3A_812 = arith.addf %add3A_792, %get3A_811 : vector<16xf32>
        %mul3A_813 = arith.constant 8 : i32
        %mul3A_814 = arith.muli %while3A_768, %mul3A_813 : i32
        %add3A_815 = arith.constant 2 : i32
        %add3A_816 = arith.addi %mul3A_814, %add3A_815 : i32
        %get3A_817 = arith.index_cast %add3A_816 : i32 to index
        %get3A_818 = arith.constant 0 : index
        %get3A_819 = tpu.vector_load %arg11[%get3A_817, %get3A_818] {strides = array<i32>} : memref<200x64xf32, #tpu.memory_space<vmem>>, vector<16xf32>,
        %add3A_820 = arith.addf %add3A_800, %get3A_819 : vector<16xf32>
        %get3A_821 = arith.index_cast %add3A_816 : i32 to index
        %get3A_822 = arith.constant 16 : index
        %get3A_823 = tpu.vector_load %arg11[%get3A_821, %get3A_822] {strides = array<i32>} : memref<200x64xf32, #tpu.memory_space<vmem>>, vector<16xf32>,
        %add3A_824 = arith.addf %add3A_804, %get3A_823 : vector<16xf32>
        %get3A_825 = arith.index_cast %add3A_816 : i32 to index
        %get3A_826 = arith.constant 32 : index
        %get3A_827 = tpu.vector_load %arg11[%get3A_825, %get3A_826] {strides = array<i32>} : memref<200x64xf32, #tpu.memory_space<vmem>>, vector<16xf32>,
        %add3A_828 = arith.addf %add3A_808, %get3A_827 : vector<16xf32>
        %get3A_829 = arith.index_cast %add3A_816 : i32 to index
        %get3A_830 = arith.constant 48 : index
        %get3A_831 = tpu.vector_load %arg11[%get3A_829, %get3A_830] {strides = array<i32>} : memref<200x64xf32, #tpu.memory_space<vmem>>, vector<16xf32>,
        %add3A_832 = arith.addf %add3A_812, %get3A_831 : vector<16xf32>
        %mul3A_833 = arith.constant 8 : i32
        %mul3A_834 = arith.muli %while3A_768, %mul3A_833 : i32
        %add3A_835 = arith.constant 3 : i32
        %add3A_836 = arith.addi %mul3A_834, %add3A_835 : i32
        %get3A_837 = arith.index_cast %add3A_836 : i32 to index
        %get3A_838 = arith.constant 0 : index
        %get3A_839 = tpu.vector_load %arg11[%get3A_837, %get3A_838] {strides = array<i32>} : memref<200x64xf32, #tpu.memory_space<vmem>>, vector<16xf32>,
        %add3A_840 = arith.addf %add3A_820, %get3A_839 : vector<16xf32>
        %get3A_841 = arith.index_cast %add3A_836 : i32 to index
        %get3A_842 = arith.constant 16 : index
        %get3A_843 = tpu.vector_load %arg11[%get3A_841, %get3A_842] {strides = array<i32>} : memref<200x64xf32, #tpu.memory_space<vmem>>, vector<16xf32>,
        %add3A_844 = arith.addf %add3A_824, %get3A_843 : vector<16xf32>
        %get3A_845 = arith.index_cast %add3A_836 : i32 to index
        %get3A_846 = arith.constant 32 : index
        %get3A_847 = tpu.vector_load %arg11[%get3A_845, %get3A_846] {strides = array<i32>} : memref<200x64xf32, #tpu.memory_space<vmem>>, vector<16xf32>,
        %add3A_848 = arith.addf %add3A_828, %get3A_847 : vector<16xf32>
        %get3A_849 = arith.index_cast %add3A_836 : i32 to index
        %get3A_850 = arith.constant 48 : index
        %get3A_851 = tpu.vector_load %arg11[%get3A_849, %get3A_850] {strides = array<i32>} : memref<200x64xf32, #tpu.memory_space<vmem>>, vector<16xf32>,
        %add3A_852 = arith.addf %add3A_832, %get3A_851 : vector<16xf32>
        %mul3A_853 = arith.constant 8 : i32
        %mul3A_854 = arith.muli %while3A_768, %mul3A_853 : i32
        %add3A_855 = arith.constant 4 : i32
        %add3A_856 = arith.addi %mul3A_854, %add3A_855 : i32
        %get3A_857 = arith.index_cast %add3A_856 : i32 to index
        %get3A_858 = arith.constant 0 : index
        %get3A_859 = tpu.vector_load %arg11[%get3A_857, %get3A_858] {strides = array<i32>} : memref<200x64xf32, #tpu.memory_space<vmem>>, vector<16xf32>,
        %add3A_860 = arith.addf %add3A_840, %get3A_859 : vector<16xf32>
        %get3A_861 = arith.index_cast %add3A_856 : i32 to index
        %get3A_862 = arith.constant 16 : index
        %get3A_863 = tpu.vector_load %arg11[%get3A_861, %get3A_862] {strides = array<i32>} : memref<200x64xf32, #tpu.memory_space<vmem>>, vector<16xf32>,
        %add3A_864 = arith.addf %add3A_844, %get3A_863 : vector<16xf32>
        %get3A_865 = arith.index_cast %add3A_856 : i32 to index
        %get3A_866 = arith.constant 32 : index
        %get3A_867 = tpu.vector_load %arg11[%get3A_865, %get3A_866] {strides = array<i32>} : memref<200x64xf32, #tpu.memory_space<vmem>>, vector<16xf32>,
        %add3A_868 = arith.addf %add3A_848, %get3A_867 : vector<16xf32>
        %get3A_869 = arith.index_cast %add3A_856 : i32 to index
        %get3A_870 = arith.constant 48 : index
        %get3A_871 = tpu.vector_load %arg11[%get3A_869, %get3A_870] {strides = array<i32>} : memref<200x64xf32, #tpu.memory_space<vmem>>, vector<16xf32>,
        %add3A_872 = arith.addf %add3A_852, %get3A_871 : vector<16xf32>
        %mul3A_873 = arith.constant 8 : i32
        %mul3A_874 = arith.muli %while3A_768, %mul3A_873 : i32
        %add3A_875 = arith.constant 5 : i32
        %add3A_876 = arith.addi %mul3A_874, %add3A_875 : i32
        %get3A_877 = arith.index_cast %add3A_876 : i32 to index
        %get3A_878 = arith.constant 0 : index
        %get3A_879 = tpu.vector_load %arg11[%get3A_877, %get3A_878] {strides = array<i32>} : memref<200x64xf32, #tpu.memory_space<vmem>>, vector<16xf32>,
        %add3A_880 = arith.addf %add3A_860, %get3A_879 : vector<16xf32>
        %get3A_881 = arith.index_cast %add3A_876 : i32 to index
        %get3A_882 = arith.constant 16 : index
        %get3A_883 = tpu.vector_load %arg11[%get3A_881, %get3A_882] {strides = array<i32>} : memref<200x64xf32, #tpu.memory_space<vmem>>, vector<16xf32>,
        %add3A_884 = arith.addf %add3A_864, %get3A_883 : vector<16xf32>
        %get3A_885 = arith.index_cast %add3A_876 : i32 to index
        %get3A_886 = arith.constant 32 : index
        %get3A_887 = tpu.vector_load %arg11[%get3A_885, %get3A_886] {strides = array<i32>} : memref<200x64xf32, #tpu.memory_space<vmem>>, vector<16xf32>,
        %add3A_888 = arith.addf %add3A_868, %get3A_887 : vector<16xf32>
        %get3A_889 = arith.index_cast %add3A_876 : i32 to index
        %get3A_890 = arith.constant 48 : index
        %get3A_891 = tpu.vector_load %arg11[%get3A_889, %get3A_890] {strides = array<i32>} : memref<200x64xf32, #tpu.memory_space<vmem>>, vector<16xf32>,
        %add3A_892 = arith.addf %add3A_872, %get3A_891 : vector<16xf32>
        %mul3A_893 = arith.constant 8 : i32
        %mul3A_894 = arith.muli %while3A_768, %mul3A_893 : i32
        %add3A_895 = arith.constant 6 : i32
        %add3A_896 = arith.addi %mul3A_894, %add3A_895 : i32
        %get3A_897 = arith.index_cast %add3A_896 : i32 to index
        %get3A_898 = arith.constant 0 : index
        %get3A_899 = tpu.vector_load %arg11[%get3A_897, %get3A_898] {strides = array<i32>} : memref<200x64xf32, #tpu.memory_space<vmem>>, vector<16xf32>,
        %add3A_900 = arith.addf %add3A_880, %get3A_899 : vector<16xf32>
        %get3A_901 = arith.index_cast %add3A_896 : i32 to index
        %get3A_902 = arith.constant 16 : index
        %get3A_903 = tpu.vector_load %arg11[%get3A_901, %get3A_902] {strides = array<i32>} : memref<200x64xf32, #tpu.memory_space<vmem>>, vector<16xf32>,
        %add3A_904 = arith.addf %add3A_884, %get3A_903 : vector<16xf32>
        %get3A_905 = arith.index_cast %add3A_896 : i32 to index
        %get3A_906 = arith.constant 32 : index
        %get3A_907 = tpu.vector_load %arg11[%get3A_905, %get3A_906] {strides = array<i32>} : memref<200x64xf32, #tpu.memory_space<vmem>>, vector<16xf32>,
        %add3A_908 = arith.addf %add3A_888, %get3A_907 : vector<16xf32>
        %get3A_909 = arith.index_cast %add3A_896 : i32 to index
        %get3A_910 = arith.constant 48 : index
        %get3A_911 = tpu.vector_load %arg11[%get3A_909, %get3A_910] {strides = array<i32>} : memref<200x64xf32, #tpu.memory_space<vmem>>, vector<16xf32>,
        %add3A_912 = arith.addf %add3A_892, %get3A_911 : vector<16xf32>
        %mul3A_913 = arith.constant 8 : i32
        %mul3A_914 = arith.muli %while3A_768, %mul3A_913 : i32
        %add3A_915 = arith.constant 7 : i32
        %add3A_916 = arith.addi %mul3A_914, %add3A_915 : i32
        %get3A_917 = arith.index_cast %add3A_916 : i32 to index
        %get3A_918 = arith.constant 0 : index
        %get3A_919 = tpu.vector_load %arg11[%get3A_917, %get3A_918] {strides = array<i32>} : memref<200x64xf32, #tpu.memory_space<vmem>>, vector<16xf32>,
        %add3A_920 = arith.addf %add3A_900, %get3A_919 : vector<16xf32>
        %get3A_921 = arith.index_cast %add3A_916 : i32 to index
        %get3A_922 = arith.constant 16 : index
        %get3A_923 = tpu.vector_load %arg11[%get3A_921, %get3A_922] {strides = array<i32>} : memref<200x64xf32, #tpu.memory_space<vmem>>, vector<16xf32>,
        %add3A_924 = arith.addf %add3A_904, %get3A_923 : vector<16xf32>
        %get3A_925 = arith.index_cast %add3A_916 : i32 to index
        %get3A_926 = arith.constant 32 : index
        %get3A_927 = tpu.vector_load %arg11[%get3A_925, %get3A_926] {strides = array<i32>} : memref<200x64xf32, #tpu.memory_space<vmem>>, vector<16xf32>,
        %add3A_928 = arith.addf %add3A_908, %get3A_927 : vector<16xf32>
        %get3A_929 = arith.index_cast %add3A_916 : i32 to index
        %get3A_930 = arith.constant 48 : index
        %get3A_931 = tpu.vector_load %arg11[%get3A_929, %get3A_930] {strides = array<i32>} : memref<200x64xf32, #tpu.memory_space<vmem>>, vector<16xf32>,
        %add3A_932 = arith.addf %add3A_912, %get3A_931 : vector<16xf32>
        scf.yield %add3A_920, %add3A_924, %add3A_928, %add3A_932 : vector<16xf32>, vector<16xf32>, vector<16xf32>, vector<16xf32>
      }
      %convert_element_type3A_743 = arith.sitofp %squeeze3A_630 : i32 to f32
      %add3A_744 = arith.constant 9.99999971E-10 : f32
      %add3A_745 = arith.addf %convert_element_type3A_743, %add3A_744 : f32
      %add3A_746 = vector.broadcast %add3A_745 : f32 to vector<16xf32>
      %add3A_747 = arith.addf %broadcast_in_dim3A_5, %add3A_746 : vector<16xf32>
      %add3A_748 = arith.constant 1.000000e+00 : f32
      %add3A_749 = vector.broadcast %add3A_748 : f32 to vector<16xf32>
      %add3A_750 = arith.addf %broadcast_in_dim3A_5, %add3A_749 : vector<16xf32>
      %div3A_751 = arith.divf %add3A_750, %add3A_747 : vector<16xf32>
      %mul3A_752 = arith.mulf %while3A_742#0, %div3A_751 : vector<16xf32>
      %swap3A_753 = arith.index_cast %add3A_611 : i32 to index
      %swap3A_754 = arith.constant 0 : index
      %swap3A_755 = tpu.vector_load %arg12[%swap3A_753, %swap3A_754] {strides = array<i32>} : memref<128x64xf32, #tpu.memory_space<vmem>>, vector<16xf32>,
      tpu.vector_store %arg12[%swap3A_753, %swap3A_754], %mul3A_752 {strides = array<i32>} : memref<128x64xf32, #tpu.memory_space<vmem>>, vector<16xf32>,
      %mul3A_756 = arith.mulf %while3A_742#1, %div3A_751 : vector<16xf32>
      %swap3A_757 = arith.index_cast %add3A_611 : i32 to index
      %swap3A_758 = arith.constant 16 : index
      %swap3A_759 = tpu.vector_load %arg12[%swap3A_757, %swap3A_758] {strides = array<i32>} : memref<128x64xf32, #tpu.memory_space<vmem>>, vector<16xf32>,
      tpu.vector_store %arg12[%swap3A_757, %swap3A_758], %mul3A_756 {strides = array<i32>} : memref<128x64xf32, #tpu.memory_space<vmem>>, vector<16xf32>,
      %mul3A_760 = arith.mulf %while3A_742#2, %div3A_751 : vector<16xf32>
      %swap3A_761 = arith.index_cast %add3A_611 : i32 to index
      %swap3A_762 = arith.constant 32 : index
      %swap3A_763 = tpu.vector_load %arg12[%swap3A_761, %swap3A_762] {strides = array<i32>} : memref<128x64xf32, #tpu.memory_space<vmem>>, vector<16xf32>,
      tpu.vector_store %arg12[%swap3A_761, %swap3A_762], %mul3A_760 {strides = array<i32>} : memref<128x64xf32, #tpu.memory_space<vmem>>, vector<16xf32>,
      %mul3A_764 = arith.mulf %while3A_742#3, %div3A_751 : vector<16xf32>
      %swap3A_765 = arith.index_cast %add3A_611 : i32 to index
      %swap3A_766 = arith.constant 48 : index
      %swap3A_767 = tpu.vector_load %arg12[%swap3A_765, %swap3A_766] {strides = array<i32>} : memref<128x64xf32, #tpu.memory_space<vmem>>, vector<16xf32>,
      tpu.vector_store %arg12[%swap3A_765, %swap3A_766], %mul3A_764 {strides = array<i32>} : memref<128x64xf32, #tpu.memory_space<vmem>>, vector<16xf32>,
    }
    %scan3A_136 = arith.constant 32 : i32
    "tpu.region"() ({
      %run_scoped3A = tpu.sem_alloc : memref<!tpu.dma_semaphore, #tpu.memory_space<semaphore_mem>>
      %dma_start3A = arith.constant 0 : i32
      %dma_start3A_137 = tpu.memref_slice %arg5[%mul3A_2, %dma_start3A] : memref<4096x64xf32, #tpu.memory_space<hbm>> -> memref<128x64xf32, #tpu.memory_space<hbm>>
      %dma_start3A_138 = arith.constant 0 : i32
      %dma_start3A_139 = tpu.memref_slice %arg5[%mul3A_2, %dma_start3A_138] : memref<4096x64xf32, #tpu.memory_space<hbm>> -> memref<128x64xf32, #tpu.memory_space<hbm>>
      tpu.enqueue_dma source(%arg12 : memref<128x64xf32, #tpu.memory_space<vmem>>) target(%dma_start3A_139 : memref<128x64xf32, #tpu.memory_space<hbm>>) target_semaphore(%run_scoped3A : memref<!tpu.dma_semaphore, #tpu.memory_space<semaphore_mem>>)
      %dma_wait3A = arith.constant 0 : i32
      %dma_wait3A_140 = tpu.memref_slice %arg5[%mul3A_2, %dma_wait3A] : memref<4096x64xf32, #tpu.memory_space<hbm>> -> memref<128x64xf32, #tpu.memory_space<hbm>>
      %dma_wait3A_141 = arith.constant 0 : i32
      %dma_wait3A_142 = tpu.memref_slice %arg5[%mul3A_2, %dma_wait3A_141] : memref<4096x64xf32, #tpu.memory_space<hbm>> -> memref<128x64xf32, #tpu.memory_space<hbm>>
      tpu.wait_dma2 semaphore(%run_scoped3A : memref<!tpu.dma_semaphore, #tpu.memory_space<semaphore_mem>>) src(%arg12 : memref<128x64xf32, #tpu.memory_space<vmem>>) dst(%dma_wait3A_142 : memref<128x64xf32, #tpu.memory_space<hbm>>)
      tpu.yield
    }) : () -> ()
    return
  }
}

</mosaic_0001>

<sc_bundles>
// kernel: _pooled.3.cloned.1.call-start
scs
__scs_entry_jumppad:
0x0: {  	(pc) =	sbr.rel $0x88, $3  }
0x1: {  	(tag) =	ssettag $0x0;
	lr =	simm.s32 $0x1  }
0x2: {  	[smem:$0x3F9E] =	sst lr;
	_ =	strace $0xD0000000  }
0x3: {  	_ = 	snop  }
0x4: {  	_ = 	snop  }
0x5: {  	_ = 	snop  }
0x6: {  	_ = 	snop  }
0x7: {  	_ = 	snop  }
__scs_overlays_trampoline_lowered:
0x8: {  	[smem:$0x3FAD] =	sst s0  }
0x9: {  	[smem:$0x3FAE] =	sst s1  }
0xa: {  	[smem:$0x3FAF] =	sst s2  }
0xb: {  	[smem:$0x3FB0] =	sst s3  }
0xc: {  	[smem:$0x3FB1] =	sst s4  }
0xd: {  	[smem:$0x3FB2] =	sst s5  }
0xe: {  	[smem:$0x3FB3] =	sst s6  }
0xf: {  	[smem:$0x3FB4] =	sst s7  }
0x10: {  	[smem:$0x3FB5] =	sst s8  }
0x11: {  	[smem:$0x3FB6] =	sst s9;
	s0 =	simm.s32 @!p0 $0x0  }
0x12: {  	s1 =	sld [smem:$0x3F9C];
	s0 =	simm.s32 @p0 $0x1  }
0x13: {  	[smem:$0x3FB7] =	sst s0;
	s0 =	simm.s32 @!p1 $0x0  }
0x14: {  	s2 =	sld [smem:$0x3F9B];
	s0 =	simm.s32 @p1 $0x1  }
0x15: {  	[smem:$0x3FB8] =	sst s0;
	s0 =	simm.s32 @!p2 $0x0  }
0x16: {  	s3 =	sld [smem:$0x3FDB];
	s0 =	simm.s32 @p2 $0x1  }
0x17: {  	s4 =	simm.s32 $0x1BF5;
	[smem:$0x3FBA] =	sst s0  }
0x18: {  	s0 =	sld [smem:$0x3F9D];
	_ =	swait.ge [sflag:s4], $0x0  }
0x19: {  	s7 =	sld [smem:$0x3F9E]  }
0x1a: {  	s8 =	sadd.s32 $0xFFFFE003, lr  }
0x1b: {  	s9 =	sadd.s32 $0xFFFFFEF7, lr;
	s5 =	simm.s32 $0xFFFFFFFF;
	p2 =	slt.u32 s8, $0xFFFFF086  }
0x1c: {  	p1 =	slt.u32 s9, $0xF7A;
	s5 =	simm.s32 @!p2 $0x0  }
0x1d: {  	s5 =	simm.s32 @p1 $0x1;
	p0 =	seq.s32 s7, s2  }
0x1e: {  	s7 =	smul.u32 @!p0 $0xF7A, s2;
	p2 =	seq.s32 @!p0 s5, $0x0  }
0x1f: {  	s9 =	smul.u32 $0xF7A, s1;
	s8 =	simm.s32 @!p0 $0x1BF5;
	p2 =	por !p2, p0  }
0x20: {  	[sflag:s8] =	ssyncset.s32 @!p0 $0xFFFFF086;
	s6 =	sadd.s32 @!p0 s3, s7;
	s7 =	simm.s32 @!p0 $0x108  }
0x21: {  	s3 =	sadd.s32 s3, s9;
	s6 =	sadd.s32 @!p0 $0x88, s6;
	s7 =	simm.s32 @p2 $0x1082  }
0x22: {  	[simem:s7], [sflag:s8] =	dma.local @!p0 [hbm:s6], $0xF7A  }
0x23: {  	s9 =	sor.u32 $0xD0000000, s2;
	s6 =	simm.s32 $0x108;
	_ =	swait.ge @!p0 [sflag:s8], $0x0  }
0x24: {  	s3 =	sadd.s32 $0x88, s3;
	s6 =	simm.s32 @!p1 $0x1082;
	[sflag:s4] =	ssyncset.s32 $0xFFFFF086  }
0x25: {  	[simem:s6], [sflag:s4] =	dma.local [hbm:s3], $0xF7A  }
0x26: {  	[smem:$0x3F9E] =	sst s1;
	(tag) =	ssettag s2;
	_ =	strace s9  }
0x27: {  	s1 =	sld [smem:$0x3FAE]  }
0x28: {  	s2 =	sld [smem:$0x3FAF]  }
0x29: {  	s4 =	sld [smem:$0x3FB1]  }
0x2a: {  	p0 =	seq.s32 s5, $0x0;
	s5 =	sld [smem:$0x3FB2]  }
0x2b: {  	s6 =	sld [smem:$0x3FB3]  }
0x2c: {  	s7 =	sld [smem:$0x3FB4]  }
0x2d: {  	s3 =	simm.s32 $0x108;
	s8 =	sld [smem:$0x3FB5]  }
0x2e: {  	s3 =	simm.s32 @!p0 $0x1082;
	s9 =	sld [smem:$0x3FB6]  }
0x2f: {  	lr =	sadd.s32 s0, s3;
	s0 =	sld [smem:$0x3FAD]  }
0x30: {  	s3 =	sld [smem:$0x3FB0]  }
0x31: {  	[smem:$0x3FB9] =	sst s10  }
0x32: {  	s10 =	sld [smem:$0x3FB7];
	_ =	sdelay $0x3  }
0x33: {  	p0 =	seq.s32 s10, $0x1;
	s10 =	sld [smem:$0x3FB9];
	_ =	sdelay $0x3  }
0x34: {  	[smem:$0x3FB9] =	sst s10  }
0x35: {  	s10 =	sld [smem:$0x3FB8];
	_ =	sdelay $0x3  }
0x36: {  	p1 =	seq.s32 s10, $0x1;
	s10 =	sld [smem:$0x3FB9];
	_ =	sdelay $0x3  }
0x37: {  	[smem:$0x3FB9] =	sst s10  }
0x38: {  	s10 =	sld [smem:$0x3FBA]  }
0x39: {  	_ = 	snop;
	(pc) =	sbr.ind lr, $3  }
0x3a: {  	_ = 	snop  }
0x3b: {  	_ = 	snop  }
0x3c: {  	p2 =	seq.s32 s10, $0x1;
	s10 =	sld [smem:$0x3FB9]  }
0x3d: {  	_ =	shalt  }
0x3e: {  	_ =	shalt  }
0x3f: {  	_ =	shalt  }
0x40: {  	_ =	shalt  }
0x41: {  	_ =	shalt  }
0x42: {  	_ =	shalt  }
0x43: {  	_ =	shalt  }
0x44: {  	_ =	shalt  }
0x45: {  	_ =	shalt  }
0x46: {  	_ =	shalt  }
0x47: {  	_ =	shalt  }
0x48: {  	_ =	shalt  }
0x49: {  	_ =	shalt  }
0x4a: {  	_ =	shalt  }
0x4b: {  	_ =	shalt  }
0x4c: {  	_ =	shalt  }
0x4d: {  	_ =	shalt  }
0x4e: {  	_ =	shalt  }
0x4f: {  	_ =	shalt  }
0x50: {  	_ =	shalt  }
0x51: {  	_ =	shalt  }
0x52: {  	_ =	shalt  }
0x53: {  	_ =	shalt  }
0x54: {  	_ =	shalt  }
0x55: {  	_ =	shalt  }
0x56: {  	_ =	shalt  }
0x57: {  	_ =	shalt  }
0x58: {  	_ =	shalt  }
0x59: {  	_ =	shalt  }
0x5a: {  	_ =	shalt  }
0x5b: {  	_ =	shalt  }
0x5c: {  	_ =	shalt  }
0x5d: {  	_ =	shalt  }
0x5e: {  	_ =	shalt  }
0x5f: {  	_ =	shalt  }
0x60: {  	_ =	shalt  }
0x61: {  	_ =	shalt  }
0x62: {  	_ =	shalt  }
0x63: {  	_ =	shalt  }
0x64: {  	_ =	shalt  }
0x65: {  	_ =	shalt  }
0x66: {  	_ =	shalt  }
0x67: {  	_ =	shalt  }
0x68: {  	_ =	shalt  }
0x69: {  	_ =	shalt  }
0x6a: {  	_ =	shalt  }
0x6b: {  	_ =	shalt  }
0x6c: {  	_ =	shalt  }
0x6d: {  	_ =	shalt  }
0x6e: {  	_ =	shalt  }
0x6f: {  	_ =	shalt  }
0x70: {  	_ =	shalt  }
0x71: {  	_ =	shalt  }
0x72: {  	_ =	shalt  }
0x73: {  	_ =	shalt  }
0x74: {  	_ =	shalt  }
0x75: {  	_ =	shalt  }
0x76: {  	_ =	shalt  }
0x77: {  	_ =	shalt  }
0x78: {  	_ =	shalt  }
0x79: {  	_ =	shalt  }
0x7a: {  	_ =	shalt  }
0x7b: {  	_ =	shalt  }
0x7c: {  	_ =	shalt  }
0x7d: {  	_ =	shalt  }
0x7e: {  	_ =	shalt  }
0x7f: {  	_ =	shalt  }
0x80: {  	_ =	shalt  }
0x81: {  	_ =	shalt  }
0x82: {  	_ =	shalt  }
0x83: {  	_ =	shalt  }
0x84: {  	_ =	shalt  }
0x85: {  	_ =	shalt  }
0x86: {  	_ =	shalt  }
0x87: {  	_ =	shalt  }
.Lfunc_end0:
.L_simem_size_0:
called_computation_lowered:
.L_overlay_start_0:
0x88: {  	s2 =	sld [smem:$0x3FD9]  }
0x89: {  	s3 =	sld [smem:$0x3FFE];
	_ =	sdelay $0x1  }
0x8a: {  	s1 =	srdreg.scid  }
0x8b: {  	s0 =	sand.u32 $0x1, s1  }
0x8c: {  	s17 =	sshll.u32 s0, $0xA;
	s2 =	sadd.s32 s3, s2  }
0x8d: {  	s2 =	sadd.s32 s2, s17  }
0x8e: {  	[smem:$0x3FC5] =	sst s2  }
0x8f: {  	_ = 	snop  }
0x90: {  	s2 =	sld [smem:$0x3FC9]  }
0x91: {  	s18 =	sld [smem:$0x3FC8]  }
0x92: {  	s4 =	sld [smem:$0x3FD0];
	(tm) =	ssettm $0x1  }
0x93: {  	s5 =	sld [smem:$0x3FFB];
	_ =	sdelay $0x3  }
0x94: {  	_ =	strace s5  }
0x95: {  	s5 =	sld [smem:$0x3FFC];
	_ =	sdelay $0x3  }
0x96: {  	_ =	strace s5  }
0x97: {  	s5 =	sld [smem:$0x3FFD];
	_ =	sdelay $0x3  }
0x98: {  	_ =	strace s5  }
0x99: {  	_ =	strace $0x8FFFFFFF  }
0x9a: {  	s19 =	sld [smem:$0x3FDB];
	_ =	sdelay $0x1  }
0x9b: {  	s6 =	simm.s32 $_scs_section_size  }
0x9c: {  	s7 =	simm.s32 $_size__tile_overlayer_lowered;
	s8 =	simm.s32 $_tile_overlayer_lowered  }
0x9d: {  	s22 =	simm.s32 $0x1BFF;
	s21 =	sshll.u32 s8, $0x1;
	s5 =	sadd.s32 s6, s19  }
0x9e: {  	s9 =	simm.s32 $0x0;
	s20 =	sshll.u32 s7, $0x1;
	s7 =	sadd.s32 s21, s5  }
0x9f: {  	[timem:s9], [sflag:s22] =	dma.local [hbm:s7], s20  }
0xa0: {  	_ =	swait.ge [sflag:s22], s20  }
0xa1: {  	s6 =	ssub.s32 $0x0, s20;
	[sflag:s22] =	ssyncset.done $0x0  }
0xa2: {  	[sflag:s22] =	ssyncadd.s32 s6;
	_ =	sdelay $0x1  }
0xa3: {  	s23 =	simm.s32 $0x1B8B  }
0xa4: {  	_ =	swait.ge [sflag:s23], $0x1  }
0xa5: {  	[sflag:s23] =	ssyncset.done $0x0  }
0xa6: {  	s25 =	simm.s32 $0x1B8E;
	s24 =	sld [smem:$0x3FFE];
	[sflag:s23] =	ssyncadd.s32 $0xFFFFFFFF  }
0xa7: {  	s26 =	simm.s32 $execute0_lowered;
	[smem:$0x3FD2] =	sst s25  }
0xa8: {  	s7 =	sshll.u32 s26, $0x1;
	_ =	strace $0x80000046;
	[dreg:$0x1] =	wrdreg $0xFFFFFFFF  }
0xa9: {  	s28 =	simm.s32 $_size_execute0_lowered;
	s5 =	sadd.s32 s5, s7;
	[dreg:$0x0] =	wrdreg $0x0  }
0xaa: {  	s7 =	sshll.u32 s28, $0x1;
	[dreg:$0x2] =	wrdreg s5  }
0xab: {  	[dreg:$0x3] =	wrdreg s7  }
0xac: {  	[dreg:$0x4] =	wrdreg $0xC0  }
0xad: {  	_ =	task [dreg:s9], $0x5FFFF  }
0xae: {  	[dreg:$0x1] =	wrdreg $0xFFFFFFFF  }
0xaf: {  	[dreg:$0x0] =	wrdreg $0x60  }
0xb0: {  	[dreg:$0x2] =	wrdreg s2  }
0xb1: {  	[dreg:$0x3] =	wrdreg s18  }
0xb2: {  	[dreg:$0x4] =	wrdreg s24  }
0xb3: {  	[dreg:$0x5] =	wrdreg s4  }
0xb4: {  	[dreg:$0x6] =	wrdreg $0x9  }
0xb5: {  	_ =	task.clear_ibuf [dreg:s9], $0x7FFFF;
	_ =	strace $0x90000046  }
0xb6: {  	s29 =	simm.s32 $0x9;
	_ =	strace $0x80000048  }
0xb7: {  	_ =	swait.ge [sflag:s29], $0x1  }
0xb8: {  	[sflag:s29] =	ssyncadd.s32 $0xFFFFFFFF  }
0xb9: {  	_ =	strace $0x90000048  }
0xba: {  	_ =	sfence  }
0xbb: {  	s30 =	sld [smem:$0x0];
	_ =	sdelay $0x2  }
0xbc: {  	s31 =	sshll.u32 s1, $0xD;
	s1 =	sshrl.u32 s1, $0x2  }
0xbd: {  	s3 =	sand.u32 $0x4000, s31;
	s1 =	sadd.s32 s1, s30  }
0xbe: {  	s0 =	sor.u32 s3, s0;
	s1 =	sshll.u32 s1, $0x11  }
0xbf: {  	s0 =	sor.u32 s1, s0  }
0xc0: {  	s0 =	sadd.s32 $0x8F2B, s0  }
0xc1: {  	[sflag:s0] =	ssyncadd.remote.s32 $0x1  }
0xc2: {  	_ =	sfence.sel $0xFFFF  }
0xc3: {  	[dreg:$0x0] =	wrdreg $0xFFFFFFFF;
	(pc) =	sbr.abs _section_cstart, $3  }
0xc4: {  	[dreg:$0x1] =	wrdreg $0xFFFFFFFF  }
0xc5: {  	_ =	task.clear_ibuf [dreg:s9], $0x2FFFF;
	_ =	strace $0x9FFFFFFF  }
0xc6: {  	(tm) =	ssettm $0x7FFFFFFF  }
0xc7: {  	_ =	shalt  }
tec
execute0_lowered:
.L_overlay_start_1:
0x0: {  	(tag) =	ssettag $0x1  }
0x1: {  	s4 =	rddreg [dreg:$0x0]  }
0x2: {  	s5 =	rddreg [dreg:$0x1]  }
0x3: {  	s3 =	rddreg [dreg:$0x2]  }
0x4: {  	s1 =	srdreg.scid;
	s0 =	stileid.u32  }
0x5: {  	s6 =	rddreg [dreg:$0x3];
	s2 =	simm.s32 $0x0;
	s11 =	simm.s32 $0x28  }
0x6: {  	s12 =	simm.s32 $0x2;
	s13 =	simm.s32 $0x3;
	s14 =	simm.s32 $0x4  }
0x7: {  	s15 =	simm.s32 $0x19000;
	s16 =	simm.s32 $0x0;
	s7 =	sand.u32 $0x1, s1  }
0x8: {  	s8 =	sshll.u32 s0, $0x1;
	[smem:$0x7FF] =	sst s2;
	s3 =	sadd.s32 $0x186E00, s3  }
.Ltmp0:
0x9: {  	s8 =	sor.u32 s7, s8;
	s7 =	ssub.s32 $0x2, s7;
	(pc) =	sbr.rel .LBB2_1-.Ltmp0, $4  }
0xa: {  	s9 =	smul.u32 $0xC80, s8;
	s10 =	sshrl.u32 s7, $0x1;
	s8 =	sshll.u32 s8, $0xA  }
0xb: {  	_ =	strace $0x80000047;
	s7 =	ssub.s32 s7, s10;
	s6 =	sadd.s32 s6, s8  }
0xc: {  	s8 =	simm.s32 $0x5;
	s10 =	simm.s32 $0x1;
	s4 =	sadd.s32 s4, s9  }
0xd: {  	v0 =	vimm.s32 $0x0;
	vm0 =	vmmov $0xff;
	v1 =	vimm.f32 $0.0e+00;
	s5 =	sadd.s32 s5, s9;
	s7 =	smax.u32 s7, $0x1;
	s9 =	simm.s32 $0x6400  }
.LBB2_80:
0xe: {  	s16 =	sadd.s32 $0x1, s16  }
0xf: {  	p0 =	sne.s32 s16, s7  }
.Ltmp1:
0x10: {  	_ = 	snop;
	(pc) =	sbr.rel @!p0 .LBB2_81-.Ltmp1, $4  }
0x11: {  	[hbm4b:s6+s2] =	stream.linear.scatter [tilespmem:s15], [sflag:$0x5], $0x2000, $0x38;
	[tilespmem:$0x1B800] =	vst v63  }
0x12: {  	_ =	swait.ge [sflag:s8], $0x2000  }
0x13: {  	[sflag:s8] =	ssyncset.done $0x0  }
0x14: {  	[sflag:s8] =	ssyncadd.s32 $0xFFFFE000  }
.LBB2_1:
0x15: {  	[tilespmem:s2], [sflag:$0x5] =	stream.linear.gather [hbm4b:s4+s2], $0x6400, $0x38;
	[tilespmem:$0x1B800] =	vst v63  }
0x16: {  	_ =	swait.ge [sflag:s8], $0x6400  }
0x17: {  	[sflag:s8] =	ssyncset.done $0x0  }
0x18: {  	[sflag:s8] =	ssyncadd.s32 $0xFFFF9C00  }
0x19: {  	[tilespmem:s9], [sflag:$0x5] =	stream.linear.gather [hbm4b:s5+s2], $0x6400, $0x38;
	[tilespmem:$0x1B800] =	vst v63  }
0x1a: {  	_ =	swait.ge [sflag:s8], $0x6400  }
0x1b: {  	s17 =	simm.s32 $0x1B000;
	s18 =	simm.s32 $0x6460;
	[sflag:s8] =	ssyncset.done $0x0  }
0x1c: {  	s19 =	simm.s32 $0x60;
	s20 =	simm.s32 $0x0;
	[sflag:s8] =	ssyncadd.s32 $0xFFFF9C00  }
.LBB2_2:
0x1d: {  	v2 =	vld [tilespmem:s18+$0xFFFFFFA0];
	_ =	sdelay $0x4  }
0x1e: {  	vm1 =	vne.s32 v2, $0x0  }
0x1f: {  	v2 =	vsel vm1, $0x1, v0  }
0x20: {  	(xrf0) =	vadd.scan.msk.s32 $0xffff, v2;
	_ =	sdelay $0x5  }
0x21: {  	v2, _, _ =	vpop (xrf0)  }
0x22: {  	v2 =	vadd.s32 s20, v2  }
0x23: {  	v3 =	vld [tilespmem:s19+$0xFFFFFFA0];
	v2 =	vadd.s32 $0xFFFFFFFF, v2;
	_ =	sdelay $0x4  }
0x24: {  	[tilespmem:v2+s2+$0x0] =	vst.idx.msk vm1, v3  }
0x25: {  	v2 =	vld [tilespmem:s18+$0xFFFFFFB0];
	_ =	sdelay $0x4  }
0x26: {  	vm2 =	vne.s32 v2, $0x0  }
0x27: {  	v2 =	vsel vm2, $0x1, v0  }
0x28: {  	(xrf0) =	vadd.scan.msk.s32 $0xffff, v2;
	_ =	sdelay $0x3  }
0x29: {  	v2 =	vmpcnt.ones.xlane vm1;
	_ =	sdelay $0x1  }
0x2a: {  	v2 =	vadd.s32 s20, v2;
	v3, _, _ =	vpop (xrf0)  }
0x2b: {  	v3 =	vadd.s32 v3, v2  }
0x2c: {  	v4 =	vld [tilespmem:s19+$0xFFFFFFB0];
	v3 =	vadd.s32 $0xFFFFFFFF, v3;
	_ =	sdelay $0x4  }
0x2d: {  	[tilespmem:v3+s2+$0x0] =	vst.idx.msk vm2, v4  }
0x2e: {  	v3 =	vld [tilespmem:s18+$0xFFFFFFC0];
	_ =	sdelay $0x4  }
0x2f: {  	vm1 =	vne.s32 v3, $0x0  }
0x30: {  	v3 =	vsel vm1, $0x1, v0  }
0x31: {  	(xrf0) =	vadd.scan.msk.s32 $0xffff, v3;
	_ =	sdelay $0x1  }
0x32: {  	v3 =	vmpcnt.ones.xlane vm2;
	_ =	sdelay $0x3  }
0x33: {  	v2 =	vadd.s32 v2, v3;
	v3, _, _ =	vpop (xrf0)  }
0x34: {  	v3 =	vadd.s32 v3, v2  }
0x35: {  	v4 =	vld [tilespmem:s19+$0xFFFFFFC0];
	v3 =	vadd.s32 $0xFFFFFFFF, v3;
	_ =	sdelay $0x4  }
0x36: {  	[tilespmem:v3+s2+$0x0] =	vst.idx.msk vm1, v4  }
0x37: {  	v3 =	vld [tilespmem:s18+$0xFFFFFFD0];
	_ =	sdelay $0x4  }
0x38: {  	vm2 =	vne.s32 v3, $0x0  }
0x39: {  	v3 =	vsel vm2, $0x1, v0  }
0x3a: {  	(xrf0) =	vadd.scan.msk.s32 $0xffff, v3;
	_ =	sdelay $0x1  }
0x3b: {  	v3 =	vmpcnt.ones.xlane vm1;
	_ =	sdelay $0x3  }
0x3c: {  	v2 =	vadd.s32 v2, v3;
	v3, _, _ =	vpop (xrf0)  }
0x3d: {  	v3 =	vadd.s32 v3, v2  }
0x3e: {  	v4 =	vld [tilespmem:s19+$0xFFFFFFD0];
	v3 =	vadd.s32 $0xFFFFFFFF, v3;
	_ =	sdelay $0x4  }
0x3f: {  	[tilespmem:v3+s2+$0x0] =	vst.idx.msk vm2, v4  }
0x40: {  	v3 =	vld [tilespmem:s18+$0xFFFFFFE0];
	_ =	sdelay $0x4  }
0x41: {  	vm1 =	vne.s32 v3, $0x0  }
0x42: {  	v3 =	vsel vm1, $0x1, v0  }
0x43: {  	(xrf0) =	vadd.scan.msk.s32 $0xffff, v3;
	_ =	sdelay $0x1  }
0x44: {  	v3 =	vmpcnt.ones.xlane vm2;
	_ =	sdelay $0x3  }
0x45: {  	v2 =	vadd.s32 v2, v3;
	v3, _, _ =	vpop (xrf0)  }
0x46: {  	v3 =	vadd.s32 v3, v2  }
0x47: {  	v4 =	vld [tilespmem:s19+$0xFFFFFFE0];
	v3 =	vadd.s32 $0xFFFFFFFF, v3;
	_ =	sdelay $0x4  }
0x48: {  	[tilespmem:v3+s2+$0x0] =	vst.idx.msk vm1, v4  }
0x49: {  	v3 =	vld [tilespmem:s18+$0xFFFFFFF0];
	_ =	sdelay $0x4  }
0x4a: {  	vm2 =	vne.s32 v3, $0x0  }
0x4b: {  	v3 =	vsel vm2, $0x1, v0  }
0x4c: {  	(xrf0) =	vadd.scan.msk.s32 $0xffff, v3;
	_ =	sdelay $0x1  }
0x4d: {  	v3 =	vmpcnt.ones.xlane vm1;
	_ =	sdelay $0x3  }
0x4e: {  	v2 =	vadd.s32 v2, v3;
	v3, _, _ =	vpop (xrf0)  }
0x4f: {  	v3 =	vadd.s32 v3, v2  }
0x50: {  	v4 =	vld [tilespmem:s19+$0xFFFFFFF0];
	v3 =	vadd.s32 $0xFFFFFFFF, v3;
	_ =	sdelay $0x4  }
0x51: {  	[tilespmem:v3+s2+$0x0] =	vst.idx.msk vm2, v4  }
0x52: {  	v3 =	vld [tilespmem:s18+$0x0];
	_ =	sdelay $0x4  }
0x53: {  	vm1 =	vne.s32 v3, $0x0  }
0x54: {  	v3 =	vsel vm1, $0x1, v0  }
0x55: {  	(xrf0) =	vadd.scan.msk.s32 $0xffff, v3;
	_ =	sdelay $0x1  }
0x56: {  	v3 =	vmpcnt.ones.xlane vm2;
	_ =	sdelay $0x3  }
0x57: {  	v2 =	vadd.s32 v2, v3;
	v3, _, _ =	vpop (xrf0)  }
0x58: {  	v3 =	vadd.s32 v3, v2  }
0x59: {  	v4 =	vld [tilespmem:s19+$0x0];
	v3 =	vadd.s32 $0xFFFFFFFF, v3;
	_ =	sdelay $0x4  }
0x5a: {  	[tilespmem:v3+s2+$0x0] =	vst.idx.msk vm1, v4  }
0x5b: {  	v3 =	vld [tilespmem:s18+$0x10];
	_ =	sdelay $0x4  }
0x5c: {  	vm2 =	vne.s32 v3, $0x0  }
0x5d: {  	v3 =	vsel vm2, $0x1, v0  }
0x5e: {  	(xrf0) =	vadd.scan.msk.s32 $0xffff, v3;
	_ =	sdelay $0x1  }
0x5f: {  	v3 =	vmpcnt.ones.xlane vm1;
	_ =	sdelay $0x3  }
0x60: {  	v2 =	vadd.s32 v2, v3;
	v3, _, _ =	vpop (xrf0)  }
0x61: {  	v3 =	vadd.s32 v3, v2  }
0x62: {  	v4 =	vld [tilespmem:s19+$0x10];
	v3 =	vadd.s32 $0xFFFFFFFF, v3;
	_ =	sdelay $0x4  }
0x63: {  	[tilespmem:v3+s2+$0x0] =	vst.idx.msk vm2, v4  }
0x64: {  	v3 =	vld [tilespmem:s18+$0x20];
	_ =	sdelay $0x4  }
0x65: {  	vm1 =	vne.s32 v3, $0x0  }
0x66: {  	v3 =	vsel vm1, $0x1, v0  }
0x67: {  	(xrf0) =	vadd.scan.msk.s32 $0xffff, v3;
	_ =	sdelay $0x1  }
0x68: {  	v3 =	vmpcnt.ones.xlane vm2;
	_ =	sdelay $0x3  }
0x69: {  	v2 =	vadd.s32 v2, v3;
	v3, _, _ =	vpop (xrf0)  }
0x6a: {  	v3 =	vadd.s32 v3, v2  }
0x6b: {  	v4 =	vld [tilespmem:s19+$0x20];
	v3 =	vadd.s32 $0xFFFFFFFF, v3;
	_ =	sdelay $0x4  }
0x6c: {  	[tilespmem:v3+s2+$0x0] =	vst.idx.msk vm1, v4  }
0x6d: {  	v3 =	vld [tilespmem:s18+$0x30];
	_ =	sdelay $0x4  }
0x6e: {  	vm2 =	vne.s32 v3, $0x0  }
0x6f: {  	v3 =	vsel vm2, $0x1, v0  }
0x70: {  	(xrf0) =	vadd.scan.msk.s32 $0xffff, v3;
	_ =	sdelay $0x1  }
0x71: {  	v3 =	vmpcnt.ones.xlane vm1;
	_ =	sdelay $0x3  }
0x72: {  	v2 =	vadd.s32 v2, v3;
	v3, _, _ =	vpop (xrf0)  }
0x73: {  	v3 =	vadd.s32 v3, v2  }
0x74: {  	v4 =	vld [tilespmem:s19+$0x30];
	v3 =	vadd.s32 $0xFFFFFFFF, v3;
	_ =	sdelay $0x4  }
0x75: {  	[tilespmem:v3+s2+$0x0] =	vst.idx.msk vm2, v4  }
0x76: {  	v3 =	vld [tilespmem:s18+$0x40];
	_ =	sdelay $0x4  }
0x77: {  	vm1 =	vne.s32 v3, $0x0  }
0x78: {  	v3 =	vsel vm1, $0x1, v0  }
0x79: {  	(xrf0) =	vadd.scan.msk.s32 $0xffff, v3;
	_ =	sdelay $0x1  }
0x7a: {  	v3 =	vmpcnt.ones.xlane vm2;
	_ =	sdelay $0x3  }
0x7b: {  	v2 =	vadd.s32 v2, v3;
	v3, _, _ =	vpop (xrf0)  }
0x7c: {  	v3 =	vadd.s32 v3, v2  }
0x7d: {  	v4 =	vld [tilespmem:s19+$0x40];
	v3 =	vadd.s32 $0xFFFFFFFF, v3;
	_ =	sdelay $0x4  }
0x7e: {  	[tilespmem:v3+s2+$0x0] =	vst.idx.msk vm1, v4  }
0x7f: {  	v3 =	vld [tilespmem:s18+$0x50];
	_ =	sdelay $0x4  }
0x80: {  	vm2 =	vne.s32 v3, $0x0  }
0x81: {  	v3 =	vsel vm2, $0x1, v0  }
0x82: {  	(xrf0) =	vadd.scan.msk.s32 $0xffff, v3;
	_ =	sdelay $0x1  }
0x83: {  	v3 =	vmpcnt.ones.xlane vm1;
	_ =	sdelay $0x3  }
0x84: {  	v2 =	vadd.s32 v2, v3;
	v3, _, _ =	vpop (xrf0)  }
0x85: {  	v3 =	vadd.s32 v3, v2  }
0x86: {  	v4 =	vld [tilespmem:s19+$0x50];
	v3 =	vadd.s32 $0xFFFFFFFF, v3;
	_ =	sdelay $0x4  }
0x87: {  	[tilespmem:v3+s2+$0x0] =	vst.idx.msk vm2, v4  }
0x88: {  	v3 =	vld [tilespmem:s18+$0x60];
	_ =	sdelay $0x4  }
0x89: {  	vm1 =	vne.s32 v3, $0x0  }
0x8a: {  	vm1 =	vmand vm1, vm0  }
0x8b: {  	v3 =	vsel vm1, $0x1, v0  }
0x8c: {  	(xrf0) =	vadd.scan.msk.s32 $0xffff, v3;
	_ =	sdelay $0x1  }
0x8d: {  	v3 =	vmpcnt.ones.xlane vm2;
	_ =	sdelay $0x3  }
0x8e: {  	v2 =	vadd.s32 v2, v3;
	v3, _, _ =	vpop (xrf0)  }
0x8f: {  	v3 =	vadd.s32 v3, v2  }
0x90: {  	v4 =	vld [tilespmem:s19+$0x60];
	v3 =	vadd.s32 $0xFFFFFFFF, v3  }
0x91: {  	p0 =	sne.s32 s20, $0x258  }
.Ltmp2:
0x92: {  	_ = 	snop;
	(pc) =	sbr.rel @p0 .LBB2_2-.Ltmp2, $4  }
0x93: {  	v5 =	vmov s20;
	v6 =	vmpcnt.ones.xlane vm1  }
0x94: {  	v2 =	vsub.s32 v2, v5  }
0x95: {  	s20 =	sadd.s32 $0xC8, s20;
	v2 =	vadd.s32 v6, v2;
	[tilespmem:v3+s2+$0x0] =	vst.idx.msk vm1, v4  }
0x96: {  	s18 =	sadd.s32 $0xC8, s18;
	s19 =	sadd.s32 $0xC8, s19;
	[tilespmem:s17+$0x0] =	vst v2;
	s17 =	sadd.s32 $0x10, s17  }
0x97: {  	v2 =	vld [tilespmem:$0x1B000];
	_ =	sdelay $0x4  }
0x98: {  	(v2sf) =	vpush v2, $0x0;
	_ =	sdelay $0xe  }
0x99: {  	s17 =	spop (v2sf)  }
0x9a: {  	s18 =	sadd.s32 $0x27, s17  }
0x9b: {  	s19 =	smulhi.u32 $0x66666667, s18;
	s20 =	sshra.s32 s18, $0x1F  }
0x9c: {  	s20 =	smul.u32 $0x66666667, s20;
	_ =	sdelay $0x1  }
0x9d: {  	s19 =	sadd.s32 s20, s19  }
0x9e: {  	s20 =	sshrl.u32 s19, $0x1F;
	s19 =	sshra.s32 s19, $0x4  }
0x9f: {  	s19 =	sadd.s32 s20, s19  }
0xa0: {  	s20 =	smul.u32 $0xFFFFFFD8, s19  }
0xa1: {  	s17 =	ssub.s32 $0xFFFFFFD9, s17  }
0xa2: {  	p0 =	slt.s32 s18, $0x1;
	p1 =	sne.s32 s20, s17  }
0xa3: {  	p0 =	por !p0, !p1  }
0xa4: {  	s17 =	simm.s32 $0x1;
	p0 =	por !p0, !p0  }
0xa5: {  	s17 =	simm.s32 @!p0 $0x0  }
0xa6: {  	s19 =	ssub.s32 s19, s17  }
0xa7: {  	p0 =	slt.s32 s19, $0x1  }
.Ltmp3:
0xa8: {  	_ = 	snop;
	(pc) =	sbr.rel @p0 .LBB2_6-.Ltmp3, $1  }
0xa9: {  	_ =	sdelay $0x3  }
0xaa: {  	p0 =	sne.s32 s19, $0x1  }
.Ltmp4:
0xab: {  	_ = 	snop;
	(pc) =	sbr.rel @!p0 .LBB2_6-.Ltmp4, $3  }
0xac: {  	_ =	sdelay $0x1  }
0xad: {  	s17 =	simm.s32 $0x0;
	s18 =	simm.s32 $0xC800;
	s19 =	sadd.s32 $0xFFFFFFFF, s19  }
0xae: {  	[tilespmem:s18], [sflag:$0x1] =	stream.indirect.gather [hbm4b:s3+s11], $0x40, s17, s11, $0xb8;
	[tilespmem:$0x1B800] =	vst v63  }
.LBB2_5:
0xaf: {  	p0 =	sne.s32 s19, $0x1  }
.Ltmp5:
0xb0: {  	_ = 	snop;
	(pc) =	sbr.rel @p0 .LBB2_5-.Ltmp5, $4  }
0xb1: {  	_ = 	snop  }
0xb2: {  	s17 =	sadd.s32 $0x28, s17;
	s18 =	sadd.s32 $0xA00, s18  }
0xb3: {  	s19 =	sadd.s32 $0xFFFFFFFF, s19  }
0xb4: {  	[tilespmem:s18], [sflag:$0x1] =	stream.indirect.gather [hbm4b:s3+s11], $0x40, s17, s11, $0xb8;
	[tilespmem:$0x1B800] =	vst v63  }
.LBB2_6:
0xb5: {  	v2 =	vld [tilespmem:$0x1B010];
	_ =	sdelay $0x4  }
0xb6: {  	(v2sf) =	vpush v2, $0x0;
	_ =	sdelay $0xe  }
0xb7: {  	s17 =	spop (v2sf)  }
0xb8: {  	s18 =	sadd.s32 $0x27, s17  }
0xb9: {  	s19 =	smulhi.u32 $0x66666667, s18;
	s20 =	sshra.s32 s18, $0x1F  }
0xba: {  	s20 =	smul.u32 $0x66666667, s20;
	_ =	sdelay $0x1  }
0xbb: {  	s19 =	sadd.s32 s20, s19  }
0xbc: {  	s20 =	sshrl.u32 s19, $0x1F;
	s19 =	sshra.s32 s19, $0x4  }
0xbd: {  	s19 =	sadd.s32 s20, s19  }
0xbe: {  	s20 =	smul.u32 $0xFFFFFFD8, s19  }
0xbf: {  	s17 =	ssub.s32 $0xFFFFFFD9, s17  }
0xc0: {  	p0 =	slt.s32 s18, $0x1;
	p1 =	sne.s32 s20, s17  }
0xc1: {  	p0 =	por !p0, !p1  }
0xc2: {  	s17 =	simm.s32 $0x1;
	p0 =	por !p0, !p0  }
0xc3: {  	s17 =	simm.s32 @!p0 $0x0  }
0xc4: {  	s19 =	ssub.s32 s19, s17  }
0xc5: {  	p0 =	slt.s32 s19, $0x1  }
.Ltmp6:
0xc6: {  	_ = 	snop;
	(pc) =	sbr.rel @p0 .LBB2_9-.Ltmp6, $1  }
0xc7: {  	_ =	sdelay $0x3  }
0xc8: {  	p0 =	sne.s32 s19, $0x1  }
.Ltmp7:
0xc9: {  	_ = 	snop;
	(pc) =	sbr.rel @!p0 .LBB2_9-.Ltmp7, $3  }
0xca: {  	_ =	sdelay $0x1  }
0xcb: {  	s17 =	simm.s32 $0xC8;
	s18 =	simm.s32 $0xFA00;
	s19 =	sadd.s32 $0xFFFFFFFF, s19  }
0xcc: {  	[tilespmem:s18], [sflag:$0x2] =	stream.indirect.gather [hbm4b:s3+s11], $0x40, s17, s11, $0xb8;
	[tilespmem:$0x1B800] =	vst v63  }
.LBB2_8:
0xcd: {  	p0 =	sne.s32 s19, $0x1  }
.Ltmp8:
0xce: {  	_ = 	snop;
	(pc) =	sbr.rel @p0 .LBB2_8-.Ltmp8, $4  }
0xcf: {  	_ = 	snop  }
0xd0: {  	s17 =	sadd.s32 $0x28, s17;
	s18 =	sadd.s32 $0xA00, s18  }
0xd1: {  	s19 =	sadd.s32 $0xFFFFFFFF, s19  }
0xd2: {  	[tilespmem:s18], [sflag:$0x2] =	stream.indirect.gather [hbm4b:s3+s11], $0x40, s17, s11, $0xb8;
	[tilespmem:$0x1B800] =	vst v63  }
.LBB2_9:
0xd3: {  	v2 =	vld [tilespmem:$0x1B020];
	_ =	sdelay $0x4  }
0xd4: {  	(v2sf) =	vpush v2, $0x0;
	_ =	sdelay $0xe  }
0xd5: {  	s17 =	spop (v2sf)  }
0xd6: {  	s18 =	sadd.s32 $0x27, s17  }
0xd7: {  	s19 =	smulhi.u32 $0x66666667, s18;
	s20 =	sshra.s32 s18, $0x1F  }
0xd8: {  	s20 =	smul.u32 $0x66666667, s20;
	_ =	sdelay $0x1  }
0xd9: {  	s19 =	sadd.s32 s20, s19  }
0xda: {  	s20 =	sshrl.u32 s19, $0x1F;
	s19 =	sshra.s32 s19, $0x4  }
0xdb: {  	s19 =	sadd.s32 s20, s19  }
0xdc: {  	s20 =	smul.u32 $0xFFFFFFD8, s19  }
0xdd: {  	s17 =	ssub.s32 $0xFFFFFFD9, s17  }
0xde: {  	p0 =	slt.s32 s18, $0x1;
	p1 =	sne.s32 s20, s17  }
0xdf: {  	p0 =	por !p0, !p1  }
0xe0: {  	s17 =	simm.s32 $0x1;
	p0 =	por !p0, !p0  }
0xe1: {  	s17 =	simm.s32 @!p0 $0x0  }
0xe2: {  	s19 =	ssub.s32 s19, s17  }
0xe3: {  	p0 =	slt.s32 s19, $0x1  }
.Ltmp9:
0xe4: {  	_ = 	snop;
	(pc) =	sbr.rel @p0 .LBB2_12-.Ltmp9, $1  }
0xe5: {  	_ =	sdelay $0x3  }
0xe6: {  	p0 =	sne.s32 s19, $0x1  }
.Ltmp10:
0xe7: {  	_ = 	snop;
	(pc) =	sbr.rel @!p0 .LBB2_12-.Ltmp10, $3  }
0xe8: {  	_ =	sdelay $0x1  }
0xe9: {  	s17 =	simm.s32 $0x190;
	s18 =	simm.s32 $0x12C00;
	s19 =	sadd.s32 $0xFFFFFFFF, s19  }
0xea: {  	[tilespmem:s18], [sflag:$0x3] =	stream.indirect.gather [hbm4b:s3+s11], $0x40, s17, s11, $0xb8;
	[tilespmem:$0x1B800] =	vst v63  }
.LBB2_11:
0xeb: {  	p0 =	sne.s32 s19, $0x1  }
.Ltmp11:
0xec: {  	_ = 	snop;
	(pc) =	sbr.rel @p0 .LBB2_11-.Ltmp11, $4  }
0xed: {  	_ = 	snop  }
0xee: {  	s17 =	sadd.s32 $0x28, s17;
	s18 =	sadd.s32 $0xA00, s18  }
0xef: {  	s19 =	sadd.s32 $0xFFFFFFFF, s19  }
0xf0: {  	[tilespmem:s18], [sflag:$0x3] =	stream.indirect.gather [hbm4b:s3+s11], $0x40, s17, s11, $0xb8;
	[tilespmem:$0x1B800] =	vst v63  }
.LBB2_12:
.Ltmp12:
0xf1: {  	(pc) =	sbr.rel .LBB2_13-.Ltmp12, $3  }
0xf2: {  	_ =	sdelay $0x1  }
0xf3: {  	s17 =	simm.s32 $0x0;
	s18 =	simm.s32 $0x258  }
0xf4: {  	s19 =	simm.s32 $0x320;
	s20 =	simm.s32 $0x3E8;
	s21 =	simm.s32 $0x4B0  }
.LBB2_75:
0xf5: {  	v2 =	vimm.f32 $0.0e+00;
	v3 =	vimm.f32 $0.0e+00;
	v4 =	vimm.f32 $0.0e+00  }
.LBB2_79:
0xf6: {  	s1 =	scvt.s32.f32 s23;
	_ =	sdelay $0x1  }
0xf7: {  	s1 =	sadd.f32 $9.999999710e-10, s1;
	_ =	sdelay $0x1  }
0xf8: {  	v5 =	vmov s1  }
0xf9: {  	(erf) = vrcp.f32 v5;
	_ =	sdelay $0x8  }
0xfa: {  	s17 =	sadd.s32 $0x1, s17;
	v5 =	vpop (erf)  }
0xfb: {  	p0 =	sne.s32 s17, $0x20;
	v6 =	vmul.f32 v10, v5  }
.Ltmp13:
0xfc: {  	v2 =	vmul.f32 v2, v5;
	(pc) =	sbr.rel @!p0 .LBB2_80-.Ltmp13, $4  }
0xfd: {  	v3 =	vmul.f32 v3, v5;
	[tilespmem:s22+$0x19000] =	vst v6  }
0xfe: {  	[tilespmem:s22+$0x19010] =	vst v2;
	v2 =	vmul.f32 v4, v5  }
0xff: {  	s18 =	sadd.s32 $0x320, s18;
	[tilespmem:s22+$0x19020] =	vst v3  }
0x100: {  	s19 =	sadd.s32 $0x320, s19;
	s20 =	sadd.s32 $0x320, s20;
	s21 =	sadd.s32 $0x320, s21;
	[tilespmem:s22+$0x19030] =	vst v2  }
.LBB2_13:
0x101: {  	p0 =	seq.s32 s17, $0x1F  }
.Ltmp14:
0x102: {  	_ = 	snop;
	(pc) =	sbr.rel @p0 .LBB2_15-.Ltmp14, $3  }
0x103: {  	_ =	sdelay $0x1  }
0x104: {  	s23 =	sshll.u32 s17, $0x2  }
0x105: {  	s25 =	sadd.s32 $0x4, s23  }
0x106: {  	s22 =	smul.u32 $0xC8, s25;
	_ =	sdelay $0x1  }
0x107: {  	v2 =	vld [tilespmem:s22+$0x6400];
	_ =	sdelay $0x4  }
0x108: {  	vm1 =	vne.s32 v2, $0x0  }
0x109: {  	v2 =	vsel vm1, $0x1, v0  }
0x10a: {  	(xrf0) =	vadd.scan.msk.s32 $0xffff, v2;
	_ =	sdelay $0x5  }
0x10b: {  	v2, _, _ =	vpop (xrf0)  }
0x10c: {  	v2 =	vadd.s32 s22, v2  }
0x10d: {  	v3 =	vld [tilespmem:s22+$0x0];
	v2 =	vadd.s32 $0xFFFFFFFF, v2;
	_ =	sdelay $0x4  }
0x10e: {  	[tilespmem:v2+s2+$0x0] =	vst.idx.msk vm1, v3  }
0x10f: {  	v2 =	vld [tilespmem:s22+$0x6410];
	_ =	sdelay $0x4  }
0x110: {  	vm2 =	vne.s32 v2, $0x0  }
0x111: {  	v2 =	vsel vm2, $0x1, v0  }
0x112: {  	(xrf0) =	vadd.scan.msk.s32 $0xffff, v2;
	_ =	sdelay $0x3  }
0x113: {  	v2 =	vmpcnt.ones.xlane vm1;
	_ =	sdelay $0x1  }
0x114: {  	v2 =	vadd.s32 s22, v2;
	v3, _, _ =	vpop (xrf0)  }
0x115: {  	s24 =	sor.u32 $0x10, s22;
	v3 =	vadd.s32 v3, v2  }
0x116: {  	v4 =	vld [tilespmem:s24+$0x0];
	v3 =	vadd.s32 $0xFFFFFFFF, v3;
	_ =	sdelay $0x4  }
0x117: {  	[tilespmem:v3+s2+$0x0] =	vst.idx.msk vm2, v4  }
0x118: {  	v3 =	vld [tilespmem:s22+$0x6420];
	_ =	sdelay $0x4  }
0x119: {  	vm1 =	vne.s32 v3, $0x0  }
0x11a: {  	v3 =	vsel vm1, $0x1, v0  }
0x11b: {  	(xrf0) =	vadd.scan.msk.s32 $0xffff, v3;
	_ =	sdelay $0x1  }
0x11c: {  	v3 =	vmpcnt.ones.xlane vm2;
	_ =	sdelay $0x3  }
0x11d: {  	v2 =	vadd.s32 v2, v3;
	v3, _, _ =	vpop (xrf0)  }
0x11e: {  	v3 =	vadd.s32 v3, v2  }
0x11f: {  	v4 =	vld [tilespmem:s22+$0x20];
	v3 =	vadd.s32 $0xFFFFFFFF, v3;
	_ =	sdelay $0x4  }
0x120: {  	[tilespmem:v3+s2+$0x0] =	vst.idx.msk vm1, v4  }
0x121: {  	v3 =	vld [tilespmem:s22+$0x6430];
	_ =	sdelay $0x4  }
0x122: {  	vm2 =	vne.s32 v3, $0x0  }
0x123: {  	v3 =	vsel vm2, $0x1, v0  }
0x124: {  	(xrf0) =	vadd.scan.msk.s32 $0xffff, v3;
	_ =	sdelay $0x1  }
0x125: {  	v3 =	vmpcnt.ones.xlane vm1;
	_ =	sdelay $0x3  }
0x126: {  	v2 =	vadd.s32 v2, v3;
	v3, _, _ =	vpop (xrf0)  }
0x127: {  	v3 =	vadd.s32 v3, v2  }
0x128: {  	v4 =	vld [tilespmem:s22+$0x30];
	v3 =	vadd.s32 $0xFFFFFFFF, v3;
	_ =	sdelay $0x4  }
0x129: {  	[tilespmem:v3+s2+$0x0] =	vst.idx.msk vm2, v4  }
0x12a: {  	v3 =	vld [tilespmem:s22+$0x6440];
	_ =	sdelay $0x4  }
0x12b: {  	vm1 =	vne.s32 v3, $0x0  }
0x12c: {  	v3 =	vsel vm1, $0x1, v0  }
0x12d: {  	(xrf0) =	vadd.scan.msk.s32 $0xffff, v3;
	_ =	sdelay $0x1  }
0x12e: {  	v3 =	vmpcnt.ones.xlane vm2;
	_ =	sdelay $0x3  }
0x12f: {  	v2 =	vadd.s32 v2, v3;
	v3, _, _ =	vpop (xrf0)  }
0x130: {  	v3 =	vadd.s32 v3, v2  }
0x131: {  	v4 =	vld [tilespmem:s22+$0x40];
	v3 =	vadd.s32 $0xFFFFFFFF, v3;
	_ =	sdelay $0x4  }
0x132: {  	[tilespmem:v3+s2+$0x0] =	vst.idx.msk vm1, v4  }
0x133: {  	v3 =	vld [tilespmem:s22+$0x6450];
	_ =	sdelay $0x4  }
0x134: {  	vm2 =	vne.s32 v3, $0x0  }
0x135: {  	v3 =	vsel vm2, $0x1, v0  }
0x136: {  	(xrf0) =	vadd.scan.msk.s32 $0xffff, v3;
	_ =	sdelay $0x1  }
0x137: {  	v3 =	vmpcnt.ones.xlane vm1;
	_ =	sdelay $0x3  }
0x138: {  	v2 =	vadd.s32 v2, v3;
	v3, _, _ =	vpop (xrf0)  }
0x139: {  	v3 =	vadd.s32 v3, v2  }
0x13a: {  	v4 =	vld [tilespmem:s22+$0x50];
	v3 =	vadd.s32 $0xFFFFFFFF, v3;
	_ =	sdelay $0x4  }
0x13b: {  	[tilespmem:v3+s2+$0x0] =	vst.idx.msk vm2, v4  }
0x13c: {  	v3 =	vld [tilespmem:s22+$0x6460];
	_ =	sdelay $0x4  }
0x13d: {  	vm1 =	vne.s32 v3, $0x0  }
0x13e: {  	v3 =	vsel vm1, $0x1, v0  }
0x13f: {  	(xrf0) =	vadd.scan.msk.s32 $0xffff, v3;
	_ =	sdelay $0x1  }
0x140: {  	v3 =	vmpcnt.ones.xlane vm2;
	_ =	sdelay $0x3  }
0x141: {  	v2 =	vadd.s32 v2, v3;
	v3, _, _ =	vpop (xrf0)  }
0x142: {  	v3 =	vadd.s32 v3, v2  }
0x143: {  	v4 =	vld [tilespmem:s22+$0x60];
	v3 =	vadd.s32 $0xFFFFFFFF, v3;
	_ =	sdelay $0x4  }
0x144: {  	[tilespmem:v3+s2+$0x0] =	vst.idx.msk vm1, v4  }
0x145: {  	v3 =	vld [tilespmem:s22+$0x6470];
	_ =	sdelay $0x4  }
0x146: {  	vm2 =	vne.s32 v3, $0x0  }
0x147: {  	v3 =	vsel vm2, $0x1, v0  }
0x148: {  	(xrf0) =	vadd.scan.msk.s32 $0xffff, v3;
	_ =	sdelay $0x1  }
0x149: {  	v3 =	vmpcnt.ones.xlane vm1;
	_ =	sdelay $0x3  }
0x14a: {  	v2 =	vadd.s32 v2, v3;
	v3, _, _ =	vpop (xrf0)  }
0x14b: {  	v3 =	vadd.s32 v3, v2  }
0x14c: {  	v4 =	vld [tilespmem:s22+$0x70];
	v3 =	vadd.s32 $0xFFFFFFFF, v3;
	_ =	sdelay $0x4  }
0x14d: {  	[tilespmem:v3+s2+$0x0] =	vst.idx.msk vm2, v4  }
0x14e: {  	v3 =	vld [tilespmem:s22+$0x6480];
	_ =	sdelay $0x4  }
0x14f: {  	vm1 =	vne.s32 v3, $0x0  }
0x150: {  	v3 =	vsel vm1, $0x1, v0  }
0x151: {  	(xrf0) =	vadd.scan.msk.s32 $0xffff, v3;
	_ =	sdelay $0x1  }
0x152: {  	v3 =	vmpcnt.ones.xlane vm2;
	_ =	sdelay $0x3  }
0x153: {  	v2 =	vadd.s32 v2, v3;
	v3, _, _ =	vpop (xrf0)  }
0x154: {  	v3 =	vadd.s32 v3, v2  }
0x155: {  	v4 =	vld [tilespmem:s22+$0x80];
	v3 =	vadd.s32 $0xFFFFFFFF, v3;
	_ =	sdelay $0x4  }
0x156: {  	[tilespmem:v3+s2+$0x0] =	vst.idx.msk vm1, v4  }
0x157: {  	v3 =	vld [tilespmem:s22+$0x6490];
	_ =	sdelay $0x4  }
0x158: {  	vm2 =	vne.s32 v3, $0x0  }
0x159: {  	v3 =	vsel vm2, $0x1, v0  }
0x15a: {  	(xrf0) =	vadd.scan.msk.s32 $0xffff, v3;
	_ =	sdelay $0x1  }
0x15b: {  	v3 =	vmpcnt.ones.xlane vm1;
	_ =	sdelay $0x3  }
0x15c: {  	v2 =	vadd.s32 v2, v3;
	v3, _, _ =	vpop (xrf0)  }
0x15d: {  	v3 =	vadd.s32 v3, v2  }
0x15e: {  	v4 =	vld [tilespmem:s22+$0x90];
	v3 =	vadd.s32 $0xFFFFFFFF, v3;
	_ =	sdelay $0x4  }
0x15f: {  	[tilespmem:v3+s2+$0x0] =	vst.idx.msk vm2, v4  }
0x160: {  	v3 =	vld [tilespmem:s22+$0x64A0];
	_ =	sdelay $0x4  }
0x161: {  	vm1 =	vne.s32 v3, $0x0  }
0x162: {  	v3 =	vsel vm1, $0x1, v0  }
0x163: {  	(xrf0) =	vadd.scan.msk.s32 $0xffff, v3;
	_ =	sdelay $0x1  }
0x164: {  	v3 =	vmpcnt.ones.xlane vm2;
	_ =	sdelay $0x3  }
0x165: {  	v2 =	vadd.s32 v2, v3;
	v3, _, _ =	vpop (xrf0)  }
0x166: {  	v3 =	vadd.s32 v3, v2  }
0x167: {  	v4 =	vld [tilespmem:s22+$0xA0];
	v3 =	vadd.s32 $0xFFFFFFFF, v3;
	_ =	sdelay $0x4  }
0x168: {  	[tilespmem:v3+s2+$0x0] =	vst.idx.msk vm1, v4  }
0x169: {  	v3 =	vld [tilespmem:s22+$0x64B0];
	_ =	sdelay $0x4  }
0x16a: {  	vm2 =	vne.s32 v3, $0x0  }
0x16b: {  	v3 =	vsel vm2, $0x1, v0  }
0x16c: {  	(xrf0) =	vadd.scan.msk.s32 $0xffff, v3;
	_ =	sdelay $0x1  }
0x16d: {  	v3 =	vmpcnt.ones.xlane vm1;
	_ =	sdelay $0x3  }
0x16e: {  	v2 =	vadd.s32 v2, v3;
	v3, _, _ =	vpop (xrf0)  }
0x16f: {  	v3 =	vadd.s32 v3, v2  }
0x170: {  	v4 =	vld [tilespmem:s22+$0xB0];
	v3 =	vadd.s32 $0xFFFFFFFF, v3;
	_ =	sdelay $0x4  }
0x171: {  	[tilespmem:v3+s2+$0x0] =	vst.idx.msk vm2, v4  }
0x172: {  	v3 =	vld [tilespmem:s22+$0x64C0];
	_ =	sdelay $0x4  }
0x173: {  	vm1 =	vne.s32 v3, $0x0  }
0x174: {  	vm1 =	vmand vm1, vm0  }
0x175: {  	v3 =	vsel vm1, $0x1, v0  }
0x176: {  	(xrf0) =	vadd.scan.msk.s32 $0xffff, v3;
	_ =	sdelay $0x1  }
0x177: {  	v3 =	vmpcnt.ones.xlane vm2;
	_ =	sdelay $0x3  }
0x178: {  	v2 =	vadd.s32 v2, v3;
	v3, _, _ =	vpop (xrf0)  }
0x179: {  	v3 =	vadd.s32 v3, v2  }
0x17a: {  	v4 =	vld [tilespmem:s22+$0xC0];
	v3 =	vadd.s32 $0xFFFFFFFF, v3;
	_ =	sdelay $0x2  }
0x17b: {  	v5 =	vmov s22;
	v6 =	vmpcnt.ones.xlane vm1  }
0x17c: {  	s31 =	sshll.u32 s25, $0x4;
	v2 =	vsub.s32 v2, v5  }
0x17d: {  	s22 =	sand.u32 $0x3FFFFFF0, s31;
	v2 =	vadd.s32 v6, v2;
	[tilespmem:v3+s2+$0x0] =	vst.idx.msk vm1, v4  }
0x17e: {  	[tilespmem:s22+$0x1B000] =	vst v2  }
.LBB2_15:
0x17f: {  	s22 =	sshll.u32 s23, $0x6  }
0x180: {  	s22 =	sor.u32 $0xC0, s22  }
0x181: {  	s24 =	sshrl.u32 s22, $0x2  }
0x182: {  	v2 =	vld [tilespmem:s24+$0x1B000];
	_ =	sdelay $0x4  }
0x183: {  	(v2sf) =	vpush v2, $0x0;
	_ =	sdelay $0xe  }
0x184: {  	s31 =	spop (v2sf)  }
0x185: {  	s26 =	sadd.s32 $0x27, s31  }
0x186: {  	s28 =	smulhi.u32 $0x66666667, s26;
	s29 =	sshra.s32 s26, $0x1F  }
0x187: {  	s29 =	smul.u32 $0x66666667, s29;
	_ =	sdelay $0x1  }
0x188: {  	s28 =	sadd.s32 s29, s28  }
0x189: {  	s29 =	sshrl.u32 s28, $0x1F;
	s28 =	sshra.s32 s28, $0x4  }
0x18a: {  	s28 =	sadd.s32 s29, s28  }
0x18b: {  	s29 =	smul.u32 $0xFFFFFFD8, s28  }
0x18c: {  	s24 =	ssub.s32 $0xFFFFFFD9, s31  }
0x18d: {  	p1 =	slt.s32 s26, $0x1;
	p2 =	sne.s32 s29, s24  }
0x18e: {  	p1 =	por !p1, !p2  }
0x18f: {  	s24 =	simm.s32 $0x1;
	p1 =	por !p1, !p1  }
0x190: {  	s24 =	simm.s32 @!p1 $0x0  }
0x191: {  	s26 =	ssub.s32 s28, s24  }
0x192: {  	p1 =	slt.s32 s26, $0x1  }
.Ltmp15:
0x193: {  	_ = 	snop;
	(pc) =	sbr.rel @p1 .LBB2_18-.Ltmp15, $2  }
0x194: {  	_ =	sdelay $0x2  }
0x195: {  	s24 =	simm.s32 $0x15E00  }
0x196: {  	p1 =	sne.s32 s26, $0x1  }
.Ltmp16:
0x197: {  	_ = 	snop;
	(pc) =	sbr.rel @!p1 .LBB2_18-.Ltmp16, $3  }
0x198: {  	_ =	sdelay $0x1  }
0x199: {  	[tilespmem:s24], [sflag:$0x4] =	stream.indirect.gather [hbm4b:s3+s11], $0x40, s18, s11, $0xb8;
	[tilespmem:$0x1B800] =	vst v63  }
0x19a: {  	s26 =	sadd.s32 $0xFFFFFFFF, s26;
	s28 =	smov.u32 s18  }
.LBB2_17:
0x19b: {  	p1 =	sne.s32 s26, $0x1  }
.Ltmp17:
0x19c: {  	_ = 	snop;
	(pc) =	sbr.rel @p1 .LBB2_17-.Ltmp17, $4  }
0x19d: {  	_ = 	snop  }
0x19e: {  	s28 =	sadd.s32 $0x28, s28;
	s24 =	sadd.s32 $0xA00, s24  }
0x19f: {  	s26 =	sadd.s32 $0xFFFFFFFF, s26  }
0x1a0: {  	[tilespmem:s24], [sflag:$0x4] =	stream.indirect.gather [hbm4b:s3+s11], $0x40, s28, s11, $0xb8;
	[tilespmem:$0x1B800] =	vst v63  }
.LBB2_18:
0x1a1: {  	s24 =	sshll.u32 s17, $0x8  }
0x1a2: {  	s26 =	sshrl.u32 s24, $0x2  }
0x1a3: {  	v2 =	vld [tilespmem:s26+$0x1B000];
	_ =	sdelay $0x4  }
0x1a4: {  	(v2sf) =	vpush v2, $0x0;
	_ =	sdelay $0xe  }
0x1a5: {  	s26 =	spop (v2sf)  }
0x1a6: {  	s28 =	sadd.s32 $0x27, s26  }
0x1a7: {  	s29 =	smulhi.u32 $0x66666667, s28;
	s30 =	sshra.s32 s28, $0x1F  }
0x1a8: {  	s30 =	smul.u32 $0x66666667, s30;
	_ =	sdelay $0x1  }
0x1a9: {  	s29 =	sadd.s32 s30, s29  }
0x1aa: {  	s30 =	sshrl.u32 s29, $0x1F;
	s29 =	sshra.s32 s29, $0x4  }
0x1ab: {  	s29 =	sadd.s32 s30, s29  }
0x1ac: {  	s30 =	smul.u32 $0xFFFFFFD8, s29  }
0x1ad: {  	s31 =	ssub.s32 $0xFFFFFFD9, s26  }
0x1ae: {  	p1 =	slt.s32 s28, $0x1;
	p2 =	sne.s32 s30, s31  }
0x1af: {  	p1 =	por !p1, !p2  }
0x1b0: {  	s28 =	simm.s32 $0x1;
	p1 =	por !p1, !p1  }
0x1b1: {  	s28 =	simm.s32 @!p1 $0x0  }
0x1b2: {  	s28 =	ssub.s32 s29, s28  }
0x1b3: {  	p1 =	slt.s32 s28, $0x1  }
.Ltmp18:
0x1b4: {  	_ = 	snop;
	(pc) =	sbr.rel @p1 .LBB2_22-.Ltmp18, $1  }
0x1b5: {  	_ =	sdelay $0x3  }
0x1b6: {  	p1 =	sne.s32 s28, $0x1  }
.Ltmp19:
0x1b7: {  	_ = 	snop;
	(pc) =	sbr.rel @!p1 .LBB2_21-.Ltmp19, $3  }
0x1b8: {  	_ =	sdelay $0x1  }
0x1b9: {  	_ =	swait.ge [sflag:s10], $0xA00  }
0x1ba: {  	s28 =	sadd.s32 $0xFFFFFFFF, s28;
	[sflag:s10] =	ssyncset.done $0x0  }
.LBB2_20:
0x1bb: {  	p1 =	sne.s32 s28, $0x1;
	s28 =	sadd.s32 $0xFFFFFFFF, s28;
	[sflag:s10] =	ssyncadd.s32 $0xFFFFF600  }
.Ltmp20:
0x1bc: {  	(pc) =	sbr.rel @p1 .LBB2_20-.Ltmp20, $3  }
0x1bd: {  	_ =	sdelay $0x1  }
0x1be: {  	_ =	swait.ge [sflag:s10], $0xA00  }
0x1bf: {  	[sflag:s10] =	ssyncset.done $0x0  }
.LBB2_21:
0x1c0: {  	[sflag:s10] =	ssyncadd.s32 $0xFFFFF600  }
.LBB2_22:
0x1c1: {  	s28 =	sadd.s32 $0x7, s26  }
0x1c2: {  	s29 =	sand.u32 $0x7, s28  }
0x1c3: {  	s31 =	sshra.s32 s28, $0x1F;
	p2 =	slt.s32 s28, $0x1;
	p1 =	sne.s32 s29, $0x0  }
0x1c4: {  	s29 =	sshrl.u32 s31, $0x1D;
	p1 =	por !p2, !p1  }
0x1c5: {  	s28 =	sadd.s32 s29, s28;
	s29 =	simm.s32 $0x1;
	p1 =	por !p1, !p1  }
0x1c6: {  	s28 =	sshrl.u32 s28, $0x3;
	s29 =	simm.s32 @!p1 $0x0  }
0x1c7: {  	s28 =	ssub.s32 s28, s29  }
0x1c8: {  	s28 =	sshll.u32 s28, $0x3  }
0x1c9: {  	s30 =	ssub.s32 s28, s26  }
0x1ca: {  	p1 =	slt.s32 s30, $0x1  }
.Ltmp21:
0x1cb: {  	_ = 	snop;
	(pc) =	sbr.rel @p1 .LBB2_26-.Ltmp21, $1  }
0x1cc: {  	_ =	sdelay $0x3  }
0x1cd: {  	s29 =	sshll.u32 s26, $0x8;
	p1 =	sne.s32 s30, $0x1  }
.Ltmp22:
0x1ce: {  	s29 =	sshra.s32 s29, $0x2;
	(pc) =	sbr.rel @!p1 .LBB2_25-.Ltmp22, $4  }
0x1cf: {  	s29 =	sadd.s32 $0xC820, s29  }
0x1d0: {  	[tilespmem:s29+$0xFFFFFFE0] =	vst v1  }
0x1d1: {  	[tilespmem:s29+$0x10] =	vst v1  }
0x1d2: {  	s30 =	sadd.s32 $0xFFFFFFFF, s30;
	[tilespmem:s29+$0x0] =	vst v1  }
.LBB2_24:
0x1d3: {  	p1 =	sne.s32 s30, $0x1;
	s30 =	sadd.s32 $0xFFFFFFFF, s30;
	[tilespmem:s29+$0xFFFFFFF0] =	vst v1;
	s29 =	sadd.s32 $0x40, s29  }
.Ltmp23:
0x1d4: {  	[tilespmem:s29+$0xFFFFFFE0] =	vst v1;
	(pc) =	sbr.rel @p1 .LBB2_24-.Ltmp23, $3  }
0x1d5: {  	_ =	sdelay $0x1  }
0x1d6: {  	[tilespmem:s29+$0x10] =	vst v1  }
0x1d7: {  	[tilespmem:s29+$0x0] =	vst v1  }
.LBB2_25:
0x1d8: {  	[tilespmem:s29+$0xFFFFFFF0] =	vst v1  }
.LBB2_26:
0x1d9: {  	s29 =	sshra.s32 s28, $0x3  }
0x1da: {  	p1 =	slt.s32 s29, $0x1  }
.Ltmp24:
0x1db: {  	_ = 	snop;
	(pc) =	sbr.rel @p1 .LBB2_27-.Ltmp24, $2  }
0x1dc: {  	_ =	sdelay $0x2  }
0x1dd: {  	v10 =	vimm.f32 $0.0e+00;
	s28 =	simm.s32 $0xC900  }
0x1de: {  	v2 =	vld [tilespmem:s28+$0xC0]  }
0x1df: {  	v4 =	vld [tilespmem:s28+$0xD0]  }
0x1e0: {  	v3 =	vld [tilespmem:s28+$0x80]  }
0x1e1: {  	v5 =	vld [tilespmem:s28+$0x90]  }
0x1e2: {  	v6 =	vld [tilespmem:s28+$0x40]  }
0x1e3: {  	v7 =	vld [tilespmem:s28+$0x50]  }
0x1e4: {  	v8 =	vld [tilespmem:s28+$0x0]  }
0x1e5: {  	v9 =	vld [tilespmem:s28+$0x10]  }
0x1e6: {  	v11 =	vld [tilespmem:s28+$0xFFFFFFC0]  }
0x1e7: {  	v12 =	vld [tilespmem:s28+$0xFFFFFFD0]  }
0x1e8: {  	v13 =	vld [tilespmem:s28+$0xFFFFFF80]  }
0x1e9: {  	v14 =	vld [tilespmem:s28+$0xFFFFFF90]  }
0x1ea: {  	v18 =	vld [tilespmem:s28+$0xFFFFFF40];
	p1 =	sne.s32 s29, $0x1  }
.Ltmp25:
0x1eb: {  	v19 =	vld [tilespmem:s28+$0xFFFFFF50];
	(pc) =	sbr.rel @!p1 .LBB2_30-.Ltmp25, $4  }
0x1ec: {  	v20 =	vld [tilespmem:s28+$0xFFFFFF00]  }
0x1ed: {  	v22 =	vld [tilespmem:s28+$0xFFFFFF10]  }
0x1ee: {  	v21 =	vld [tilespmem:s28+$0xFFFFFF20]  }
0x1ef: {  	v23 =	vld [tilespmem:s28+$0xFFFFFF30];
	s29 =	sadd.s32 $0xFFFFFFFF, s29;
	v17 =	vimm.f32 $0.0e+00;
	v15 =	vimm.f32 $0.0e+00;
	v16 =	vimm.f32 $0.0e+00  }
.LBB2_29:
0x1f0: {  	p1 =	sne.s32 s29, $0x1;
	v24 =	vld [tilespmem:s28+$0xFFFFFF60]  }
0x1f1: {  	v25 =	vld [tilespmem:s28+$0xFFFFFF70]  }
0x1f2: {  	v26 =	vld [tilespmem:s28+$0xFFFFFFA0]  }
0x1f3: {  	v10 =	vadd.f32 v20, v10;
	v17 =	vadd.f32 v22, v17;
	v20 =	vld [tilespmem:s28+$0xFFFFFFB0]  }
0x1f4: {  	v15 =	vadd.f32 v21, v15;
	v16 =	vadd.f32 v23, v16;
	v21 =	vld [tilespmem:s28+$0xFFFFFFE0]  }
0x1f5: {  	v10 =	vadd.f32 v18, v10;
	v17 =	vadd.f32 v19, v17;
	v18 =	vld [tilespmem:s28+$0xFFFFFFF0]  }
0x1f6: {  	v15 =	vadd.f32 v24, v15;
	v16 =	vadd.f32 v25, v16;
	v19 =	vld [tilespmem:s28+$0x20]  }
0x1f7: {  	v10 =	vadd.f32 v13, v10;
	v13 =	vadd.f32 v14, v17;
	v14 =	vld [tilespmem:s28+$0x30]  }
0x1f8: {  	v15 =	vadd.f32 v26, v15;
	v16 =	vadd.f32 v20, v16;
	v17 =	vld [tilespmem:s28+$0x60]  }
0x1f9: {  	v10 =	vadd.f32 v11, v10;
	v11 =	vadd.f32 v12, v13;
	v12 =	vld [tilespmem:s28+$0x70]  }
0x1fa: {  	v13 =	vadd.f32 v21, v15;
	v15 =	vadd.f32 v18, v16;
	v16 =	vld [tilespmem:s28+$0xA0]  }
0x1fb: {  	v8 =	vadd.f32 v8, v10;
	v9 =	vadd.f32 v9, v11;
	v10 =	vld [tilespmem:s28+$0xB0]  }
0x1fc: {  	v11 =	vadd.f32 v19, v13;
	v13 =	vadd.f32 v14, v15;
	v14 =	vld [tilespmem:s28+$0xE0]  }
0x1fd: {  	v6 =	vadd.f32 v6, v8;
	v7 =	vadd.f32 v7, v9;
	v8 =	vld [tilespmem:s28+$0xF0];
	s28 =	sadd.s32 $0x200, s28  }
0x1fe: {  	v11 =	vadd.f32 v17, v11;
	v9 =	vld [tilespmem:s28+$0xC0];
	v12 =	vadd.f32 v12, v13  }
0x1ff: {  	v6 =	vadd.f32 v3, v6;
	v7 =	vadd.f32 v5, v7;
	v13 =	vld [tilespmem:s28+$0xD0]  }
0x200: {  	v11 =	vadd.f32 v16, v11;
	v3 =	vld [tilespmem:s28+$0x80];
	v12 =	vadd.f32 v10, v12  }
0x201: {  	v10 =	vadd.f32 v2, v6;
	v17 =	vadd.f32 v4, v7;
	v5 =	vld [tilespmem:s28+$0x90]  }
0x202: {  	v15 =	vadd.f32 v14, v11;
	v6 =	vld [tilespmem:s28+$0x40];
	v16 =	vadd.f32 v8, v12  }
0x203: {  	v7 =	vld [tilespmem:s28+$0x50];
	v2 =	vmov v9  }
0x204: {  	v8 =	vld [tilespmem:s28+$0x0];
	v4 =	vmov v13  }
0x205: {  	v9 =	vld [tilespmem:s28+$0x10]  }
0x206: {  	v11 =	vld [tilespmem:s28+$0xFFFFFFC0]  }
0x207: {  	v12 =	vld [tilespmem:s28+$0xFFFFFFD0]  }
0x208: {  	v13 =	vld [tilespmem:s28+$0xFFFFFF80]  }
0x209: {  	v14 =	vld [tilespmem:s28+$0xFFFFFF90]  }
0x20a: {  	v18 =	vld [tilespmem:s28+$0xFFFFFF40]  }
.Ltmp26:
0x20b: {  	v19 =	vld [tilespmem:s28+$0xFFFFFF50];
	(pc) =	sbr.rel @p1 .LBB2_29-.Ltmp26, $4  }
0x20c: {  	v20 =	vld [tilespmem:s28+$0xFFFFFF00]  }
0x20d: {  	v22 =	vld [tilespmem:s28+$0xFFFFFF10]  }
0x20e: {  	v21 =	vld [tilespmem:s28+$0xFFFFFF20]  }
0x20f: {  	s29 =	sadd.s32 $0xFFFFFFFF, s29;
	v23 =	vld [tilespmem:s28+$0xFFFFFF30]  }
.LBB2_30:
0x210: {  	v24 =	vld [tilespmem:s28+$0xFFFFFF60]  }
0x211: {  	v25 =	vld [tilespmem:s28+$0xFFFFFF70]  }
0x212: {  	v26 =	vld [tilespmem:s28+$0xFFFFFFA0]  }
0x213: {  	v51 =	vld [tilespmem:s28+$0xFFFFFFB0];
	v10 =	vadd.f32 v20, v10;
	v17 =	vadd.f32 v22, v17  }
0x214: {  	v52 =	vld [tilespmem:s28+$0xFFFFFFE0];
	v15 =	vadd.f32 v21, v15;
	v16 =	vadd.f32 v23, v16  }
0x215: {  	v53 =	vld [tilespmem:s28+$0xFFFFFFF0];
	v10 =	vadd.f32 v18, v10;
	v17 =	vadd.f32 v19, v17  }
0x216: {  	v54 =	vld [tilespmem:s28+$0x20];
	v15 =	vadd.f32 v24, v15;
	v16 =	vadd.f32 v25, v16  }
0x217: {  	v56 =	vld [tilespmem:s28+$0x30];
	v10 =	vadd.f32 v13, v10;
	v55 =	vadd.f32 v14, v17  }
0x218: {  	v57 =	vld [tilespmem:s28+$0x60];
	v15 =	vadd.f32 v26, v15;
	v16 =	vadd.f32 v51, v16  }
0x219: {  	v58 =	vld [tilespmem:s28+$0x70];
	v10 =	vadd.f32 v11, v10;
	v11 =	vadd.f32 v12, v55  }
0x21a: {  	v61 =	vld [tilespmem:s28+$0xA0];
	v59 =	vadd.f32 v52, v15;
	v60 =	vadd.f32 v53, v16  }
0x21b: {  	v8 =	vadd.f32 v8, v10;
	v10 =	vld [tilespmem:s28+$0xB0];
	v9 =	vadd.f32 v9, v11  }
0x21c: {  	v63 =	vld [tilespmem:s28+$0xE0];
	v11 =	vadd.f32 v54, v59;
	v62 =	vadd.f32 v56, v60  }
0x21d: {  	v6 =	vadd.f32 v6, v8;
	v8 =	vld [tilespmem:s28+$0xF0];
	v7 =	vadd.f32 v7, v9  }
.Ltmp27:
0x21e: {  	v9 =	vadd.f32 v57, v11;
	v11 =	vadd.f32 v58, v62;
	(pc) =	sbr.rel .LBB2_31-.Ltmp27, $4  }
0x21f: {  	v3 =	vadd.f32 v3, v6;
	v5 =	vadd.f32 v5, v7  }
0x220: {  	v6 =	vadd.f32 v61, v9;
	v7 =	vadd.f32 v10, v11  }
0x221: {  	v10 =	vadd.f32 v2, v3;
	v2 =	vadd.f32 v4, v5  }
0x222: {  	v3 =	vadd.f32 v63, v6;
	v4 =	vadd.f32 v8, v7  }
.LBB2_27:
0x223: {  	v2 =	vimm.f32 $0.0e+00;
	v3 =	vimm.f32 $0.0e+00;
	v4 =	vimm.f32 $0.0e+00  }
.LBB2_31:
0x224: {  	s26 =	scvt.s32.f32 s26;
	_ =	sdelay $0x1  }
0x225: {  	s26 =	sadd.f32 $9.999999710e-10, s26;
	_ =	sdelay $0x1  }
0x226: {  	v5 =	vmov s26  }
0x227: {  	(erf) = vrcp.f32 v5;
	_ =	sdelay $0x8  }
0x228: {  	v5 =	vpop (erf)  }
0x229: {  	v6 =	vmul.f32 v10, v5  }
0x22a: {  	v2 =	vmul.f32 v2, v5  }
0x22b: {  	v3 =	vmul.f32 v3, v5;
	[tilespmem:s24+$0x19000] =	vst v6  }
0x22c: {  	s26 =	sadd.s32 $0x5, s23;
	[tilespmem:s24+$0x19010] =	vst v2;
	v2 =	vmul.f32 v4, v5  }
0x22d: {  	s28 =	smul.u32 @!p0 $0xC8, s26;
	[tilespmem:s24+$0x19020] =	vst v3  }
0x22e: {  	[tilespmem:s24+$0x19030] =	vst v2  }
0x22f: {  	v2 =	vld @!p0 [tilespmem:s28+$0x6400];
	_ =	sdelay $0x4  }
0x230: {  	vm1 =	vne.s32 @!p0 v2, $0x0;
	v2 =	vimm.s32 @!p0 $0x0  }
0x231: {  	v3 =	vsel @!p0 vm1, $0x1, v2  }
0x232: {  	(xrf0) =	vadd.scan.msk.s32 @!p0 $0xffff, v3;
	_ =	sdelay $0x5  }
0x233: {  	v3, _, _ =	vpop @!p0 (xrf0)  }
0x234: {  	v3 =	vadd.s32 @!p0 s28, v3  }
0x235: {  	v4 =	vld @!p0 [tilespmem:s28+$0x0];
	v3 =	vadd.s32 @!p0 $0xFFFFFFFF, v3;
	_ =	sdelay $0x3  }
0x236: {  	s29 =	simm.s32 @!p0 $0x0  }
0x237: {  	[tilespmem:v3+s29+$0x0] =	vst.idx.msk @!p0 vm1, v4  }
0x238: {  	v3 =	vld @!p0 [tilespmem:s28+$0x6410];
	_ =	sdelay $0x4  }
0x239: {  	vm2 =	vne.s32 @!p0 v3, $0x0  }
0x23a: {  	v3 =	vsel @!p0 vm2, $0x1, v2  }
0x23b: {  	(xrf0) =	vadd.scan.msk.s32 @!p0 $0xffff, v3;
	_ =	sdelay $0x3  }
0x23c: {  	v3 =	vmpcnt.ones.xlane @!p0 vm1;
	_ =	sdelay $0x1  }
0x23d: {  	v3 =	vadd.s32 @!p0 s28, v3;
	v4, _, _ =	vpop @!p0 (xrf0)  }
0x23e: {  	s30 =	sor.u32 @!p0 $0x10, s28;
	v4 =	vadd.s32 @!p0 v4, v3  }
0x23f: {  	v5 =	vld @!p0 [tilespmem:s30+$0x0];
	v4 =	vadd.s32 @!p0 $0xFFFFFFFF, v4;
	_ =	sdelay $0x4  }
0x240: {  	[tilespmem:v4+s29+$0x0] =	vst.idx.msk @!p0 vm2, v5  }
0x241: {  	v4 =	vld @!p0 [tilespmem:s28+$0x6420];
	_ =	sdelay $0x4  }
0x242: {  	vm1 =	vne.s32 @!p0 v4, $0x0  }
0x243: {  	v4 =	vsel @!p0 vm1, $0x1, v2  }
0x244: {  	(xrf0) =	vadd.scan.msk.s32 @!p0 $0xffff, v4;
	_ =	sdelay $0x1  }
0x245: {  	v4 =	vmpcnt.ones.xlane @!p0 vm2;
	_ =	sdelay $0x3  }
0x246: {  	v3 =	vadd.s32 @!p0 v3, v4;
	v4, _, _ =	vpop @!p0 (xrf0)  }
0x247: {  	v4 =	vadd.s32 @!p0 v4, v3  }
0x248: {  	v5 =	vld @!p0 [tilespmem:s28+$0x20];
	v4 =	vadd.s32 @!p0 $0xFFFFFFFF, v4;
	_ =	sdelay $0x4  }
0x249: {  	[tilespmem:v4+s29+$0x0] =	vst.idx.msk @!p0 vm1, v5  }
0x24a: {  	v4 =	vld @!p0 [tilespmem:s28+$0x6430];
	_ =	sdelay $0x4  }
0x24b: {  	vm2 =	vne.s32 @!p0 v4, $0x0  }
0x24c: {  	v4 =	vsel @!p0 vm2, $0x1, v2  }
0x24d: {  	(xrf0) =	vadd.scan.msk.s32 @!p0 $0xffff, v4;
	_ =	sdelay $0x1  }
0x24e: {  	v4 =	vmpcnt.ones.xlane @!p0 vm1;
	_ =	sdelay $0x3  }
0x24f: {  	v3 =	vadd.s32 @!p0 v3, v4;
	v4, _, _ =	vpop @!p0 (xrf0)  }
0x250: {  	v4 =	vadd.s32 @!p0 v4, v3  }
0x251: {  	v5 =	vld @!p0 [tilespmem:s28+$0x30];
	v4 =	vadd.s32 @!p0 $0xFFFFFFFF, v4;
	_ =	sdelay $0x4  }
0x252: {  	[tilespmem:v4+s29+$0x0] =	vst.idx.msk @!p0 vm2, v5  }
0x253: {  	v4 =	vld @!p0 [tilespmem:s28+$0x6440];
	_ =	sdelay $0x4  }
0x254: {  	vm1 =	vne.s32 @!p0 v4, $0x0  }
0x255: {  	v4 =	vsel @!p0 vm1, $0x1, v2  }
0x256: {  	(xrf0) =	vadd.scan.msk.s32 @!p0 $0xffff, v4;
	_ =	sdelay $0x1  }
0x257: {  	v4 =	vmpcnt.ones.xlane @!p0 vm2;
	_ =	sdelay $0x3  }
0x258: {  	v3 =	vadd.s32 @!p0 v3, v4;
	v4, _, _ =	vpop @!p0 (xrf0)  }
0x259: {  	v4 =	vadd.s32 @!p0 v4, v3  }
0x25a: {  	v5 =	vld @!p0 [tilespmem:s28+$0x40];
	v4 =	vadd.s32 @!p0 $0xFFFFFFFF, v4;
	_ =	sdelay $0x4  }
0x25b: {  	[tilespmem:v4+s29+$0x0] =	vst.idx.msk @!p0 vm1, v5  }
0x25c: {  	v4 =	vld @!p0 [tilespmem:s28+$0x6450];
	_ =	sdelay $0x4  }
0x25d: {  	vm2 =	vne.s32 @!p0 v4, $0x0  }
0x25e: {  	v4 =	vsel @!p0 vm2, $0x1, v2  }
0x25f: {  	(xrf0) =	vadd.scan.msk.s32 @!p0 $0xffff, v4;
	_ =	sdelay $0x1  }
0x260: {  	v4 =	vmpcnt.ones.xlane @!p0 vm1;
	_ =	sdelay $0x3  }
0x261: {  	v3 =	vadd.s32 @!p0 v3, v4;
	v4, _, _ =	vpop @!p0 (xrf0)  }
0x262: {  	v4 =	vadd.s32 @!p0 v4, v3  }
0x263: {  	v5 =	vld @!p0 [tilespmem:s28+$0x50];
	v4 =	vadd.s32 @!p0 $0xFFFFFFFF, v4;
	_ =	sdelay $0x4  }
0x264: {  	[tilespmem:v4+s29+$0x0] =	vst.idx.msk @!p0 vm2, v5  }
0x265: {  	v4 =	vld @!p0 [tilespmem:s28+$0x6460];
	_ =	sdelay $0x4  }
0x266: {  	vm1 =	vne.s32 @!p0 v4, $0x0  }
0x267: {  	v4 =	vsel @!p0 vm1, $0x1, v2  }
0x268: {  	(xrf0) =	vadd.scan.msk.s32 @!p0 $0xffff, v4;
	_ =	sdelay $0x1  }
0x269: {  	v4 =	vmpcnt.ones.xlane @!p0 vm2;
	_ =	sdelay $0x3  }
0x26a: {  	v3 =	vadd.s32 @!p0 v3, v4;
	v4, _, _ =	vpop @!p0 (xrf0)  }
0x26b: {  	v4 =	vadd.s32 @!p0 v4, v3  }
0x26c: {  	v5 =	vld @!p0 [tilespmem:s28+$0x60];
	v4 =	vadd.s32 @!p0 $0xFFFFFFFF, v4;
	_ =	sdelay $0x4  }
0x26d: {  	[tilespmem:v4+s29+$0x0] =	vst.idx.msk @!p0 vm1, v5  }
0x26e: {  	v4 =	vld @!p0 [tilespmem:s28+$0x6470];
	_ =	sdelay $0x4  }
0x26f: {  	vm2 =	vne.s32 @!p0 v4, $0x0  }
0x270: {  	v4 =	vsel @!p0 vm2, $0x1, v2  }
0x271: {  	(xrf0) =	vadd.scan.msk.s32 @!p0 $0xffff, v4;
	_ =	sdelay $0x1  }
0x272: {  	v4 =	vmpcnt.ones.xlane @!p0 vm1;
	_ =	sdelay $0x3  }
0x273: {  	v3 =	vadd.s32 @!p0 v3, v4;
	v4, _, _ =	vpop @!p0 (xrf0)  }
0x274: {  	v4 =	vadd.s32 @!p0 v4, v3  }
0x275: {  	v5 =	vld @!p0 [tilespmem:s28+$0x70];
	v4 =	vadd.s32 @!p0 $0xFFFFFFFF, v4;
	_ =	sdelay $0x4  }
0x276: {  	[tilespmem:v4+s29+$0x0] =	vst.idx.msk @!p0 vm2, v5  }
0x277: {  	v4 =	vld @!p0 [tilespmem:s28+$0x6480];
	_ =	sdelay $0x4  }
0x278: {  	vm1 =	vne.s32 @!p0 v4, $0x0  }
0x279: {  	v4 =	vsel @!p0 vm1, $0x1, v2  }
0x27a: {  	(xrf0) =	vadd.scan.msk.s32 @!p0 $0xffff, v4;
	_ =	sdelay $0x1  }
0x27b: {  	v4 =	vmpcnt.ones.xlane @!p0 vm2;
	_ =	sdelay $0x3  }
0x27c: {  	v3 =	vadd.s32 @!p0 v3, v4;
	v4, _, _ =	vpop @!p0 (xrf0)  }
0x27d: {  	v4 =	vadd.s32 @!p0 v4, v3  }
0x27e: {  	v5 =	vld @!p0 [tilespmem:s28+$0x80];
	v4 =	vadd.s32 @!p0 $0xFFFFFFFF, v4;
	_ =	sdelay $0x4  }
0x27f: {  	[tilespmem:v4+s29+$0x0] =	vst.idx.msk @!p0 vm1, v5  }
0x280: {  	v4 =	vld @!p0 [tilespmem:s28+$0x6490];
	_ =	sdelay $0x4  }
0x281: {  	vm2 =	vne.s32 @!p0 v4, $0x0  }
0x282: {  	v4 =	vsel @!p0 vm2, $0x1, v2  }
0x283: {  	(xrf0) =	vadd.scan.msk.s32 @!p0 $0xffff, v4;
	_ =	sdelay $0x1  }
0x284: {  	v4 =	vmpcnt.ones.xlane @!p0 vm1;
	_ =	sdelay $0x3  }
0x285: {  	v3 =	vadd.s32 @!p0 v3, v4;
	v4, _, _ =	vpop @!p0 (xrf0)  }
0x286: {  	v4 =	vadd.s32 @!p0 v4, v3  }
0x287: {  	v5 =	vld @!p0 [tilespmem:s28+$0x90];
	v4 =	vadd.s32 @!p0 $0xFFFFFFFF, v4;
	_ =	sdelay $0x4  }
0x288: {  	[tilespmem:v4+s29+$0x0] =	vst.idx.msk @!p0 vm2, v5  }
0x289: {  	v4 =	vld @!p0 [tilespmem:s28+$0x64A0];
	_ =	sdelay $0x4  }
0x28a: {  	vm1 =	vne.s32 @!p0 v4, $0x0  }
0x28b: {  	v4 =	vsel @!p0 vm1, $0x1, v2  }
0x28c: {  	(xrf0) =	vadd.scan.msk.s32 @!p0 $0xffff, v4;
	_ =	sdelay $0x1  }
0x28d: {  	v4 =	vmpcnt.ones.xlane @!p0 vm2;
	_ =	sdelay $0x3  }
0x28e: {  	v3 =	vadd.s32 @!p0 v3, v4;
	v4, _, _ =	vpop @!p0 (xrf0)  }
0x28f: {  	v4 =	vadd.s32 @!p0 v4, v3  }
0x290: {  	v5 =	vld @!p0 [tilespmem:s28+$0xA0];
	v4 =	vadd.s32 @!p0 $0xFFFFFFFF, v4;
	_ =	sdelay $0x4  }
0x291: {  	[tilespmem:v4+s29+$0x0] =	vst.idx.msk @!p0 vm1, v5  }
0x292: {  	v4 =	vld @!p0 [tilespmem:s28+$0x64B0];
	_ =	sdelay $0x4  }
0x293: {  	vm2 =	vne.s32 @!p0 v4, $0x0  }
0x294: {  	v4 =	vsel @!p0 vm2, $0x1, v2  }
0x295: {  	(xrf0) =	vadd.scan.msk.s32 @!p0 $0xffff, v4;
	_ =	sdelay $0x1  }
0x296: {  	v4 =	vmpcnt.ones.xlane @!p0 vm1;
	_ =	sdelay $0x3  }
0x297: {  	v3 =	vadd.s32 @!p0 v3, v4;
	v4, _, _ =	vpop @!p0 (xrf0)  }
0x298: {  	v4 =	vadd.s32 @!p0 v4, v3  }
0x299: {  	v5 =	vld @!p0 [tilespmem:s28+$0xB0];
	v4 =	vadd.s32 @!p0 $0xFFFFFFFF, v4;
	_ =	sdelay $0x4  }
0x29a: {  	[tilespmem:v4+s29+$0x0] =	vst.idx.msk @!p0 vm2, v5  }
0x29b: {  	v4 =	vld @!p0 [tilespmem:s28+$0x64C0];
	_ =	sdelay $0x4  }
0x29c: {  	vm1 =	vmmov @!p0 $0xff;
	vm3 =	vne.s32 @!p0 v4, $0x0  }
0x29d: {  	vm3 =	vmand @!p0 vm3, vm1  }
0x29e: {  	v2 =	vsel @!p0 vm3, $0x1, v2  }
0x29f: {  	(xrf0) =	vadd.scan.msk.s32 @!p0 $0xffff, v2;
	_ =	sdelay $0x3  }
0x2a0: {  	v2 =	vmpcnt.ones.xlane @!p0 vm2;
	_ =	sdelay $0x1  }
0x2a1: {  	v2 =	vadd.s32 @!p0 v3, v2;
	v3, _, _ =	vpop @!p0 (xrf0)  }
0x2a2: {  	v3 =	vadd.s32 @!p0 v3, v2  }
0x2a3: {  	v4 =	vld @!p0 [tilespmem:s28+$0xC0];
	v3 =	vadd.s32 @!p0 $0xFFFFFFFF, v3;
	_ =	sdelay $0x2  }
0x2a4: {  	v5 =	vmov @!p0 s28;
	v6 =	vmpcnt.ones.xlane @!p0 vm3  }
0x2a5: {  	s26 =	sshll.u32 @!p0 s26, $0x4;
	v2 =	vsub.s32 @!p0 v2, v5  }
0x2a6: {  	s25 =	sshll.u32 @!p0 s25, $0x4;
	s26 =	sand.u32 @!p0 $0x3FFFFFF0, s26;
	v2 =	vadd.s32 @!p0 v6, v2;
	[tilespmem:v3+s29+$0x0] =	vst.idx.msk @!p0 vm3, v4  }
0x2a7: {  	s25 =	sand.u32 @!p0 $0x3FFFFFF0, s25;
	[tilespmem:s26+$0x1B000] =	vst @!p0 v2  }
0x2a8: {  	v2 =	vld @!p0 [tilespmem:s25+$0x1B000];
	_ =	sdelay $0x4  }
0x2a9: {  	(v2sf) =	vpush @!p0 v2, $0x0;
	_ =	sdelay $0xe  }
0x2aa: {  	s25 =	spop @!p0 (v2sf)  }
0x2ab: {  	s28 =	sadd.s32 @!p0 $0x27, s25  }
0x2ac: {  	s29 =	smulhi.u32 @!p0 $0x66666667, s28;
	s30 =	sshra.s32 @!p0 s28, $0x1F  }
0x2ad: {  	s30 =	smul.u32 @!p0 $0x66666667, s30;
	_ =	sdelay $0x1  }
0x2ae: {  	s29 =	sadd.s32 @!p0 s30, s29  }
0x2af: {  	s30 =	sshrl.u32 @!p0 s29, $0x1F;
	s29 =	sshra.s32 @!p0 s29, $0x4  }
0x2b0: {  	s29 =	sadd.s32 @!p0 s30, s29  }
0x2b1: {  	s30 =	smul.u32 @!p0 $0xFFFFFFD8, s29  }
0x2b2: {  	s25 =	ssub.s32 @!p0 $0xFFFFFFD9, s25  }
0x2b3: {  	p1 =	slt.s32 @!p0 s28, $0x1;
	p2 =	sne.s32 @!p0 s30, s25  }
0x2b4: {  	p1 =	por @!p0 !p1, !p2  }
0x2b5: {  	p1 =	por @!p0 !p1, !p1  }
0x2b6: {  	s25 =	simm.s32 @!p0 $0x1;
	p1 =	por !p1, p0  }
0x2b7: {  	s25 =	simm.s32 @p1 $0x0  }
0x2b8: {  	s28 =	ssub.s32 @!p0 s29, s25  }
0x2b9: {  	p1 =	slt.s32 @!p0 s28, $0x1  }
0x2ba: {  	p1 =	por p0, p1  }
.Ltmp28:
0x2bb: {  	_ = 	snop;
	(pc) =	sbr.rel @p1 .LBB2_34-.Ltmp28, $2  }
0x2bc: {  	_ =	sdelay $0x2  }
0x2bd: {  	s25 =	simm.s32 @!p0 $0xC800  }
0x2be: {  	p1 =	sne.s32 s28, $0x1  }
.Ltmp29:
0x2bf: {  	_ = 	snop;
	(pc) =	sbr.rel @!p1 .LBB2_34-.Ltmp29, $3  }
0x2c0: {  	_ =	sdelay $0x1  }
0x2c1: {  	[tilespmem:s25], [sflag:$0x1] =	stream.indirect.gather [hbm4b:s3+s11], $0x40, s19, s11, $0xb8;
	[tilespmem:$0x1B800] =	vst v63  }
0x2c2: {  	s28 =	sadd.s32 $0xFFFFFFFF, s28;
	s29 =	smov.u32 s19  }
.LBB2_33:
0x2c3: {  	p1 =	sne.s32 s28, $0x1  }
.Ltmp30:
0x2c4: {  	_ = 	snop;
	(pc) =	sbr.rel @p1 .LBB2_33-.Ltmp30, $4  }
0x2c5: {  	_ = 	snop  }
0x2c6: {  	s29 =	sadd.s32 $0x28, s29;
	s25 =	sadd.s32 $0xA00, s25  }
0x2c7: {  	s28 =	sadd.s32 $0xFFFFFFFF, s28  }
0x2c8: {  	[tilespmem:s25], [sflag:$0x1] =	stream.indirect.gather [hbm4b:s3+s11], $0x40, s29, s11, $0xb8;
	[tilespmem:$0x1B800] =	vst v63  }
.LBB2_34:
0x2c9: {  	s25 =	sor.u32 $0x40, s24  }
0x2ca: {  	s28 =	sshrl.u32 s25, $0x2  }
0x2cb: {  	v2 =	vld [tilespmem:s28+$0x1B000];
	_ =	sdelay $0x4  }
0x2cc: {  	(v2sf) =	vpush v2, $0x0;
	_ =	sdelay $0xe  }
0x2cd: {  	s28 =	spop (v2sf)  }
0x2ce: {  	s29 =	sadd.s32 $0x27, s28  }
0x2cf: {  	s30 =	smulhi.u32 $0x66666667, s29;
	s31 =	sshra.s32 s29, $0x1F  }
0x2d0: {  	s31 =	smul.u32 $0x66666667, s31;
	_ =	sdelay $0x1  }
0x2d1: {  	s30 =	sadd.s32 s31, s30  }
0x2d2: {  	s31 =	sshrl.u32 s30, $0x1F;
	s30 =	sshra.s32 s30, $0x4  }
0x2d3: {  	s30 =	sadd.s32 s31, s30  }
0x2d4: {  	s31 =	smul.u32 $0xFFFFFFD8, s30  }
0x2d5: {  	s1 =	ssub.s32 $0xFFFFFFD9, s28  }
0x2d6: {  	p1 =	slt.s32 s29, $0x1;
	p2 =	sne.s32 s31, s1  }
0x2d7: {  	p1 =	por !p1, !p2  }
0x2d8: {  	s1 =	simm.s32 $0x1;
	p1 =	por !p1, !p1  }
0x2d9: {  	s1 =	simm.s32 @!p1 $0x0  }
0x2da: {  	s29 =	ssub.s32 s30, s1  }
0x2db: {  	p1 =	slt.s32 s29, $0x1  }
.Ltmp31:
0x2dc: {  	_ = 	snop;
	(pc) =	sbr.rel @p1 .LBB2_38-.Ltmp31, $1  }
0x2dd: {  	_ =	sdelay $0x3  }
0x2de: {  	p1 =	sne.s32 s29, $0x1  }
.Ltmp32:
0x2df: {  	_ = 	snop;
	(pc) =	sbr.rel @!p1 .LBB2_37-.Ltmp32, $3  }
0x2e0: {  	_ =	sdelay $0x1  }
0x2e1: {  	_ =	swait.ge [sflag:s12], $0xA00  }
0x2e2: {  	s29 =	sadd.s32 $0xFFFFFFFF, s29;
	[sflag:s12] =	ssyncset.done $0x0  }
.LBB2_36:
0x2e3: {  	p1 =	sne.s32 s29, $0x1;
	s29 =	sadd.s32 $0xFFFFFFFF, s29;
	[sflag:s12] =	ssyncadd.s32 $0xFFFFF600  }
.Ltmp33:
0x2e4: {  	(pc) =	sbr.rel @p1 .LBB2_36-.Ltmp33, $3  }
0x2e5: {  	_ =	sdelay $0x1  }
0x2e6: {  	_ =	swait.ge [sflag:s12], $0xA00  }
0x2e7: {  	[sflag:s12] =	ssyncset.done $0x0  }
.LBB2_37:
0x2e8: {  	[sflag:s12] =	ssyncadd.s32 $0xFFFFF600  }
.LBB2_38:
0x2e9: {  	s1 =	sadd.s32 $0x7, s28  }
0x2ea: {  	s29 =	sand.u32 $0x7, s1  }
0x2eb: {  	p2 =	slt.s32 s1, $0x1;
	p1 =	sne.s32 s29, $0x0;
	s29 =	sshra.s32 s1, $0x1F  }
0x2ec: {  	s29 =	sshrl.u32 s29, $0x1D;
	p1 =	por !p2, !p1  }
0x2ed: {  	s1 =	sadd.s32 s29, s1;
	p1 =	por !p1, !p1;
	s29 =	simm.s32 $0x1  }
0x2ee: {  	s1 =	sshrl.u32 s1, $0x3;
	s29 =	simm.s32 @!p1 $0x0  }
0x2ef: {  	s1 =	ssub.s32 s1, s29  }
0x2f0: {  	s29 =	sshll.u32 s1, $0x3  }
0x2f1: {  	s31 =	ssub.s32 s29, s28  }
0x2f2: {  	p1 =	slt.s32 s31, $0x1  }
.Ltmp34:
0x2f3: {  	_ = 	snop;
	(pc) =	sbr.rel @p1 .LBB2_42-.Ltmp34, $1  }
0x2f4: {  	_ =	sdelay $0x3  }
0x2f5: {  	s1 =	sshll.u32 s28, $0x8;
	p1 =	sne.s32 s31, $0x1  }
.Ltmp35:
0x2f6: {  	s1 =	sshra.s32 s1, $0x2;
	(pc) =	sbr.rel @!p1 .LBB2_41-.Ltmp35, $4  }
0x2f7: {  	s30 =	sadd.s32 $0xFA20, s1  }
0x2f8: {  	[tilespmem:s30+$0xFFFFFFE0] =	vst v1  }
0x2f9: {  	[tilespmem:s30+$0x10] =	vst v1  }
0x2fa: {  	s31 =	sadd.s32 $0xFFFFFFFF, s31;
	[tilespmem:s30+$0x0] =	vst v1  }
.LBB2_40:
0x2fb: {  	p1 =	sne.s32 s31, $0x1;
	s31 =	sadd.s32 $0xFFFFFFFF, s31;
	[tilespmem:s30+$0xFFFFFFF0] =	vst v1;
	s30 =	sadd.s32 $0x40, s30  }
.Ltmp36:
0x2fc: {  	[tilespmem:s30+$0xFFFFFFE0] =	vst v1;
	(pc) =	sbr.rel @p1 .LBB2_40-.Ltmp36, $3  }
0x2fd: {  	_ =	sdelay $0x1  }
0x2fe: {  	[tilespmem:s30+$0x10] =	vst v1  }
0x2ff: {  	[tilespmem:s30+$0x0] =	vst v1  }
.LBB2_41:
0x300: {  	[tilespmem:s30+$0xFFFFFFF0] =	vst v1  }
.LBB2_42:
0x301: {  	s30 =	sshra.s32 s29, $0x3  }
0x302: {  	p1 =	slt.s32 s30, $0x1  }
.Ltmp37:
0x303: {  	_ = 	snop;
	(pc) =	sbr.rel @p1 .LBB2_43-.Ltmp37, $2  }
0x304: {  	_ =	sdelay $0x2  }
0x305: {  	v10 =	vimm.f32 $0.0e+00;
	s29 =	simm.s32 $0xFB00  }
0x306: {  	v2 =	vld [tilespmem:s29+$0xC0]  }
0x307: {  	v4 =	vld [tilespmem:s29+$0xD0]  }
0x308: {  	v3 =	vld [tilespmem:s29+$0x80]  }
0x309: {  	v5 =	vld [tilespmem:s29+$0x90]  }
0x30a: {  	v6 =	vld [tilespmem:s29+$0x40]  }
0x30b: {  	v7 =	vld [tilespmem:s29+$0x50]  }
0x30c: {  	v8 =	vld [tilespmem:s29+$0x0]  }
0x30d: {  	v9 =	vld [tilespmem:s29+$0x10]  }
0x30e: {  	v11 =	vld [tilespmem:s29+$0xFFFFFFC0]  }
0x30f: {  	v12 =	vld [tilespmem:s29+$0xFFFFFFD0]  }
0x310: {  	v13 =	vld [tilespmem:s29+$0xFFFFFF80]  }
0x311: {  	v14 =	vld [tilespmem:s29+$0xFFFFFF90]  }
0x312: {  	v18 =	vld [tilespmem:s29+$0xFFFFFF40];
	p1 =	sne.s32 s30, $0x1  }
.Ltmp38:
0x313: {  	v19 =	vld [tilespmem:s29+$0xFFFFFF50];
	(pc) =	sbr.rel @!p1 .LBB2_46-.Ltmp38, $4  }
0x314: {  	v20 =	vld [tilespmem:s29+$0xFFFFFF00]  }
0x315: {  	v22 =	vld [tilespmem:s29+$0xFFFFFF10]  }
0x316: {  	v21 =	vld [tilespmem:s29+$0xFFFFFF20]  }
0x317: {  	v23 =	vld [tilespmem:s29+$0xFFFFFF30];
	s30 =	sadd.s32 $0xFFFFFFFF, s30;
	v17 =	vimm.f32 $0.0e+00;
	v15 =	vimm.f32 $0.0e+00;
	v16 =	vimm.f32 $0.0e+00  }
.LBB2_45:
0x318: {  	p1 =	sne.s32 s30, $0x1;
	v24 =	vld [tilespmem:s29+$0xFFFFFF60]  }
0x319: {  	v25 =	vld [tilespmem:s29+$0xFFFFFF70]  }
0x31a: {  	v26 =	vld [tilespmem:s29+$0xFFFFFFA0]  }
0x31b: {  	v10 =	vadd.f32 v20, v10;
	v17 =	vadd.f32 v22, v17;
	v20 =	vld [tilespmem:s29+$0xFFFFFFB0]  }
0x31c: {  	v15 =	vadd.f32 v21, v15;
	v16 =	vadd.f32 v23, v16;
	v21 =	vld [tilespmem:s29+$0xFFFFFFE0]  }
0x31d: {  	v10 =	vadd.f32 v18, v10;
	v17 =	vadd.f32 v19, v17;
	v18 =	vld [tilespmem:s29+$0xFFFFFFF0]  }
0x31e: {  	v15 =	vadd.f32 v24, v15;
	v16 =	vadd.f32 v25, v16;
	v19 =	vld [tilespmem:s29+$0x20]  }
0x31f: {  	v10 =	vadd.f32 v13, v10;
	v13 =	vadd.f32 v14, v17;
	v14 =	vld [tilespmem:s29+$0x30]  }
0x320: {  	v15 =	vadd.f32 v26, v15;
	v16 =	vadd.f32 v20, v16;
	v17 =	vld [tilespmem:s29+$0x60]  }
0x321: {  	v10 =	vadd.f32 v11, v10;
	v11 =	vadd.f32 v12, v13;
	v12 =	vld [tilespmem:s29+$0x70]  }
0x322: {  	v13 =	vadd.f32 v21, v15;
	v15 =	vadd.f32 v18, v16;
	v16 =	vld [tilespmem:s29+$0xA0]  }
0x323: {  	v8 =	vadd.f32 v8, v10;
	v9 =	vadd.f32 v9, v11;
	v10 =	vld [tilespmem:s29+$0xB0]  }
0x324: {  	v11 =	vadd.f32 v19, v13;
	v13 =	vadd.f32 v14, v15;
	v14 =	vld [tilespmem:s29+$0xE0]  }
0x325: {  	v6 =	vadd.f32 v6, v8;
	v7 =	vadd.f32 v7, v9;
	v8 =	vld [tilespmem:s29+$0xF0];
	s29 =	sadd.s32 $0x200, s29  }
0x326: {  	v11 =	vadd.f32 v17, v11;
	v9 =	vld [tilespmem:s29+$0xC0];
	v12 =	vadd.f32 v12, v13  }
0x327: {  	v6 =	vadd.f32 v3, v6;
	v7 =	vadd.f32 v5, v7;
	v13 =	vld [tilespmem:s29+$0xD0]  }
0x328: {  	v11 =	vadd.f32 v16, v11;
	v3 =	vld [tilespmem:s29+$0x80];
	v12 =	vadd.f32 v10, v12  }
0x329: {  	v10 =	vadd.f32 v2, v6;
	v17 =	vadd.f32 v4, v7;
	v5 =	vld [tilespmem:s29+$0x90]  }
0x32a: {  	v15 =	vadd.f32 v14, v11;
	v6 =	vld [tilespmem:s29+$0x40];
	v16 =	vadd.f32 v8, v12  }
0x32b: {  	v7 =	vld [tilespmem:s29+$0x50];
	v2 =	vmov v9  }
0x32c: {  	v8 =	vld [tilespmem:s29+$0x0];
	v4 =	vmov v13  }
0x32d: {  	v9 =	vld [tilespmem:s29+$0x10]  }
0x32e: {  	v11 =	vld [tilespmem:s29+$0xFFFFFFC0]  }
0x32f: {  	v12 =	vld [tilespmem:s29+$0xFFFFFFD0]  }
0x330: {  	v13 =	vld [tilespmem:s29+$0xFFFFFF80]  }
0x331: {  	v14 =	vld [tilespmem:s29+$0xFFFFFF90]  }
0x332: {  	v18 =	vld [tilespmem:s29+$0xFFFFFF40]  }
.Ltmp39:
0x333: {  	v19 =	vld [tilespmem:s29+$0xFFFFFF50];
	(pc) =	sbr.rel @p1 .LBB2_45-.Ltmp39, $4  }
0x334: {  	v20 =	vld [tilespmem:s29+$0xFFFFFF00]  }
0x335: {  	v22 =	vld [tilespmem:s29+$0xFFFFFF10]  }
0x336: {  	v21 =	vld [tilespmem:s29+$0xFFFFFF20]  }
0x337: {  	s30 =	sadd.s32 $0xFFFFFFFF, s30;
	v23 =	vld [tilespmem:s29+$0xFFFFFF30]  }
.LBB2_46:
0x338: {  	v24 =	vld [tilespmem:s29+$0xFFFFFF60]  }
0x339: {  	v25 =	vld [tilespmem:s29+$0xFFFFFF70]  }
0x33a: {  	v26 =	vld [tilespmem:s29+$0xFFFFFFA0]  }
0x33b: {  	v51 =	vld [tilespmem:s29+$0xFFFFFFB0];
	v10 =	vadd.f32 v20, v10;
	v17 =	vadd.f32 v22, v17  }
0x33c: {  	v52 =	vld [tilespmem:s29+$0xFFFFFFE0];
	v15 =	vadd.f32 v21, v15;
	v16 =	vadd.f32 v23, v16  }
0x33d: {  	v53 =	vld [tilespmem:s29+$0xFFFFFFF0];
	v10 =	vadd.f32 v18, v10;
	v17 =	vadd.f32 v19, v17  }
0x33e: {  	v54 =	vld [tilespmem:s29+$0x20];
	v15 =	vadd.f32 v24, v15;
	v16 =	vadd.f32 v25, v16  }
0x33f: {  	v56 =	vld [tilespmem:s29+$0x30];
	v10 =	vadd.f32 v13, v10;
	v55 =	vadd.f32 v14, v17  }
0x340: {  	v57 =	vld [tilespmem:s29+$0x60];
	v15 =	vadd.f32 v26, v15;
	v16 =	vadd.f32 v51, v16  }
0x341: {  	v58 =	vld [tilespmem:s29+$0x70];
	v10 =	vadd.f32 v11, v10;
	v11 =	vadd.f32 v12, v55  }
0x342: {  	v61 =	vld [tilespmem:s29+$0xA0];
	v59 =	vadd.f32 v52, v15;
	v60 =	vadd.f32 v53, v16  }
0x343: {  	v8 =	vadd.f32 v8, v10;
	v10 =	vld [tilespmem:s29+$0xB0];
	v9 =	vadd.f32 v9, v11  }
0x344: {  	v63 =	vld [tilespmem:s29+$0xE0];
	v11 =	vadd.f32 v54, v59;
	v62 =	vadd.f32 v56, v60  }
0x345: {  	v6 =	vadd.f32 v6, v8;
	v8 =	vld [tilespmem:s29+$0xF0];
	v7 =	vadd.f32 v7, v9  }
.Ltmp40:
0x346: {  	v9 =	vadd.f32 v57, v11;
	v11 =	vadd.f32 v58, v62;
	(pc) =	sbr.rel .LBB2_47-.Ltmp40, $4  }
0x347: {  	v3 =	vadd.f32 v3, v6;
	v5 =	vadd.f32 v5, v7  }
0x348: {  	v6 =	vadd.f32 v61, v9;
	v7 =	vadd.f32 v10, v11  }
0x349: {  	v10 =	vadd.f32 v2, v3;
	v2 =	vadd.f32 v4, v5  }
0x34a: {  	v3 =	vadd.f32 v63, v6;
	v4 =	vadd.f32 v8, v7  }
.LBB2_43:
0x34b: {  	v2 =	vimm.f32 $0.0e+00;
	v3 =	vimm.f32 $0.0e+00;
	v4 =	vimm.f32 $0.0e+00  }
.LBB2_47:
0x34c: {  	s1 =	scvt.s32.f32 s28;
	_ =	sdelay $0x1  }
0x34d: {  	s1 =	sadd.f32 $9.999999710e-10, s1;
	_ =	sdelay $0x1  }
0x34e: {  	v5 =	vmov s1  }
0x34f: {  	(erf) = vrcp.f32 v5;
	_ =	sdelay $0x8  }
0x350: {  	v5 =	vpop (erf)  }
0x351: {  	v6 =	vmul.f32 v10, v5  }
0x352: {  	v2 =	vmul.f32 v2, v5  }
0x353: {  	v3 =	vmul.f32 v3, v5;
	[tilespmem:s25+$0x19000] =	vst v6  }
0x354: {  	s28 =	sadd.s32 $0x6, s23;
	[tilespmem:s25+$0x19010] =	vst v2;
	v2 =	vmul.f32 v4, v5  }
0x355: {  	s29 =	smul.u32 @!p0 $0xC8, s28;
	[tilespmem:s25+$0x19020] =	vst v3  }
0x356: {  	[tilespmem:s25+$0x19030] =	vst v2  }
0x357: {  	v2 =	vld @!p0 [tilespmem:s29+$0x6400];
	_ =	sdelay $0x4  }
0x358: {  	vm2 =	vne.s32 @!p0 v2, $0x0;
	v2 =	vimm.s32 @!p0 $0x0  }
0x359: {  	v3 =	vsel @!p0 vm2, $0x1, v2  }
0x35a: {  	(xrf0) =	vadd.scan.msk.s32 @!p0 $0xffff, v3;
	_ =	sdelay $0x5  }
0x35b: {  	v3, _, _ =	vpop @!p0 (xrf0)  }
0x35c: {  	v3 =	vadd.s32 @!p0 s29, v3  }
0x35d: {  	v4 =	vld @!p0 [tilespmem:s29+$0x0];
	v3 =	vadd.s32 @!p0 $0xFFFFFFFF, v3;
	_ =	sdelay $0x3  }
0x35e: {  	s25 =	simm.s32 @!p0 $0x0  }
0x35f: {  	[tilespmem:v3+s25+$0x0] =	vst.idx.msk @!p0 vm2, v4  }
0x360: {  	v3 =	vld @!p0 [tilespmem:s29+$0x6410];
	_ =	sdelay $0x4  }
0x361: {  	vm3 =	vne.s32 @!p0 v3, $0x0  }
0x362: {  	v3 =	vsel @!p0 vm3, $0x1, v2  }
0x363: {  	(xrf0) =	vadd.scan.msk.s32 @!p0 $0xffff, v3;
	_ =	sdelay $0x3  }
0x364: {  	v3 =	vmpcnt.ones.xlane @!p0 vm2;
	_ =	sdelay $0x1  }
0x365: {  	v3 =	vadd.s32 @!p0 s29, v3;
	v4, _, _ =	vpop @!p0 (xrf0)  }
0x366: {  	v4 =	vadd.s32 @!p0 v4, v3  }
0x367: {  	v5 =	vld @!p0 [tilespmem:s29+$0x10];
	v4 =	vadd.s32 @!p0 $0xFFFFFFFF, v4;
	_ =	sdelay $0x4  }
0x368: {  	[tilespmem:v4+s25+$0x0] =	vst.idx.msk @!p0 vm3, v5  }
0x369: {  	v4 =	vld @!p0 [tilespmem:s29+$0x6420];
	_ =	sdelay $0x4  }
0x36a: {  	vm2 =	vne.s32 @!p0 v4, $0x0  }
0x36b: {  	v4 =	vsel @!p0 vm2, $0x1, v2  }
0x36c: {  	(xrf0) =	vadd.scan.msk.s32 @!p0 $0xffff, v4;
	_ =	sdelay $0x1  }
0x36d: {  	v4 =	vmpcnt.ones.xlane @!p0 vm3;
	_ =	sdelay $0x3  }
0x36e: {  	v3 =	vadd.s32 @!p0 v3, v4;
	v4, _, _ =	vpop @!p0 (xrf0)  }
0x36f: {  	v4 =	vadd.s32 @!p0 v4, v3  }
0x370: {  	v5 =	vld @!p0 [tilespmem:s29+$0x20];
	v4 =	vadd.s32 @!p0 $0xFFFFFFFF, v4;
	_ =	sdelay $0x4  }
0x371: {  	[tilespmem:v4+s25+$0x0] =	vst.idx.msk @!p0 vm2, v5  }
0x372: {  	v4 =	vld @!p0 [tilespmem:s29+$0x6430];
	_ =	sdelay $0x4  }
0x373: {  	vm3 =	vne.s32 @!p0 v4, $0x0  }
0x374: {  	v4 =	vsel @!p0 vm3, $0x1, v2  }
0x375: {  	(xrf0) =	vadd.scan.msk.s32 @!p0 $0xffff, v4;
	_ =	sdelay $0x1  }
0x376: {  	v4 =	vmpcnt.ones.xlane @!p0 vm2;
	_ =	sdelay $0x3  }
0x377: {  	v3 =	vadd.s32 @!p0 v3, v4;
	v4, _, _ =	vpop @!p0 (xrf0)  }
0x378: {  	v4 =	vadd.s32 @!p0 v4, v3  }
0x379: {  	v5 =	vld @!p0 [tilespmem:s29+$0x30];
	v4 =	vadd.s32 @!p0 $0xFFFFFFFF, v4;
	_ =	sdelay $0x4  }
0x37a: {  	[tilespmem:v4+s25+$0x0] =	vst.idx.msk @!p0 vm3, v5  }
0x37b: {  	v4 =	vld @!p0 [tilespmem:s29+$0x6440];
	_ =	sdelay $0x4  }
0x37c: {  	vm2 =	vne.s32 @!p0 v4, $0x0  }
0x37d: {  	v4 =	vsel @!p0 vm2, $0x1, v2  }
0x37e: {  	(xrf0) =	vadd.scan.msk.s32 @!p0 $0xffff, v4;
	_ =	sdelay $0x1  }
0x37f: {  	v4 =	vmpcnt.ones.xlane @!p0 vm3;
	_ =	sdelay $0x3  }
0x380: {  	v3 =	vadd.s32 @!p0 v3, v4;
	v4, _, _ =	vpop @!p0 (xrf0)  }
0x381: {  	v4 =	vadd.s32 @!p0 v4, v3  }
0x382: {  	v5 =	vld @!p0 [tilespmem:s29+$0x40];
	v4 =	vadd.s32 @!p0 $0xFFFFFFFF, v4;
	_ =	sdelay $0x4  }
0x383: {  	[tilespmem:v4+s25+$0x0] =	vst.idx.msk @!p0 vm2, v5  }
0x384: {  	v4 =	vld @!p0 [tilespmem:s29+$0x6450];
	_ =	sdelay $0x4  }
0x385: {  	vm3 =	vne.s32 @!p0 v4, $0x0  }
0x386: {  	v4 =	vsel @!p0 vm3, $0x1, v2  }
0x387: {  	(xrf0) =	vadd.scan.msk.s32 @!p0 $0xffff, v4;
	_ =	sdelay $0x1  }
0x388: {  	v4 =	vmpcnt.ones.xlane @!p0 vm2;
	_ =	sdelay $0x3  }
0x389: {  	v3 =	vadd.s32 @!p0 v3, v4;
	v4, _, _ =	vpop @!p0 (xrf0)  }
0x38a: {  	v4 =	vadd.s32 @!p0 v4, v3  }
0x38b: {  	v5 =	vld @!p0 [tilespmem:s29+$0x50];
	v4 =	vadd.s32 @!p0 $0xFFFFFFFF, v4;
	_ =	sdelay $0x4  }
0x38c: {  	[tilespmem:v4+s25+$0x0] =	vst.idx.msk @!p0 vm3, v5  }
0x38d: {  	v4 =	vld @!p0 [tilespmem:s29+$0x6460];
	_ =	sdelay $0x4  }
0x38e: {  	vm2 =	vne.s32 @!p0 v4, $0x0  }
0x38f: {  	v4 =	vsel @!p0 vm2, $0x1, v2  }
0x390: {  	(xrf0) =	vadd.scan.msk.s32 @!p0 $0xffff, v4;
	_ =	sdelay $0x1  }
0x391: {  	v4 =	vmpcnt.ones.xlane @!p0 vm3;
	_ =	sdelay $0x3  }
0x392: {  	v3 =	vadd.s32 @!p0 v3, v4;
	v4, _, _ =	vpop @!p0 (xrf0)  }
0x393: {  	v4 =	vadd.s32 @!p0 v4, v3  }
0x394: {  	v5 =	vld @!p0 [tilespmem:s29+$0x60];
	v4 =	vadd.s32 @!p0 $0xFFFFFFFF, v4;
	_ =	sdelay $0x4  }
0x395: {  	[tilespmem:v4+s25+$0x0] =	vst.idx.msk @!p0 vm2, v5  }
0x396: {  	v4 =	vld @!p0 [tilespmem:s29+$0x6470];
	_ =	sdelay $0x4  }
0x397: {  	vm3 =	vne.s32 @!p0 v4, $0x0  }
0x398: {  	v4 =	vsel @!p0 vm3, $0x1, v2  }
0x399: {  	(xrf0) =	vadd.scan.msk.s32 @!p0 $0xffff, v4;
	_ =	sdelay $0x1  }
0x39a: {  	v4 =	vmpcnt.ones.xlane @!p0 vm2;
	_ =	sdelay $0x3  }
0x39b: {  	v3 =	vadd.s32 @!p0 v3, v4;
	v4, _, _ =	vpop @!p0 (xrf0)  }
0x39c: {  	v4 =	vadd.s32 @!p0 v4, v3  }
0x39d: {  	v5 =	vld @!p0 [tilespmem:s29+$0x70];
	v4 =	vadd.s32 @!p0 $0xFFFFFFFF, v4;
	_ =	sdelay $0x4  }
0x39e: {  	[tilespmem:v4+s25+$0x0] =	vst.idx.msk @!p0 vm3, v5  }
0x39f: {  	v4 =	vld @!p0 [tilespmem:s29+$0x6480];
	_ =	sdelay $0x4  }
0x3a0: {  	vm2 =	vne.s32 @!p0 v4, $0x0  }
0x3a1: {  	v4 =	vsel @!p0 vm2, $0x1, v2  }
0x3a2: {  	(xrf0) =	vadd.scan.msk.s32 @!p0 $0xffff, v4;
	_ =	sdelay $0x1  }
0x3a3: {  	v4 =	vmpcnt.ones.xlane @!p0 vm3;
	_ =	sdelay $0x3  }
0x3a4: {  	v3 =	vadd.s32 @!p0 v3, v4;
	v4, _, _ =	vpop @!p0 (xrf0)  }
0x3a5: {  	v4 =	vadd.s32 @!p0 v4, v3  }
0x3a6: {  	v5 =	vld @!p0 [tilespmem:s29+$0x80];
	v4 =	vadd.s32 @!p0 $0xFFFFFFFF, v4;
	_ =	sdelay $0x4  }
0x3a7: {  	[tilespmem:v4+s25+$0x0] =	vst.idx.msk @!p0 vm2, v5  }
0x3a8: {  	v4 =	vld @!p0 [tilespmem:s29+$0x6490];
	_ =	sdelay $0x4  }
0x3a9: {  	vm3 =	vne.s32 @!p0 v4, $0x0  }
0x3aa: {  	v4 =	vsel @!p0 vm3, $0x1, v2  }
0x3ab: {  	(xrf0) =	vadd.scan.msk.s32 @!p0 $0xffff, v4;
	_ =	sdelay $0x1  }
0x3ac: {  	v4 =	vmpcnt.ones.xlane @!p0 vm2;
	_ =	sdelay $0x3  }
0x3ad: {  	v3 =	vadd.s32 @!p0 v3, v4;
	v4, _, _ =	vpop @!p0 (xrf0)  }
0x3ae: {  	v4 =	vadd.s32 @!p0 v4, v3  }
0x3af: {  	v5 =	vld @!p0 [tilespmem:s29+$0x90];
	v4 =	vadd.s32 @!p0 $0xFFFFFFFF, v4;
	_ =	sdelay $0x4  }
0x3b0: {  	[tilespmem:v4+s25+$0x0] =	vst.idx.msk @!p0 vm3, v5  }
0x3b1: {  	v4 =	vld @!p0 [tilespmem:s29+$0x64A0];
	_ =	sdelay $0x4  }
0x3b2: {  	vm2 =	vne.s32 @!p0 v4, $0x0  }
0x3b3: {  	v4 =	vsel @!p0 vm2, $0x1, v2  }
0x3b4: {  	(xrf0) =	vadd.scan.msk.s32 @!p0 $0xffff, v4;
	_ =	sdelay $0x1  }
0x3b5: {  	v4 =	vmpcnt.ones.xlane @!p0 vm3;
	_ =	sdelay $0x3  }
0x3b6: {  	v3 =	vadd.s32 @!p0 v3, v4;
	v4, _, _ =	vpop @!p0 (xrf0)  }
0x3b7: {  	v4 =	vadd.s32 @!p0 v4, v3  }
0x3b8: {  	v5 =	vld @!p0 [tilespmem:s29+$0xA0];
	v4 =	vadd.s32 @!p0 $0xFFFFFFFF, v4;
	_ =	sdelay $0x4  }
0x3b9: {  	[tilespmem:v4+s25+$0x0] =	vst.idx.msk @!p0 vm2, v5  }
0x3ba: {  	v4 =	vld @!p0 [tilespmem:s29+$0x64B0];
	_ =	sdelay $0x4  }
0x3bb: {  	vm3 =	vne.s32 @!p0 v4, $0x0  }
0x3bc: {  	v4 =	vsel @!p0 vm3, $0x1, v2  }
0x3bd: {  	(xrf0) =	vadd.scan.msk.s32 @!p0 $0xffff, v4;
	_ =	sdelay $0x1  }
0x3be: {  	v4 =	vmpcnt.ones.xlane @!p0 vm2;
	_ =	sdelay $0x3  }
0x3bf: {  	v3 =	vadd.s32 @!p0 v3, v4;
	v4, _, _ =	vpop @!p0 (xrf0)  }
0x3c0: {  	v4 =	vadd.s32 @!p0 v4, v3  }
0x3c1: {  	v5 =	vld @!p0 [tilespmem:s29+$0xB0];
	v4 =	vadd.s32 @!p0 $0xFFFFFFFF, v4;
	_ =	sdelay $0x4  }
0x3c2: {  	[tilespmem:v4+s25+$0x0] =	vst.idx.msk @!p0 vm3, v5  }
0x3c3: {  	v4 =	vld @!p0 [tilespmem:s29+$0x64C0];
	_ =	sdelay $0x4  }
0x3c4: {  	vm2 =	vne.s32 @!p0 v4, $0x0  }
0x3c5: {  	vm2 =	vmand @!p0 vm2, vm1  }
0x3c6: {  	v2 =	vsel @!p0 vm2, $0x1, v2  }
0x3c7: {  	(xrf0) =	vadd.scan.msk.s32 @!p0 $0xffff, v2;
	_ =	sdelay $0x3  }
0x3c8: {  	v2 =	vmpcnt.ones.xlane @!p0 vm3;
	_ =	sdelay $0x1  }
0x3c9: {  	v2 =	vadd.s32 @!p0 v3, v2;
	v3, _, _ =	vpop @!p0 (xrf0)  }
0x3ca: {  	v3 =	vadd.s32 @!p0 v3, v2  }
0x3cb: {  	v4 =	vld @!p0 [tilespmem:s29+$0xC0];
	v3 =	vadd.s32 @!p0 $0xFFFFFFFF, v3;
	_ =	sdelay $0x2  }
0x3cc: {  	v5 =	vmov @!p0 s29;
	v6 =	vmpcnt.ones.xlane @!p0 vm2  }
0x3cd: {  	s1 =	sshll.u32 @!p0 s28, $0x4;
	v2 =	vsub.s32 @!p0 v2, v5  }
0x3ce: {  	v2 =	vadd.s32 @!p0 v6, v2;
	[tilespmem:v3+s25+$0x0] =	vst.idx.msk @!p0 vm2, v4;
	s25 =	sand.u32 @!p0 $0x3FFFFFF0, s1  }
0x3cf: {  	[tilespmem:s25+$0x1B000] =	vst @!p0 v2  }
0x3d0: {  	v2 =	vld @!p0 [tilespmem:s26+$0x1B000];
	_ =	sdelay $0x4  }
0x3d1: {  	(v2sf) =	vpush @!p0 v2, $0x0;
	_ =	sdelay $0xe  }
0x3d2: {  	s1 =	spop @!p0 (v2sf)  }
0x3d3: {  	s26 =	sadd.s32 @!p0 $0x27, s1  }
0x3d4: {  	s28 =	smulhi.u32 @!p0 $0x66666667, s26;
	s29 =	sshra.s32 @!p0 s26, $0x1F  }
0x3d5: {  	s29 =	smul.u32 @!p0 $0x66666667, s29;
	_ =	sdelay $0x1  }
0x3d6: {  	s28 =	sadd.s32 @!p0 s29, s28  }
0x3d7: {  	s29 =	sshrl.u32 @!p0 s28, $0x1F;
	s28 =	sshra.s32 @!p0 s28, $0x4  }
0x3d8: {  	s28 =	sadd.s32 @!p0 s29, s28  }
0x3d9: {  	s29 =	smul.u32 @!p0 $0xFFFFFFD8, s28  }
0x3da: {  	s1 =	ssub.s32 @!p0 $0xFFFFFFD9, s1  }
0x3db: {  	p1 =	slt.s32 @!p0 s26, $0x1;
	p2 =	sne.s32 @!p0 s29, s1  }
0x3dc: {  	p1 =	por @!p0 !p1, !p2  }
0x3dd: {  	p1 =	por @!p0 !p1, !p1  }
0x3de: {  	s1 =	simm.s32 @!p0 $0x1;
	p1 =	por !p1, p0  }
0x3df: {  	s1 =	simm.s32 @p1 $0x0  }
0x3e0: {  	s28 =	ssub.s32 @!p0 s28, s1  }
0x3e1: {  	p1 =	slt.s32 @!p0 s28, $0x1  }
0x3e2: {  	p1 =	por p0, p1  }
.Ltmp41:
0x3e3: {  	_ = 	snop;
	(pc) =	sbr.rel @p1 .LBB2_50-.Ltmp41, $2  }
0x3e4: {  	_ =	sdelay $0x2  }
0x3e5: {  	s26 =	simm.s32 @!p0 $0xFA00  }
0x3e6: {  	p1 =	sne.s32 s28, $0x1  }
.Ltmp42:
0x3e7: {  	_ = 	snop;
	(pc) =	sbr.rel @!p1 .LBB2_50-.Ltmp42, $3  }
0x3e8: {  	_ =	sdelay $0x1  }
0x3e9: {  	[tilespmem:s26], [sflag:$0x2] =	stream.indirect.gather [hbm4b:s3+s11], $0x40, s20, s11, $0xb8;
	[tilespmem:$0x1B800] =	vst v63  }
0x3ea: {  	s28 =	sadd.s32 $0xFFFFFFFF, s28;
	s29 =	smov.u32 s20  }
.LBB2_49:
0x3eb: {  	p1 =	sne.s32 s28, $0x1  }
.Ltmp43:
0x3ec: {  	_ = 	snop;
	(pc) =	sbr.rel @p1 .LBB2_49-.Ltmp43, $4  }
0x3ed: {  	_ = 	snop  }
0x3ee: {  	s29 =	sadd.s32 $0x28, s29;
	s26 =	sadd.s32 $0xA00, s26  }
0x3ef: {  	s28 =	sadd.s32 $0xFFFFFFFF, s28  }
0x3f0: {  	[tilespmem:s26], [sflag:$0x2] =	stream.indirect.gather [hbm4b:s3+s11], $0x40, s29, s11, $0xb8;
	[tilespmem:$0x1B800] =	vst v63  }
.LBB2_50:
0x3f1: {  	s24 =	sor.u32 $0x80, s24  }
0x3f2: {  	s1 =	sshrl.u32 s24, $0x2  }
0x3f3: {  	v2 =	vld [tilespmem:s1+$0x1B000];
	_ =	sdelay $0x4  }
0x3f4: {  	(v2sf) =	vpush v2, $0x0;
	_ =	sdelay $0xe  }
0x3f5: {  	s26 =	spop (v2sf)  }
0x3f6: {  	s31 =	sadd.s32 $0x27, s26  }
0x3f7: {  	s28 =	smulhi.u32 $0x66666667, s31;
	s29 =	sshra.s32 s31, $0x1F  }
0x3f8: {  	s29 =	smul.u32 $0x66666667, s29;
	_ =	sdelay $0x1  }
0x3f9: {  	s28 =	sadd.s32 s29, s28  }
0x3fa: {  	s29 =	sshrl.u32 s28, $0x1F;
	s28 =	sshra.s32 s28, $0x4  }
0x3fb: {  	s28 =	sadd.s32 s29, s28  }
0x3fc: {  	s29 =	smul.u32 $0xFFFFFFD8, s28  }
0x3fd: {  	s30 =	ssub.s32 $0xFFFFFFD9, s26  }
0x3fe: {  	p1 =	slt.s32 s31, $0x1;
	p2 =	sne.s32 s29, s30  }
0x3ff: {  	p1 =	por !p1, !p2  }
0x400: {  	s1 =	simm.s32 $0x1;
	p1 =	por !p1, !p1  }
0x401: {  	s1 =	simm.s32 @!p1 $0x0  }
0x402: {  	s28 =	ssub.s32 s28, s1  }
0x403: {  	p1 =	slt.s32 s28, $0x1  }
.Ltmp44:
0x404: {  	_ = 	snop;
	(pc) =	sbr.rel @p1 .LBB2_54-.Ltmp44, $1  }
0x405: {  	_ =	sdelay $0x3  }
0x406: {  	p1 =	sne.s32 s28, $0x1  }
.Ltmp45:
0x407: {  	_ = 	snop;
	(pc) =	sbr.rel @!p1 .LBB2_53-.Ltmp45, $3  }
0x408: {  	_ =	sdelay $0x1  }
0x409: {  	_ =	swait.ge [sflag:s13], $0xA00  }
0x40a: {  	s28 =	sadd.s32 $0xFFFFFFFF, s28;
	[sflag:s13] =	ssyncset.done $0x0  }
.LBB2_52:
0x40b: {  	p1 =	sne.s32 s28, $0x1;
	s28 =	sadd.s32 $0xFFFFFFFF, s28;
	[sflag:s13] =	ssyncadd.s32 $0xFFFFF600  }
.Ltmp46:
0x40c: {  	(pc) =	sbr.rel @p1 .LBB2_52-.Ltmp46, $3  }
0x40d: {  	_ =	sdelay $0x1  }
0x40e: {  	_ =	swait.ge [sflag:s13], $0xA00  }
0x40f: {  	[sflag:s13] =	ssyncset.done $0x0  }
.LBB2_53:
0x410: {  	[sflag:s13] =	ssyncadd.s32 $0xFFFFF600  }
.LBB2_54:
0x411: {  	s1 =	sadd.s32 $0x7, s26  }
0x412: {  	s28 =	sand.u32 $0x7, s1  }
0x413: {  	p2 =	slt.s32 s1, $0x1;
	p1 =	sne.s32 s28, $0x0;
	s28 =	sshra.s32 s1, $0x1F  }
0x414: {  	s28 =	sshrl.u32 s28, $0x1D;
	p1 =	por !p2, !p1  }
0x415: {  	s1 =	sadd.s32 s28, s1;
	p1 =	por !p1, !p1;
	s28 =	simm.s32 $0x1  }
0x416: {  	s1 =	sshrl.u32 s1, $0x3;
	s28 =	simm.s32 @!p1 $0x0  }
0x417: {  	s1 =	ssub.s32 s1, s28  }
0x418: {  	s28 =	sshll.u32 s1, $0x3  }
0x419: {  	s30 =	ssub.s32 s28, s26  }
0x41a: {  	p1 =	slt.s32 s30, $0x1  }
.Ltmp47:
0x41b: {  	_ = 	snop;
	(pc) =	sbr.rel @p1 .LBB2_58-.Ltmp47, $1  }
0x41c: {  	_ =	sdelay $0x3  }
0x41d: {  	s1 =	sshll.u32 s26, $0x8;
	p1 =	sne.s32 s30, $0x1  }
.Ltmp48:
0x41e: {  	s1 =	sshra.s32 s1, $0x2;
	(pc) =	sbr.rel @!p1 .LBB2_57-.Ltmp48, $4  }
0x41f: {  	s29 =	sadd.s32 $0x12C20, s1  }
0x420: {  	[tilespmem:s29+$0xFFFFFFE0] =	vst v1  }
0x421: {  	[tilespmem:s29+$0x10] =	vst v1  }
0x422: {  	s30 =	sadd.s32 $0xFFFFFFFF, s30;
	[tilespmem:s29+$0x0] =	vst v1  }
.LBB2_56:
0x423: {  	p1 =	sne.s32 s30, $0x1;
	s30 =	sadd.s32 $0xFFFFFFFF, s30;
	[tilespmem:s29+$0xFFFFFFF0] =	vst v1;
	s29 =	sadd.s32 $0x40, s29  }
.Ltmp49:
0x424: {  	[tilespmem:s29+$0xFFFFFFE0] =	vst v1;
	(pc) =	sbr.rel @p1 .LBB2_56-.Ltmp49, $3  }
0x425: {  	_ =	sdelay $0x1  }
0x426: {  	[tilespmem:s29+$0x10] =	vst v1  }
0x427: {  	[tilespmem:s29+$0x0] =	vst v1  }
.LBB2_57:
0x428: {  	[tilespmem:s29+$0xFFFFFFF0] =	vst v1  }
.LBB2_58:
0x429: {  	s29 =	sshra.s32 s28, $0x3  }
0x42a: {  	p1 =	slt.s32 s29, $0x1  }
.Ltmp50:
0x42b: {  	_ = 	snop;
	(pc) =	sbr.rel @p1 .LBB2_59-.Ltmp50, $2  }
0x42c: {  	_ =	sdelay $0x2  }
0x42d: {  	v10 =	vimm.f32 $0.0e+00;
	s28 =	simm.s32 $0x12D00  }
0x42e: {  	v2 =	vld [tilespmem:s28+$0xC0]  }
0x42f: {  	v4 =	vld [tilespmem:s28+$0xD0]  }
0x430: {  	v3 =	vld [tilespmem:s28+$0x80]  }
0x431: {  	v5 =	vld [tilespmem:s28+$0x90]  }
0x432: {  	v6 =	vld [tilespmem:s28+$0x40]  }
0x433: {  	v7 =	vld [tilespmem:s28+$0x50]  }
0x434: {  	v8 =	vld [tilespmem:s28+$0x0]  }
0x435: {  	v9 =	vld [tilespmem:s28+$0x10]  }
0x436: {  	v11 =	vld [tilespmem:s28+$0xFFFFFFC0]  }
0x437: {  	v12 =	vld [tilespmem:s28+$0xFFFFFFD0]  }
0x438: {  	v13 =	vld [tilespmem:s28+$0xFFFFFF80]  }
0x439: {  	v14 =	vld [tilespmem:s28+$0xFFFFFF90]  }
0x43a: {  	v18 =	vld [tilespmem:s28+$0xFFFFFF40];
	p1 =	sne.s32 s29, $0x1  }
.Ltmp51:
0x43b: {  	v19 =	vld [tilespmem:s28+$0xFFFFFF50];
	(pc) =	sbr.rel @!p1 .LBB2_62-.Ltmp51, $4  }
0x43c: {  	v20 =	vld [tilespmem:s28+$0xFFFFFF00]  }
0x43d: {  	v22 =	vld [tilespmem:s28+$0xFFFFFF10]  }
0x43e: {  	v21 =	vld [tilespmem:s28+$0xFFFFFF20]  }
0x43f: {  	v23 =	vld [tilespmem:s28+$0xFFFFFF30];
	s29 =	sadd.s32 $0xFFFFFFFF, s29;
	v17 =	vimm.f32 $0.0e+00;
	v15 =	vimm.f32 $0.0e+00;
	v16 =	vimm.f32 $0.0e+00  }
.LBB2_61:
0x440: {  	p1 =	sne.s32 s29, $0x1;
	v24 =	vld [tilespmem:s28+$0xFFFFFF60]  }
0x441: {  	v25 =	vld [tilespmem:s28+$0xFFFFFF70]  }
0x442: {  	v26 =	vld [tilespmem:s28+$0xFFFFFFA0]  }
0x443: {  	v10 =	vadd.f32 v20, v10;
	v17 =	vadd.f32 v22, v17;
	v20 =	vld [tilespmem:s28+$0xFFFFFFB0]  }
0x444: {  	v15 =	vadd.f32 v21, v15;
	v16 =	vadd.f32 v23, v16;
	v21 =	vld [tilespmem:s28+$0xFFFFFFE0]  }
0x445: {  	v10 =	vadd.f32 v18, v10;
	v17 =	vadd.f32 v19, v17;
	v18 =	vld [tilespmem:s28+$0xFFFFFFF0]  }
0x446: {  	v15 =	vadd.f32 v24, v15;
	v16 =	vadd.f32 v25, v16;
	v19 =	vld [tilespmem:s28+$0x20]  }
0x447: {  	v10 =	vadd.f32 v13, v10;
	v13 =	vadd.f32 v14, v17;
	v14 =	vld [tilespmem:s28+$0x30]  }
0x448: {  	v15 =	vadd.f32 v26, v15;
	v16 =	vadd.f32 v20, v16;
	v17 =	vld [tilespmem:s28+$0x60]  }
0x449: {  	v10 =	vadd.f32 v11, v10;
	v11 =	vadd.f32 v12, v13;
	v12 =	vld [tilespmem:s28+$0x70]  }
0x44a: {  	v13 =	vadd.f32 v21, v15;
	v15 =	vadd.f32 v18, v16;
	v16 =	vld [tilespmem:s28+$0xA0]  }
0x44b: {  	v8 =	vadd.f32 v8, v10;
	v9 =	vadd.f32 v9, v11;
	v10 =	vld [tilespmem:s28+$0xB0]  }
0x44c: {  	v11 =	vadd.f32 v19, v13;
	v13 =	vadd.f32 v14, v15;
	v14 =	vld [tilespmem:s28+$0xE0]  }
0x44d: {  	v6 =	vadd.f32 v6, v8;
	v7 =	vadd.f32 v7, v9;
	v8 =	vld [tilespmem:s28+$0xF0];
	s28 =	sadd.s32 $0x200, s28  }
0x44e: {  	v11 =	vadd.f32 v17, v11;
	v9 =	vld [tilespmem:s28+$0xC0];
	v12 =	vadd.f32 v12, v13  }
0x44f: {  	v6 =	vadd.f32 v3, v6;
	v7 =	vadd.f32 v5, v7;
	v13 =	vld [tilespmem:s28+$0xD0]  }
0x450: {  	v11 =	vadd.f32 v16, v11;
	v3 =	vld [tilespmem:s28+$0x80];
	v12 =	vadd.f32 v10, v12  }
0x451: {  	v10 =	vadd.f32 v2, v6;
	v17 =	vadd.f32 v4, v7;
	v5 =	vld [tilespmem:s28+$0x90]  }
0x452: {  	v15 =	vadd.f32 v14, v11;
	v6 =	vld [tilespmem:s28+$0x40];
	v16 =	vadd.f32 v8, v12  }
0x453: {  	v7 =	vld [tilespmem:s28+$0x50];
	v2 =	vmov v9  }
0x454: {  	v8 =	vld [tilespmem:s28+$0x0];
	v4 =	vmov v13  }
0x455: {  	v9 =	vld [tilespmem:s28+$0x10]  }
0x456: {  	v11 =	vld [tilespmem:s28+$0xFFFFFFC0]  }
0x457: {  	v12 =	vld [tilespmem:s28+$0xFFFFFFD0]  }
0x458: {  	v13 =	vld [tilespmem:s28+$0xFFFFFF80]  }
0x459: {  	v14 =	vld [tilespmem:s28+$0xFFFFFF90]  }
0x45a: {  	v18 =	vld [tilespmem:s28+$0xFFFFFF40]  }
.Ltmp52:
0x45b: {  	v19 =	vld [tilespmem:s28+$0xFFFFFF50];
	(pc) =	sbr.rel @p1 .LBB2_61-.Ltmp52, $4  }
0x45c: {  	v20 =	vld [tilespmem:s28+$0xFFFFFF00]  }
0x45d: {  	v22 =	vld [tilespmem:s28+$0xFFFFFF10]  }
0x45e: {  	v21 =	vld [tilespmem:s28+$0xFFFFFF20]  }
0x45f: {  	s29 =	sadd.s32 $0xFFFFFFFF, s29;
	v23 =	vld [tilespmem:s28+$0xFFFFFF30]  }
.LBB2_62:
0x460: {  	v24 =	vld [tilespmem:s28+$0xFFFFFF60]  }
0x461: {  	v25 =	vld [tilespmem:s28+$0xFFFFFF70]  }
0x462: {  	v26 =	vld [tilespmem:s28+$0xFFFFFFA0]  }
0x463: {  	v51 =	vld [tilespmem:s28+$0xFFFFFFB0];
	v10 =	vadd.f32 v20, v10;
	v17 =	vadd.f32 v22, v17  }
0x464: {  	v52 =	vld [tilespmem:s28+$0xFFFFFFE0];
	v15 =	vadd.f32 v21, v15;
	v16 =	vadd.f32 v23, v16  }
0x465: {  	v53 =	vld [tilespmem:s28+$0xFFFFFFF0];
	v10 =	vadd.f32 v18, v10;
	v17 =	vadd.f32 v19, v17  }
0x466: {  	v54 =	vld [tilespmem:s28+$0x20];
	v15 =	vadd.f32 v24, v15;
	v16 =	vadd.f32 v25, v16  }
0x467: {  	v56 =	vld [tilespmem:s28+$0x30];
	v10 =	vadd.f32 v13, v10;
	v55 =	vadd.f32 v14, v17  }
0x468: {  	v57 =	vld [tilespmem:s28+$0x60];
	v15 =	vadd.f32 v26, v15;
	v16 =	vadd.f32 v51, v16  }
0x469: {  	v58 =	vld [tilespmem:s28+$0x70];
	v10 =	vadd.f32 v11, v10;
	v11 =	vadd.f32 v12, v55  }
0x46a: {  	v61 =	vld [tilespmem:s28+$0xA0];
	v59 =	vadd.f32 v52, v15;
	v60 =	vadd.f32 v53, v16  }
0x46b: {  	v8 =	vadd.f32 v8, v10;
	v10 =	vld [tilespmem:s28+$0xB0];
	v9 =	vadd.f32 v9, v11  }
0x46c: {  	v63 =	vld [tilespmem:s28+$0xE0];
	v11 =	vadd.f32 v54, v59;
	v62 =	vadd.f32 v56, v60  }
0x46d: {  	v6 =	vadd.f32 v6, v8;
	v8 =	vld [tilespmem:s28+$0xF0];
	v7 =	vadd.f32 v7, v9  }
.Ltmp53:
0x46e: {  	v9 =	vadd.f32 v57, v11;
	v11 =	vadd.f32 v58, v62;
	(pc) =	sbr.rel .LBB2_63-.Ltmp53, $4  }
0x46f: {  	v3 =	vadd.f32 v3, v6;
	v5 =	vadd.f32 v5, v7  }
0x470: {  	v6 =	vadd.f32 v61, v9;
	v7 =	vadd.f32 v10, v11  }
0x471: {  	v10 =	vadd.f32 v2, v3;
	v2 =	vadd.f32 v4, v5  }
0x472: {  	v3 =	vadd.f32 v63, v6;
	v4 =	vadd.f32 v8, v7  }
.LBB2_59:
0x473: {  	v2 =	vimm.f32 $0.0e+00;
	v3 =	vimm.f32 $0.0e+00;
	v4 =	vimm.f32 $0.0e+00  }
.LBB2_63:
0x474: {  	s1 =	scvt.s32.f32 s26;
	_ =	sdelay $0x1  }
0x475: {  	s1 =	sadd.f32 $9.999999710e-10, s1;
	_ =	sdelay $0x1  }
0x476: {  	v5 =	vmov s1  }
0x477: {  	(erf) = vrcp.f32 v5;
	_ =	sdelay $0x8  }
0x478: {  	v5 =	vpop (erf)  }
0x479: {  	v6 =	vmul.f32 v10, v5  }
0x47a: {  	v2 =	vmul.f32 v2, v5  }
0x47b: {  	v3 =	vmul.f32 v3, v5;
	[tilespmem:s24+$0x19000] =	vst v6  }
0x47c: {  	s23 =	sadd.s32 @!p0 $0x7, s23;
	[tilespmem:s24+$0x19010] =	vst v2;
	v2 =	vmul.f32 v4, v5  }
0x47d: {  	s26 =	smul.u32 @!p0 $0xC8, s23;
	[tilespmem:s24+$0x19020] =	vst v3  }
0x47e: {  	[tilespmem:s24+$0x19030] =	vst v2  }
0x47f: {  	v2 =	vld @!p0 [tilespmem:s26+$0x6400];
	_ =	sdelay $0x4  }
0x480: {  	vm2 =	vne.s32 @!p0 v2, $0x0;
	v2 =	vimm.s32 @!p0 $0x0  }
0x481: {  	v3 =	vsel @!p0 vm2, $0x1, v2  }
0x482: {  	(xrf0) =	vadd.scan.msk.s32 @!p0 $0xffff, v3;
	_ =	sdelay $0x5  }
0x483: {  	v3, _, _ =	vpop @!p0 (xrf0)  }
0x484: {  	v3 =	vadd.s32 @!p0 s26, v3  }
0x485: {  	v4 =	vld @!p0 [tilespmem:s26+$0x0];
	v3 =	vadd.s32 @!p0 $0xFFFFFFFF, v3;
	_ =	sdelay $0x3  }
0x486: {  	s24 =	simm.s32 @!p0 $0x0  }
0x487: {  	[tilespmem:v3+s24+$0x0] =	vst.idx.msk @!p0 vm2, v4  }
0x488: {  	v3 =	vld @!p0 [tilespmem:s26+$0x6410];
	_ =	sdelay $0x4  }
0x489: {  	vm3 =	vne.s32 @!p0 v3, $0x0  }
0x48a: {  	v3 =	vsel @!p0 vm3, $0x1, v2  }
0x48b: {  	(xrf0) =	vadd.scan.msk.s32 @!p0 $0xffff, v3;
	_ =	sdelay $0x3  }
0x48c: {  	v3 =	vmpcnt.ones.xlane @!p0 vm2;
	_ =	sdelay $0x1  }
0x48d: {  	v3 =	vadd.s32 @!p0 s26, v3;
	v4, _, _ =	vpop @!p0 (xrf0)  }
0x48e: {  	v4 =	vadd.s32 @!p0 v4, v3  }
0x48f: {  	v5 =	vld @!p0 [tilespmem:s26+$0x10];
	v4 =	vadd.s32 @!p0 $0xFFFFFFFF, v4;
	_ =	sdelay $0x4  }
0x490: {  	[tilespmem:v4+s24+$0x0] =	vst.idx.msk @!p0 vm3, v5  }
0x491: {  	v4 =	vld @!p0 [tilespmem:s26+$0x6420];
	_ =	sdelay $0x4  }
0x492: {  	vm2 =	vne.s32 @!p0 v4, $0x0  }
0x493: {  	v4 =	vsel @!p0 vm2, $0x1, v2  }
0x494: {  	(xrf0) =	vadd.scan.msk.s32 @!p0 $0xffff, v4;
	_ =	sdelay $0x1  }
0x495: {  	v4 =	vmpcnt.ones.xlane @!p0 vm3;
	_ =	sdelay $0x3  }
0x496: {  	v3 =	vadd.s32 @!p0 v3, v4;
	v4, _, _ =	vpop @!p0 (xrf0)  }
0x497: {  	v4 =	vadd.s32 @!p0 v4, v3  }
0x498: {  	v5 =	vld @!p0 [tilespmem:s26+$0x20];
	v4 =	vadd.s32 @!p0 $0xFFFFFFFF, v4;
	_ =	sdelay $0x4  }
0x499: {  	[tilespmem:v4+s24+$0x0] =	vst.idx.msk @!p0 vm2, v5  }
0x49a: {  	v4 =	vld @!p0 [tilespmem:s26+$0x6430];
	_ =	sdelay $0x4  }
0x49b: {  	vm3 =	vne.s32 @!p0 v4, $0x0  }
0x49c: {  	v4 =	vsel @!p0 vm3, $0x1, v2  }
0x49d: {  	(xrf0) =	vadd.scan.msk.s32 @!p0 $0xffff, v4;
	_ =	sdelay $0x1  }
0x49e: {  	v4 =	vmpcnt.ones.xlane @!p0 vm2;
	_ =	sdelay $0x3  }
0x49f: {  	v3 =	vadd.s32 @!p0 v3, v4;
	v4, _, _ =	vpop @!p0 (xrf0)  }
0x4a0: {  	v4 =	vadd.s32 @!p0 v4, v3  }
0x4a1: {  	v5 =	vld @!p0 [tilespmem:s26+$0x30];
	v4 =	vadd.s32 @!p0 $0xFFFFFFFF, v4;
	_ =	sdelay $0x4  }
0x4a2: {  	[tilespmem:v4+s24+$0x0] =	vst.idx.msk @!p0 vm3, v5  }
0x4a3: {  	v4 =	vld @!p0 [tilespmem:s26+$0x6440];
	_ =	sdelay $0x4  }
0x4a4: {  	vm2 =	vne.s32 @!p0 v4, $0x0  }
0x4a5: {  	v4 =	vsel @!p0 vm2, $0x1, v2  }
0x4a6: {  	(xrf0) =	vadd.scan.msk.s32 @!p0 $0xffff, v4;
	_ =	sdelay $0x1  }
0x4a7: {  	v4 =	vmpcnt.ones.xlane @!p0 vm3;
	_ =	sdelay $0x3  }
0x4a8: {  	v3 =	vadd.s32 @!p0 v3, v4;
	v4, _, _ =	vpop @!p0 (xrf0)  }
0x4a9: {  	v4 =	vadd.s32 @!p0 v4, v3  }
0x4aa: {  	v5 =	vld @!p0 [tilespmem:s26+$0x40];
	v4 =	vadd.s32 @!p0 $0xFFFFFFFF, v4;
	_ =	sdelay $0x4  }
0x4ab: {  	[tilespmem:v4+s24+$0x0] =	vst.idx.msk @!p0 vm2, v5  }
0x4ac: {  	v4 =	vld @!p0 [tilespmem:s26+$0x6450];
	_ =	sdelay $0x4  }
0x4ad: {  	vm3 =	vne.s32 @!p0 v4, $0x0  }
0x4ae: {  	v4 =	vsel @!p0 vm3, $0x1, v2  }
0x4af: {  	(xrf0) =	vadd.scan.msk.s32 @!p0 $0xffff, v4;
	_ =	sdelay $0x1  }
0x4b0: {  	v4 =	vmpcnt.ones.xlane @!p0 vm2;
	_ =	sdelay $0x3  }
0x4b1: {  	v3 =	vadd.s32 @!p0 v3, v4;
	v4, _, _ =	vpop @!p0 (xrf0)  }
0x4b2: {  	v4 =	vadd.s32 @!p0 v4, v3  }
0x4b3: {  	v5 =	vld @!p0 [tilespmem:s26+$0x50];
	v4 =	vadd.s32 @!p0 $0xFFFFFFFF, v4;
	_ =	sdelay $0x4  }
0x4b4: {  	[tilespmem:v4+s24+$0x0] =	vst.idx.msk @!p0 vm3, v5  }
0x4b5: {  	v4 =	vld @!p0 [tilespmem:s26+$0x6460];
	_ =	sdelay $0x4  }
0x4b6: {  	vm2 =	vne.s32 @!p0 v4, $0x0  }
0x4b7: {  	v4 =	vsel @!p0 vm2, $0x1, v2  }
0x4b8: {  	(xrf0) =	vadd.scan.msk.s32 @!p0 $0xffff, v4;
	_ =	sdelay $0x1  }
0x4b9: {  	v4 =	vmpcnt.ones.xlane @!p0 vm3;
	_ =	sdelay $0x3  }
0x4ba: {  	v3 =	vadd.s32 @!p0 v3, v4;
	v4, _, _ =	vpop @!p0 (xrf0)  }
0x4bb: {  	v4 =	vadd.s32 @!p0 v4, v3  }
0x4bc: {  	v5 =	vld @!p0 [tilespmem:s26+$0x60];
	v4 =	vadd.s32 @!p0 $0xFFFFFFFF, v4;
	_ =	sdelay $0x4  }
0x4bd: {  	[tilespmem:v4+s24+$0x0] =	vst.idx.msk @!p0 vm2, v5  }
0x4be: {  	v4 =	vld @!p0 [tilespmem:s26+$0x6470];
	_ =	sdelay $0x4  }
0x4bf: {  	vm3 =	vne.s32 @!p0 v4, $0x0  }
0x4c0: {  	v4 =	vsel @!p0 vm3, $0x1, v2  }
0x4c1: {  	(xrf0) =	vadd.scan.msk.s32 @!p0 $0xffff, v4;
	_ =	sdelay $0x1  }
0x4c2: {  	v4 =	vmpcnt.ones.xlane @!p0 vm2;
	_ =	sdelay $0x3  }
0x4c3: {  	v3 =	vadd.s32 @!p0 v3, v4;
	v4, _, _ =	vpop @!p0 (xrf0)  }
0x4c4: {  	v4 =	vadd.s32 @!p0 v4, v3  }
0x4c5: {  	v5 =	vld @!p0 [tilespmem:s26+$0x70];
	v4 =	vadd.s32 @!p0 $0xFFFFFFFF, v4;
	_ =	sdelay $0x4  }
0x4c6: {  	[tilespmem:v4+s24+$0x0] =	vst.idx.msk @!p0 vm3, v5  }
0x4c7: {  	v4 =	vld @!p0 [tilespmem:s26+$0x6480];
	_ =	sdelay $0x4  }
0x4c8: {  	vm2 =	vne.s32 @!p0 v4, $0x0  }
0x4c9: {  	v4 =	vsel @!p0 vm2, $0x1, v2  }
0x4ca: {  	(xrf0) =	vadd.scan.msk.s32 @!p0 $0xffff, v4;
	_ =	sdelay $0x1  }
0x4cb: {  	v4 =	vmpcnt.ones.xlane @!p0 vm3;
	_ =	sdelay $0x3  }
0x4cc: {  	v3 =	vadd.s32 @!p0 v3, v4;
	v4, _, _ =	vpop @!p0 (xrf0)  }
0x4cd: {  	v4 =	vadd.s32 @!p0 v4, v3  }
0x4ce: {  	v5 =	vld @!p0 [tilespmem:s26+$0x80];
	v4 =	vadd.s32 @!p0 $0xFFFFFFFF, v4;
	_ =	sdelay $0x4  }
0x4cf: {  	[tilespmem:v4+s24+$0x0] =	vst.idx.msk @!p0 vm2, v5  }
0x4d0: {  	v4 =	vld @!p0 [tilespmem:s26+$0x6490];
	_ =	sdelay $0x4  }
0x4d1: {  	vm3 =	vne.s32 @!p0 v4, $0x0  }
0x4d2: {  	v4 =	vsel @!p0 vm3, $0x1, v2  }
0x4d3: {  	(xrf0) =	vadd.scan.msk.s32 @!p0 $0xffff, v4;
	_ =	sdelay $0x1  }
0x4d4: {  	v4 =	vmpcnt.ones.xlane @!p0 vm2;
	_ =	sdelay $0x3  }
0x4d5: {  	v3 =	vadd.s32 @!p0 v3, v4;
	v4, _, _ =	vpop @!p0 (xrf0)  }
0x4d6: {  	v4 =	vadd.s32 @!p0 v4, v3  }
0x4d7: {  	v5 =	vld @!p0 [tilespmem:s26+$0x90];
	v4 =	vadd.s32 @!p0 $0xFFFFFFFF, v4;
	_ =	sdelay $0x4  }
0x4d8: {  	[tilespmem:v4+s24+$0x0] =	vst.idx.msk @!p0 vm3, v5  }
0x4d9: {  	v4 =	vld @!p0 [tilespmem:s26+$0x64A0];
	_ =	sdelay $0x4  }
0x4da: {  	vm2 =	vne.s32 @!p0 v4, $0x0  }
0x4db: {  	v4 =	vsel @!p0 vm2, $0x1, v2  }
0x4dc: {  	(xrf0) =	vadd.scan.msk.s32 @!p0 $0xffff, v4;
	_ =	sdelay $0x1  }
0x4dd: {  	v4 =	vmpcnt.ones.xlane @!p0 vm3;
	_ =	sdelay $0x3  }
0x4de: {  	v3 =	vadd.s32 @!p0 v3, v4;
	v4, _, _ =	vpop @!p0 (xrf0)  }
0x4df: {  	v4 =	vadd.s32 @!p0 v4, v3  }
0x4e0: {  	v5 =	vld @!p0 [tilespmem:s26+$0xA0];
	v4 =	vadd.s32 @!p0 $0xFFFFFFFF, v4;
	_ =	sdelay $0x4  }
0x4e1: {  	[tilespmem:v4+s24+$0x0] =	vst.idx.msk @!p0 vm2, v5  }
0x4e2: {  	v4 =	vld @!p0 [tilespmem:s26+$0x64B0];
	_ =	sdelay $0x4  }
0x4e3: {  	vm3 =	vne.s32 @!p0 v4, $0x0  }
0x4e4: {  	v4 =	vsel @!p0 vm3, $0x1, v2  }
0x4e5: {  	(xrf0) =	vadd.scan.msk.s32 @!p0 $0xffff, v4;
	_ =	sdelay $0x1  }
0x4e6: {  	v4 =	vmpcnt.ones.xlane @!p0 vm2;
	_ =	sdelay $0x3  }
0x4e7: {  	v3 =	vadd.s32 @!p0 v3, v4;
	v4, _, _ =	vpop @!p0 (xrf0)  }
0x4e8: {  	v4 =	vadd.s32 @!p0 v4, v3  }
0x4e9: {  	v5 =	vld @!p0 [tilespmem:s26+$0xB0];
	v4 =	vadd.s32 @!p0 $0xFFFFFFFF, v4;
	_ =	sdelay $0x4  }
0x4ea: {  	[tilespmem:v4+s24+$0x0] =	vst.idx.msk @!p0 vm3, v5  }
0x4eb: {  	v4 =	vld @!p0 [tilespmem:s26+$0x64C0];
	_ =	sdelay $0x4  }
0x4ec: {  	vm2 =	vne.s32 @!p0 v4, $0x0  }
0x4ed: {  	vm1 =	vmand @!p0 vm2, vm1  }
0x4ee: {  	v2 =	vsel @!p0 vm1, $0x1, v2  }
0x4ef: {  	(xrf0) =	vadd.scan.msk.s32 @!p0 $0xffff, v2;
	_ =	sdelay $0x3  }
0x4f0: {  	v2 =	vmpcnt.ones.xlane @!p0 vm3;
	_ =	sdelay $0x1  }
0x4f1: {  	v2 =	vadd.s32 @!p0 v3, v2;
	v3, _, _ =	vpop @!p0 (xrf0)  }
0x4f2: {  	v3 =	vadd.s32 @!p0 v3, v2  }
0x4f3: {  	v4 =	vld @!p0 [tilespmem:s26+$0xC0];
	v3 =	vadd.s32 @!p0 $0xFFFFFFFF, v3;
	_ =	sdelay $0x2  }
0x4f4: {  	v5 =	vmov @!p0 s26;
	v6 =	vmpcnt.ones.xlane @!p0 vm1  }
0x4f5: {  	s1 =	sshll.u32 @!p0 s23, $0x4;
	v2 =	vsub.s32 @!p0 v2, v5  }
0x4f6: {  	s1 =	sand.u32 @!p0 $0x3FFFFFF0, s1;
	v2 =	vadd.s32 @!p0 v6, v2;
	[tilespmem:v3+s24+$0x0] =	vst.idx.msk @!p0 vm1, v4  }
0x4f7: {  	[tilespmem:s1+$0x1B000] =	vst @!p0 v2  }
0x4f8: {  	v2 =	vld @!p0 [tilespmem:s25+$0x1B000];
	_ =	sdelay $0x4  }
0x4f9: {  	(v2sf) =	vpush @!p0 v2, $0x0;
	_ =	sdelay $0xe  }
0x4fa: {  	s1 =	spop @!p0 (v2sf)  }
0x4fb: {  	s23 =	sadd.s32 @!p0 $0x27, s1  }
0x4fc: {  	s24 =	smulhi.u32 @!p0 $0x66666667, s23;
	s25 =	sshra.s32 @!p0 s23, $0x1F  }
0x4fd: {  	s25 =	smul.u32 @!p0 $0x66666667, s25;
	_ =	sdelay $0x1  }
0x4fe: {  	s24 =	sadd.s32 @!p0 s25, s24  }
0x4ff: {  	s25 =	sshrl.u32 @!p0 s24, $0x1F;
	s24 =	sshra.s32 @!p0 s24, $0x4  }
0x500: {  	s24 =	sadd.s32 @!p0 s25, s24  }
0x501: {  	s25 =	smul.u32 @!p0 $0xFFFFFFD8, s24  }
0x502: {  	s1 =	ssub.s32 @!p0 $0xFFFFFFD9, s1  }
0x503: {  	p1 =	slt.s32 @!p0 s23, $0x1;
	p2 =	sne.s32 @!p0 s25, s1  }
0x504: {  	p1 =	por @!p0 !p1, !p2  }
0x505: {  	p1 =	por @!p0 !p1, !p1  }
0x506: {  	s1 =	simm.s32 @!p0 $0x1;
	p1 =	por !p1, p0  }
0x507: {  	s1 =	simm.s32 @p1 $0x0  }
0x508: {  	s24 =	ssub.s32 @!p0 s24, s1  }
0x509: {  	p1 =	slt.s32 @!p0 s24, $0x1  }
0x50a: {  	p1 =	por p0, p1  }
.Ltmp54:
0x50b: {  	_ = 	snop;
	(pc) =	sbr.rel @p1 .LBB2_66-.Ltmp54, $2  }
0x50c: {  	_ =	sdelay $0x2  }
0x50d: {  	s23 =	simm.s32 @!p0 $0x12C00  }
0x50e: {  	p0 =	sne.s32 s24, $0x1  }
.Ltmp55:
0x50f: {  	_ = 	snop;
	(pc) =	sbr.rel @!p0 .LBB2_66-.Ltmp55, $3  }
0x510: {  	_ =	sdelay $0x1  }
0x511: {  	[tilespmem:s23], [sflag:$0x3] =	stream.indirect.gather [hbm4b:s3+s11], $0x40, s21, s11, $0xb8;
	[tilespmem:$0x1B800] =	vst v63  }
0x512: {  	s24 =	sadd.s32 $0xFFFFFFFF, s24;
	s25 =	smov.u32 s21  }
.LBB2_65:
0x513: {  	p0 =	sne.s32 s24, $0x1  }
.Ltmp56:
0x514: {  	_ = 	snop;
	(pc) =	sbr.rel @p0 .LBB2_65-.Ltmp56, $4  }
0x515: {  	_ = 	snop  }
0x516: {  	s25 =	sadd.s32 $0x28, s25;
	s23 =	sadd.s32 $0xA00, s23  }
0x517: {  	s24 =	sadd.s32 $0xFFFFFFFF, s24  }
0x518: {  	[tilespmem:s23], [sflag:$0x3] =	stream.indirect.gather [hbm4b:s3+s11], $0x40, s25, s11, $0xb8;
	[tilespmem:$0x1B800] =	vst v63  }
.LBB2_66:
0x519: {  	s1 =	sshra.s32 s22, $0x2  }
0x51a: {  	v2 =	vld [tilespmem:s1+$0x1B000];
	_ =	sdelay $0x4  }
0x51b: {  	(v2sf) =	vpush v2, $0x0;
	_ =	sdelay $0xe  }
0x51c: {  	s23 =	spop (v2sf)  }
0x51d: {  	s31 =	sadd.s32 $0x27, s23  }
0x51e: {  	s24 =	smulhi.u32 $0x66666667, s31;
	s25 =	sshra.s32 s31, $0x1F  }
0x51f: {  	s25 =	smul.u32 $0x66666667, s25;
	_ =	sdelay $0x1  }
0x520: {  	s24 =	sadd.s32 s25, s24  }
0x521: {  	s25 =	sshrl.u32 s24, $0x1F;
	s24 =	sshra.s32 s24, $0x4  }
0x522: {  	s24 =	sadd.s32 s25, s24  }
0x523: {  	s25 =	smul.u32 $0xFFFFFFD8, s24  }
0x524: {  	s26 =	ssub.s32 $0xFFFFFFD9, s23  }
0x525: {  	p0 =	slt.s32 s31, $0x1;
	p1 =	sne.s32 s25, s26  }
0x526: {  	p0 =	por !p0, !p1  }
0x527: {  	s1 =	simm.s32 $0x1;
	p0 =	por !p0, !p0  }
0x528: {  	s1 =	simm.s32 @!p0 $0x0  }
0x529: {  	s24 =	ssub.s32 s24, s1  }
0x52a: {  	p0 =	slt.s32 s24, $0x1  }
.Ltmp57:
0x52b: {  	_ = 	snop;
	(pc) =	sbr.rel @p0 .LBB2_70-.Ltmp57, $1  }
0x52c: {  	_ =	sdelay $0x3  }
0x52d: {  	p0 =	sne.s32 s24, $0x1  }
.Ltmp58:
0x52e: {  	_ = 	snop;
	(pc) =	sbr.rel @!p0 .LBB2_69-.Ltmp58, $3  }
0x52f: {  	_ =	sdelay $0x1  }
0x530: {  	_ =	swait.ge [sflag:s14], $0xA00  }
0x531: {  	s24 =	sadd.s32 $0xFFFFFFFF, s24;
	[sflag:s14] =	ssyncset.done $0x0  }
.LBB2_68:
0x532: {  	p0 =	sne.s32 s24, $0x1;
	s24 =	sadd.s32 $0xFFFFFFFF, s24;
	[sflag:s14] =	ssyncadd.s32 $0xFFFFF600  }
.Ltmp59:
0x533: {  	(pc) =	sbr.rel @p0 .LBB2_68-.Ltmp59, $3  }
0x534: {  	_ =	sdelay $0x1  }
0x535: {  	_ =	swait.ge [sflag:s14], $0xA00  }
0x536: {  	[sflag:s14] =	ssyncset.done $0x0  }
.LBB2_69:
0x537: {  	[sflag:s14] =	ssyncadd.s32 $0xFFFFF600  }
.LBB2_70:
0x538: {  	s1 =	sadd.s32 $0x7, s23  }
0x539: {  	s24 =	sand.u32 $0x7, s1  }
0x53a: {  	s31 =	sshra.s32 s1, $0x1F;
	p1 =	slt.s32 s1, $0x1;
	p0 =	sne.s32 s24, $0x0  }
0x53b: {  	s24 =	sshrl.u32 s31, $0x1D;
	p0 =	por !p1, !p0  }
0x53c: {  	s1 =	sadd.s32 s24, s1;
	s24 =	simm.s32 $0x1;
	p0 =	por !p0, !p0  }
0x53d: {  	s1 =	sshrl.u32 s1, $0x3;
	s24 =	simm.s32 @!p0 $0x0  }
0x53e: {  	s1 =	ssub.s32 s1, s24  }
0x53f: {  	s24 =	sshll.u32 s1, $0x3  }
0x540: {  	s26 =	ssub.s32 s24, s23  }
0x541: {  	p0 =	slt.s32 s26, $0x1  }
.Ltmp60:
0x542: {  	_ = 	snop;
	(pc) =	sbr.rel @p0 .LBB2_74-.Ltmp60, $1  }
0x543: {  	_ =	sdelay $0x3  }
0x544: {  	s1 =	sshll.u32 s23, $0x8;
	p0 =	sne.s32 s26, $0x1  }
.Ltmp61:
0x545: {  	s1 =	sshra.s32 s1, $0x2;
	(pc) =	sbr.rel @!p0 .LBB2_73-.Ltmp61, $4  }
0x546: {  	s25 =	sadd.s32 $0x15E20, s1  }
0x547: {  	[tilespmem:s25+$0xFFFFFFE0] =	vst v1  }
0x548: {  	[tilespmem:s25+$0x10] =	vst v1  }
0x549: {  	s26 =	sadd.s32 $0xFFFFFFFF, s26;
	[tilespmem:s25+$0x0] =	vst v1  }
.LBB2_72:
0x54a: {  	p0 =	sne.s32 s26, $0x1;
	s26 =	sadd.s32 $0xFFFFFFFF, s26;
	[tilespmem:s25+$0xFFFFFFF0] =	vst v1;
	s25 =	sadd.s32 $0x40, s25  }
.Ltmp62:
0x54b: {  	[tilespmem:s25+$0xFFFFFFE0] =	vst v1;
	(pc) =	sbr.rel @p0 .LBB2_72-.Ltmp62, $3  }
0x54c: {  	_ =	sdelay $0x1  }
0x54d: {  	[tilespmem:s25+$0x10] =	vst v1  }
0x54e: {  	[tilespmem:s25+$0x0] =	vst v1  }
.LBB2_73:
0x54f: {  	[tilespmem:s25+$0xFFFFFFF0] =	vst v1  }
.LBB2_74:
0x550: {  	s25 =	sshra.s32 s24, $0x3  }
0x551: {  	p0 =	slt.s32 s25, $0x1  }
.Ltmp63:
0x552: {  	_ = 	snop;
	(pc) =	sbr.rel @p0 .LBB2_75-.Ltmp63, $2  }
0x553: {  	_ =	sdelay $0x2  }
0x554: {  	v10 =	vimm.f32 $0.0e+00;
	s24 =	simm.s32 $0x15F00  }
0x555: {  	v2 =	vld [tilespmem:s24+$0xC0]  }
0x556: {  	v4 =	vld [tilespmem:s24+$0xD0]  }
0x557: {  	v3 =	vld [tilespmem:s24+$0x80]  }
0x558: {  	v5 =	vld [tilespmem:s24+$0x90]  }
0x559: {  	v6 =	vld [tilespmem:s24+$0x40]  }
0x55a: {  	v7 =	vld [tilespmem:s24+$0x50]  }
0x55b: {  	v8 =	vld [tilespmem:s24+$0x0]  }
0x55c: {  	v9 =	vld [tilespmem:s24+$0x10]  }
0x55d: {  	v11 =	vld [tilespmem:s24+$0xFFFFFFC0]  }
0x55e: {  	v12 =	vld [tilespmem:s24+$0xFFFFFFD0]  }
0x55f: {  	v13 =	vld [tilespmem:s24+$0xFFFFFF80]  }
0x560: {  	v14 =	vld [tilespmem:s24+$0xFFFFFF90]  }
0x561: {  	v18 =	vld [tilespmem:s24+$0xFFFFFF40];
	p0 =	sne.s32 s25, $0x1  }
.Ltmp64:
0x562: {  	v19 =	vld [tilespmem:s24+$0xFFFFFF50];
	(pc) =	sbr.rel @!p0 .LBB2_78-.Ltmp64, $4  }
0x563: {  	v20 =	vld [tilespmem:s24+$0xFFFFFF00]  }
0x564: {  	v22 =	vld [tilespmem:s24+$0xFFFFFF10]  }
0x565: {  	v21 =	vld [tilespmem:s24+$0xFFFFFF20]  }
0x566: {  	v23 =	vld [tilespmem:s24+$0xFFFFFF30];
	s25 =	sadd.s32 $0xFFFFFFFF, s25;
	v17 =	vimm.f32 $0.0e+00;
	v15 =	vimm.f32 $0.0e+00;
	v16 =	vimm.f32 $0.0e+00  }
.LBB2_77:
0x567: {  	p0 =	sne.s32 s25, $0x1;
	v24 =	vld [tilespmem:s24+$0xFFFFFF60]  }
0x568: {  	v25 =	vld [tilespmem:s24+$0xFFFFFF70]  }
0x569: {  	v26 =	vld [tilespmem:s24+$0xFFFFFFA0]  }
0x56a: {  	v10 =	vadd.f32 v20, v10;
	v17 =	vadd.f32 v22, v17;
	v20 =	vld [tilespmem:s24+$0xFFFFFFB0]  }
0x56b: {  	v15 =	vadd.f32 v21, v15;
	v16 =	vadd.f32 v23, v16;
	v21 =	vld [tilespmem:s24+$0xFFFFFFE0]  }
0x56c: {  	v10 =	vadd.f32 v18, v10;
	v17 =	vadd.f32 v19, v17;
	v18 =	vld [tilespmem:s24+$0xFFFFFFF0]  }
0x56d: {  	v15 =	vadd.f32 v24, v15;
	v16 =	vadd.f32 v25, v16;
	v19 =	vld [tilespmem:s24+$0x20]  }
0x56e: {  	v10 =	vadd.f32 v13, v10;
	v13 =	vadd.f32 v14, v17;
	v14 =	vld [tilespmem:s24+$0x30]  }
0x56f: {  	v15 =	vadd.f32 v26, v15;
	v16 =	vadd.f32 v20, v16;
	v17 =	vld [tilespmem:s24+$0x60]  }
0x570: {  	v10 =	vadd.f32 v11, v10;
	v11 =	vadd.f32 v12, v13;
	v12 =	vld [tilespmem:s24+$0x70]  }
0x571: {  	v13 =	vadd.f32 v21, v15;
	v15 =	vadd.f32 v18, v16;
	v16 =	vld [tilespmem:s24+$0xA0]  }
0x572: {  	v8 =	vadd.f32 v8, v10;
	v9 =	vadd.f32 v9, v11;
	v10 =	vld [tilespmem:s24+$0xB0]  }
0x573: {  	v11 =	vadd.f32 v19, v13;
	v13 =	vadd.f32 v14, v15;
	v14 =	vld [tilespmem:s24+$0xE0]  }
0x574: {  	v6 =	vadd.f32 v6, v8;
	v7 =	vadd.f32 v7, v9;
	v8 =	vld [tilespmem:s24+$0xF0];
	s24 =	sadd.s32 $0x200, s24  }
0x575: {  	v11 =	vadd.f32 v17, v11;
	v9 =	vld [tilespmem:s24+$0xC0];
	v12 =	vadd.f32 v12, v13  }
0x576: {  	v6 =	vadd.f32 v3, v6;
	v7 =	vadd.f32 v5, v7;
	v13 =	vld [tilespmem:s24+$0xD0]  }
0x577: {  	v11 =	vadd.f32 v16, v11;
	v3 =	vld [tilespmem:s24+$0x80];
	v12 =	vadd.f32 v10, v12  }
0x578: {  	v10 =	vadd.f32 v2, v6;
	v17 =	vadd.f32 v4, v7;
	v5 =	vld [tilespmem:s24+$0x90]  }
0x579: {  	v15 =	vadd.f32 v14, v11;
	v6 =	vld [tilespmem:s24+$0x40];
	v16 =	vadd.f32 v8, v12  }
0x57a: {  	v7 =	vld [tilespmem:s24+$0x50];
	v2 =	vmov v9  }
0x57b: {  	v8 =	vld [tilespmem:s24+$0x0];
	v4 =	vmov v13  }
0x57c: {  	v9 =	vld [tilespmem:s24+$0x10]  }
0x57d: {  	v11 =	vld [tilespmem:s24+$0xFFFFFFC0]  }
0x57e: {  	v12 =	vld [tilespmem:s24+$0xFFFFFFD0]  }
0x57f: {  	v13 =	vld [tilespmem:s24+$0xFFFFFF80]  }
0x580: {  	v14 =	vld [tilespmem:s24+$0xFFFFFF90]  }
0x581: {  	v18 =	vld [tilespmem:s24+$0xFFFFFF40]  }
.Ltmp65:
0x582: {  	v19 =	vld [tilespmem:s24+$0xFFFFFF50];
	(pc) =	sbr.rel @p0 .LBB2_77-.Ltmp65, $4  }
0x583: {  	v20 =	vld [tilespmem:s24+$0xFFFFFF00]  }
0x584: {  	v22 =	vld [tilespmem:s24+$0xFFFFFF10]  }
0x585: {  	v21 =	vld [tilespmem:s24+$0xFFFFFF20]  }
0x586: {  	s25 =	sadd.s32 $0xFFFFFFFF, s25;
	v23 =	vld [tilespmem:s24+$0xFFFFFF30]  }
.LBB2_78:
0x587: {  	v24 =	vld [tilespmem:s24+$0xFFFFFF60]  }
0x588: {  	v25 =	vld [tilespmem:s24+$0xFFFFFF70]  }
0x589: {  	v26 =	vld [tilespmem:s24+$0xFFFFFFA0]  }
0x58a: {  	v51 =	vld [tilespmem:s24+$0xFFFFFFB0];
	v10 =	vadd.f32 v20, v10;
	v17 =	vadd.f32 v22, v17  }
0x58b: {  	v52 =	vld [tilespmem:s24+$0xFFFFFFE0];
	v15 =	vadd.f32 v21, v15;
	v16 =	vadd.f32 v23, v16  }
0x58c: {  	v53 =	vld [tilespmem:s24+$0xFFFFFFF0];
	v10 =	vadd.f32 v18, v10;
	v17 =	vadd.f32 v19, v17  }
0x58d: {  	v54 =	vld [tilespmem:s24+$0x20];
	v15 =	vadd.f32 v24, v15;
	v16 =	vadd.f32 v25, v16  }
0x58e: {  	v56 =	vld [tilespmem:s24+$0x30];
	v10 =	vadd.f32 v13, v10;
	v55 =	vadd.f32 v14, v17  }
0x58f: {  	v57 =	vld [tilespmem:s24+$0x60];
	v15 =	vadd.f32 v26, v15;
	v16 =	vadd.f32 v51, v16  }
0x590: {  	v58 =	vld [tilespmem:s24+$0x70];
	v10 =	vadd.f32 v11, v10;
	v11 =	vadd.f32 v12, v55  }
0x591: {  	v61 =	vld [tilespmem:s24+$0xA0];
	v59 =	vadd.f32 v52, v15;
	v60 =	vadd.f32 v53, v16  }
0x592: {  	v8 =	vadd.f32 v8, v10;
	v10 =	vld [tilespmem:s24+$0xB0];
	v9 =	vadd.f32 v9, v11  }
0x593: {  	v63 =	vld [tilespmem:s24+$0xE0];
	v11 =	vadd.f32 v54, v59;
	v62 =	vadd.f32 v56, v60  }
0x594: {  	v6 =	vadd.f32 v6, v8;
	v8 =	vld [tilespmem:s24+$0xF0];
	v7 =	vadd.f32 v7, v9  }
.Ltmp66:
0x595: {  	v9 =	vadd.f32 v57, v11;
	v11 =	vadd.f32 v58, v62;
	(pc) =	sbr.rel .LBB2_79-.Ltmp66, $4  }
0x596: {  	v3 =	vadd.f32 v3, v6;
	v5 =	vadd.f32 v5, v7  }
0x597: {  	v6 =	vadd.f32 v61, v9;
	v7 =	vadd.f32 v10, v11  }
0x598: {  	v10 =	vadd.f32 v2, v3;
	v2 =	vadd.f32 v4, v5  }
0x599: {  	v3 =	vadd.f32 v63, v6;
	v4 =	vadd.f32 v8, v7  }
.LBB2_81:
0x59a: {  	_ =	sfence.sel $0x180000  }
0x59b: {  	[bflag:$0x0] =	sbarrier.arrive $0xFFFF  }
0x59c: {  	_ =	strace $0x90000047  }
0x59d: {  	[bflag:$0x2] =	sbarrier.arrive $0xFFFF  }
0x59e: {  	p0 =	sne.s32 s0, $0x0;
	s0 =	rddreg [dreg:$0x4]  }
0x59f: {  	s0 =	sadd.s32 @!p0 $0x100000, s0  }
0x5a0: {  	[sflag:s0] =	ssyncadd.tile.s32 @!p0 $0x1;
	_ =	shalt  }
.Lfunc_end2:
_tile_overlayer_lowered:
.L_overlay_start_2:
0x5a1: {  	(tag) =	ssettag $0x2  }
0x5a2: {  	s0 =	rddreg [dreg:$0x0];
	s2 =	stileid.u32  }
0x5a3: {  	s1 =	rddreg [dreg:$0x1];
	p0 =	sne.s32 s2, $0x0  }
0x5a4: {  	s3 =	rddreg [dreg:$0x2];
	[bflag:$0x3] =	sbarrier.arrive $0xFFFF;
	s2 =	simm.s32 @!p0 $0x1C05  }
0x5a5: {  	[timem:s3], [sflag:s2] =	dma.local @!p0 [hbm:s0], s1  }
0x5a6: {  	s0 =	simm.s32 @!p0 $0x5  }
0x5a7: {  	_ =	swait.ge @!p0 [sflag:s0], s1  }
0x5a8: {  	s1 =	ssub.s32 @!p0 $0x0, s1;
	[sflag:s0] =	ssyncset.done @!p0 $0x0  }
0x5a9: {  	[sflag:s0] =	ssyncadd.s32 @!p0 s1  }
0x5aa: {  	[bflag:$0x3] =	sbarrier.arrive $0xFFFF  }
0x5ab: {  	_ =	shalt  }

</sc_bundles>
